<compile_context>
chip_gen: v7x
topology: tpu7x:2x2x1
jax: 0.10.2.dev20260603
libtpu: 0.0.44.dev20260713+nightly
codegen_flags: <defaults>
</compile_context>

<pallas_src>
import functools

import jax
import jax.numpy as jnp
from jax import lax
from jax.experimental import pallas as pl
from jax.experimental.pallas import tpu as pltpu
from jax.experimental.pallas import tpu_sc as plsc

N = 10000
D = 128
E = 320000
EB = 2560
E_PAD = EB * 128
NC = 2
NS = 16
NW = NC * NS
KPW = EB // NW
H_CH = 32
K0 = 128
K1 = EB // NS - K0
N_ACC = 10240

_mesh = plsc.VectorSubcoreMesh(core_axis_name="c", subcore_axis_name="s")


@functools.partial(
    pl.kernel,
    mesh=_mesh,
    out_type=jax.ShapeDtypeStruct((NC, N, D), jnp.float32),
    scratch_types=[
        pltpu.VMEM((H_CH, 128), jnp.int32),
        pltpu.VMEM((H_CH, 128), jnp.int32),
        pltpu.VMEM((128, D), jnp.float32),
        pltpu.VMEM((128, D), jnp.float32),
        pltpu.VMEM_SHARED((N_ACC, D), jnp.float32),
        pltpu.SemaphoreType.DMA,
        pltpu.SemaphoreType.DMA,
    ],
)
def _sc_agg(h_hbm, src_hbm, dst_hbm, zeros_hbm, out_hbm,
            src_v, dst_v, rows_a, rows_b, acc, sem_a, sem_b):
    cid = lax.axis_index("c")
    sid = lax.axis_index("s")
    z = N_ACC // NS
    pltpu.sync_copy(zeros_hbm.at[pl.ds(sid * z, z)], acc.at[pl.ds(sid * z, z)])
    plsc.subcore_barrier()

    def run_chunks(base_batches, nchunks):
        for chunk in range(nchunks):
            base = base_batches + chunk * H_CH
            pltpu.sync_copy(src_hbm.at[pl.ds(base, H_CH)], src_v)
            pltpu.sync_copy(dst_hbm.at[pl.ds(base, H_CH)], dst_v)

            pltpu.async_copy(h_hbm.at[src_v.at[0]], rows_a, sem_a)

            def body(jj, carry):
                j0 = jj * 2
                j1 = j0 + 1
                pltpu.async_copy(h_hbm.at[src_v.at[j1]], rows_b, sem_b)
                pltpu.make_async_copy(h_hbm.at[src_v.at[j0]], rows_a,
                                      sem_a).wait()
                pltpu.sync_copy(rows_a, acc.at[dst_v.at[j0]], add=True)
                pltpu.async_copy(h_hbm.at[src_v.at[j0 + 2]], rows_a, sem_a)
                pltpu.make_async_copy(h_hbm.at[src_v.at[j1]], rows_b,
                                      sem_b).wait()
                pltpu.sync_copy(rows_b, acc.at[dst_v.at[j1]], add=True)
                return carry

            lax.fori_loop(0, H_CH // 2 - 1, body, 0)
            pltpu.async_copy(h_hbm.at[src_v.at[H_CH - 1]], rows_b, sem_b)
            pltpu.make_async_copy(h_hbm.at[src_v.at[H_CH - 2]], rows_a,
                                  sem_a).wait()
            pltpu.sync_copy(rows_a, acc.at[dst_v.at[H_CH - 2]], add=True)
            pltpu.make_async_copy(h_hbm.at[src_v.at[H_CH - 1]], rows_b,
                                  sem_b).wait()
            pltpu.sync_copy(rows_b, acc.at[dst_v.at[H_CH - 1]], add=True)

    @pl.when(cid == 0)
    def _c0():
        run_chunks(sid * K0, K0 // H_CH)

    @pl.when(cid == 1)
    def _c1():
        run_chunks(NS * K0 + sid * K1, K1 // H_CH)

    plsc.subcore_barrier()
    pltpu.sync_copy(acc.at[pl.ds(sid * 624, 624)],
                    out_hbm.at[cid, pl.ds(sid * 624, 624)])

    @pl.when(sid == NS - 1)
    def _tail():
        pltpu.sync_copy(acc.at[pl.ds(NS * 624, N - NS * 624)],
                        out_hbm.at[cid, pl.ds(NS * 624, N - NS * 624)])


@functools.partial(
    pl.kernel,
    mesh=_mesh,
    out_type=jax.ShapeDtypeStruct((NC, N, D), jnp.float32),
    scratch_types=[
        pltpu.VMEM((KPW, 128), jnp.int32),
        pltpu.VMEM((128, D), jnp.float32),
        pltpu.VMEM_SHARED((N_ACC, D), jnp.float32),
        pltpu.SemaphoreType.DMA,
    ],
)
def _sc_deg(dst_hbm, zeros_hbm, ones_hbm, out_hbm, dst_v, ones_v, acc, sem):
    cid = lax.axis_index("c")
    sid = lax.axis_index("s")
    wid = sid * NC + cid
    z = N_ACC // NS
    pltpu.sync_copy(zeros_hbm.at[pl.ds(sid * z, z)], acc.at[pl.ds(sid * z, z)])
    pltpu.sync_copy(ones_hbm.at[pl.ds(0, 128)], ones_v)
    pltpu.sync_copy(dst_hbm.at[pl.ds(wid * KPW, KPW)], dst_v)
    plsc.subcore_barrier()

    def body(j, carry):
        pltpu.sync_copy(ones_v, acc.at[dst_v.at[j]], add=True)
        return carry

    lax.fori_loop(0, KPW, body, 0)
    plsc.subcore_barrier()
    pltpu.sync_copy(acc.at[pl.ds(sid * 624, 624)],
                    out_hbm.at[cid, pl.ds(sid * 624, 624)])

    @pl.when(sid == NS - 1)
    def _tail():
        pltpu.sync_copy(acc.at[pl.ds(NS * 624, N - NS * 624)],
                        out_hbm.at[cid, pl.ds(NS * 624, N - NS * 624)])


def _tc_layer_body(act, h_ref, a0_ref, a1_ref, rd_ref, ws_ref, wn_ref, b_ref,
                   o_ref):
    hn = (a0_ref[...] + a1_ref[...]) * rd_ref[...]
    out = (jnp.dot(h_ref[...], ws_ref[...], preferred_element_type=jnp.float32)
           + jnp.dot(hn, wn_ref[...], preferred_element_type=jnp.float32)
           + b_ref[...])
    if act:
        out = jnp.maximum(out, 0.0)
    o_ref[...] = out


def _tc_layer(h, a0, a1, rdeg, ws, wn, b, act):
    bn = 2000
    return pl.pallas_call(
        functools.partial(_tc_layer_body, act),
        grid=(N // bn,),
        in_specs=[
            pl.BlockSpec((bn, D), lambda i: (i, 0)),
            pl.BlockSpec((bn, D), lambda i: (i, 0)),
            pl.BlockSpec((bn, D), lambda i: (i, 0)),
            pl.BlockSpec((bn, 1), lambda i: (i, 0)),
            pl.BlockSpec((D, D), lambda i: (0, 0)),
            pl.BlockSpec((D, D), lambda i: (0, 0)),
            pl.BlockSpec((1, D), lambda i: (0, 0)),
        ],
        out_specs=pl.BlockSpec((bn, D), lambda i: (i, 0)),
        out_shape=jax.ShapeDtypeStruct((N, D), jnp.float32),
    )(h, a0, a1, rdeg, ws, wn, b)


def _tc_prep(parts):
    bn = 2000

    def body(p_ref, o_ref):
        s = p_ref[0] + p_ref[1]
        o_ref[...] = 1.0 / jnp.maximum(s[:, 0:1], 1.0)

    return pl.pallas_call(
        body,
        grid=(N // bn,),
        in_specs=[pl.BlockSpec((2, bn, D), lambda i: (0, i, 0))],
        out_specs=pl.BlockSpec((bn, 1), lambda i: (i, 0)),
        out_shape=jax.ShapeDtypeStruct((N, 1), jnp.float32),
    )(parts)


def kernel(features, edge_index, W_self0, W_neigh0, b0, W_self1, W_neigh1, b1,
           W_self2, W_neigh2, b2):
    src = edge_index[0].astype(jnp.int32)
    dst = edge_index[1].astype(jnp.int32)
    pad = E_PAD - E
    src2 = jnp.concatenate([src, jnp.zeros((pad,), jnp.int32)]).reshape(EB, 128)
    dst2 = jnp.concatenate([dst, jnp.full((pad,), N, jnp.int32)]).reshape(EB, 128)
    zeros128 = jnp.zeros((N_ACC, D), jnp.float32)
    ones128 = jnp.ones((128, D), jnp.float32)

    degp = _sc_deg(dst2, zeros128, ones128)
    rdeg = _tc_prep(degp)

    h = features
    for ws, wn, b, act in ((W_self0, W_neigh0, b0, True),
                           (W_self1, W_neigh1, b1, True),
                           (W_self2, W_neigh2, b2, False)):
        parts = _sc_agg(h, src2, dst2, zeros128)
        h = _tc_layer(h, parts[0], parts[1], rdeg, ws, wn, b.reshape(1, D), act)
    return h

# --- scband reference (transcript-rebuilt; emitter-appended) ---
"""Pipeline reference for scband-graph-sage-43671227466151 (READ-ONLY COPY).

The authoritative reference and input builder live on the scoring server;
editing this copy changes nothing except your own understanding.
"""

import jax, jax.numpy as jnp
import numpy as np

N = 10000
E = 320000
D_IN = 128
D_HID = 128
D_OUT = 128


def setup_inputs(seed: int = 0) -> dict:
    key = jax.random.key(seed)
    ks = jax.random.split(key, 12)
    features = jax.random.normal(ks[0], (N, D_IN), dtype=jnp.float32)
    edge_index = jax.random.randint(ks[1], (2, E), 0, N, dtype=jnp.int64)
    def lin(k, fan_in, fan_out):
        return jax.random.normal(k, (fan_in, fan_out), dtype=jnp.float32) * (1.0 / np.sqrt(fan_in))
    # layer 0: in_feats -> n_hidden
    W_self0 = lin(ks[2], D_IN, D_HID)
    W_neigh0 = lin(ks[3], D_IN, D_HID)
    b0 = jnp.zeros((D_HID,), dtype=jnp.float32)
    # layer 1: n_hidden -> n_hidden
    W_self1 = lin(ks[4], D_HID, D_HID)
    W_neigh1 = lin(ks[5], D_HID, D_HID)
    b1 = jnp.zeros((D_HID,), dtype=jnp.float32)
    # layer 2: n_hidden -> n_classes
    W_self2 = lin(ks[6], D_HID, D_OUT)
    W_neigh2 = lin(ks[7], D_HID, D_OUT)
    b2 = jnp.zeros((D_OUT,), dtype=jnp.float32)
    return {
        "features": features,
        "edge_index": edge_index,
        "W_self0": W_self0, "W_neigh0": W_neigh0, "b0": b0,
        "W_self1": W_self1, "W_neigh1": W_neigh1, "b1": b1,
        "W_self2": W_self2, "W_neigh2": W_neigh2, "b2": b2,
    }


def _sage_layer(h, src, dst, W_self, W_neigh, b, act, n_nodes):
    # mean aggregator (DGL SAGEConv 'mean'):
    #   h_neigh = mean_{j in N(i)} h_j ; rst = fc_self(h) + fc_neigh(h_neigh) + bias
    msg = jnp.take(h, src, axis=0)
    agg = jax.ops.segment_sum(msg, dst, num_segments=n_nodes)
    deg = jax.ops.segment_sum(jnp.ones((src.shape[0],), dtype=h.dtype), dst, num_segments=n_nodes)
    h_neigh = agg / jnp.clip(deg, 1.0)[:, None]
    out = h @ W_self + h_neigh @ W_neigh + b
    if act:
        out = jax.nn.relu(out)
    return out


def reference(features, edge_index, W_self0, W_neigh0, b0, W_self1, W_neigh1, b1, W_self2, W_neigh2, b2):
    src = edge_index[0]
    dst = edge_index[1]
    n_nodes = features.shape[0]
    h = features
    h = _sage_layer(h, src, dst, W_self0, W_neigh0, b0, True, n_nodes)
    h = _sage_layer(h, src, dst, W_self1, W_neigh1, b1, True, n_nodes)
    h = _sage_layer(h, src, dst, W_self2, W_neigh2, b2, False, n_nodes)
    return h

if __name__ == "__main__":
    import jax
    _d = setup_inputs()
    print(jax.jit(kernel)(*tuple(_d.values())))

</pallas_src>

<mosaic_0001>
#map = affine_map<(d0, d1) -> (0, 0)>
#map1 = affine_map<(d0, d1) -> (0, 0, 0)>
module attributes {stable_mosaic.version = 14 : i64} {
  func.func @_sc_agg(%arg0: i32, %arg1: i32, %arg2: memref<10000x128xf32, #tpu.memory_space<hbm>>, %arg3: memref<2560x128xi32, #tpu.memory_space<hbm>>, %arg4: memref<2560x128xi32, #tpu.memory_space<hbm>>, %arg5: memref<10240x128xf32, #tpu.memory_space<hbm>>, %arg6: memref<2x10000x128xf32, #tpu.memory_space<hbm>>, %arg7: memref<32x128xi32, #tpu.memory_space<vmem>>, %arg8: memref<32x128xi32, #tpu.memory_space<vmem>>, %arg9: memref<128x128xf32, #tpu.memory_space<vmem>>, %arg10: memref<128x128xf32, #tpu.memory_space<vmem>>, %arg11: memref<10240x128xf32, #tpu.memory_space<vmem_shared>>, %arg12: memref<!tpu.dma_semaphore, #tpu.memory_space<semaphore_mem>>, %arg13: memref<!tpu.dma_semaphore, #tpu.memory_space<semaphore_mem>>) attributes {dimension_semantics = [#tpu.dimension_semantics<core_parallel>, #tpu.dimension_semantics<subcore_parallel>], iteration_bounds = array<i64: 2, 16>, scalar_prefetch = 0 : i64, scratch_operands = 7 : i64, tpu.core_type = #tpu.core_type<sc_vector_subcore>, window_params = [{transform_indices = #map}, {transform_indices = #map}, {transform_indices = #map}, {transform_indices = #map}, {transform_indices = #map1}]} {
    %mul3A = arith.constant 640 : i32
    %mul3A_0 = arith.muli %arg1, %mul3A : i32
    %mul3A_1 = arith.constant 640 : i32
    %mul3A_2 = arith.muli %arg1, %mul3A_1 : i32
    "tpu.region"() ({
      %run_scoped3A = tpu.sem_alloc : memref<!tpu.dma_semaphore, #tpu.memory_space<semaphore_mem>>
      %dma_start3A = arith.constant 0 : i32
      %dma_start3A_20 = tpu.memref_slice %arg11[%mul3A_2, %dma_start3A] : memref<10240x128xf32, #tpu.memory_space<vmem_shared>> -> memref<640x128xf32, #tpu.memory_space<vmem_shared>>
      %dma_start3A_21 = arith.constant 0 : i32
      %dma_start3A_22 = tpu.memref_slice %arg5[%mul3A_0, %dma_start3A_21] : memref<10240x128xf32, #tpu.memory_space<hbm>> -> memref<640x128xf32, #tpu.memory_space<hbm>>
      tpu.enqueue_dma source(%dma_start3A_22 : memref<640x128xf32, #tpu.memory_space<hbm>>) target(%dma_start3A_20 : memref<640x128xf32, #tpu.memory_space<vmem_shared>>) target_semaphore(%run_scoped3A : memref<!tpu.dma_semaphore, #tpu.memory_space<semaphore_mem>>)
      %dma_wait3A = arith.constant 0 : i32
      %dma_wait3A_23 = tpu.memref_slice %arg11[%mul3A_2, %dma_wait3A] : memref<10240x128xf32, #tpu.memory_space<vmem_shared>> -> memref<640x128xf32, #tpu.memory_space<vmem_shared>>
      %dma_wait3A_24 = arith.constant 0 : i32
      %dma_wait3A_25 = tpu.memref_slice %arg5[%mul3A_0, %dma_wait3A_24] : memref<10240x128xf32, #tpu.memory_space<hbm>> -> memref<640x128xf32, #tpu.memory_space<hbm>>
      tpu.wait_dma2 semaphore(%run_scoped3A : memref<!tpu.dma_semaphore, #tpu.memory_space<semaphore_mem>>) src(%dma_wait3A_25 : memref<640x128xf32, #tpu.memory_space<hbm>>) dst(%dma_wait3A_23 : memref<640x128xf32, #tpu.memory_space<vmem_shared>>)
      tpu.yield
    }) : () -> ()
    %barrier3A = arith.constant 0 : index
    tpu.barrier barrier_id(%barrier3A)
    %eq3A = arith.constant 0 : i32
    %eq3A_3 = arith.cmpi eq, %arg0, %eq3A : i32
    %convert_element_type3A = arith.extui %eq3A_3 : i1 to i32
    %cond3A = arith.constant 0 : i32
    %cond3A_4 = arith.cmpi ne, %convert_element_type3A, %cond3A : i32
    scf.if %cond3A_4 {
      %mul3A_20 = arith.constant 128 : i32
      %mul3A_21 = arith.muli %arg1, %mul3A_20 : i32
      %add3A = arith.constant 0 : i32
      %add3A_22 = arith.addi %mul3A_21, %add3A : i32
      "tpu.region"() ({
        %run_scoped3A_169 = tpu.sem_alloc : memref<!tpu.dma_semaphore, #tpu.memory_space<semaphore_mem>>
        %dma_start3A_170 = arith.constant 0 : i32
        %dma_start3A_171 = tpu.memref_slice %arg3[%add3A_22, %dma_start3A_170] : memref<2560x128xi32, #tpu.memory_space<hbm>> -> memref<32x128xi32, #tpu.memory_space<hbm>>
        %dma_start3A_172 = arith.constant 0 : i32
        %dma_start3A_173 = tpu.memref_slice %arg3[%add3A_22, %dma_start3A_172] : memref<2560x128xi32, #tpu.memory_space<hbm>> -> memref<32x128xi32, #tpu.memory_space<hbm>>
        tpu.enqueue_dma source(%dma_start3A_173 : memref<32x128xi32, #tpu.memory_space<hbm>>) target(%arg7 : memref<32x128xi32, #tpu.memory_space<vmem>>) target_semaphore(%run_scoped3A_169 : memref<!tpu.dma_semaphore, #tpu.memory_space<semaphore_mem>>)
        %dma_wait3A_174 = arith.constant 0 : i32
        %dma_wait3A_175 = tpu.memref_slice %arg3[%add3A_22, %dma_wait3A_174] : memref<2560x128xi32, #tpu.memory_space<hbm>> -> memref<32x128xi32, #tpu.memory_space<hbm>>
        %dma_wait3A_176 = arith.constant 0 : i32
        %dma_wait3A_177 = tpu.memref_slice %arg3[%add3A_22, %dma_wait3A_176] : memref<2560x128xi32, #tpu.memory_space<hbm>> -> memref<32x128xi32, #tpu.memory_space<hbm>>
        tpu.wait_dma2 semaphore(%run_scoped3A_169 : memref<!tpu.dma_semaphore, #tpu.memory_space<semaphore_mem>>) src(%dma_wait3A_177 : memref<32x128xi32, #tpu.memory_space<hbm>>) dst(%arg7 : memref<32x128xi32, #tpu.memory_space<vmem>>)
        tpu.yield
      }) : () -> ()
      "tpu.region"() ({
        %run_scoped3A_169 = tpu.sem_alloc : memref<!tpu.dma_semaphore, #tpu.memory_space<semaphore_mem>>
        %dma_start3A_170 = arith.constant 0 : i32
        %dma_start3A_171 = tpu.memref_slice %arg4[%add3A_22, %dma_start3A_170] : memref<2560x128xi32, #tpu.memory_space<hbm>> -> memref<32x128xi32, #tpu.memory_space<hbm>>
        %dma_start3A_172 = arith.constant 0 : i32
        %dma_start3A_173 = tpu.memref_slice %arg4[%add3A_22, %dma_start3A_172] : memref<2560x128xi32, #tpu.memory_space<hbm>> -> memref<32x128xi32, #tpu.memory_space<hbm>>
        tpu.enqueue_dma source(%dma_start3A_173 : memref<32x128xi32, #tpu.memory_space<hbm>>) target(%arg8 : memref<32x128xi32, #tpu.memory_space<vmem>>) target_semaphore(%run_scoped3A_169 : memref<!tpu.dma_semaphore, #tpu.memory_space<semaphore_mem>>)
        %dma_wait3A_174 = arith.constant 0 : i32
        %dma_wait3A_175 = tpu.memref_slice %arg4[%add3A_22, %dma_wait3A_174] : memref<2560x128xi32, #tpu.memory_space<hbm>> -> memref<32x128xi32, #tpu.memory_space<hbm>>
        %dma_wait3A_176 = arith.constant 0 : i32
        %dma_wait3A_177 = tpu.memref_slice %arg4[%add3A_22, %dma_wait3A_176] : memref<2560x128xi32, #tpu.memory_space<hbm>> -> memref<32x128xi32, #tpu.memory_space<hbm>>
        tpu.wait_dma2 semaphore(%run_scoped3A_169 : memref<!tpu.dma_semaphore, #tpu.memory_space<semaphore_mem>>) src(%dma_wait3A_177 : memref<32x128xi32, #tpu.memory_space<hbm>>) dst(%arg8 : memref<32x128xi32, #tpu.memory_space<vmem>>)
        tpu.yield
      }) : () -> ()
      %dma_start3A = arith.constant 0 : i32
      %dma_start3A_23 = arith.constant 0 : i32
      %dma_start3A_24 = tpu.memref_slice %arg7[%dma_start3A, %dma_start3A_23] : memref<32x128xi32, #tpu.memory_space<vmem>> -> memref<1x128xi32, #tpu.memory_space<vmem>>
      %dma_start3A_25 = tpu.memref_squeeze %dma_start3A_24 : memref<1x128xi32, #tpu.memory_space<vmem>> -> memref<128xi32, #tpu.memory_space<vmem>>
      %dma_start3A_26 = arith.constant 0 : i32
      %dma_start3A_27 = arith.constant 0 : i32
      %dma_start3A_28 = tpu.memref_slice %arg2[%dma_start3A_26, %dma_start3A_27] : memref<10000x128xf32, #tpu.memory_space<hbm>> -> memref<10000x128xf32, #tpu.memory_space<hbm>>
      tpu.enqueue_indirect_dma source(%dma_start3A_28 : memref<10000x128xf32, #tpu.memory_space<hbm>>) target(%arg9 : memref<128x128xf32, #tpu.memory_space<vmem>>) offsets(%dma_start3A_25 : memref<128xi32, #tpu.memory_space<vmem>>) semaphore(%arg12 : memref<!tpu.dma_semaphore, #tpu.memory_space<semaphore_mem>>)
      %scan3A = arith.constant 0 : i32
      %scan3A_29 = arith.constant 0 : i32
      %scan3A_30 = arith.constant 15 : i32
      %scan3A_31 = arith.addi %scan3A_29, %scan3A_30 : i32
      %scan3A_32 = arith.constant 1 : i32
      scf.for %scan3A_169 = %scan3A_29 to %scan3A_31 step %scan3A_32  : i32 {
        %mul3A_170 = arith.constant 2 : i32
        %mul3A_171 = arith.muli %scan3A_169, %mul3A_170 : i32
        %add3A_172 = arith.constant 1 : i32
        %add3A_173 = arith.addi %mul3A_171, %add3A_172 : i32
        %dma_start3A_174 = arith.constant 0 : i32
        %dma_start3A_175 = tpu.memref_slice %arg7[%add3A_173, %dma_start3A_174] : memref<32x128xi32, #tpu.memory_space<vmem>> -> memref<1x128xi32, #tpu.memory_space<vmem>>
        %dma_start3A_176 = tpu.memref_squeeze %dma_start3A_175 : memref<1x128xi32, #tpu.memory_space<vmem>> -> memref<128xi32, #tpu.memory_space<vmem>>
        %dma_start3A_177 = arith.constant 0 : i32
        %dma_start3A_178 = arith.constant 0 : i32
        %dma_start3A_179 = tpu.memref_slice %arg2[%dma_start3A_177, %dma_start3A_178] : memref<10000x128xf32, #tpu.memory_space<hbm>> -> memref<10000x128xf32, #tpu.memory_space<hbm>>
        tpu.enqueue_indirect_dma source(%dma_start3A_179 : memref<10000x128xf32, #tpu.memory_space<hbm>>) target(%arg10 : memref<128x128xf32, #tpu.memory_space<vmem>>) offsets(%dma_start3A_176 : memref<128xi32, #tpu.memory_space<vmem>>) semaphore(%arg13 : memref<!tpu.dma_semaphore, #tpu.memory_space<semaphore_mem>>)
        %dma_wait3A_180 = arith.constant 0 : i32
        %dma_wait3A_181 = tpu.memref_slice %arg7[%mul3A_171, %dma_wait3A_180] : memref<32x128xi32, #tpu.memory_space<vmem>> -> memref<1x128xi32, #tpu.memory_space<vmem>>
        %dma_wait3A_182 = tpu.memref_squeeze %dma_wait3A_181 : memref<1x128xi32, #tpu.memory_space<vmem>> -> memref<128xi32, #tpu.memory_space<vmem>>
        %dma_wait3A_183 = arith.constant 0 : i32
        %dma_wait3A_184 = arith.constant 0 : i32
        %dma_wait3A_185 = tpu.memref_slice %arg2[%dma_wait3A_183, %dma_wait3A_184] : memref<10000x128xf32, #tpu.memory_space<hbm>> -> memref<10000x128xf32, #tpu.memory_space<hbm>>
        tpu.wait_indirect_dma semaphore(%arg12 : memref<!tpu.dma_semaphore, #tpu.memory_space<semaphore_mem>>) src(%dma_wait3A_185 : memref<10000x128xf32, #tpu.memory_space<hbm>>) dst(%arg9 : memref<128x128xf32, #tpu.memory_space<vmem>>)
        "tpu.region"() ({
          %run_scoped3A_200 = tpu.sem_alloc : memref<!tpu.dma_semaphore, #tpu.memory_space<semaphore_mem>>
          %dma_start3A_201 = arith.constant 0 : i32
          %dma_start3A_202 = tpu.memref_slice %arg8[%mul3A_171, %dma_start3A_201] : memref<32x128xi32, #tpu.memory_space<vmem>> -> memref<1x128xi32, #tpu.memory_space<vmem>>
          %dma_start3A_203 = tpu.memref_squeeze %dma_start3A_202 : memref<1x128xi32, #tpu.memory_space<vmem>> -> memref<128xi32, #tpu.memory_space<vmem>>
          %dma_start3A_204 = arith.constant 0 : i32
          %dma_start3A_205 = arith.constant 0 : i32
          %dma_start3A_206 = tpu.memref_slice %arg11[%dma_start3A_204, %dma_start3A_205] : memref<10240x128xf32, #tpu.memory_space<vmem_shared>> -> memref<10240x128xf32, #tpu.memory_space<vmem_shared>>
          tpu.enqueue_indirect_dma source(%arg9 : memref<128x128xf32, #tpu.memory_space<vmem>>) target(%dma_start3A_206 : memref<10240x128xf32, #tpu.memory_space<vmem_shared>>) offsets(%dma_start3A_203 : memref<128xi32, #tpu.memory_space<vmem>>) semaphore(%run_scoped3A_200 : memref<!tpu.dma_semaphore, #tpu.memory_space<semaphore_mem>>) {add = true}
          %dma_wait3A_207 = arith.constant 0 : i32
          %dma_wait3A_208 = tpu.memref_slice %arg8[%mul3A_171, %dma_wait3A_207] : memref<32x128xi32, #tpu.memory_space<vmem>> -> memref<1x128xi32, #tpu.memory_space<vmem>>
          %dma_wait3A_209 = tpu.memref_squeeze %dma_wait3A_208 : memref<1x128xi32, #tpu.memory_space<vmem>> -> memref<128xi32, #tpu.memory_space<vmem>>
          %dma_wait3A_210 = arith.constant 0 : i32
          %dma_wait3A_211 = arith.constant 0 : i32
          %dma_wait3A_212 = tpu.memref_slice %arg11[%dma_wait3A_210, %dma_wait3A_211] : memref<10240x128xf32, #tpu.memory_space<vmem_shared>> -> memref<10240x128xf32, #tpu.memory_space<vmem_shared>>
          tpu.wait_indirect_dma semaphore(%run_scoped3A_200 : memref<!tpu.dma_semaphore, #tpu.memory_space<semaphore_mem>>) src(%arg9 : memref<128x128xf32, #tpu.memory_space<vmem>>) dst(%dma_wait3A_212 : memref<10240x128xf32, #tpu.memory_space<vmem_shared>>)
          tpu.yield
        }) : () -> ()
        %add3A_186 = arith.constant 2 : i32
        %add3A_187 = arith.addi %mul3A_171, %add3A_186 : i32
        %dma_start3A_188 = arith.constant 0 : i32
        %dma_start3A_189 = tpu.memref_slice %arg7[%add3A_187, %dma_start3A_188] : memref<32x128xi32, #tpu.memory_space<vmem>> -> memref<1x128xi32, #tpu.memory_space<vmem>>
        %dma_start3A_190 = tpu.memref_squeeze %dma_start3A_189 : memref<1x128xi32, #tpu.memory_space<vmem>> -> memref<128xi32, #tpu.memory_space<vmem>>
        %dma_start3A_191 = arith.constant 0 : i32
        %dma_start3A_192 = arith.constant 0 : i32
        %dma_start3A_193 = tpu.memref_slice %arg2[%dma_start3A_191, %dma_start3A_192] : memref<10000x128xf32, #tpu.memory_space<hbm>> -> memref<10000x128xf32, #tpu.memory_space<hbm>>
        tpu.enqueue_indirect_dma source(%dma_start3A_193 : memref<10000x128xf32, #tpu.memory_space<hbm>>) target(%arg9 : memref<128x128xf32, #tpu.memory_space<vmem>>) offsets(%dma_start3A_190 : memref<128xi32, #tpu.memory_space<vmem>>) semaphore(%arg12 : memref<!tpu.dma_semaphore, #tpu.memory_space<semaphore_mem>>)
        %dma_wait3A_194 = arith.constant 0 : i32
        %dma_wait3A_195 = tpu.memref_slice %arg7[%add3A_173, %dma_wait3A_194] : memref<32x128xi32, #tpu.memory_space<vmem>> -> memref<1x128xi32, #tpu.memory_space<vmem>>
        %dma_wait3A_196 = tpu.memref_squeeze %dma_wait3A_195 : memref<1x128xi32, #tpu.memory_space<vmem>> -> memref<128xi32, #tpu.memory_space<vmem>>
        %dma_wait3A_197 = arith.constant 0 : i32
        %dma_wait3A_198 = arith.constant 0 : i32
        %dma_wait3A_199 = tpu.memref_slice %arg2[%dma_wait3A_197, %dma_wait3A_198] : memref<10000x128xf32, #tpu.memory_space<hbm>> -> memref<10000x128xf32, #tpu.memory_space<hbm>>
        tpu.wait_indirect_dma semaphore(%arg13 : memref<!tpu.dma_semaphore, #tpu.memory_space<semaphore_mem>>) src(%dma_wait3A_199 : memref<10000x128xf32, #tpu.memory_space<hbm>>) dst(%arg10 : memref<128x128xf32, #tpu.memory_space<vmem>>)
        "tpu.region"() ({
          %run_scoped3A_200 = tpu.sem_alloc : memref<!tpu.dma_semaphore, #tpu.memory_space<semaphore_mem>>
          %dma_start3A_201 = arith.constant 0 : i32
          %dma_start3A_202 = tpu.memref_slice %arg8[%add3A_173, %dma_start3A_201] : memref<32x128xi32, #tpu.memory_space<vmem>> -> memref<1x128xi32, #tpu.memory_space<vmem>>
          %dma_start3A_203 = tpu.memref_squeeze %dma_start3A_202 : memref<1x128xi32, #tpu.memory_space<vmem>> -> memref<128xi32, #tpu.memory_space<vmem>>
          %dma_start3A_204 = arith.constant 0 : i32
          %dma_start3A_205 = arith.constant 0 : i32
          %dma_start3A_206 = tpu.memref_slice %arg11[%dma_start3A_204, %dma_start3A_205] : memref<10240x128xf32, #tpu.memory_space<vmem_shared>> -> memref<10240x128xf32, #tpu.memory_space<vmem_shared>>
          tpu.enqueue_indirect_dma source(%arg10 : memref<128x128xf32, #tpu.memory_space<vmem>>) target(%dma_start3A_206 : memref<10240x128xf32, #tpu.memory_space<vmem_shared>>) offsets(%dma_start3A_203 : memref<128xi32, #tpu.memory_space<vmem>>) semaphore(%run_scoped3A_200 : memref<!tpu.dma_semaphore, #tpu.memory_space<semaphore_mem>>) {add = true}
          %dma_wait3A_207 = arith.constant 0 : i32
          %dma_wait3A_208 = tpu.memref_slice %arg8[%add3A_173, %dma_wait3A_207] : memref<32x128xi32, #tpu.memory_space<vmem>> -> memref<1x128xi32, #tpu.memory_space<vmem>>
          %dma_wait3A_209 = tpu.memref_squeeze %dma_wait3A_208 : memref<1x128xi32, #tpu.memory_space<vmem>> -> memref<128xi32, #tpu.memory_space<vmem>>
          %dma_wait3A_210 = arith.constant 0 : i32
          %dma_wait3A_211 = arith.constant 0 : i32
          %dma_wait3A_212 = tpu.memref_slice %arg11[%dma_wait3A_210, %dma_wait3A_211] : memref<10240x128xf32, #tpu.memory_space<vmem_shared>> -> memref<10240x128xf32, #tpu.memory_space<vmem_shared>>
          tpu.wait_indirect_dma semaphore(%run_scoped3A_200 : memref<!tpu.dma_semaphore, #tpu.memory_space<semaphore_mem>>) src(%arg10 : memref<128x128xf32, #tpu.memory_space<vmem>>) dst(%dma_wait3A_212 : memref<10240x128xf32, #tpu.memory_space<vmem_shared>>)
          tpu.yield
        }) : () -> ()
      }
      %scan3A_33 = arith.constant 15 : i32
      %dma_start3A_34 = arith.constant 31 : i32
      %dma_start3A_35 = arith.constant 0 : i32
      %dma_start3A_36 = tpu.memref_slice %arg7[%dma_start3A_34, %dma_start3A_35] : memref<32x128xi32, #tpu.memory_space<vmem>> -> memref<1x128xi32, #tpu.memory_space<vmem>>
      %dma_start3A_37 = tpu.memref_squeeze %dma_start3A_36 : memref<1x128xi32, #tpu.memory_space<vmem>> -> memref<128xi32, #tpu.memory_space<vmem>>
      %dma_start3A_38 = arith.constant 0 : i32
      %dma_start3A_39 = arith.constant 0 : i32
      %dma_start3A_40 = tpu.memref_slice %arg2[%dma_start3A_38, %dma_start3A_39] : memref<10000x128xf32, #tpu.memory_space<hbm>> -> memref<10000x128xf32, #tpu.memory_space<hbm>>
      tpu.enqueue_indirect_dma source(%dma_start3A_40 : memref<10000x128xf32, #tpu.memory_space<hbm>>) target(%arg10 : memref<128x128xf32, #tpu.memory_space<vmem>>) offsets(%dma_start3A_37 : memref<128xi32, #tpu.memory_space<vmem>>) semaphore(%arg13 : memref<!tpu.dma_semaphore, #tpu.memory_space<semaphore_mem>>)
      %dma_wait3A = arith.constant 30 : i32
      %dma_wait3A_41 = arith.constant 0 : i32
      %dma_wait3A_42 = tpu.memref_slice %arg7[%dma_wait3A, %dma_wait3A_41] : memref<32x128xi32, #tpu.memory_space<vmem>> -> memref<1x128xi32, #tpu.memory_space<vmem>>
      %dma_wait3A_43 = tpu.memref_squeeze %dma_wait3A_42 : memref<1x128xi32, #tpu.memory_space<vmem>> -> memref<128xi32, #tpu.memory_space<vmem>>
      %dma_wait3A_44 = arith.constant 0 : i32
      %dma_wait3A_45 = arith.constant 0 : i32
      %dma_wait3A_46 = tpu.memref_slice %arg2[%dma_wait3A_44, %dma_wait3A_45] : memref<10000x128xf32, #tpu.memory_space<hbm>> -> memref<10000x128xf32, #tpu.memory_space<hbm>>
      tpu.wait_indirect_dma semaphore(%arg12 : memref<!tpu.dma_semaphore, #tpu.memory_space<semaphore_mem>>) src(%dma_wait3A_46 : memref<10000x128xf32, #tpu.memory_space<hbm>>) dst(%arg9 : memref<128x128xf32, #tpu.memory_space<vmem>>)
      %run_scoped3A = arith.constant 30 : i32
      "tpu.region"() ({
        %run_scoped3A_169 = tpu.sem_alloc : memref<!tpu.dma_semaphore, #tpu.memory_space<semaphore_mem>>
        %dma_start3A_170 = arith.constant 0 : i32
        %dma_start3A_171 = tpu.memref_slice %arg8[%run_scoped3A, %dma_start3A_170] : memref<32x128xi32, #tpu.memory_space<vmem>> -> memref<1x128xi32, #tpu.memory_space<vmem>>
        %dma_start3A_172 = tpu.memref_squeeze %dma_start3A_171 : memref<1x128xi32, #tpu.memory_space<vmem>> -> memref<128xi32, #tpu.memory_space<vmem>>
        %dma_start3A_173 = arith.constant 0 : i32
        %dma_start3A_174 = arith.constant 0 : i32
        %dma_start3A_175 = tpu.memref_slice %arg11[%dma_start3A_173, %dma_start3A_174] : memref<10240x128xf32, #tpu.memory_space<vmem_shared>> -> memref<10240x128xf32, #tpu.memory_space<vmem_shared>>
        tpu.enqueue_indirect_dma source(%arg9 : memref<128x128xf32, #tpu.memory_space<vmem>>) target(%dma_start3A_175 : memref<10240x128xf32, #tpu.memory_space<vmem_shared>>) offsets(%dma_start3A_172 : memref<128xi32, #tpu.memory_space<vmem>>) semaphore(%run_scoped3A_169 : memref<!tpu.dma_semaphore, #tpu.memory_space<semaphore_mem>>) {add = true}
        %dma_wait3A_176 = arith.constant 0 : i32
        %dma_wait3A_177 = tpu.memref_slice %arg8[%run_scoped3A, %dma_wait3A_176] : memref<32x128xi32, #tpu.memory_space<vmem>> -> memref<1x128xi32, #tpu.memory_space<vmem>>
        %dma_wait3A_178 = tpu.memref_squeeze %dma_wait3A_177 : memref<1x128xi32, #tpu.memory_space<vmem>> -> memref<128xi32, #tpu.memory_space<vmem>>
        %dma_wait3A_179 = arith.constant 0 : i32
        %dma_wait3A_180 = arith.constant 0 : i32
        %dma_wait3A_181 = tpu.memref_slice %arg11[%dma_wait3A_179, %dma_wait3A_180] : memref<10240x128xf32, #tpu.memory_space<vmem_shared>> -> memref<10240x128xf32, #tpu.memory_space<vmem_shared>>
        tpu.wait_indirect_dma semaphore(%run_scoped3A_169 : memref<!tpu.dma_semaphore, #tpu.memory_space<semaphore_mem>>) src(%arg9 : memref<128x128xf32, #tpu.memory_space<vmem>>) dst(%dma_wait3A_181 : memref<10240x128xf32, #tpu.memory_space<vmem_shared>>)
        tpu.yield
      }) : () -> ()
      %dma_wait3A_47 = arith.constant 31 : i32
      %dma_wait3A_48 = arith.constant 0 : i32
      %dma_wait3A_49 = tpu.memref_slice %arg7[%dma_wait3A_47, %dma_wait3A_48] : memref<32x128xi32, #tpu.memory_space<vmem>> -> memref<1x128xi32, #tpu.memory_space<vmem>>
      %dma_wait3A_50 = tpu.memref_squeeze %dma_wait3A_49 : memref<1x128xi32, #tpu.memory_space<vmem>> -> memref<128xi32, #tpu.memory_space<vmem>>
      %dma_wait3A_51 = arith.constant 0 : i32
      %dma_wait3A_52 = arith.constant 0 : i32
      %dma_wait3A_53 = tpu.memref_slice %arg2[%dma_wait3A_51, %dma_wait3A_52] : memref<10000x128xf32, #tpu.memory_space<hbm>> -> memref<10000x128xf32, #tpu.memory_space<hbm>>
      tpu.wait_indirect_dma semaphore(%arg13 : memref<!tpu.dma_semaphore, #tpu.memory_space<semaphore_mem>>) src(%dma_wait3A_53 : memref<10000x128xf32, #tpu.memory_space<hbm>>) dst(%arg10 : memref<128x128xf32, #tpu.memory_space<vmem>>)
      %run_scoped3A_54 = arith.constant 31 : i32
      "tpu.region"() ({
        %run_scoped3A_169 = tpu.sem_alloc : memref<!tpu.dma_semaphore, #tpu.memory_space<semaphore_mem>>
        %dma_start3A_170 = arith.constant 0 : i32
        %dma_start3A_171 = tpu.memref_slice %arg8[%run_scoped3A_54, %dma_start3A_170] : memref<32x128xi32, #tpu.memory_space<vmem>> -> memref<1x128xi32, #tpu.memory_space<vmem>>
        %dma_start3A_172 = tpu.memref_squeeze %dma_start3A_171 : memref<1x128xi32, #tpu.memory_space<vmem>> -> memref<128xi32, #tpu.memory_space<vmem>>
        %dma_start3A_173 = arith.constant 0 : i32
        %dma_start3A_174 = arith.constant 0 : i32
        %dma_start3A_175 = tpu.memref_slice %arg11[%dma_start3A_173, %dma_start3A_174] : memref<10240x128xf32, #tpu.memory_space<vmem_shared>> -> memref<10240x128xf32, #tpu.memory_space<vmem_shared>>
        tpu.enqueue_indirect_dma source(%arg10 : memref<128x128xf32, #tpu.memory_space<vmem>>) target(%dma_start3A_175 : memref<10240x128xf32, #tpu.memory_space<vmem_shared>>) offsets(%dma_start3A_172 : memref<128xi32, #tpu.memory_space<vmem>>) semaphore(%run_scoped3A_169 : memref<!tpu.dma_semaphore, #tpu.memory_space<semaphore_mem>>) {add = true}
        %dma_wait3A_176 = arith.constant 0 : i32
        %dma_wait3A_177 = tpu.memref_slice %arg8[%run_scoped3A_54, %dma_wait3A_176] : memref<32x128xi32, #tpu.memory_space<vmem>> -> memref<1x128xi32, #tpu.memory_space<vmem>>
        %dma_wait3A_178 = tpu.memref_squeeze %dma_wait3A_177 : memref<1x128xi32, #tpu.memory_space<vmem>> -> memref<128xi32, #tpu.memory_space<vmem>>
        %dma_wait3A_179 = arith.constant 0 : i32
        %dma_wait3A_180 = arith.constant 0 : i32
        %dma_wait3A_181 = tpu.memref_slice %arg11[%dma_wait3A_179, %dma_wait3A_180] : memref<10240x128xf32, #tpu.memory_space<vmem_shared>> -> memref<10240x128xf32, #tpu.memory_space<vmem_shared>>
        tpu.wait_indirect_dma semaphore(%run_scoped3A_169 : memref<!tpu.dma_semaphore, #tpu.memory_space<semaphore_mem>>) src(%arg10 : memref<128x128xf32, #tpu.memory_space<vmem>>) dst(%dma_wait3A_181 : memref<10240x128xf32, #tpu.memory_space<vmem_shared>>)
        tpu.yield
      }) : () -> ()
      %add3A_55 = arith.constant 32 : i32
      %add3A_56 = arith.addi %mul3A_21, %add3A_55 : i32
      "tpu.region"() ({
        %run_scoped3A_169 = tpu.sem_alloc : memref<!tpu.dma_semaphore, #tpu.memory_space<semaphore_mem>>
        %dma_start3A_170 = arith.constant 0 : i32
        %dma_start3A_171 = tpu.memref_slice %arg3[%add3A_56, %dma_start3A_170] : memref<2560x128xi32, #tpu.memory_space<hbm>> -> memref<32x128xi32, #tpu.memory_space<hbm>>
        %dma_start3A_172 = arith.constant 0 : i32
        %dma_start3A_173 = tpu.memref_slice %arg3[%add3A_56, %dma_start3A_172] : memref<2560x128xi32, #tpu.memory_space<hbm>> -> memref<32x128xi32, #tpu.memory_space<hbm>>
        tpu.enqueue_dma source(%dma_start3A_173 : memref<32x128xi32, #tpu.memory_space<hbm>>) target(%arg7 : memref<32x128xi32, #tpu.memory_space<vmem>>) target_semaphore(%run_scoped3A_169 : memref<!tpu.dma_semaphore, #tpu.memory_space<semaphore_mem>>)
        %dma_wait3A_174 = arith.constant 0 : i32
        %dma_wait3A_175 = tpu.memref_slice %arg3[%add3A_56, %dma_wait3A_174] : memref<2560x128xi32, #tpu.memory_space<hbm>> -> memref<32x128xi32, #tpu.memory_space<hbm>>
        %dma_wait3A_176 = arith.constant 0 : i32
        %dma_wait3A_177 = tpu.memref_slice %arg3[%add3A_56, %dma_wait3A_176] : memref<2560x128xi32, #tpu.memory_space<hbm>> -> memref<32x128xi32, #tpu.memory_space<hbm>>
        tpu.wait_dma2 semaphore(%run_scoped3A_169 : memref<!tpu.dma_semaphore, #tpu.memory_space<semaphore_mem>>) src(%dma_wait3A_177 : memref<32x128xi32, #tpu.memory_space<hbm>>) dst(%arg7 : memref<32x128xi32, #tpu.memory_space<vmem>>)
        tpu.yield
      }) : () -> ()
      "tpu.region"() ({
        %run_scoped3A_169 = tpu.sem_alloc : memref<!tpu.dma_semaphore, #tpu.memory_space<semaphore_mem>>
        %dma_start3A_170 = arith.constant 0 : i32
        %dma_start3A_171 = tpu.memref_slice %arg4[%add3A_56, %dma_start3A_170] : memref<2560x128xi32, #tpu.memory_space<hbm>> -> memref<32x128xi32, #tpu.memory_space<hbm>>
        %dma_start3A_172 = arith.constant 0 : i32
        %dma_start3A_173 = tpu.memref_slice %arg4[%add3A_56, %dma_start3A_172] : memref<2560x128xi32, #tpu.memory_space<hbm>> -> memref<32x128xi32, #tpu.memory_space<hbm>>
        tpu.enqueue_dma source(%dma_start3A_173 : memref<32x128xi32, #tpu.memory_space<hbm>>) target(%arg8 : memref<32x128xi32, #tpu.memory_space<vmem>>) target_semaphore(%run_scoped3A_169 : memref<!tpu.dma_semaphore, #tpu.memory_space<semaphore_mem>>)
        %dma_wait3A_174 = arith.constant 0 : i32
        %dma_wait3A_175 = tpu.memref_slice %arg4[%add3A_56, %dma_wait3A_174] : memref<2560x128xi32, #tpu.memory_space<hbm>> -> memref<32x128xi32, #tpu.memory_space<hbm>>
        %dma_wait3A_176 = arith.constant 0 : i32
        %dma_wait3A_177 = tpu.memref_slice %arg4[%add3A_56, %dma_wait3A_176] : memref<2560x128xi32, #tpu.memory_space<hbm>> -> memref<32x128xi32, #tpu.memory_space<hbm>>
        tpu.wait_dma2 semaphore(%run_scoped3A_169 : memref<!tpu.dma_semaphore, #tpu.memory_space<semaphore_mem>>) src(%dma_wait3A_177 : memref<32x128xi32, #tpu.memory_space<hbm>>) dst(%arg8 : memref<32x128xi32, #tpu.memory_space<vmem>>)
        tpu.yield
      }) : () -> ()
      %dma_start3A_57 = arith.constant 0 : i32
      %dma_start3A_58 = arith.constant 0 : i32
      %dma_start3A_59 = tpu.memref_slice %arg7[%dma_start3A_57, %dma_start3A_58] : memref<32x128xi32, #tpu.memory_space<vmem>> -> memref<1x128xi32, #tpu.memory_space<vmem>>
      %dma_start3A_60 = tpu.memref_squeeze %dma_start3A_59 : memref<1x128xi32, #tpu.memory_space<vmem>> -> memref<128xi32, #tpu.memory_space<vmem>>
      %dma_start3A_61 = arith.constant 0 : i32
      %dma_start3A_62 = arith.constant 0 : i32
      %dma_start3A_63 = tpu.memref_slice %arg2[%dma_start3A_61, %dma_start3A_62] : memref<10000x128xf32, #tpu.memory_space<hbm>> -> memref<10000x128xf32, #tpu.memory_space<hbm>>
      tpu.enqueue_indirect_dma source(%dma_start3A_63 : memref<10000x128xf32, #tpu.memory_space<hbm>>) target(%arg9 : memref<128x128xf32, #tpu.memory_space<vmem>>) offsets(%dma_start3A_60 : memref<128xi32, #tpu.memory_space<vmem>>) semaphore(%arg12 : memref<!tpu.dma_semaphore, #tpu.memory_space<semaphore_mem>>)
      %scan3A_64 = arith.constant 0 : i32
      %scan3A_65 = arith.constant 0 : i32
      %scan3A_66 = arith.constant 15 : i32
      %scan3A_67 = arith.addi %scan3A_65, %scan3A_66 : i32
      %scan3A_68 = arith.constant 1 : i32
      scf.for %scan3A_169 = %scan3A_65 to %scan3A_67 step %scan3A_68  : i32 {
        %mul3A_170 = arith.constant 2 : i32
        %mul3A_171 = arith.muli %scan3A_169, %mul3A_170 : i32
        %add3A_172 = arith.constant 1 : i32
        %add3A_173 = arith.addi %mul3A_171, %add3A_172 : i32
        %dma_start3A_174 = arith.constant 0 : i32
        %dma_start3A_175 = tpu.memref_slice %arg7[%add3A_173, %dma_start3A_174] : memref<32x128xi32, #tpu.memory_space<vmem>> -> memref<1x128xi32, #tpu.memory_space<vmem>>
        %dma_start3A_176 = tpu.memref_squeeze %dma_start3A_175 : memref<1x128xi32, #tpu.memory_space<vmem>> -> memref<128xi32, #tpu.memory_space<vmem>>
        %dma_start3A_177 = arith.constant 0 : i32
        %dma_start3A_178 = arith.constant 0 : i32
        %dma_start3A_179 = tpu.memref_slice %arg2[%dma_start3A_177, %dma_start3A_178] : memref<10000x128xf32, #tpu.memory_space<hbm>> -> memref<10000x128xf32, #tpu.memory_space<hbm>>
        tpu.enqueue_indirect_dma source(%dma_start3A_179 : memref<10000x128xf32, #tpu.memory_space<hbm>>) target(%arg10 : memref<128x128xf32, #tpu.memory_space<vmem>>) offsets(%dma_start3A_176 : memref<128xi32, #tpu.memory_space<vmem>>) semaphore(%arg13 : memref<!tpu.dma_semaphore, #tpu.memory_space<semaphore_mem>>)
        %dma_wait3A_180 = arith.constant 0 : i32
        %dma_wait3A_181 = tpu.memref_slice %arg7[%mul3A_171, %dma_wait3A_180] : memref<32x128xi32, #tpu.memory_space<vmem>> -> memref<1x128xi32, #tpu.memory_space<vmem>>
        %dma_wait3A_182 = tpu.memref_squeeze %dma_wait3A_181 : memref<1x128xi32, #tpu.memory_space<vmem>> -> memref<128xi32, #tpu.memory_space<vmem>>
        %dma_wait3A_183 = arith.constant 0 : i32
        %dma_wait3A_184 = arith.constant 0 : i32
        %dma_wait3A_185 = tpu.memref_slice %arg2[%dma_wait3A_183, %dma_wait3A_184] : memref<10000x128xf32, #tpu.memory_space<hbm>> -> memref<10000x128xf32, #tpu.memory_space<hbm>>
        tpu.wait_indirect_dma semaphore(%arg12 : memref<!tpu.dma_semaphore, #tpu.memory_space<semaphore_mem>>) src(%dma_wait3A_185 : memref<10000x128xf32, #tpu.memory_space<hbm>>) dst(%arg9 : memref<128x128xf32, #tpu.memory_space<vmem>>)
        "tpu.region"() ({
          %run_scoped3A_200 = tpu.sem_alloc : memref<!tpu.dma_semaphore, #tpu.memory_space<semaphore_mem>>
          %dma_start3A_201 = arith.constant 0 : i32
          %dma_start3A_202 = tpu.memref_slice %arg8[%mul3A_171, %dma_start3A_201] : memref<32x128xi32, #tpu.memory_space<vmem>> -> memref<1x128xi32, #tpu.memory_space<vmem>>
          %dma_start3A_203 = tpu.memref_squeeze %dma_start3A_202 : memref<1x128xi32, #tpu.memory_space<vmem>> -> memref<128xi32, #tpu.memory_space<vmem>>
          %dma_start3A_204 = arith.constant 0 : i32
          %dma_start3A_205 = arith.constant 0 : i32
          %dma_start3A_206 = tpu.memref_slice %arg11[%dma_start3A_204, %dma_start3A_205] : memref<10240x128xf32, #tpu.memory_space<vmem_shared>> -> memref<10240x128xf32, #tpu.memory_space<vmem_shared>>
          tpu.enqueue_indirect_dma source(%arg9 : memref<128x128xf32, #tpu.memory_space<vmem>>) target(%dma_start3A_206 : memref<10240x128xf32, #tpu.memory_space<vmem_shared>>) offsets(%dma_start3A_203 : memref<128xi32, #tpu.memory_space<vmem>>) semaphore(%run_scoped3A_200 : memref<!tpu.dma_semaphore, #tpu.memory_space<semaphore_mem>>) {add = true}
          %dma_wait3A_207 = arith.constant 0 : i32
          %dma_wait3A_208 = tpu.memref_slice %arg8[%mul3A_171, %dma_wait3A_207] : memref<32x128xi32, #tpu.memory_space<vmem>> -> memref<1x128xi32, #tpu.memory_space<vmem>>
          %dma_wait3A_209 = tpu.memref_squeeze %dma_wait3A_208 : memref<1x128xi32, #tpu.memory_space<vmem>> -> memref<128xi32, #tpu.memory_space<vmem>>
          %dma_wait3A_210 = arith.constant 0 : i32
          %dma_wait3A_211 = arith.constant 0 : i32
          %dma_wait3A_212 = tpu.memref_slice %arg11[%dma_wait3A_210, %dma_wait3A_211] : memref<10240x128xf32, #tpu.memory_space<vmem_shared>> -> memref<10240x128xf32, #tpu.memory_space<vmem_shared>>
          tpu.wait_indirect_dma semaphore(%run_scoped3A_200 : memref<!tpu.dma_semaphore, #tpu.memory_space<semaphore_mem>>) src(%arg9 : memref<128x128xf32, #tpu.memory_space<vmem>>) dst(%dma_wait3A_212 : memref<10240x128xf32, #tpu.memory_space<vmem_shared>>)
          tpu.yield
        }) : () -> ()
        %add3A_186 = arith.constant 2 : i32
        %add3A_187 = arith.addi %mul3A_171, %add3A_186 : i32
        %dma_start3A_188 = arith.constant 0 : i32
        %dma_start3A_189 = tpu.memref_slice %arg7[%add3A_187, %dma_start3A_188] : memref<32x128xi32, #tpu.memory_space<vmem>> -> memref<1x128xi32, #tpu.memory_space<vmem>>
        %dma_start3A_190 = tpu.memref_squeeze %dma_start3A_189 : memref<1x128xi32, #tpu.memory_space<vmem>> -> memref<128xi32, #tpu.memory_space<vmem>>
        %dma_start3A_191 = arith.constant 0 : i32
        %dma_start3A_192 = arith.constant 0 : i32
        %dma_start3A_193 = tpu.memref_slice %arg2[%dma_start3A_191, %dma_start3A_192] : memref<10000x128xf32, #tpu.memory_space<hbm>> -> memref<10000x128xf32, #tpu.memory_space<hbm>>
        tpu.enqueue_indirect_dma source(%dma_start3A_193 : memref<10000x128xf32, #tpu.memory_space<hbm>>) target(%arg9 : memref<128x128xf32, #tpu.memory_space<vmem>>) offsets(%dma_start3A_190 : memref<128xi32, #tpu.memory_space<vmem>>) semaphore(%arg12 : memref<!tpu.dma_semaphore, #tpu.memory_space<semaphore_mem>>)
        %dma_wait3A_194 = arith.constant 0 : i32
        %dma_wait3A_195 = tpu.memref_slice %arg7[%add3A_173, %dma_wait3A_194] : memref<32x128xi32, #tpu.memory_space<vmem>> -> memref<1x128xi32, #tpu.memory_space<vmem>>
        %dma_wait3A_196 = tpu.memref_squeeze %dma_wait3A_195 : memref<1x128xi32, #tpu.memory_space<vmem>> -> memref<128xi32, #tpu.memory_space<vmem>>
        %dma_wait3A_197 = arith.constant 0 : i32
        %dma_wait3A_198 = arith.constant 0 : i32
        %dma_wait3A_199 = tpu.memref_slice %arg2[%dma_wait3A_197, %dma_wait3A_198] : memref<10000x128xf32, #tpu.memory_space<hbm>> -> memref<10000x128xf32, #tpu.memory_space<hbm>>
        tpu.wait_indirect_dma semaphore(%arg13 : memref<!tpu.dma_semaphore, #tpu.memory_space<semaphore_mem>>) src(%dma_wait3A_199 : memref<10000x128xf32, #tpu.memory_space<hbm>>) dst(%arg10 : memref<128x128xf32, #tpu.memory_space<vmem>>)
        "tpu.region"() ({
          %run_scoped3A_200 = tpu.sem_alloc : memref<!tpu.dma_semaphore, #tpu.memory_space<semaphore_mem>>
          %dma_start3A_201 = arith.constant 0 : i32
          %dma_start3A_202 = tpu.memref_slice %arg8[%add3A_173, %dma_start3A_201] : memref<32x128xi32, #tpu.memory_space<vmem>> -> memref<1x128xi32, #tpu.memory_space<vmem>>
          %dma_start3A_203 = tpu.memref_squeeze %dma_start3A_202 : memref<1x128xi32, #tpu.memory_space<vmem>> -> memref<128xi32, #tpu.memory_space<vmem>>
          %dma_start3A_204 = arith.constant 0 : i32
          %dma_start3A_205 = arith.constant 0 : i32
          %dma_start3A_206 = tpu.memref_slice %arg11[%dma_start3A_204, %dma_start3A_205] : memref<10240x128xf32, #tpu.memory_space<vmem_shared>> -> memref<10240x128xf32, #tpu.memory_space<vmem_shared>>
          tpu.enqueue_indirect_dma source(%arg10 : memref<128x128xf32, #tpu.memory_space<vmem>>) target(%dma_start3A_206 : memref<10240x128xf32, #tpu.memory_space<vmem_shared>>) offsets(%dma_start3A_203 : memref<128xi32, #tpu.memory_space<vmem>>) semaphore(%run_scoped3A_200 : memref<!tpu.dma_semaphore, #tpu.memory_space<semaphore_mem>>) {add = true}
          %dma_wait3A_207 = arith.constant 0 : i32
          %dma_wait3A_208 = tpu.memref_slice %arg8[%add3A_173, %dma_wait3A_207] : memref<32x128xi32, #tpu.memory_space<vmem>> -> memref<1x128xi32, #tpu.memory_space<vmem>>
          %dma_wait3A_209 = tpu.memref_squeeze %dma_wait3A_208 : memref<1x128xi32, #tpu.memory_space<vmem>> -> memref<128xi32, #tpu.memory_space<vmem>>
          %dma_wait3A_210 = arith.constant 0 : i32
          %dma_wait3A_211 = arith.constant 0 : i32
          %dma_wait3A_212 = tpu.memref_slice %arg11[%dma_wait3A_210, %dma_wait3A_211] : memref<10240x128xf32, #tpu.memory_space<vmem_shared>> -> memref<10240x128xf32, #tpu.memory_space<vmem_shared>>
          tpu.wait_indirect_dma semaphore(%run_scoped3A_200 : memref<!tpu.dma_semaphore, #tpu.memory_space<semaphore_mem>>) src(%arg10 : memref<128x128xf32, #tpu.memory_space<vmem>>) dst(%dma_wait3A_212 : memref<10240x128xf32, #tpu.memory_space<vmem_shared>>)
          tpu.yield
        }) : () -> ()
      }
      %scan3A_69 = arith.constant 15 : i32
      %dma_start3A_70 = arith.constant 31 : i32
      %dma_start3A_71 = arith.constant 0 : i32
      %dma_start3A_72 = tpu.memref_slice %arg7[%dma_start3A_70, %dma_start3A_71] : memref<32x128xi32, #tpu.memory_space<vmem>> -> memref<1x128xi32, #tpu.memory_space<vmem>>
      %dma_start3A_73 = tpu.memref_squeeze %dma_start3A_72 : memref<1x128xi32, #tpu.memory_space<vmem>> -> memref<128xi32, #tpu.memory_space<vmem>>
      %dma_start3A_74 = arith.constant 0 : i32
      %dma_start3A_75 = arith.constant 0 : i32
      %dma_start3A_76 = tpu.memref_slice %arg2[%dma_start3A_74, %dma_start3A_75] : memref<10000x128xf32, #tpu.memory_space<hbm>> -> memref<10000x128xf32, #tpu.memory_space<hbm>>
      tpu.enqueue_indirect_dma source(%dma_start3A_76 : memref<10000x128xf32, #tpu.memory_space<hbm>>) target(%arg10 : memref<128x128xf32, #tpu.memory_space<vmem>>) offsets(%dma_start3A_73 : memref<128xi32, #tpu.memory_space<vmem>>) semaphore(%arg13 : memref<!tpu.dma_semaphore, #tpu.memory_space<semaphore_mem>>)
      %dma_wait3A_77 = arith.constant 30 : i32
      %dma_wait3A_78 = arith.constant 0 : i32
      %dma_wait3A_79 = tpu.memref_slice %arg7[%dma_wait3A_77, %dma_wait3A_78] : memref<32x128xi32, #tpu.memory_space<vmem>> -> memref<1x128xi32, #tpu.memory_space<vmem>>
      %dma_wait3A_80 = tpu.memref_squeeze %dma_wait3A_79 : memref<1x128xi32, #tpu.memory_space<vmem>> -> memref<128xi32, #tpu.memory_space<vmem>>
      %dma_wait3A_81 = arith.constant 0 : i32
      %dma_wait3A_82 = arith.constant 0 : i32
      %dma_wait3A_83 = tpu.memref_slice %arg2[%dma_wait3A_81, %dma_wait3A_82] : memref<10000x128xf32, #tpu.memory_space<hbm>> -> memref<10000x128xf32, #tpu.memory_space<hbm>>
      tpu.wait_indirect_dma semaphore(%arg12 : memref<!tpu.dma_semaphore, #tpu.memory_space<semaphore_mem>>) src(%dma_wait3A_83 : memref<10000x128xf32, #tpu.memory_space<hbm>>) dst(%arg9 : memref<128x128xf32, #tpu.memory_space<vmem>>)
      %run_scoped3A_84 = arith.constant 30 : i32
      "tpu.region"() ({
        %run_scoped3A_169 = tpu.sem_alloc : memref<!tpu.dma_semaphore, #tpu.memory_space<semaphore_mem>>
        %dma_start3A_170 = arith.constant 0 : i32
        %dma_start3A_171 = tpu.memref_slice %arg8[%run_scoped3A_84, %dma_start3A_170] : memref<32x128xi32, #tpu.memory_space<vmem>> -> memref<1x128xi32, #tpu.memory_space<vmem>>
        %dma_start3A_172 = tpu.memref_squeeze %dma_start3A_171 : memref<1x128xi32, #tpu.memory_space<vmem>> -> memref<128xi32, #tpu.memory_space<vmem>>
        %dma_start3A_173 = arith.constant 0 : i32
        %dma_start3A_174 = arith.constant 0 : i32
        %dma_start3A_175 = tpu.memref_slice %arg11[%dma_start3A_173, %dma_start3A_174] : memref<10240x128xf32, #tpu.memory_space<vmem_shared>> -> memref<10240x128xf32, #tpu.memory_space<vmem_shared>>
        tpu.enqueue_indirect_dma source(%arg9 : memref<128x128xf32, #tpu.memory_space<vmem>>) target(%dma_start3A_175 : memref<10240x128xf32, #tpu.memory_space<vmem_shared>>) offsets(%dma_start3A_172 : memref<128xi32, #tpu.memory_space<vmem>>) semaphore(%run_scoped3A_169 : memref<!tpu.dma_semaphore, #tpu.memory_space<semaphore_mem>>) {add = true}
        %dma_wait3A_176 = arith.constant 0 : i32
        %dma_wait3A_177 = tpu.memref_slice %arg8[%run_scoped3A_84, %dma_wait3A_176] : memref<32x128xi32, #tpu.memory_space<vmem>> -> memref<1x128xi32, #tpu.memory_space<vmem>>
        %dma_wait3A_178 = tpu.memref_squeeze %dma_wait3A_177 : memref<1x128xi32, #tpu.memory_space<vmem>> -> memref<128xi32, #tpu.memory_space<vmem>>
        %dma_wait3A_179 = arith.constant 0 : i32
        %dma_wait3A_180 = arith.constant 0 : i32
        %dma_wait3A_181 = tpu.memref_slice %arg11[%dma_wait3A_179, %dma_wait3A_180] : memref<10240x128xf32, #tpu.memory_space<vmem_shared>> -> memref<10240x128xf32, #tpu.memory_space<vmem_shared>>
        tpu.wait_indirect_dma semaphore(%run_scoped3A_169 : memref<!tpu.dma_semaphore, #tpu.memory_space<semaphore_mem>>) src(%arg9 : memref<128x128xf32, #tpu.memory_space<vmem>>) dst(%dma_wait3A_181 : memref<10240x128xf32, #tpu.memory_space<vmem_shared>>)
        tpu.yield
      }) : () -> ()
      %dma_wait3A_85 = arith.constant 31 : i32
      %dma_wait3A_86 = arith.constant 0 : i32
      %dma_wait3A_87 = tpu.memref_slice %arg7[%dma_wait3A_85, %dma_wait3A_86] : memref<32x128xi32, #tpu.memory_space<vmem>> -> memref<1x128xi32, #tpu.memory_space<vmem>>
      %dma_wait3A_88 = tpu.memref_squeeze %dma_wait3A_87 : memref<1x128xi32, #tpu.memory_space<vmem>> -> memref<128xi32, #tpu.memory_space<vmem>>
      %dma_wait3A_89 = arith.constant 0 : i32
      %dma_wait3A_90 = arith.constant 0 : i32
      %dma_wait3A_91 = tpu.memref_slice %arg2[%dma_wait3A_89, %dma_wait3A_90] : memref<10000x128xf32, #tpu.memory_space<hbm>> -> memref<10000x128xf32, #tpu.memory_space<hbm>>
      tpu.wait_indirect_dma semaphore(%arg13 : memref<!tpu.dma_semaphore, #tpu.memory_space<semaphore_mem>>) src(%dma_wait3A_91 : memref<10000x128xf32, #tpu.memory_space<hbm>>) dst(%arg10 : memref<128x128xf32, #tpu.memory_space<vmem>>)
      %run_scoped3A_92 = arith.constant 31 : i32
      "tpu.region"() ({
        %run_scoped3A_169 = tpu.sem_alloc : memref<!tpu.dma_semaphore, #tpu.memory_space<semaphore_mem>>
        %dma_start3A_170 = arith.constant 0 : i32
        %dma_start3A_171 = tpu.memref_slice %arg8[%run_scoped3A_92, %dma_start3A_170] : memref<32x128xi32, #tpu.memory_space<vmem>> -> memref<1x128xi32, #tpu.memory_space<vmem>>
        %dma_start3A_172 = tpu.memref_squeeze %dma_start3A_171 : memref<1x128xi32, #tpu.memory_space<vmem>> -> memref<128xi32, #tpu.memory_space<vmem>>
        %dma_start3A_173 = arith.constant 0 : i32
        %dma_start3A_174 = arith.constant 0 : i32
        %dma_start3A_175 = tpu.memref_slice %arg11[%dma_start3A_173, %dma_start3A_174] : memref<10240x128xf32, #tpu.memory_space<vmem_shared>> -> memref<10240x128xf32, #tpu.memory_space<vmem_shared>>
        tpu.enqueue_indirect_dma source(%arg10 : memref<128x128xf32, #tpu.memory_space<vmem>>) target(%dma_start3A_175 : memref<10240x128xf32, #tpu.memory_space<vmem_shared>>) offsets(%dma_start3A_172 : memref<128xi32, #tpu.memory_space<vmem>>) semaphore(%run_scoped3A_169 : memref<!tpu.dma_semaphore, #tpu.memory_space<semaphore_mem>>) {add = true}
        %dma_wait3A_176 = arith.constant 0 : i32
        %dma_wait3A_177 = tpu.memref_slice %arg8[%run_scoped3A_92, %dma_wait3A_176] : memref<32x128xi32, #tpu.memory_space<vmem>> -> memref<1x128xi32, #tpu.memory_space<vmem>>
        %dma_wait3A_178 = tpu.memref_squeeze %dma_wait3A_177 : memref<1x128xi32, #tpu.memory_space<vmem>> -> memref<128xi32, #tpu.memory_space<vmem>>
        %dma_wait3A_179 = arith.constant 0 : i32
        %dma_wait3A_180 = arith.constant 0 : i32
        %dma_wait3A_181 = tpu.memref_slice %arg11[%dma_wait3A_179, %dma_wait3A_180] : memref<10240x128xf32, #tpu.memory_space<vmem_shared>> -> memref<10240x128xf32, #tpu.memory_space<vmem_shared>>
        tpu.wait_indirect_dma semaphore(%run_scoped3A_169 : memref<!tpu.dma_semaphore, #tpu.memory_space<semaphore_mem>>) src(%arg10 : memref<128x128xf32, #tpu.memory_space<vmem>>) dst(%dma_wait3A_181 : memref<10240x128xf32, #tpu.memory_space<vmem_shared>>)
        tpu.yield
      }) : () -> ()
      %add3A_93 = arith.constant 64 : i32
      %add3A_94 = arith.addi %mul3A_21, %add3A_93 : i32
      "tpu.region"() ({
        %run_scoped3A_169 = tpu.sem_alloc : memref<!tpu.dma_semaphore, #tpu.memory_space<semaphore_mem>>
        %dma_start3A_170 = arith.constant 0 : i32
        %dma_start3A_171 = tpu.memref_slice %arg3[%add3A_94, %dma_start3A_170] : memref<2560x128xi32, #tpu.memory_space<hbm>> -> memref<32x128xi32, #tpu.memory_space<hbm>>
        %dma_start3A_172 = arith.constant 0 : i32
        %dma_start3A_173 = tpu.memref_slice %arg3[%add3A_94, %dma_start3A_172] : memref<2560x128xi32, #tpu.memory_space<hbm>> -> memref<32x128xi32, #tpu.memory_space<hbm>>
        tpu.enqueue_dma source(%dma_start3A_173 : memref<32x128xi32, #tpu.memory_space<hbm>>) target(%arg7 : memref<32x128xi32, #tpu.memory_space<vmem>>) target_semaphore(%run_scoped3A_169 : memref<!tpu.dma_semaphore, #tpu.memory_space<semaphore_mem>>)
        %dma_wait3A_174 = arith.constant 0 : i32
        %dma_wait3A_175 = tpu.memref_slice %arg3[%add3A_94, %dma_wait3A_174] : memref<2560x128xi32, #tpu.memory_space<hbm>> -> memref<32x128xi32, #tpu.memory_space<hbm>>
        %dma_wait3A_176 = arith.constant 0 : i32
        %dma_wait3A_177 = tpu.memref_slice %arg3[%add3A_94, %dma_wait3A_176] : memref<2560x128xi32, #tpu.memory_space<hbm>> -> memref<32x128xi32, #tpu.memory_space<hbm>>
        tpu.wait_dma2 semaphore(%run_scoped3A_169 : memref<!tpu.dma_semaphore, #tpu.memory_space<semaphore_mem>>) src(%dma_wait3A_177 : memref<32x128xi32, #tpu.memory_space<hbm>>) dst(%arg7 : memref<32x128xi32, #tpu.memory_space<vmem>>)
        tpu.yield
      }) : () -> ()
      "tpu.region"() ({
        %run_scoped3A_169 = tpu.sem_alloc : memref<!tpu.dma_semaphore, #tpu.memory_space<semaphore_mem>>
        %dma_start3A_170 = arith.constant 0 : i32
        %dma_start3A_171 = tpu.memref_slice %arg4[%add3A_94, %dma_start3A_170] : memref<2560x128xi32, #tpu.memory_space<hbm>> -> memref<32x128xi32, #tpu.memory_space<hbm>>
        %dma_start3A_172 = arith.constant 0 : i32
        %dma_start3A_173 = tpu.memref_slice %arg4[%add3A_94, %dma_start3A_172] : memref<2560x128xi32, #tpu.memory_space<hbm>> -> memref<32x128xi32, #tpu.memory_space<hbm>>
        tpu.enqueue_dma source(%dma_start3A_173 : memref<32x128xi32, #tpu.memory_space<hbm>>) target(%arg8 : memref<32x128xi32, #tpu.memory_space<vmem>>) target_semaphore(%run_scoped3A_169 : memref<!tpu.dma_semaphore, #tpu.memory_space<semaphore_mem>>)
        %dma_wait3A_174 = arith.constant 0 : i32
        %dma_wait3A_175 = tpu.memref_slice %arg4[%add3A_94, %dma_wait3A_174] : memref<2560x128xi32, #tpu.memory_space<hbm>> -> memref<32x128xi32, #tpu.memory_space<hbm>>
        %dma_wait3A_176 = arith.constant 0 : i32
        %dma_wait3A_177 = tpu.memref_slice %arg4[%add3A_94, %dma_wait3A_176] : memref<2560x128xi32, #tpu.memory_space<hbm>> -> memref<32x128xi32, #tpu.memory_space<hbm>>
        tpu.wait_dma2 semaphore(%run_scoped3A_169 : memref<!tpu.dma_semaphore, #tpu.memory_space<semaphore_mem>>) src(%dma_wait3A_177 : memref<32x128xi32, #tpu.memory_space<hbm>>) dst(%arg8 : memref<32x128xi32, #tpu.memory_space<vmem>>)
        tpu.yield
      }) : () -> ()
      %dma_start3A_95 = arith.constant 0 : i32
      %dma_start3A_96 = arith.constant 0 : i32
      %dma_start3A_97 = tpu.memref_slice %arg7[%dma_start3A_95, %dma_start3A_96] : memref<32x128xi32, #tpu.memory_space<vmem>> -> memref<1x128xi32, #tpu.memory_space<vmem>>
      %dma_start3A_98 = tpu.memref_squeeze %dma_start3A_97 : memref<1x128xi32, #tpu.memory_space<vmem>> -> memref<128xi32, #tpu.memory_space<vmem>>
      %dma_start3A_99 = arith.constant 0 : i32
      %dma_start3A_100 = arith.constant 0 : i32
      %dma_start3A_101 = tpu.memref_slice %arg2[%dma_start3A_99, %dma_start3A_100] : memref<10000x128xf32, #tpu.memory_space<hbm>> -> memref<10000x128xf32, #tpu.memory_space<hbm>>
      tpu.enqueue_indirect_dma source(%dma_start3A_101 : memref<10000x128xf32, #tpu.memory_space<hbm>>) target(%arg9 : memref<128x128xf32, #tpu.memory_space<vmem>>) offsets(%dma_start3A_98 : memref<128xi32, #tpu.memory_space<vmem>>) semaphore(%arg12 : memref<!tpu.dma_semaphore, #tpu.memory_space<semaphore_mem>>)
      %scan3A_102 = arith.constant 0 : i32
      %scan3A_103 = arith.constant 0 : i32
      %scan3A_104 = arith.constant 15 : i32
      %scan3A_105 = arith.addi %scan3A_103, %scan3A_104 : i32
      %scan3A_106 = arith.constant 1 : i32
      scf.for %scan3A_169 = %scan3A_103 to %scan3A_105 step %scan3A_106  : i32 {
        %mul3A_170 = arith.constant 2 : i32
        %mul3A_171 = arith.muli %scan3A_169, %mul3A_170 : i32
        %add3A_172 = arith.constant 1 : i32
        %add3A_173 = arith.addi %mul3A_171, %add3A_172 : i32
        %dma_start3A_174 = arith.constant 0 : i32
        %dma_start3A_175 = tpu.memref_slice %arg7[%add3A_173, %dma_start3A_174] : memref<32x128xi32, #tpu.memory_space<vmem>> -> memref<1x128xi32, #tpu.memory_space<vmem>>
        %dma_start3A_176 = tpu.memref_squeeze %dma_start3A_175 : memref<1x128xi32, #tpu.memory_space<vmem>> -> memref<128xi32, #tpu.memory_space<vmem>>
        %dma_start3A_177 = arith.constant 0 : i32
        %dma_start3A_178 = arith.constant 0 : i32
        %dma_start3A_179 = tpu.memref_slice %arg2[%dma_start3A_177, %dma_start3A_178] : memref<10000x128xf32, #tpu.memory_space<hbm>> -> memref<10000x128xf32, #tpu.memory_space<hbm>>
        tpu.enqueue_indirect_dma source(%dma_start3A_179 : memref<10000x128xf32, #tpu.memory_space<hbm>>) target(%arg10 : memref<128x128xf32, #tpu.memory_space<vmem>>) offsets(%dma_start3A_176 : memref<128xi32, #tpu.memory_space<vmem>>) semaphore(%arg13 : memref<!tpu.dma_semaphore, #tpu.memory_space<semaphore_mem>>)
        %dma_wait3A_180 = arith.constant 0 : i32
        %dma_wait3A_181 = tpu.memref_slice %arg7[%mul3A_171, %dma_wait3A_180] : memref<32x128xi32, #tpu.memory_space<vmem>> -> memref<1x128xi32, #tpu.memory_space<vmem>>
        %dma_wait3A_182 = tpu.memref_squeeze %dma_wait3A_181 : memref<1x128xi32, #tpu.memory_space<vmem>> -> memref<128xi32, #tpu.memory_space<vmem>>
        %dma_wait3A_183 = arith.constant 0 : i32
        %dma_wait3A_184 = arith.constant 0 : i32
        %dma_wait3A_185 = tpu.memref_slice %arg2[%dma_wait3A_183, %dma_wait3A_184] : memref<10000x128xf32, #tpu.memory_space<hbm>> -> memref<10000x128xf32, #tpu.memory_space<hbm>>
        tpu.wait_indirect_dma semaphore(%arg12 : memref<!tpu.dma_semaphore, #tpu.memory_space<semaphore_mem>>) src(%dma_wait3A_185 : memref<10000x128xf32, #tpu.memory_space<hbm>>) dst(%arg9 : memref<128x128xf32, #tpu.memory_space<vmem>>)
        "tpu.region"() ({
          %run_scoped3A_200 = tpu.sem_alloc : memref<!tpu.dma_semaphore, #tpu.memory_space<semaphore_mem>>
          %dma_start3A_201 = arith.constant 0 : i32
          %dma_start3A_202 = tpu.memref_slice %arg8[%mul3A_171, %dma_start3A_201] : memref<32x128xi32, #tpu.memory_space<vmem>> -> memref<1x128xi32, #tpu.memory_space<vmem>>
          %dma_start3A_203 = tpu.memref_squeeze %dma_start3A_202 : memref<1x128xi32, #tpu.memory_space<vmem>> -> memref<128xi32, #tpu.memory_space<vmem>>
          %dma_start3A_204 = arith.constant 0 : i32
          %dma_start3A_205 = arith.constant 0 : i32
          %dma_start3A_206 = tpu.memref_slice %arg11[%dma_start3A_204, %dma_start3A_205] : memref<10240x128xf32, #tpu.memory_space<vmem_shared>> -> memref<10240x128xf32, #tpu.memory_space<vmem_shared>>
          tpu.enqueue_indirect_dma source(%arg9 : memref<128x128xf32, #tpu.memory_space<vmem>>) target(%dma_start3A_206 : memref<10240x128xf32, #tpu.memory_space<vmem_shared>>) offsets(%dma_start3A_203 : memref<128xi32, #tpu.memory_space<vmem>>) semaphore(%run_scoped3A_200 : memref<!tpu.dma_semaphore, #tpu.memory_space<semaphore_mem>>) {add = true}
          %dma_wait3A_207 = arith.constant 0 : i32
          %dma_wait3A_208 = tpu.memref_slice %arg8[%mul3A_171, %dma_wait3A_207] : memref<32x128xi32, #tpu.memory_space<vmem>> -> memref<1x128xi32, #tpu.memory_space<vmem>>
          %dma_wait3A_209 = tpu.memref_squeeze %dma_wait3A_208 : memref<1x128xi32, #tpu.memory_space<vmem>> -> memref<128xi32, #tpu.memory_space<vmem>>
          %dma_wait3A_210 = arith.constant 0 : i32
          %dma_wait3A_211 = arith.constant 0 : i32
          %dma_wait3A_212 = tpu.memref_slice %arg11[%dma_wait3A_210, %dma_wait3A_211] : memref<10240x128xf32, #tpu.memory_space<vmem_shared>> -> memref<10240x128xf32, #tpu.memory_space<vmem_shared>>
          tpu.wait_indirect_dma semaphore(%run_scoped3A_200 : memref<!tpu.dma_semaphore, #tpu.memory_space<semaphore_mem>>) src(%arg9 : memref<128x128xf32, #tpu.memory_space<vmem>>) dst(%dma_wait3A_212 : memref<10240x128xf32, #tpu.memory_space<vmem_shared>>)
          tpu.yield
        }) : () -> ()
        %add3A_186 = arith.constant 2 : i32
        %add3A_187 = arith.addi %mul3A_171, %add3A_186 : i32
        %dma_start3A_188 = arith.constant 0 : i32
        %dma_start3A_189 = tpu.memref_slice %arg7[%add3A_187, %dma_start3A_188] : memref<32x128xi32, #tpu.memory_space<vmem>> -> memref<1x128xi32, #tpu.memory_space<vmem>>
        %dma_start3A_190 = tpu.memref_squeeze %dma_start3A_189 : memref<1x128xi32, #tpu.memory_space<vmem>> -> memref<128xi32, #tpu.memory_space<vmem>>
        %dma_start3A_191 = arith.constant 0 : i32
        %dma_start3A_192 = arith.constant 0 : i32
        %dma_start3A_193 = tpu.memref_slice %arg2[%dma_start3A_191, %dma_start3A_192] : memref<10000x128xf32, #tpu.memory_space<hbm>> -> memref<10000x128xf32, #tpu.memory_space<hbm>>
        tpu.enqueue_indirect_dma source(%dma_start3A_193 : memref<10000x128xf32, #tpu.memory_space<hbm>>) target(%arg9 : memref<128x128xf32, #tpu.memory_space<vmem>>) offsets(%dma_start3A_190 : memref<128xi32, #tpu.memory_space<vmem>>) semaphore(%arg12 : memref<!tpu.dma_semaphore, #tpu.memory_space<semaphore_mem>>)
        %dma_wait3A_194 = arith.constant 0 : i32
        %dma_wait3A_195 = tpu.memref_slice %arg7[%add3A_173, %dma_wait3A_194] : memref<32x128xi32, #tpu.memory_space<vmem>> -> memref<1x128xi32, #tpu.memory_space<vmem>>
        %dma_wait3A_196 = tpu.memref_squeeze %dma_wait3A_195 : memref<1x128xi32, #tpu.memory_space<vmem>> -> memref<128xi32, #tpu.memory_space<vmem>>
        %dma_wait3A_197 = arith.constant 0 : i32
        %dma_wait3A_198 = arith.constant 0 : i32
        %dma_wait3A_199 = tpu.memref_slice %arg2[%dma_wait3A_197, %dma_wait3A_198] : memref<10000x128xf32, #tpu.memory_space<hbm>> -> memref<10000x128xf32, #tpu.memory_space<hbm>>
        tpu.wait_indirect_dma semaphore(%arg13 : memref<!tpu.dma_semaphore, #tpu.memory_space<semaphore_mem>>) src(%dma_wait3A_199 : memref<10000x128xf32, #tpu.memory_space<hbm>>) dst(%arg10 : memref<128x128xf32, #tpu.memory_space<vmem>>)
        "tpu.region"() ({
          %run_scoped3A_200 = tpu.sem_alloc : memref<!tpu.dma_semaphore, #tpu.memory_space<semaphore_mem>>
          %dma_start3A_201 = arith.constant 0 : i32
          %dma_start3A_202 = tpu.memref_slice %arg8[%add3A_173, %dma_start3A_201] : memref<32x128xi32, #tpu.memory_space<vmem>> -> memref<1x128xi32, #tpu.memory_space<vmem>>
          %dma_start3A_203 = tpu.memref_squeeze %dma_start3A_202 : memref<1x128xi32, #tpu.memory_space<vmem>> -> memref<128xi32, #tpu.memory_space<vmem>>
          %dma_start3A_204 = arith.constant 0 : i32
          %dma_start3A_205 = arith.constant 0 : i32
          %dma_start3A_206 = tpu.memref_slice %arg11[%dma_start3A_204, %dma_start3A_205] : memref<10240x128xf32, #tpu.memory_space<vmem_shared>> -> memref<10240x128xf32, #tpu.memory_space<vmem_shared>>
          tpu.enqueue_indirect_dma source(%arg10 : memref<128x128xf32, #tpu.memory_space<vmem>>) target(%dma_start3A_206 : memref<10240x128xf32, #tpu.memory_space<vmem_shared>>) offsets(%dma_start3A_203 : memref<128xi32, #tpu.memory_space<vmem>>) semaphore(%run_scoped3A_200 : memref<!tpu.dma_semaphore, #tpu.memory_space<semaphore_mem>>) {add = true}
          %dma_wait3A_207 = arith.constant 0 : i32
          %dma_wait3A_208 = tpu.memref_slice %arg8[%add3A_173, %dma_wait3A_207] : memref<32x128xi32, #tpu.memory_space<vmem>> -> memref<1x128xi32, #tpu.memory_space<vmem>>
          %dma_wait3A_209 = tpu.memref_squeeze %dma_wait3A_208 : memref<1x128xi32, #tpu.memory_space<vmem>> -> memref<128xi32, #tpu.memory_space<vmem>>
          %dma_wait3A_210 = arith.constant 0 : i32
          %dma_wait3A_211 = arith.constant 0 : i32
          %dma_wait3A_212 = tpu.memref_slice %arg11[%dma_wait3A_210, %dma_wait3A_211] : memref<10240x128xf32, #tpu.memory_space<vmem_shared>> -> memref<10240x128xf32, #tpu.memory_space<vmem_shared>>
          tpu.wait_indirect_dma semaphore(%run_scoped3A_200 : memref<!tpu.dma_semaphore, #tpu.memory_space<semaphore_mem>>) src(%arg10 : memref<128x128xf32, #tpu.memory_space<vmem>>) dst(%dma_wait3A_212 : memref<10240x128xf32, #tpu.memory_space<vmem_shared>>)
          tpu.yield
        }) : () -> ()
      }
      %scan3A_107 = arith.constant 15 : i32
      %dma_start3A_108 = arith.constant 31 : i32
      %dma_start3A_109 = arith.constant 0 : i32
      %dma_start3A_110 = tpu.memref_slice %arg7[%dma_start3A_108, %dma_start3A_109] : memref<32x128xi32, #tpu.memory_space<vmem>> -> memref<1x128xi32, #tpu.memory_space<vmem>>
      %dma_start3A_111 = tpu.memref_squeeze %dma_start3A_110 : memref<1x128xi32, #tpu.memory_space<vmem>> -> memref<128xi32, #tpu.memory_space<vmem>>
      %dma_start3A_112 = arith.constant 0 : i32
      %dma_start3A_113 = arith.constant 0 : i32
      %dma_start3A_114 = tpu.memref_slice %arg2[%dma_start3A_112, %dma_start3A_113] : memref<10000x128xf32, #tpu.memory_space<hbm>> -> memref<10000x128xf32, #tpu.memory_space<hbm>>
      tpu.enqueue_indirect_dma source(%dma_start3A_114 : memref<10000x128xf32, #tpu.memory_space<hbm>>) target(%arg10 : memref<128x128xf32, #tpu.memory_space<vmem>>) offsets(%dma_start3A_111 : memref<128xi32, #tpu.memory_space<vmem>>) semaphore(%arg13 : memref<!tpu.dma_semaphore, #tpu.memory_space<semaphore_mem>>)
      %dma_wait3A_115 = arith.constant 30 : i32
      %dma_wait3A_116 = arith.constant 0 : i32
      %dma_wait3A_117 = tpu.memref_slice %arg7[%dma_wait3A_115, %dma_wait3A_116] : memref<32x128xi32, #tpu.memory_space<vmem>> -> memref<1x128xi32, #tpu.memory_space<vmem>>
      %dma_wait3A_118 = tpu.memref_squeeze %dma_wait3A_117 : memref<1x128xi32, #tpu.memory_space<vmem>> -> memref<128xi32, #tpu.memory_space<vmem>>
      %dma_wait3A_119 = arith.constant 0 : i32
      %dma_wait3A_120 = arith.constant 0 : i32
      %dma_wait3A_121 = tpu.memref_slice %arg2[%dma_wait3A_119, %dma_wait3A_120] : memref<10000x128xf32, #tpu.memory_space<hbm>> -> memref<10000x128xf32, #tpu.memory_space<hbm>>
      tpu.wait_indirect_dma semaphore(%arg12 : memref<!tpu.dma_semaphore, #tpu.memory_space<semaphore_mem>>) src(%dma_wait3A_121 : memref<10000x128xf32, #tpu.memory_space<hbm>>) dst(%arg9 : memref<128x128xf32, #tpu.memory_space<vmem>>)
      %run_scoped3A_122 = arith.constant 30 : i32
      "tpu.region"() ({
        %run_scoped3A_169 = tpu.sem_alloc : memref<!tpu.dma_semaphore, #tpu.memory_space<semaphore_mem>>
        %dma_start3A_170 = arith.constant 0 : i32
        %dma_start3A_171 = tpu.memref_slice %arg8[%run_scoped3A_122, %dma_start3A_170] : memref<32x128xi32, #tpu.memory_space<vmem>> -> memref<1x128xi32, #tpu.memory_space<vmem>>
        %dma_start3A_172 = tpu.memref_squeeze %dma_start3A_171 : memref<1x128xi32, #tpu.memory_space<vmem>> -> memref<128xi32, #tpu.memory_space<vmem>>
        %dma_start3A_173 = arith.constant 0 : i32
        %dma_start3A_174 = arith.constant 0 : i32
        %dma_start3A_175 = tpu.memref_slice %arg11[%dma_start3A_173, %dma_start3A_174] : memref<10240x128xf32, #tpu.memory_space<vmem_shared>> -> memref<10240x128xf32, #tpu.memory_space<vmem_shared>>
        tpu.enqueue_indirect_dma source(%arg9 : memref<128x128xf32, #tpu.memory_space<vmem>>) target(%dma_start3A_175 : memref<10240x128xf32, #tpu.memory_space<vmem_shared>>) offsets(%dma_start3A_172 : memref<128xi32, #tpu.memory_space<vmem>>) semaphore(%run_scoped3A_169 : memref<!tpu.dma_semaphore, #tpu.memory_space<semaphore_mem>>) {add = true}
        %dma_wait3A_176 = arith.constant 0 : i32
        %dma_wait3A_177 = tpu.memref_slice %arg8[%run_scoped3A_122, %dma_wait3A_176] : memref<32x128xi32, #tpu.memory_space<vmem>> -> memref<1x128xi32, #tpu.memory_space<vmem>>
        %dma_wait3A_178 = tpu.memref_squeeze %dma_wait3A_177 : memref<1x128xi32, #tpu.memory_space<vmem>> -> memref<128xi32, #tpu.memory_space<vmem>>
        %dma_wait3A_179 = arith.constant 0 : i32
        %dma_wait3A_180 = arith.constant 0 : i32
        %dma_wait3A_181 = tpu.memref_slice %arg11[%dma_wait3A_179, %dma_wait3A_180] : memref<10240x128xf32, #tpu.memory_space<vmem_shared>> -> memref<10240x128xf32, #tpu.memory_space<vmem_shared>>
        tpu.wait_indirect_dma semaphore(%run_scoped3A_169 : memref<!tpu.dma_semaphore, #tpu.memory_space<semaphore_mem>>) src(%arg9 : memref<128x128xf32, #tpu.memory_space<vmem>>) dst(%dma_wait3A_181 : memref<10240x128xf32, #tpu.memory_space<vmem_shared>>)
        tpu.yield
      }) : () -> ()
      %dma_wait3A_123 = arith.constant 31 : i32
      %dma_wait3A_124 = arith.constant 0 : i32
      %dma_wait3A_125 = tpu.memref_slice %arg7[%dma_wait3A_123, %dma_wait3A_124] : memref<32x128xi32, #tpu.memory_space<vmem>> -> memref<1x128xi32, #tpu.memory_space<vmem>>
      %dma_wait3A_126 = tpu.memref_squeeze %dma_wait3A_125 : memref<1x128xi32, #tpu.memory_space<vmem>> -> memref<128xi32, #tpu.memory_space<vmem>>
      %dma_wait3A_127 = arith.constant 0 : i32
      %dma_wait3A_128 = arith.constant 0 : i32
      %dma_wait3A_129 = tpu.memref_slice %arg2[%dma_wait3A_127, %dma_wait3A_128] : memref<10000x128xf32, #tpu.memory_space<hbm>> -> memref<10000x128xf32, #tpu.memory_space<hbm>>
      tpu.wait_indirect_dma semaphore(%arg13 : memref<!tpu.dma_semaphore, #tpu.memory_space<semaphore_mem>>) src(%dma_wait3A_129 : memref<10000x128xf32, #tpu.memory_space<hbm>>) dst(%arg10 : memref<128x128xf32, #tpu.memory_space<vmem>>)
      %run_scoped3A_130 = arith.constant 31 : i32
      "tpu.region"() ({
        %run_scoped3A_169 = tpu.sem_alloc : memref<!tpu.dma_semaphore, #tpu.memory_space<semaphore_mem>>
        %dma_start3A_170 = arith.constant 0 : i32
        %dma_start3A_171 = tpu.memref_slice %arg8[%run_scoped3A_130, %dma_start3A_170] : memref<32x128xi32, #tpu.memory_space<vmem>> -> memref<1x128xi32, #tpu.memory_space<vmem>>
        %dma_start3A_172 = tpu.memref_squeeze %dma_start3A_171 : memref<1x128xi32, #tpu.memory_space<vmem>> -> memref<128xi32, #tpu.memory_space<vmem>>
        %dma_start3A_173 = arith.constant 0 : i32
        %dma_start3A_174 = arith.constant 0 : i32
        %dma_start3A_175 = tpu.memref_slice %arg11[%dma_start3A_173, %dma_start3A_174] : memref<10240x128xf32, #tpu.memory_space<vmem_shared>> -> memref<10240x128xf32, #tpu.memory_space<vmem_shared>>
        tpu.enqueue_indirect_dma source(%arg10 : memref<128x128xf32, #tpu.memory_space<vmem>>) target(%dma_start3A_175 : memref<10240x128xf32, #tpu.memory_space<vmem_shared>>) offsets(%dma_start3A_172 : memref<128xi32, #tpu.memory_space<vmem>>) semaphore(%run_scoped3A_169 : memref<!tpu.dma_semaphore, #tpu.memory_space<semaphore_mem>>) {add = true}
        %dma_wait3A_176 = arith.constant 0 : i32
        %dma_wait3A_177 = tpu.memref_slice %arg8[%run_scoped3A_130, %dma_wait3A_176] : memref<32x128xi32, #tpu.memory_space<vmem>> -> memref<1x128xi32, #tpu.memory_space<vmem>>
        %dma_wait3A_178 = tpu.memref_squeeze %dma_wait3A_177 : memref<1x128xi32, #tpu.memory_space<vmem>> -> memref<128xi32, #tpu.memory_space<vmem>>
        %dma_wait3A_179 = arith.constant 0 : i32
        %dma_wait3A_180 = arith.constant 0 : i32
        %dma_wait3A_181 = tpu.memref_slice %arg11[%dma_wait3A_179, %dma_wait3A_180] : memref<10240x128xf32, #tpu.memory_space<vmem_shared>> -> memref<10240x128xf32, #tpu.memory_space<vmem_shared>>
        tpu.wait_indirect_dma semaphore(%run_scoped3A_169 : memref<!tpu.dma_semaphore, #tpu.memory_space<semaphore_mem>>) src(%arg10 : memref<128x128xf32, #tpu.memory_space<vmem>>) dst(%dma_wait3A_181 : memref<10240x128xf32, #tpu.memory_space<vmem_shared>>)
        tpu.yield
      }) : () -> ()
      %add3A_131 = arith.constant 96 : i32
      %add3A_132 = arith.addi %mul3A_21, %add3A_131 : i32
      "tpu.region"() ({
        %run_scoped3A_169 = tpu.sem_alloc : memref<!tpu.dma_semaphore, #tpu.memory_space<semaphore_mem>>
        %dma_start3A_170 = arith.constant 0 : i32
        %dma_start3A_171 = tpu.memref_slice %arg3[%add3A_132, %dma_start3A_170] : memref<2560x128xi32, #tpu.memory_space<hbm>> -> memref<32x128xi32, #tpu.memory_space<hbm>>
        %dma_start3A_172 = arith.constant 0 : i32
        %dma_start3A_173 = tpu.memref_slice %arg3[%add3A_132, %dma_start3A_172] : memref<2560x128xi32, #tpu.memory_space<hbm>> -> memref<32x128xi32, #tpu.memory_space<hbm>>
        tpu.enqueue_dma source(%dma_start3A_173 : memref<32x128xi32, #tpu.memory_space<hbm>>) target(%arg7 : memref<32x128xi32, #tpu.memory_space<vmem>>) target_semaphore(%run_scoped3A_169 : memref<!tpu.dma_semaphore, #tpu.memory_space<semaphore_mem>>)
        %dma_wait3A_174 = arith.constant 0 : i32
        %dma_wait3A_175 = tpu.memref_slice %arg3[%add3A_132, %dma_wait3A_174] : memref<2560x128xi32, #tpu.memory_space<hbm>> -> memref<32x128xi32, #tpu.memory_space<hbm>>
        %dma_wait3A_176 = arith.constant 0 : i32
        %dma_wait3A_177 = tpu.memref_slice %arg3[%add3A_132, %dma_wait3A_176] : memref<2560x128xi32, #tpu.memory_space<hbm>> -> memref<32x128xi32, #tpu.memory_space<hbm>>
        tpu.wait_dma2 semaphore(%run_scoped3A_169 : memref<!tpu.dma_semaphore, #tpu.memory_space<semaphore_mem>>) src(%dma_wait3A_177 : memref<32x128xi32, #tpu.memory_space<hbm>>) dst(%arg7 : memref<32x128xi32, #tpu.memory_space<vmem>>)
        tpu.yield
      }) : () -> ()
      "tpu.region"() ({
        %run_scoped3A_169 = tpu.sem_alloc : memref<!tpu.dma_semaphore, #tpu.memory_space<semaphore_mem>>
        %dma_start3A_170 = arith.constant 0 : i32
        %dma_start3A_171 = tpu.memref_slice %arg4[%add3A_132, %dma_start3A_170] : memref<2560x128xi32, #tpu.memory_space<hbm>> -> memref<32x128xi32, #tpu.memory_space<hbm>>
        %dma_start3A_172 = arith.constant 0 : i32
        %dma_start3A_173 = tpu.memref_slice %arg4[%add3A_132, %dma_start3A_172] : memref<2560x128xi32, #tpu.memory_space<hbm>> -> memref<32x128xi32, #tpu.memory_space<hbm>>
        tpu.enqueue_dma source(%dma_start3A_173 : memref<32x128xi32, #tpu.memory_space<hbm>>) target(%arg8 : memref<32x128xi32, #tpu.memory_space<vmem>>) target_semaphore(%run_scoped3A_169 : memref<!tpu.dma_semaphore, #tpu.memory_space<semaphore_mem>>)
        %dma_wait3A_174 = arith.constant 0 : i32
        %dma_wait3A_175 = tpu.memref_slice %arg4[%add3A_132, %dma_wait3A_174] : memref<2560x128xi32, #tpu.memory_space<hbm>> -> memref<32x128xi32, #tpu.memory_space<hbm>>
        %dma_wait3A_176 = arith.constant 0 : i32
        %dma_wait3A_177 = tpu.memref_slice %arg4[%add3A_132, %dma_wait3A_176] : memref<2560x128xi32, #tpu.memory_space<hbm>> -> memref<32x128xi32, #tpu.memory_space<hbm>>
        tpu.wait_dma2 semaphore(%run_scoped3A_169 : memref<!tpu.dma_semaphore, #tpu.memory_space<semaphore_mem>>) src(%dma_wait3A_177 : memref<32x128xi32, #tpu.memory_space<hbm>>) dst(%arg8 : memref<32x128xi32, #tpu.memory_space<vmem>>)
        tpu.yield
      }) : () -> ()
      %dma_start3A_133 = arith.constant 0 : i32
      %dma_start3A_134 = arith.constant 0 : i32
      %dma_start3A_135 = tpu.memref_slice %arg7[%dma_start3A_133, %dma_start3A_134] : memref<32x128xi32, #tpu.memory_space<vmem>> -> memref<1x128xi32, #tpu.memory_space<vmem>>
      %dma_start3A_136 = tpu.memref_squeeze %dma_start3A_135 : memref<1x128xi32, #tpu.memory_space<vmem>> -> memref<128xi32, #tpu.memory_space<vmem>>
      %dma_start3A_137 = arith.constant 0 : i32
      %dma_start3A_138 = arith.constant 0 : i32
      %dma_start3A_139 = tpu.memref_slice %arg2[%dma_start3A_137, %dma_start3A_138] : memref<10000x128xf32, #tpu.memory_space<hbm>> -> memref<10000x128xf32, #tpu.memory_space<hbm>>
      tpu.enqueue_indirect_dma source(%dma_start3A_139 : memref<10000x128xf32, #tpu.memory_space<hbm>>) target(%arg9 : memref<128x128xf32, #tpu.memory_space<vmem>>) offsets(%dma_start3A_136 : memref<128xi32, #tpu.memory_space<vmem>>) semaphore(%arg12 : memref<!tpu.dma_semaphore, #tpu.memory_space<semaphore_mem>>)
      %scan3A_140 = arith.constant 0 : i32
      %scan3A_141 = arith.constant 0 : i32
      %scan3A_142 = arith.constant 15 : i32
      %scan3A_143 = arith.addi %scan3A_141, %scan3A_142 : i32
      %scan3A_144 = arith.constant 1 : i32
      scf.for %scan3A_169 = %scan3A_141 to %scan3A_143 step %scan3A_144  : i32 {
        %mul3A_170 = arith.constant 2 : i32
        %mul3A_171 = arith.muli %scan3A_169, %mul3A_170 : i32
        %add3A_172 = arith.constant 1 : i32
        %add3A_173 = arith.addi %mul3A_171, %add3A_172 : i32
        %dma_start3A_174 = arith.constant 0 : i32
        %dma_start3A_175 = tpu.memref_slice %arg7[%add3A_173, %dma_start3A_174] : memref<32x128xi32, #tpu.memory_space<vmem>> -> memref<1x128xi32, #tpu.memory_space<vmem>>
        %dma_start3A_176 = tpu.memref_squeeze %dma_start3A_175 : memref<1x128xi32, #tpu.memory_space<vmem>> -> memref<128xi32, #tpu.memory_space<vmem>>
        %dma_start3A_177 = arith.constant 0 : i32
        %dma_start3A_178 = arith.constant 0 : i32
        %dma_start3A_179 = tpu.memref_slice %arg2[%dma_start3A_177, %dma_start3A_178] : memref<10000x128xf32, #tpu.memory_space<hbm>> -> memref<10000x128xf32, #tpu.memory_space<hbm>>
        tpu.enqueue_indirect_dma source(%dma_start3A_179 : memref<10000x128xf32, #tpu.memory_space<hbm>>) target(%arg10 : memref<128x128xf32, #tpu.memory_space<vmem>>) offsets(%dma_start3A_176 : memref<128xi32, #tpu.memory_space<vmem>>) semaphore(%arg13 : memref<!tpu.dma_semaphore, #tpu.memory_space<semaphore_mem>>)
        %dma_wait3A_180 = arith.constant 0 : i32
        %dma_wait3A_181 = tpu.memref_slice %arg7[%mul3A_171, %dma_wait3A_180] : memref<32x128xi32, #tpu.memory_space<vmem>> -> memref<1x128xi32, #tpu.memory_space<vmem>>
        %dma_wait3A_182 = tpu.memref_squeeze %dma_wait3A_181 : memref<1x128xi32, #tpu.memory_space<vmem>> -> memref<128xi32, #tpu.memory_space<vmem>>
        %dma_wait3A_183 = arith.constant 0 : i32
        %dma_wait3A_184 = arith.constant 0 : i32
        %dma_wait3A_185 = tpu.memref_slice %arg2[%dma_wait3A_183, %dma_wait3A_184] : memref<10000x128xf32, #tpu.memory_space<hbm>> -> memref<10000x128xf32, #tpu.memory_space<hbm>>
        tpu.wait_indirect_dma semaphore(%arg12 : memref<!tpu.dma_semaphore, #tpu.memory_space<semaphore_mem>>) src(%dma_wait3A_185 : memref<10000x128xf32, #tpu.memory_space<hbm>>) dst(%arg9 : memref<128x128xf32, #tpu.memory_space<vmem>>)
        "tpu.region"() ({
          %run_scoped3A_200 = tpu.sem_alloc : memref<!tpu.dma_semaphore, #tpu.memory_space<semaphore_mem>>
          %dma_start3A_201 = arith.constant 0 : i32
          %dma_start3A_202 = tpu.memref_slice %arg8[%mul3A_171, %dma_start3A_201] : memref<32x128xi32, #tpu.memory_space<vmem>> -> memref<1x128xi32, #tpu.memory_space<vmem>>
          %dma_start3A_203 = tpu.memref_squeeze %dma_start3A_202 : memref<1x128xi32, #tpu.memory_space<vmem>> -> memref<128xi32, #tpu.memory_space<vmem>>
          %dma_start3A_204 = arith.constant 0 : i32
          %dma_start3A_205 = arith.constant 0 : i32
          %dma_start3A_206 = tpu.memref_slice %arg11[%dma_start3A_204, %dma_start3A_205] : memref<10240x128xf32, #tpu.memory_space<vmem_shared>> -> memref<10240x128xf32, #tpu.memory_space<vmem_shared>>
          tpu.enqueue_indirect_dma source(%arg9 : memref<128x128xf32, #tpu.memory_space<vmem>>) target(%dma_start3A_206 : memref<10240x128xf32, #tpu.memory_space<vmem_shared>>) offsets(%dma_start3A_203 : memref<128xi32, #tpu.memory_space<vmem>>) semaphore(%run_scoped3A_200 : memref<!tpu.dma_semaphore, #tpu.memory_space<semaphore_mem>>) {add = true}
          %dma_wait3A_207 = arith.constant 0 : i32
          %dma_wait3A_208 = tpu.memref_slice %arg8[%mul3A_171, %dma_wait3A_207] : memref<32x128xi32, #tpu.memory_space<vmem>> -> memref<1x128xi32, #tpu.memory_space<vmem>>
          %dma_wait3A_209 = tpu.memref_squeeze %dma_wait3A_208 : memref<1x128xi32, #tpu.memory_space<vmem>> -> memref<128xi32, #tpu.memory_space<vmem>>
          %dma_wait3A_210 = arith.constant 0 : i32
          %dma_wait3A_211 = arith.constant 0 : i32
          %dma_wait3A_212 = tpu.memref_slice %arg11[%dma_wait3A_210, %dma_wait3A_211] : memref<10240x128xf32, #tpu.memory_space<vmem_shared>> -> memref<10240x128xf32, #tpu.memory_space<vmem_shared>>
          tpu.wait_indirect_dma semaphore(%run_scoped3A_200 : memref<!tpu.dma_semaphore, #tpu.memory_space<semaphore_mem>>) src(%arg9 : memref<128x128xf32, #tpu.memory_space<vmem>>) dst(%dma_wait3A_212 : memref<10240x128xf32, #tpu.memory_space<vmem_shared>>)
          tpu.yield
        }) : () -> ()
        %add3A_186 = arith.constant 2 : i32
        %add3A_187 = arith.addi %mul3A_171, %add3A_186 : i32
        %dma_start3A_188 = arith.constant 0 : i32
        %dma_start3A_189 = tpu.memref_slice %arg7[%add3A_187, %dma_start3A_188] : memref<32x128xi32, #tpu.memory_space<vmem>> -> memref<1x128xi32, #tpu.memory_space<vmem>>
        %dma_start3A_190 = tpu.memref_squeeze %dma_start3A_189 : memref<1x128xi32, #tpu.memory_space<vmem>> -> memref<128xi32, #tpu.memory_space<vmem>>
        %dma_start3A_191 = arith.constant 0 : i32
        %dma_start3A_192 = arith.constant 0 : i32
        %dma_start3A_193 = tpu.memref_slice %arg2[%dma_start3A_191, %dma_start3A_192] : memref<10000x128xf32, #tpu.memory_space<hbm>> -> memref<10000x128xf32, #tpu.memory_space<hbm>>
        tpu.enqueue_indirect_dma source(%dma_start3A_193 : memref<10000x128xf32, #tpu.memory_space<hbm>>) target(%arg9 : memref<128x128xf32, #tpu.memory_space<vmem>>) offsets(%dma_start3A_190 : memref<128xi32, #tpu.memory_space<vmem>>) semaphore(%arg12 : memref<!tpu.dma_semaphore, #tpu.memory_space<semaphore_mem>>)
        %dma_wait3A_194 = arith.constant 0 : i32
        %dma_wait3A_195 = tpu.memref_slice %arg7[%add3A_173, %dma_wait3A_194] : memref<32x128xi32, #tpu.memory_space<vmem>> -> memref<1x128xi32, #tpu.memory_space<vmem>>
        %dma_wait3A_196 = tpu.memref_squeeze %dma_wait3A_195 : memref<1x128xi32, #tpu.memory_space<vmem>> -> memref<128xi32, #tpu.memory_space<vmem>>
        %dma_wait3A_197 = arith.constant 0 : i32
        %dma_wait3A_198 = arith.constant 0 : i32
        %dma_wait3A_199 = tpu.memref_slice %arg2[%dma_wait3A_197, %dma_wait3A_198] : memref<10000x128xf32, #tpu.memory_space<hbm>> -> memref<10000x128xf32, #tpu.memory_space<hbm>>
        tpu.wait_indirect_dma semaphore(%arg13 : memref<!tpu.dma_semaphore, #tpu.memory_space<semaphore_mem>>) src(%dma_wait3A_199 : memref<10000x128xf32, #tpu.memory_space<hbm>>) dst(%arg10 : memref<128x128xf32, #tpu.memory_space<vmem>>)
        "tpu.region"() ({
          %run_scoped3A_200 = tpu.sem_alloc : memref<!tpu.dma_semaphore, #tpu.memory_space<semaphore_mem>>
          %dma_start3A_201 = arith.constant 0 : i32
          %dma_start3A_202 = tpu.memref_slice %arg8[%add3A_173, %dma_start3A_201] : memref<32x128xi32, #tpu.memory_space<vmem>> -> memref<1x128xi32, #tpu.memory_space<vmem>>
          %dma_start3A_203 = tpu.memref_squeeze %dma_start3A_202 : memref<1x128xi32, #tpu.memory_space<vmem>> -> memref<128xi32, #tpu.memory_space<vmem>>
          %dma_start3A_204 = arith.constant 0 : i32
          %dma_start3A_205 = arith.constant 0 : i32
          %dma_start3A_206 = tpu.memref_slice %arg11[%dma_start3A_204, %dma_start3A_205] : memref<10240x128xf32, #tpu.memory_space<vmem_shared>> -> memref<10240x128xf32, #tpu.memory_space<vmem_shared>>
          tpu.enqueue_indirect_dma source(%arg10 : memref<128x128xf32, #tpu.memory_space<vmem>>) target(%dma_start3A_206 : memref<10240x128xf32, #tpu.memory_space<vmem_shared>>) offsets(%dma_start3A_203 : memref<128xi32, #tpu.memory_space<vmem>>) semaphore(%run_scoped3A_200 : memref<!tpu.dma_semaphore, #tpu.memory_space<semaphore_mem>>) {add = true}
          %dma_wait3A_207 = arith.constant 0 : i32
          %dma_wait3A_208 = tpu.memref_slice %arg8[%add3A_173, %dma_wait3A_207] : memref<32x128xi32, #tpu.memory_space<vmem>> -> memref<1x128xi32, #tpu.memory_space<vmem>>
          %dma_wait3A_209 = tpu.memref_squeeze %dma_wait3A_208 : memref<1x128xi32, #tpu.memory_space<vmem>> -> memref<128xi32, #tpu.memory_space<vmem>>
          %dma_wait3A_210 = arith.constant 0 : i32
          %dma_wait3A_211 = arith.constant 0 : i32
          %dma_wait3A_212 = tpu.memref_slice %arg11[%dma_wait3A_210, %dma_wait3A_211] : memref<10240x128xf32, #tpu.memory_space<vmem_shared>> -> memref<10240x128xf32, #tpu.memory_space<vmem_shared>>
          tpu.wait_indirect_dma semaphore(%run_scoped3A_200 : memref<!tpu.dma_semaphore, #tpu.memory_space<semaphore_mem>>) src(%arg10 : memref<128x128xf32, #tpu.memory_space<vmem>>) dst(%dma_wait3A_212 : memref<10240x128xf32, #tpu.memory_space<vmem_shared>>)
          tpu.yield
        }) : () -> ()
      }
      %scan3A_145 = arith.constant 15 : i32
      %dma_start3A_146 = arith.constant 31 : i32
      %dma_start3A_147 = arith.constant 0 : i32
      %dma_start3A_148 = tpu.memref_slice %arg7[%dma_start3A_146, %dma_start3A_147] : memref<32x128xi32, #tpu.memory_space<vmem>> -> memref<1x128xi32, #tpu.memory_space<vmem>>
      %dma_start3A_149 = tpu.memref_squeeze %dma_start3A_148 : memref<1x128xi32, #tpu.memory_space<vmem>> -> memref<128xi32, #tpu.memory_space<vmem>>
      %dma_start3A_150 = arith.constant 0 : i32
      %dma_start3A_151 = arith.constant 0 : i32
      %dma_start3A_152 = tpu.memref_slice %arg2[%dma_start3A_150, %dma_start3A_151] : memref<10000x128xf32, #tpu.memory_space<hbm>> -> memref<10000x128xf32, #tpu.memory_space<hbm>>
      tpu.enqueue_indirect_dma source(%dma_start3A_152 : memref<10000x128xf32, #tpu.memory_space<hbm>>) target(%arg10 : memref<128x128xf32, #tpu.memory_space<vmem>>) offsets(%dma_start3A_149 : memref<128xi32, #tpu.memory_space<vmem>>) semaphore(%arg13 : memref<!tpu.dma_semaphore, #tpu.memory_space<semaphore_mem>>)
      %dma_wait3A_153 = arith.constant 30 : i32
      %dma_wait3A_154 = arith.constant 0 : i32
      %dma_wait3A_155 = tpu.memref_slice %arg7[%dma_wait3A_153, %dma_wait3A_154] : memref<32x128xi32, #tpu.memory_space<vmem>> -> memref<1x128xi32, #tpu.memory_space<vmem>>
      %dma_wait3A_156 = tpu.memref_squeeze %dma_wait3A_155 : memref<1x128xi32, #tpu.memory_space<vmem>> -> memref<128xi32, #tpu.memory_space<vmem>>
      %dma_wait3A_157 = arith.constant 0 : i32
      %dma_wait3A_158 = arith.constant 0 : i32
      %dma_wait3A_159 = tpu.memref_slice %arg2[%dma_wait3A_157, %dma_wait3A_158] : memref<10000x128xf32, #tpu.memory_space<hbm>> -> memref<10000x128xf32, #tpu.memory_space<hbm>>
      tpu.wait_indirect_dma semaphore(%arg12 : memref<!tpu.dma_semaphore, #tpu.memory_space<semaphore_mem>>) src(%dma_wait3A_159 : memref<10000x128xf32, #tpu.memory_space<hbm>>) dst(%arg9 : memref<128x128xf32, #tpu.memory_space<vmem>>)
      %run_scoped3A_160 = arith.constant 30 : i32
      "tpu.region"() ({
        %run_scoped3A_169 = tpu.sem_alloc : memref<!tpu.dma_semaphore, #tpu.memory_space<semaphore_mem>>
        %dma_start3A_170 = arith.constant 0 : i32
        %dma_start3A_171 = tpu.memref_slice %arg8[%run_scoped3A_160, %dma_start3A_170] : memref<32x128xi32, #tpu.memory_space<vmem>> -> memref<1x128xi32, #tpu.memory_space<vmem>>
        %dma_start3A_172 = tpu.memref_squeeze %dma_start3A_171 : memref<1x128xi32, #tpu.memory_space<vmem>> -> memref<128xi32, #tpu.memory_space<vmem>>
        %dma_start3A_173 = arith.constant 0 : i32
        %dma_start3A_174 = arith.constant 0 : i32
        %dma_start3A_175 = tpu.memref_slice %arg11[%dma_start3A_173, %dma_start3A_174] : memref<10240x128xf32, #tpu.memory_space<vmem_shared>> -> memref<10240x128xf32, #tpu.memory_space<vmem_shared>>
        tpu.enqueue_indirect_dma source(%arg9 : memref<128x128xf32, #tpu.memory_space<vmem>>) target(%dma_start3A_175 : memref<10240x128xf32, #tpu.memory_space<vmem_shared>>) offsets(%dma_start3A_172 : memref<128xi32, #tpu.memory_space<vmem>>) semaphore(%run_scoped3A_169 : memref<!tpu.dma_semaphore, #tpu.memory_space<semaphore_mem>>) {add = true}
        %dma_wait3A_176 = arith.constant 0 : i32
        %dma_wait3A_177 = tpu.memref_slice %arg8[%run_scoped3A_160, %dma_wait3A_176] : memref<32x128xi32, #tpu.memory_space<vmem>> -> memref<1x128xi32, #tpu.memory_space<vmem>>
        %dma_wait3A_178 = tpu.memref_squeeze %dma_wait3A_177 : memref<1x128xi32, #tpu.memory_space<vmem>> -> memref<128xi32, #tpu.memory_space<vmem>>
        %dma_wait3A_179 = arith.constant 0 : i32
        %dma_wait3A_180 = arith.constant 0 : i32
        %dma_wait3A_181 = tpu.memref_slice %arg11[%dma_wait3A_179, %dma_wait3A_180] : memref<10240x128xf32, #tpu.memory_space<vmem_shared>> -> memref<10240x128xf32, #tpu.memory_space<vmem_shared>>
        tpu.wait_indirect_dma semaphore(%run_scoped3A_169 : memref<!tpu.dma_semaphore, #tpu.memory_space<semaphore_mem>>) src(%arg9 : memref<128x128xf32, #tpu.memory_space<vmem>>) dst(%dma_wait3A_181 : memref<10240x128xf32, #tpu.memory_space<vmem_shared>>)
        tpu.yield
      }) : () -> ()
      %dma_wait3A_161 = arith.constant 31 : i32
      %dma_wait3A_162 = arith.constant 0 : i32
      %dma_wait3A_163 = tpu.memref_slice %arg7[%dma_wait3A_161, %dma_wait3A_162] : memref<32x128xi32, #tpu.memory_space<vmem>> -> memref<1x128xi32, #tpu.memory_space<vmem>>
      %dma_wait3A_164 = tpu.memref_squeeze %dma_wait3A_163 : memref<1x128xi32, #tpu.memory_space<vmem>> -> memref<128xi32, #tpu.memory_space<vmem>>
      %dma_wait3A_165 = arith.constant 0 : i32
      %dma_wait3A_166 = arith.constant 0 : i32
      %dma_wait3A_167 = tpu.memref_slice %arg2[%dma_wait3A_165, %dma_wait3A_166] : memref<10000x128xf32, #tpu.memory_space<hbm>> -> memref<10000x128xf32, #tpu.memory_space<hbm>>
      tpu.wait_indirect_dma semaphore(%arg13 : memref<!tpu.dma_semaphore, #tpu.memory_space<semaphore_mem>>) src(%dma_wait3A_167 : memref<10000x128xf32, #tpu.memory_space<hbm>>) dst(%arg10 : memref<128x128xf32, #tpu.memory_space<vmem>>)
      %run_scoped3A_168 = arith.constant 31 : i32
      "tpu.region"() ({
        %run_scoped3A_169 = tpu.sem_alloc : memref<!tpu.dma_semaphore, #tpu.memory_space<semaphore_mem>>
        %dma_start3A_170 = arith.constant 0 : i32
        %dma_start3A_171 = tpu.memref_slice %arg8[%run_scoped3A_168, %dma_start3A_170] : memref<32x128xi32, #tpu.memory_space<vmem>> -> memref<1x128xi32, #tpu.memory_space<vmem>>
        %dma_start3A_172 = tpu.memref_squeeze %dma_start3A_171 : memref<1x128xi32, #tpu.memory_space<vmem>> -> memref<128xi32, #tpu.memory_space<vmem>>
        %dma_start3A_173 = arith.constant 0 : i32
        %dma_start3A_174 = arith.constant 0 : i32
        %dma_start3A_175 = tpu.memref_slice %arg11[%dma_start3A_173, %dma_start3A_174] : memref<10240x128xf32, #tpu.memory_space<vmem_shared>> -> memref<10240x128xf32, #tpu.memory_space<vmem_shared>>
        tpu.enqueue_indirect_dma source(%arg10 : memref<128x128xf32, #tpu.memory_space<vmem>>) target(%dma_start3A_175 : memref<10240x128xf32, #tpu.memory_space<vmem_shared>>) offsets(%dma_start3A_172 : memref<128xi32, #tpu.memory_space<vmem>>) semaphore(%run_scoped3A_169 : memref<!tpu.dma_semaphore, #tpu.memory_space<semaphore_mem>>) {add = true}
        %dma_wait3A_176 = arith.constant 0 : i32
        %dma_wait3A_177 = tpu.memref_slice %arg8[%run_scoped3A_168, %dma_wait3A_176] : memref<32x128xi32, #tpu.memory_space<vmem>> -> memref<1x128xi32, #tpu.memory_space<vmem>>
        %dma_wait3A_178 = tpu.memref_squeeze %dma_wait3A_177 : memref<1x128xi32, #tpu.memory_space<vmem>> -> memref<128xi32, #tpu.memory_space<vmem>>
        %dma_wait3A_179 = arith.constant 0 : i32
        %dma_wait3A_180 = arith.constant 0 : i32
        %dma_wait3A_181 = tpu.memref_slice %arg11[%dma_wait3A_179, %dma_wait3A_180] : memref<10240x128xf32, #tpu.memory_space<vmem_shared>> -> memref<10240x128xf32, #tpu.memory_space<vmem_shared>>
        tpu.wait_indirect_dma semaphore(%run_scoped3A_169 : memref<!tpu.dma_semaphore, #tpu.memory_space<semaphore_mem>>) src(%arg10 : memref<128x128xf32, #tpu.memory_space<vmem>>) dst(%dma_wait3A_181 : memref<10240x128xf32, #tpu.memory_space<vmem_shared>>)
        tpu.yield
      }) : () -> ()
    } else {
    }
    %eq3A_5 = arith.constant 1 : i32
    %eq3A_6 = arith.cmpi eq, %arg0, %eq3A_5 : i32
    %convert_element_type3A_7 = arith.extui %eq3A_6 : i1 to i32
    %cond3A_8 = arith.constant 0 : i32
    %cond3A_9 = arith.cmpi ne, %convert_element_type3A_7, %cond3A_8 : i32
    scf.if %cond3A_9 {
      %mul3A_20 = arith.constant 32 : i32
      %mul3A_21 = arith.muli %arg1, %mul3A_20 : i32
      %add3A = arith.constant 2048 : i32
      %add3A_22 = arith.addi %add3A, %mul3A_21 : i32
      %add3A_23 = arith.constant 0 : i32
      %add3A_24 = arith.addi %add3A_22, %add3A_23 : i32
      "tpu.region"() ({
        %run_scoped3A_57 = tpu.sem_alloc : memref<!tpu.dma_semaphore, #tpu.memory_space<semaphore_mem>>
        %dma_start3A_58 = arith.constant 0 : i32
        %dma_start3A_59 = tpu.memref_slice %arg3[%add3A_24, %dma_start3A_58] : memref<2560x128xi32, #tpu.memory_space<hbm>> -> memref<32x128xi32, #tpu.memory_space<hbm>>
        %dma_start3A_60 = arith.constant 0 : i32
        %dma_start3A_61 = tpu.memref_slice %arg3[%add3A_24, %dma_start3A_60] : memref<2560x128xi32, #tpu.memory_space<hbm>> -> memref<32x128xi32, #tpu.memory_space<hbm>>
        tpu.enqueue_dma source(%dma_start3A_61 : memref<32x128xi32, #tpu.memory_space<hbm>>) target(%arg7 : memref<32x128xi32, #tpu.memory_space<vmem>>) target_semaphore(%run_scoped3A_57 : memref<!tpu.dma_semaphore, #tpu.memory_space<semaphore_mem>>)
        %dma_wait3A_62 = arith.constant 0 : i32
        %dma_wait3A_63 = tpu.memref_slice %arg3[%add3A_24, %dma_wait3A_62] : memref<2560x128xi32, #tpu.memory_space<hbm>> -> memref<32x128xi32, #tpu.memory_space<hbm>>
        %dma_wait3A_64 = arith.constant 0 : i32
        %dma_wait3A_65 = tpu.memref_slice %arg3[%add3A_24, %dma_wait3A_64] : memref<2560x128xi32, #tpu.memory_space<hbm>> -> memref<32x128xi32, #tpu.memory_space<hbm>>
        tpu.wait_dma2 semaphore(%run_scoped3A_57 : memref<!tpu.dma_semaphore, #tpu.memory_space<semaphore_mem>>) src(%dma_wait3A_65 : memref<32x128xi32, #tpu.memory_space<hbm>>) dst(%arg7 : memref<32x128xi32, #tpu.memory_space<vmem>>)
        tpu.yield
      }) : () -> ()
      "tpu.region"() ({
        %run_scoped3A_57 = tpu.sem_alloc : memref<!tpu.dma_semaphore, #tpu.memory_space<semaphore_mem>>
        %dma_start3A_58 = arith.constant 0 : i32
        %dma_start3A_59 = tpu.memref_slice %arg4[%add3A_24, %dma_start3A_58] : memref<2560x128xi32, #tpu.memory_space<hbm>> -> memref<32x128xi32, #tpu.memory_space<hbm>>
        %dma_start3A_60 = arith.constant 0 : i32
        %dma_start3A_61 = tpu.memref_slice %arg4[%add3A_24, %dma_start3A_60] : memref<2560x128xi32, #tpu.memory_space<hbm>> -> memref<32x128xi32, #tpu.memory_space<hbm>>
        tpu.enqueue_dma source(%dma_start3A_61 : memref<32x128xi32, #tpu.memory_space<hbm>>) target(%arg8 : memref<32x128xi32, #tpu.memory_space<vmem>>) target_semaphore(%run_scoped3A_57 : memref<!tpu.dma_semaphore, #tpu.memory_space<semaphore_mem>>)
        %dma_wait3A_62 = arith.constant 0 : i32
        %dma_wait3A_63 = tpu.memref_slice %arg4[%add3A_24, %dma_wait3A_62] : memref<2560x128xi32, #tpu.memory_space<hbm>> -> memref<32x128xi32, #tpu.memory_space<hbm>>
        %dma_wait3A_64 = arith.constant 0 : i32
        %dma_wait3A_65 = tpu.memref_slice %arg4[%add3A_24, %dma_wait3A_64] : memref<2560x128xi32, #tpu.memory_space<hbm>> -> memref<32x128xi32, #tpu.memory_space<hbm>>
        tpu.wait_dma2 semaphore(%run_scoped3A_57 : memref<!tpu.dma_semaphore, #tpu.memory_space<semaphore_mem>>) src(%dma_wait3A_65 : memref<32x128xi32, #tpu.memory_space<hbm>>) dst(%arg8 : memref<32x128xi32, #tpu.memory_space<vmem>>)
        tpu.yield
      }) : () -> ()
      %dma_start3A = arith.constant 0 : i32
      %dma_start3A_25 = arith.constant 0 : i32
      %dma_start3A_26 = tpu.memref_slice %arg7[%dma_start3A, %dma_start3A_25] : memref<32x128xi32, #tpu.memory_space<vmem>> -> memref<1x128xi32, #tpu.memory_space<vmem>>
      %dma_start3A_27 = tpu.memref_squeeze %dma_start3A_26 : memref<1x128xi32, #tpu.memory_space<vmem>> -> memref<128xi32, #tpu.memory_space<vmem>>
      %dma_start3A_28 = arith.constant 0 : i32
      %dma_start3A_29 = arith.constant 0 : i32
      %dma_start3A_30 = tpu.memref_slice %arg2[%dma_start3A_28, %dma_start3A_29] : memref<10000x128xf32, #tpu.memory_space<hbm>> -> memref<10000x128xf32, #tpu.memory_space<hbm>>
      tpu.enqueue_indirect_dma source(%dma_start3A_30 : memref<10000x128xf32, #tpu.memory_space<hbm>>) target(%arg9 : memref<128x128xf32, #tpu.memory_space<vmem>>) offsets(%dma_start3A_27 : memref<128xi32, #tpu.memory_space<vmem>>) semaphore(%arg12 : memref<!tpu.dma_semaphore, #tpu.memory_space<semaphore_mem>>)
      %scan3A = arith.constant 0 : i32
      %scan3A_31 = arith.constant 0 : i32
      %scan3A_32 = arith.constant 15 : i32
      %scan3A_33 = arith.addi %scan3A_31, %scan3A_32 : i32
      %scan3A_34 = arith.constant 1 : i32
      scf.for %scan3A_57 = %scan3A_31 to %scan3A_33 step %scan3A_34  : i32 {
        %mul3A_58 = arith.constant 2 : i32
        %mul3A_59 = arith.muli %scan3A_57, %mul3A_58 : i32
        %add3A_60 = arith.constant 1 : i32
        %add3A_61 = arith.addi %mul3A_59, %add3A_60 : i32
        %dma_start3A_62 = arith.constant 0 : i32
        %dma_start3A_63 = tpu.memref_slice %arg7[%add3A_61, %dma_start3A_62] : memref<32x128xi32, #tpu.memory_space<vmem>> -> memref<1x128xi32, #tpu.memory_space<vmem>>
        %dma_start3A_64 = tpu.memref_squeeze %dma_start3A_63 : memref<1x128xi32, #tpu.memory_space<vmem>> -> memref<128xi32, #tpu.memory_space<vmem>>
        %dma_start3A_65 = arith.constant 0 : i32
        %dma_start3A_66 = arith.constant 0 : i32
        %dma_start3A_67 = tpu.memref_slice %arg2[%dma_start3A_65, %dma_start3A_66] : memref<10000x128xf32, #tpu.memory_space<hbm>> -> memref<10000x128xf32, #tpu.memory_space<hbm>>
        tpu.enqueue_indirect_dma source(%dma_start3A_67 : memref<10000x128xf32, #tpu.memory_space<hbm>>) target(%arg10 : memref<128x128xf32, #tpu.memory_space<vmem>>) offsets(%dma_start3A_64 : memref<128xi32, #tpu.memory_space<vmem>>) semaphore(%arg13 : memref<!tpu.dma_semaphore, #tpu.memory_space<semaphore_mem>>)
        %dma_wait3A_68 = arith.constant 0 : i32
        %dma_wait3A_69 = tpu.memref_slice %arg7[%mul3A_59, %dma_wait3A_68] : memref<32x128xi32, #tpu.memory_space<vmem>> -> memref<1x128xi32, #tpu.memory_space<vmem>>
        %dma_wait3A_70 = tpu.memref_squeeze %dma_wait3A_69 : memref<1x128xi32, #tpu.memory_space<vmem>> -> memref<128xi32, #tpu.memory_space<vmem>>
        %dma_wait3A_71 = arith.constant 0 : i32
        %dma_wait3A_72 = arith.constant 0 : i32
        %dma_wait3A_73 = tpu.memref_slice %arg2[%dma_wait3A_71, %dma_wait3A_72] : memref<10000x128xf32, #tpu.memory_space<hbm>> -> memref<10000x128xf32, #tpu.memory_space<hbm>>
        tpu.wait_indirect_dma semaphore(%arg12 : memref<!tpu.dma_semaphore, #tpu.memory_space<semaphore_mem>>) src(%dma_wait3A_73 : memref<10000x128xf32, #tpu.memory_space<hbm>>) dst(%arg9 : memref<128x128xf32, #tpu.memory_space<vmem>>)
        "tpu.region"() ({
          %run_scoped3A_88 = tpu.sem_alloc : memref<!tpu.dma_semaphore, #tpu.memory_space<semaphore_mem>>
          %dma_start3A_89 = arith.constant 0 : i32
          %dma_start3A_90 = tpu.memref_slice %arg8[%mul3A_59, %dma_start3A_89] : memref<32x128xi32, #tpu.memory_space<vmem>> -> memref<1x128xi32, #tpu.memory_space<vmem>>
          %dma_start3A_91 = tpu.memref_squeeze %dma_start3A_90 : memref<1x128xi32, #tpu.memory_space<vmem>> -> memref<128xi32, #tpu.memory_space<vmem>>
          %dma_start3A_92 = arith.constant 0 : i32
          %dma_start3A_93 = arith.constant 0 : i32
          %dma_start3A_94 = tpu.memref_slice %arg11[%dma_start3A_92, %dma_start3A_93] : memref<10240x128xf32, #tpu.memory_space<vmem_shared>> -> memref<10240x128xf32, #tpu.memory_space<vmem_shared>>
          tpu.enqueue_indirect_dma source(%arg9 : memref<128x128xf32, #tpu.memory_space<vmem>>) target(%dma_start3A_94 : memref<10240x128xf32, #tpu.memory_space<vmem_shared>>) offsets(%dma_start3A_91 : memref<128xi32, #tpu.memory_space<vmem>>) semaphore(%run_scoped3A_88 : memref<!tpu.dma_semaphore, #tpu.memory_space<semaphore_mem>>) {add = true}
          %dma_wait3A_95 = arith.constant 0 : i32
          %dma_wait3A_96 = tpu.memref_slice %arg8[%mul3A_59, %dma_wait3A_95] : memref<32x128xi32, #tpu.memory_space<vmem>> -> memref<1x128xi32, #tpu.memory_space<vmem>>
          %dma_wait3A_97 = tpu.memref_squeeze %dma_wait3A_96 : memref<1x128xi32, #tpu.memory_space<vmem>> -> memref<128xi32, #tpu.memory_space<vmem>>
          %dma_wait3A_98 = arith.constant 0 : i32
          %dma_wait3A_99 = arith.constant 0 : i32
          %dma_wait3A_100 = tpu.memref_slice %arg11[%dma_wait3A_98, %dma_wait3A_99] : memref<10240x128xf32, #tpu.memory_space<vmem_shared>> -> memref<10240x128xf32, #tpu.memory_space<vmem_shared>>
          tpu.wait_indirect_dma semaphore(%run_scoped3A_88 : memref<!tpu.dma_semaphore, #tpu.memory_space<semaphore_mem>>) src(%arg9 : memref<128x128xf32, #tpu.memory_space<vmem>>) dst(%dma_wait3A_100 : memref<10240x128xf32, #tpu.memory_space<vmem_shared>>)
          tpu.yield
        }) : () -> ()
        %add3A_74 = arith.constant 2 : i32
        %add3A_75 = arith.addi %mul3A_59, %add3A_74 : i32
        %dma_start3A_76 = arith.constant 0 : i32
        %dma_start3A_77 = tpu.memref_slice %arg7[%add3A_75, %dma_start3A_76] : memref<32x128xi32, #tpu.memory_space<vmem>> -> memref<1x128xi32, #tpu.memory_space<vmem>>
        %dma_start3A_78 = tpu.memref_squeeze %dma_start3A_77 : memref<1x128xi32, #tpu.memory_space<vmem>> -> memref<128xi32, #tpu.memory_space<vmem>>
        %dma_start3A_79 = arith.constant 0 : i32
        %dma_start3A_80 = arith.constant 0 : i32
        %dma_start3A_81 = tpu.memref_slice %arg2[%dma_start3A_79, %dma_start3A_80] : memref<10000x128xf32, #tpu.memory_space<hbm>> -> memref<10000x128xf32, #tpu.memory_space<hbm>>
        tpu.enqueue_indirect_dma source(%dma_start3A_81 : memref<10000x128xf32, #tpu.memory_space<hbm>>) target(%arg9 : memref<128x128xf32, #tpu.memory_space<vmem>>) offsets(%dma_start3A_78 : memref<128xi32, #tpu.memory_space<vmem>>) semaphore(%arg12 : memref<!tpu.dma_semaphore, #tpu.memory_space<semaphore_mem>>)
        %dma_wait3A_82 = arith.constant 0 : i32
        %dma_wait3A_83 = tpu.memref_slice %arg7[%add3A_61, %dma_wait3A_82] : memref<32x128xi32, #tpu.memory_space<vmem>> -> memref<1x128xi32, #tpu.memory_space<vmem>>
        %dma_wait3A_84 = tpu.memref_squeeze %dma_wait3A_83 : memref<1x128xi32, #tpu.memory_space<vmem>> -> memref<128xi32, #tpu.memory_space<vmem>>
        %dma_wait3A_85 = arith.constant 0 : i32
        %dma_wait3A_86 = arith.constant 0 : i32
        %dma_wait3A_87 = tpu.memref_slice %arg2[%dma_wait3A_85, %dma_wait3A_86] : memref<10000x128xf32, #tpu.memory_space<hbm>> -> memref<10000x128xf32, #tpu.memory_space<hbm>>
        tpu.wait_indirect_dma semaphore(%arg13 : memref<!tpu.dma_semaphore, #tpu.memory_space<semaphore_mem>>) src(%dma_wait3A_87 : memref<10000x128xf32, #tpu.memory_space<hbm>>) dst(%arg10 : memref<128x128xf32, #tpu.memory_space<vmem>>)
        "tpu.region"() ({
          %run_scoped3A_88 = tpu.sem_alloc : memref<!tpu.dma_semaphore, #tpu.memory_space<semaphore_mem>>
          %dma_start3A_89 = arith.constant 0 : i32
          %dma_start3A_90 = tpu.memref_slice %arg8[%add3A_61, %dma_start3A_89] : memref<32x128xi32, #tpu.memory_space<vmem>> -> memref<1x128xi32, #tpu.memory_space<vmem>>
          %dma_start3A_91 = tpu.memref_squeeze %dma_start3A_90 : memref<1x128xi32, #tpu.memory_space<vmem>> -> memref<128xi32, #tpu.memory_space<vmem>>
          %dma_start3A_92 = arith.constant 0 : i32
          %dma_start3A_93 = arith.constant 0 : i32
          %dma_start3A_94 = tpu.memref_slice %arg11[%dma_start3A_92, %dma_start3A_93] : memref<10240x128xf32, #tpu.memory_space<vmem_shared>> -> memref<10240x128xf32, #tpu.memory_space<vmem_shared>>
          tpu.enqueue_indirect_dma source(%arg10 : memref<128x128xf32, #tpu.memory_space<vmem>>) target(%dma_start3A_94 : memref<10240x128xf32, #tpu.memory_space<vmem_shared>>) offsets(%dma_start3A_91 : memref<128xi32, #tpu.memory_space<vmem>>) semaphore(%run_scoped3A_88 : memref<!tpu.dma_semaphore, #tpu.memory_space<semaphore_mem>>) {add = true}
          %dma_wait3A_95 = arith.constant 0 : i32
          %dma_wait3A_96 = tpu.memref_slice %arg8[%add3A_61, %dma_wait3A_95] : memref<32x128xi32, #tpu.memory_space<vmem>> -> memref<1x128xi32, #tpu.memory_space<vmem>>
          %dma_wait3A_97 = tpu.memref_squeeze %dma_wait3A_96 : memref<1x128xi32, #tpu.memory_space<vmem>> -> memref<128xi32, #tpu.memory_space<vmem>>
          %dma_wait3A_98 = arith.constant 0 : i32
          %dma_wait3A_99 = arith.constant 0 : i32
          %dma_wait3A_100 = tpu.memref_slice %arg11[%dma_wait3A_98, %dma_wait3A_99] : memref<10240x128xf32, #tpu.memory_space<vmem_shared>> -> memref<10240x128xf32, #tpu.memory_space<vmem_shared>>
          tpu.wait_indirect_dma semaphore(%run_scoped3A_88 : memref<!tpu.dma_semaphore, #tpu.memory_space<semaphore_mem>>) src(%arg10 : memref<128x128xf32, #tpu.memory_space<vmem>>) dst(%dma_wait3A_100 : memref<10240x128xf32, #tpu.memory_space<vmem_shared>>)
          tpu.yield
        }) : () -> ()
      }
      %scan3A_35 = arith.constant 15 : i32
      %dma_start3A_36 = arith.constant 31 : i32
      %dma_start3A_37 = arith.constant 0 : i32
      %dma_start3A_38 = tpu.memref_slice %arg7[%dma_start3A_36, %dma_start3A_37] : memref<32x128xi32, #tpu.memory_space<vmem>> -> memref<1x128xi32, #tpu.memory_space<vmem>>
      %dma_start3A_39 = tpu.memref_squeeze %dma_start3A_38 : memref<1x128xi32, #tpu.memory_space<vmem>> -> memref<128xi32, #tpu.memory_space<vmem>>
      %dma_start3A_40 = arith.constant 0 : i32
      %dma_start3A_41 = arith.constant 0 : i32
      %dma_start3A_42 = tpu.memref_slice %arg2[%dma_start3A_40, %dma_start3A_41] : memref<10000x128xf32, #tpu.memory_space<hbm>> -> memref<10000x128xf32, #tpu.memory_space<hbm>>
      tpu.enqueue_indirect_dma source(%dma_start3A_42 : memref<10000x128xf32, #tpu.memory_space<hbm>>) target(%arg10 : memref<128x128xf32, #tpu.memory_space<vmem>>) offsets(%dma_start3A_39 : memref<128xi32, #tpu.memory_space<vmem>>) semaphore(%arg13 : memref<!tpu.dma_semaphore, #tpu.memory_space<semaphore_mem>>)
      %dma_wait3A = arith.constant 30 : i32
      %dma_wait3A_43 = arith.constant 0 : i32
      %dma_wait3A_44 = tpu.memref_slice %arg7[%dma_wait3A, %dma_wait3A_43] : memref<32x128xi32, #tpu.memory_space<vmem>> -> memref<1x128xi32, #tpu.memory_space<vmem>>
      %dma_wait3A_45 = tpu.memref_squeeze %dma_wait3A_44 : memref<1x128xi32, #tpu.memory_space<vmem>> -> memref<128xi32, #tpu.memory_space<vmem>>
      %dma_wait3A_46 = arith.constant 0 : i32
      %dma_wait3A_47 = arith.constant 0 : i32
      %dma_wait3A_48 = tpu.memref_slice %arg2[%dma_wait3A_46, %dma_wait3A_47] : memref<10000x128xf32, #tpu.memory_space<hbm>> -> memref<10000x128xf32, #tpu.memory_space<hbm>>
      tpu.wait_indirect_dma semaphore(%arg12 : memref<!tpu.dma_semaphore, #tpu.memory_space<semaphore_mem>>) src(%dma_wait3A_48 : memref<10000x128xf32, #tpu.memory_space<hbm>>) dst(%arg9 : memref<128x128xf32, #tpu.memory_space<vmem>>)
      %run_scoped3A = arith.constant 30 : i32
      "tpu.region"() ({
        %run_scoped3A_57 = tpu.sem_alloc : memref<!tpu.dma_semaphore, #tpu.memory_space<semaphore_mem>>
        %dma_start3A_58 = arith.constant 0 : i32
        %dma_start3A_59 = tpu.memref_slice %arg8[%run_scoped3A, %dma_start3A_58] : memref<32x128xi32, #tpu.memory_space<vmem>> -> memref<1x128xi32, #tpu.memory_space<vmem>>
        %dma_start3A_60 = tpu.memref_squeeze %dma_start3A_59 : memref<1x128xi32, #tpu.memory_space<vmem>> -> memref<128xi32, #tpu.memory_space<vmem>>
        %dma_start3A_61 = arith.constant 0 : i32
        %dma_start3A_62 = arith.constant 0 : i32
        %dma_start3A_63 = tpu.memref_slice %arg11[%dma_start3A_61, %dma_start3A_62] : memref<10240x128xf32, #tpu.memory_space<vmem_shared>> -> memref<10240x128xf32, #tpu.memory_space<vmem_shared>>
        tpu.enqueue_indirect_dma source(%arg9 : memref<128x128xf32, #tpu.memory_space<vmem>>) target(%dma_start3A_63 : memref<10240x128xf32, #tpu.memory_space<vmem_shared>>) offsets(%dma_start3A_60 : memref<128xi32, #tpu.memory_space<vmem>>) semaphore(%run_scoped3A_57 : memref<!tpu.dma_semaphore, #tpu.memory_space<semaphore_mem>>) {add = true}
        %dma_wait3A_64 = arith.constant 0 : i32
        %dma_wait3A_65 = tpu.memref_slice %arg8[%run_scoped3A, %dma_wait3A_64] : memref<32x128xi32, #tpu.memory_space<vmem>> -> memref<1x128xi32, #tpu.memory_space<vmem>>
        %dma_wait3A_66 = tpu.memref_squeeze %dma_wait3A_65 : memref<1x128xi32, #tpu.memory_space<vmem>> -> memref<128xi32, #tpu.memory_space<vmem>>
        %dma_wait3A_67 = arith.constant 0 : i32
        %dma_wait3A_68 = arith.constant 0 : i32
        %dma_wait3A_69 = tpu.memref_slice %arg11[%dma_wait3A_67, %dma_wait3A_68] : memref<10240x128xf32, #tpu.memory_space<vmem_shared>> -> memref<10240x128xf32, #tpu.memory_space<vmem_shared>>
        tpu.wait_indirect_dma semaphore(%run_scoped3A_57 : memref<!tpu.dma_semaphore, #tpu.memory_space<semaphore_mem>>) src(%arg9 : memref<128x128xf32, #tpu.memory_space<vmem>>) dst(%dma_wait3A_69 : memref<10240x128xf32, #tpu.memory_space<vmem_shared>>)
        tpu.yield
      }) : () -> ()
      %dma_wait3A_49 = arith.constant 31 : i32
      %dma_wait3A_50 = arith.constant 0 : i32
      %dma_wait3A_51 = tpu.memref_slice %arg7[%dma_wait3A_49, %dma_wait3A_50] : memref<32x128xi32, #tpu.memory_space<vmem>> -> memref<1x128xi32, #tpu.memory_space<vmem>>
      %dma_wait3A_52 = tpu.memref_squeeze %dma_wait3A_51 : memref<1x128xi32, #tpu.memory_space<vmem>> -> memref<128xi32, #tpu.memory_space<vmem>>
      %dma_wait3A_53 = arith.constant 0 : i32
      %dma_wait3A_54 = arith.constant 0 : i32
      %dma_wait3A_55 = tpu.memref_slice %arg2[%dma_wait3A_53, %dma_wait3A_54] : memref<10000x128xf32, #tpu.memory_space<hbm>> -> memref<10000x128xf32, #tpu.memory_space<hbm>>
      tpu.wait_indirect_dma semaphore(%arg13 : memref<!tpu.dma_semaphore, #tpu.memory_space<semaphore_mem>>) src(%dma_wait3A_55 : memref<10000x128xf32, #tpu.memory_space<hbm>>) dst(%arg10 : memref<128x128xf32, #tpu.memory_space<vmem>>)
      %run_scoped3A_56 = arith.constant 31 : i32
      "tpu.region"() ({
        %run_scoped3A_57 = tpu.sem_alloc : memref<!tpu.dma_semaphore, #tpu.memory_space<semaphore_mem>>
        %dma_start3A_58 = arith.constant 0 : i32
        %dma_start3A_59 = tpu.memref_slice %arg8[%run_scoped3A_56, %dma_start3A_58] : memref<32x128xi32, #tpu.memory_space<vmem>> -> memref<1x128xi32, #tpu.memory_space<vmem>>
        %dma_start3A_60 = tpu.memref_squeeze %dma_start3A_59 : memref<1x128xi32, #tpu.memory_space<vmem>> -> memref<128xi32, #tpu.memory_space<vmem>>
        %dma_start3A_61 = arith.constant 0 : i32
        %dma_start3A_62 = arith.constant 0 : i32
        %dma_start3A_63 = tpu.memref_slice %arg11[%dma_start3A_61, %dma_start3A_62] : memref<10240x128xf32, #tpu.memory_space<vmem_shared>> -> memref<10240x128xf32, #tpu.memory_space<vmem_shared>>
        tpu.enqueue_indirect_dma source(%arg10 : memref<128x128xf32, #tpu.memory_space<vmem>>) target(%dma_start3A_63 : memref<10240x128xf32, #tpu.memory_space<vmem_shared>>) offsets(%dma_start3A_60 : memref<128xi32, #tpu.memory_space<vmem>>) semaphore(%run_scoped3A_57 : memref<!tpu.dma_semaphore, #tpu.memory_space<semaphore_mem>>) {add = true}
        %dma_wait3A_64 = arith.constant 0 : i32
        %dma_wait3A_65 = tpu.memref_slice %arg8[%run_scoped3A_56, %dma_wait3A_64] : memref<32x128xi32, #tpu.memory_space<vmem>> -> memref<1x128xi32, #tpu.memory_space<vmem>>
        %dma_wait3A_66 = tpu.memref_squeeze %dma_wait3A_65 : memref<1x128xi32, #tpu.memory_space<vmem>> -> memref<128xi32, #tpu.memory_space<vmem>>
        %dma_wait3A_67 = arith.constant 0 : i32
        %dma_wait3A_68 = arith.constant 0 : i32
        %dma_wait3A_69 = tpu.memref_slice %arg11[%dma_wait3A_67, %dma_wait3A_68] : memref<10240x128xf32, #tpu.memory_space<vmem_shared>> -> memref<10240x128xf32, #tpu.memory_space<vmem_shared>>
        tpu.wait_indirect_dma semaphore(%run_scoped3A_57 : memref<!tpu.dma_semaphore, #tpu.memory_space<semaphore_mem>>) src(%arg10 : memref<128x128xf32, #tpu.memory_space<vmem>>) dst(%dma_wait3A_69 : memref<10240x128xf32, #tpu.memory_space<vmem_shared>>)
        tpu.yield
      }) : () -> ()
    } else {
    }
    %barrier3A_10 = arith.constant 0 : index
    tpu.barrier barrier_id(%barrier3A_10)
    %mul3A_11 = arith.constant 624 : i32
    %mul3A_12 = arith.muli %arg1, %mul3A_11 : i32
    %mul3A_13 = arith.constant 624 : i32
    %mul3A_14 = arith.muli %arg1, %mul3A_13 : i32
    "tpu.region"() ({
      %run_scoped3A = tpu.sem_alloc : memref<!tpu.dma_semaphore, #tpu.memory_space<semaphore_mem>>
      %dma_start3A = arith.constant 0 : i32
      %dma_start3A_20 = tpu.memref_slice %arg6[%arg0, %mul3A_14, %dma_start3A] : memref<2x10000x128xf32, #tpu.memory_space<hbm>> -> memref<1x624x128xf32, #tpu.memory_space<hbm>>
      %dma_start3A_21 = tpu.memref_squeeze %dma_start3A_20 : memref<1x624x128xf32, #tpu.memory_space<hbm>> -> memref<624x128xf32, #tpu.memory_space<hbm>>
      %dma_start3A_22 = arith.constant 0 : i32
      %dma_start3A_23 = tpu.memref_slice %arg11[%mul3A_12, %dma_start3A_22] : memref<10240x128xf32, #tpu.memory_space<vmem_shared>> -> memref<624x128xf32, #tpu.memory_space<vmem_shared>>
      tpu.enqueue_dma source(%dma_start3A_23 : memref<624x128xf32, #tpu.memory_space<vmem_shared>>) target(%dma_start3A_21 : memref<624x128xf32, #tpu.memory_space<hbm>>) target_semaphore(%run_scoped3A : memref<!tpu.dma_semaphore, #tpu.memory_space<semaphore_mem>>)
      %dma_wait3A = arith.constant 0 : i32
      %dma_wait3A_24 = tpu.memref_slice %arg6[%arg0, %mul3A_14, %dma_wait3A] : memref<2x10000x128xf32, #tpu.memory_space<hbm>> -> memref<1x624x128xf32, #tpu.memory_space<hbm>>
      %dma_wait3A_25 = tpu.memref_squeeze %dma_wait3A_24 : memref<1x624x128xf32, #tpu.memory_space<hbm>> -> memref<624x128xf32, #tpu.memory_space<hbm>>
      %dma_wait3A_26 = arith.constant 0 : i32
      %dma_wait3A_27 = tpu.memref_slice %arg11[%mul3A_12, %dma_wait3A_26] : memref<10240x128xf32, #tpu.memory_space<vmem_shared>> -> memref<624x128xf32, #tpu.memory_space<vmem_shared>>
      tpu.wait_dma2 semaphore(%run_scoped3A : memref<!tpu.dma_semaphore, #tpu.memory_space<semaphore_mem>>) src(%dma_wait3A_27 : memref<624x128xf32, #tpu.memory_space<vmem_shared>>) dst(%dma_wait3A_25 : memref<624x128xf32, #tpu.memory_space<hbm>>)
      tpu.yield
    }) : () -> ()
    %eq3A_15 = arith.constant 15 : i32
    %eq3A_16 = arith.cmpi eq, %arg1, %eq3A_15 : i32
    %convert_element_type3A_17 = arith.extui %eq3A_16 : i1 to i32
    %cond3A_18 = arith.constant 0 : i32
    %cond3A_19 = arith.cmpi ne, %convert_element_type3A_17, %cond3A_18 : i32
    scf.if %cond3A_19 {
      "tpu.region"() ({
        %run_scoped3A = tpu.sem_alloc : memref<!tpu.dma_semaphore, #tpu.memory_space<semaphore_mem>>
        %dma_start3A = arith.constant 9984 : i32
        %dma_start3A_20 = arith.constant 0 : i32
        %dma_start3A_21 = tpu.memref_slice %arg6[%arg0, %dma_start3A, %dma_start3A_20] : memref<2x10000x128xf32, #tpu.memory_space<hbm>> -> memref<1x16x128xf32, #tpu.memory_space<hbm>>
        %dma_start3A_22 = tpu.memref_squeeze %dma_start3A_21 : memref<1x16x128xf32, #tpu.memory_space<hbm>> -> memref<16x128xf32, #tpu.memory_space<hbm>>
        %dma_start3A_23 = arith.constant 9984 : i32
        %dma_start3A_24 = arith.constant 0 : i32
        %dma_start3A_25 = tpu.memref_slice %arg11[%dma_start3A_23, %dma_start3A_24] : memref<10240x128xf32, #tpu.memory_space<vmem_shared>> -> memref<16x128xf32, #tpu.memory_space<vmem_shared>>
        tpu.enqueue_dma source(%dma_start3A_25 : memref<16x128xf32, #tpu.memory_space<vmem_shared>>) target(%dma_start3A_22 : memref<16x128xf32, #tpu.memory_space<hbm>>) target_semaphore(%run_scoped3A : memref<!tpu.dma_semaphore, #tpu.memory_space<semaphore_mem>>)
        %dma_wait3A = arith.constant 9984 : i32
        %dma_wait3A_26 = arith.constant 0 : i32
        %dma_wait3A_27 = tpu.memref_slice %arg6[%arg0, %dma_wait3A, %dma_wait3A_26] : memref<2x10000x128xf32, #tpu.memory_space<hbm>> -> memref<1x16x128xf32, #tpu.memory_space<hbm>>
        %dma_wait3A_28 = tpu.memref_squeeze %dma_wait3A_27 : memref<1x16x128xf32, #tpu.memory_space<hbm>> -> memref<16x128xf32, #tpu.memory_space<hbm>>
        %dma_wait3A_29 = arith.constant 9984 : i32
        %dma_wait3A_30 = arith.constant 0 : i32
        %dma_wait3A_31 = tpu.memref_slice %arg11[%dma_wait3A_29, %dma_wait3A_30] : memref<10240x128xf32, #tpu.memory_space<vmem_shared>> -> memref<16x128xf32, #tpu.memory_space<vmem_shared>>
        tpu.wait_dma2 semaphore(%run_scoped3A : memref<!tpu.dma_semaphore, #tpu.memory_space<semaphore_mem>>) src(%dma_wait3A_31 : memref<16x128xf32, #tpu.memory_space<vmem_shared>>) dst(%dma_wait3A_28 : memref<16x128xf32, #tpu.memory_space<hbm>>)
        tpu.yield
      }) : () -> ()
    } else {
    }
    return
  }
}

#map = affine_map<(d0, d1) -> (0, 0)>
#map1 = affine_map<(d0, d1) -> (0, 0, 0)>
module attributes {stable_mosaic.version = 14 : i64} {
  func.func @_sc_deg(%arg0: i32, %arg1: i32, %arg2: memref<2560x128xi32, #tpu.memory_space<hbm>>, %arg3: memref<10240x128xf32, #tpu.memory_space<hbm>>, %arg4: memref<128x128xf32, #tpu.memory_space<hbm>>, %arg5: memref<2x10000x128xf32, #tpu.memory_space<hbm>>, %arg6: memref<80x128xi32, #tpu.memory_space<vmem>>, %arg7: memref<128x128xf32, #tpu.memory_space<vmem>>, %arg8: memref<10240x128xf32, #tpu.memory_space<vmem_shared>>, %arg9: memref<!tpu.dma_semaphore, #tpu.memory_space<semaphore_mem>>) attributes {dimension_semantics = [#tpu.dimension_semantics<core_parallel>, #tpu.dimension_semantics<subcore_parallel>], iteration_bounds = array<i64: 2, 16>, scalar_prefetch = 0 : i64, scratch_operands = 4 : i64, tpu.core_type = #tpu.core_type<sc_vector_subcore>, window_params = [{transform_indices = #map}, {transform_indices = #map}, {transform_indices = #map}, {transform_indices = #map1}]} {
    %mul3A = arith.constant 2 : i32
    %mul3A_0 = arith.muli %arg1, %mul3A : i32
    %add3A = arith.addi %mul3A_0, %arg0 : i32
    %mul3A_1 = arith.constant 640 : i32
    %mul3A_2 = arith.muli %arg1, %mul3A_1 : i32
    %mul3A_3 = arith.constant 640 : i32
    %mul3A_4 = arith.muli %arg1, %mul3A_3 : i32
    "tpu.region"() ({
      %run_scoped3A = tpu.sem_alloc : memref<!tpu.dma_semaphore, #tpu.memory_space<semaphore_mem>>
      %dma_start3A = arith.constant 0 : i32
      %dma_start3A_19 = tpu.memref_slice %arg8[%mul3A_4, %dma_start3A] : memref<10240x128xf32, #tpu.memory_space<vmem_shared>> -> memref<640x128xf32, #tpu.memory_space<vmem_shared>>
      %dma_start3A_20 = arith.constant 0 : i32
      %dma_start3A_21 = tpu.memref_slice %arg3[%mul3A_2, %dma_start3A_20] : memref<10240x128xf32, #tpu.memory_space<hbm>> -> memref<640x128xf32, #tpu.memory_space<hbm>>
      tpu.enqueue_dma source(%dma_start3A_21 : memref<640x128xf32, #tpu.memory_space<hbm>>) target(%dma_start3A_19 : memref<640x128xf32, #tpu.memory_space<vmem_shared>>) target_semaphore(%run_scoped3A : memref<!tpu.dma_semaphore, #tpu.memory_space<semaphore_mem>>)
      %dma_wait3A = arith.constant 0 : i32
      %dma_wait3A_22 = tpu.memref_slice %arg8[%mul3A_4, %dma_wait3A] : memref<10240x128xf32, #tpu.memory_space<vmem_shared>> -> memref<640x128xf32, #tpu.memory_space<vmem_shared>>
      %dma_wait3A_23 = arith.constant 0 : i32
      %dma_wait3A_24 = tpu.memref_slice %arg3[%mul3A_2, %dma_wait3A_23] : memref<10240x128xf32, #tpu.memory_space<hbm>> -> memref<640x128xf32, #tpu.memory_space<hbm>>
      tpu.wait_dma2 semaphore(%run_scoped3A : memref<!tpu.dma_semaphore, #tpu.memory_space<semaphore_mem>>) src(%dma_wait3A_24 : memref<640x128xf32, #tpu.memory_space<hbm>>) dst(%dma_wait3A_22 : memref<640x128xf32, #tpu.memory_space<vmem_shared>>)
      tpu.yield
    }) : () -> ()
    "tpu.region"() ({
      %run_scoped3A = tpu.sem_alloc : memref<!tpu.dma_semaphore, #tpu.memory_space<semaphore_mem>>
      %dma_start3A = arith.constant 0 : i32
      %dma_start3A_19 = arith.constant 0 : i32
      %dma_start3A_20 = tpu.memref_slice %arg4[%dma_start3A, %dma_start3A_19] : memref<128x128xf32, #tpu.memory_space<hbm>> -> memref<128x128xf32, #tpu.memory_space<hbm>>
      %dma_start3A_21 = arith.constant 0 : i32
      %dma_start3A_22 = arith.constant 0 : i32
      %dma_start3A_23 = tpu.memref_slice %arg4[%dma_start3A_21, %dma_start3A_22] : memref<128x128xf32, #tpu.memory_space<hbm>> -> memref<128x128xf32, #tpu.memory_space<hbm>>
      tpu.enqueue_dma source(%dma_start3A_23 : memref<128x128xf32, #tpu.memory_space<hbm>>) target(%arg7 : memref<128x128xf32, #tpu.memory_space<vmem>>) target_semaphore(%run_scoped3A : memref<!tpu.dma_semaphore, #tpu.memory_space<semaphore_mem>>)
      %dma_wait3A = arith.constant 0 : i32
      %dma_wait3A_24 = arith.constant 0 : i32
      %dma_wait3A_25 = tpu.memref_slice %arg4[%dma_wait3A, %dma_wait3A_24] : memref<128x128xf32, #tpu.memory_space<hbm>> -> memref<128x128xf32, #tpu.memory_space<hbm>>
      %dma_wait3A_26 = arith.constant 0 : i32
      %dma_wait3A_27 = arith.constant 0 : i32
      %dma_wait3A_28 = tpu.memref_slice %arg4[%dma_wait3A_26, %dma_wait3A_27] : memref<128x128xf32, #tpu.memory_space<hbm>> -> memref<128x128xf32, #tpu.memory_space<hbm>>
      tpu.wait_dma2 semaphore(%run_scoped3A : memref<!tpu.dma_semaphore, #tpu.memory_space<semaphore_mem>>) src(%dma_wait3A_28 : memref<128x128xf32, #tpu.memory_space<hbm>>) dst(%arg7 : memref<128x128xf32, #tpu.memory_space<vmem>>)
      tpu.yield
    }) : () -> ()
    %mul3A_5 = arith.constant 80 : i32
    %mul3A_6 = arith.muli %add3A, %mul3A_5 : i32
    "tpu.region"() ({
      %run_scoped3A = tpu.sem_alloc : memref<!tpu.dma_semaphore, #tpu.memory_space<semaphore_mem>>
      %dma_start3A = arith.constant 0 : i32
      %dma_start3A_19 = tpu.memref_slice %arg2[%mul3A_6, %dma_start3A] : memref<2560x128xi32, #tpu.memory_space<hbm>> -> memref<80x128xi32, #tpu.memory_space<hbm>>
      %dma_start3A_20 = arith.constant 0 : i32
      %dma_start3A_21 = tpu.memref_slice %arg2[%mul3A_6, %dma_start3A_20] : memref<2560x128xi32, #tpu.memory_space<hbm>> -> memref<80x128xi32, #tpu.memory_space<hbm>>
      tpu.enqueue_dma source(%dma_start3A_21 : memref<80x128xi32, #tpu.memory_space<hbm>>) target(%arg6 : memref<80x128xi32, #tpu.memory_space<vmem>>) target_semaphore(%run_scoped3A : memref<!tpu.dma_semaphore, #tpu.memory_space<semaphore_mem>>)
      %dma_wait3A = arith.constant 0 : i32
      %dma_wait3A_22 = tpu.memref_slice %arg2[%mul3A_6, %dma_wait3A] : memref<2560x128xi32, #tpu.memory_space<hbm>> -> memref<80x128xi32, #tpu.memory_space<hbm>>
      %dma_wait3A_23 = arith.constant 0 : i32
      %dma_wait3A_24 = tpu.memref_slice %arg2[%mul3A_6, %dma_wait3A_23] : memref<2560x128xi32, #tpu.memory_space<hbm>> -> memref<80x128xi32, #tpu.memory_space<hbm>>
      tpu.wait_dma2 semaphore(%run_scoped3A : memref<!tpu.dma_semaphore, #tpu.memory_space<semaphore_mem>>) src(%dma_wait3A_24 : memref<80x128xi32, #tpu.memory_space<hbm>>) dst(%arg6 : memref<80x128xi32, #tpu.memory_space<vmem>>)
      tpu.yield
    }) : () -> ()
    %barrier3A = arith.constant 0 : index
    tpu.barrier barrier_id(%barrier3A)
    %scan3A = arith.constant 0 : i32
    %scan3A_7 = arith.constant 0 : i32
    %scan3A_8 = arith.constant 80 : i32
    %scan3A_9 = arith.addi %scan3A_7, %scan3A_8 : i32
    %scan3A_10 = arith.constant 1 : i32
    scf.for %scan3A_19 = %scan3A_7 to %scan3A_9 step %scan3A_10  : i32 {
      "tpu.region"() ({
        %run_scoped3A = tpu.sem_alloc : memref<!tpu.dma_semaphore, #tpu.memory_space<semaphore_mem>>
        %dma_start3A = arith.constant 0 : i32
        %dma_start3A_20 = tpu.memref_slice %arg6[%scan3A_19, %dma_start3A] : memref<80x128xi32, #tpu.memory_space<vmem>> -> memref<1x128xi32, #tpu.memory_space<vmem>>
        %dma_start3A_21 = tpu.memref_squeeze %dma_start3A_20 : memref<1x128xi32, #tpu.memory_space<vmem>> -> memref<128xi32, #tpu.memory_space<vmem>>
        %dma_start3A_22 = arith.constant 0 : i32
        %dma_start3A_23 = arith.constant 0 : i32
        %dma_start3A_24 = tpu.memref_slice %arg8[%dma_start3A_22, %dma_start3A_23] : memref<10240x128xf32, #tpu.memory_space<vmem_shared>> -> memref<10240x128xf32, #tpu.memory_space<vmem_shared>>
        tpu.enqueue_indirect_dma source(%arg7 : memref<128x128xf32, #tpu.memory_space<vmem>>) target(%dma_start3A_24 : memref<10240x128xf32, #tpu.memory_space<vmem_shared>>) offsets(%dma_start3A_21 : memref<128xi32, #tpu.memory_space<vmem>>) semaphore(%run_scoped3A : memref<!tpu.dma_semaphore, #tpu.memory_space<semaphore_mem>>) {add = true}
        %dma_wait3A = arith.constant 0 : i32
        %dma_wait3A_25 = tpu.memref_slice %arg6[%scan3A_19, %dma_wait3A] : memref<80x128xi32, #tpu.memory_space<vmem>> -> memref<1x128xi32, #tpu.memory_space<vmem>>
        %dma_wait3A_26 = tpu.memref_squeeze %dma_wait3A_25 : memref<1x128xi32, #tpu.memory_space<vmem>> -> memref<128xi32, #tpu.memory_space<vmem>>
        %dma_wait3A_27 = arith.constant 0 : i32
        %dma_wait3A_28 = arith.constant 0 : i32
        %dma_wait3A_29 = tpu.memref_slice %arg8[%dma_wait3A_27, %dma_wait3A_28] : memref<10240x128xf32, #tpu.memory_space<vmem_shared>> -> memref<10240x128xf32, #tpu.memory_space<vmem_shared>>
        tpu.wait_indirect_dma semaphore(%run_scoped3A : memref<!tpu.dma_semaphore, #tpu.memory_space<semaphore_mem>>) src(%arg7 : memref<128x128xf32, #tpu.memory_space<vmem>>) dst(%dma_wait3A_29 : memref<10240x128xf32, #tpu.memory_space<vmem_shared>>)
        tpu.yield
      }) : () -> ()
    }
    %scan3A_11 = arith.constant 80 : i32
    %barrier3A_12 = arith.constant 0 : index
    tpu.barrier barrier_id(%barrier3A_12)
    %mul3A_13 = arith.constant 624 : i32
    %mul3A_14 = arith.muli %arg1, %mul3A_13 : i32
    %mul3A_15 = arith.constant 624 : i32
    %mul3A_16 = arith.muli %arg1, %mul3A_15 : i32
    "tpu.region"() ({
      %run_scoped3A = tpu.sem_alloc : memref<!tpu.dma_semaphore, #tpu.memory_space<semaphore_mem>>
      %dma_start3A = arith.constant 0 : i32
      %dma_start3A_19 = tpu.memref_slice %arg5[%arg0, %mul3A_16, %dma_start3A] : memref<2x10000x128xf32, #tpu.memory_space<hbm>> -> memref<1x624x128xf32, #tpu.memory_space<hbm>>
      %dma_start3A_20 = tpu.memref_squeeze %dma_start3A_19 : memref<1x624x128xf32, #tpu.memory_space<hbm>> -> memref<624x128xf32, #tpu.memory_space<hbm>>
      %dma_start3A_21 = arith.constant 0 : i32
      %dma_start3A_22 = tpu.memref_slice %arg8[%mul3A_14, %dma_start3A_21] : memref<10240x128xf32, #tpu.memory_space<vmem_shared>> -> memref<624x128xf32, #tpu.memory_space<vmem_shared>>
      tpu.enqueue_dma source(%dma_start3A_22 : memref<624x128xf32, #tpu.memory_space<vmem_shared>>) target(%dma_start3A_20 : memref<624x128xf32, #tpu.memory_space<hbm>>) target_semaphore(%run_scoped3A : memref<!tpu.dma_semaphore, #tpu.memory_space<semaphore_mem>>)
      %dma_wait3A = arith.constant 0 : i32
      %dma_wait3A_23 = tpu.memref_slice %arg5[%arg0, %mul3A_16, %dma_wait3A] : memref<2x10000x128xf32, #tpu.memory_space<hbm>> -> memref<1x624x128xf32, #tpu.memory_space<hbm>>
      %dma_wait3A_24 = tpu.memref_squeeze %dma_wait3A_23 : memref<1x624x128xf32, #tpu.memory_space<hbm>> -> memref<624x128xf32, #tpu.memory_space<hbm>>
      %dma_wait3A_25 = arith.constant 0 : i32
      %dma_wait3A_26 = tpu.memref_slice %arg8[%mul3A_14, %dma_wait3A_25] : memref<10240x128xf32, #tpu.memory_space<vmem_shared>> -> memref<624x128xf32, #tpu.memory_space<vmem_shared>>
      tpu.wait_dma2 semaphore(%run_scoped3A : memref<!tpu.dma_semaphore, #tpu.memory_space<semaphore_mem>>) src(%dma_wait3A_26 : memref<624x128xf32, #tpu.memory_space<vmem_shared>>) dst(%dma_wait3A_24 : memref<624x128xf32, #tpu.memory_space<hbm>>)
      tpu.yield
    }) : () -> ()
    %eq3A = arith.constant 15 : i32
    %eq3A_17 = arith.cmpi eq, %arg1, %eq3A : i32
    %convert_element_type3A = arith.extui %eq3A_17 : i1 to i32
    %cond3A = arith.constant 0 : i32
    %cond3A_18 = arith.cmpi ne, %convert_element_type3A, %cond3A : i32
    scf.if %cond3A_18 {
      "tpu.region"() ({
        %run_scoped3A = tpu.sem_alloc : memref<!tpu.dma_semaphore, #tpu.memory_space<semaphore_mem>>
        %dma_start3A = arith.constant 9984 : i32
        %dma_start3A_19 = arith.constant 0 : i32
        %dma_start3A_20 = tpu.memref_slice %arg5[%arg0, %dma_start3A, %dma_start3A_19] : memref<2x10000x128xf32, #tpu.memory_space<hbm>> -> memref<1x16x128xf32, #tpu.memory_space<hbm>>
        %dma_start3A_21 = tpu.memref_squeeze %dma_start3A_20 : memref<1x16x128xf32, #tpu.memory_space<hbm>> -> memref<16x128xf32, #tpu.memory_space<hbm>>
        %dma_start3A_22 = arith.constant 9984 : i32
        %dma_start3A_23 = arith.constant 0 : i32
        %dma_start3A_24 = tpu.memref_slice %arg8[%dma_start3A_22, %dma_start3A_23] : memref<10240x128xf32, #tpu.memory_space<vmem_shared>> -> memref<16x128xf32, #tpu.memory_space<vmem_shared>>
        tpu.enqueue_dma source(%dma_start3A_24 : memref<16x128xf32, #tpu.memory_space<vmem_shared>>) target(%dma_start3A_21 : memref<16x128xf32, #tpu.memory_space<hbm>>) target_semaphore(%run_scoped3A : memref<!tpu.dma_semaphore, #tpu.memory_space<semaphore_mem>>)
        %dma_wait3A = arith.constant 9984 : i32
        %dma_wait3A_25 = arith.constant 0 : i32
        %dma_wait3A_26 = tpu.memref_slice %arg5[%arg0, %dma_wait3A, %dma_wait3A_25] : memref<2x10000x128xf32, #tpu.memory_space<hbm>> -> memref<1x16x128xf32, #tpu.memory_space<hbm>>
        %dma_wait3A_27 = tpu.memref_squeeze %dma_wait3A_26 : memref<1x16x128xf32, #tpu.memory_space<hbm>> -> memref<16x128xf32, #tpu.memory_space<hbm>>
        %dma_wait3A_28 = arith.constant 9984 : i32
        %dma_wait3A_29 = arith.constant 0 : i32
        %dma_wait3A_30 = tpu.memref_slice %arg8[%dma_wait3A_28, %dma_wait3A_29] : memref<10240x128xf32, #tpu.memory_space<vmem_shared>> -> memref<16x128xf32, #tpu.memory_space<vmem_shared>>
        tpu.wait_dma2 semaphore(%run_scoped3A : memref<!tpu.dma_semaphore, #tpu.memory_space<semaphore_mem>>) src(%dma_wait3A_30 : memref<16x128xf32, #tpu.memory_space<vmem_shared>>) dst(%dma_wait3A_27 : memref<16x128xf32, #tpu.memory_space<hbm>>)
        tpu.yield
      }) : () -> ()
    } else {
    }
    return
  }
}

#map = affine_map<(d0, d1) -> (0, 0)>
#map1 = affine_map<(d0, d1) -> (0, 0, 0)>
module attributes {stable_mosaic.version = 14 : i64} {
  func.func @_sc_agg(%arg0: i32, %arg1: i32, %arg2: memref<10000x128xf32, #tpu.memory_space<hbm>>, %arg3: memref<2560x128xi32, #tpu.memory_space<hbm>>, %arg4: memref<2560x128xi32, #tpu.memory_space<hbm>>, %arg5: memref<10240x128xf32, #tpu.memory_space<hbm>>, %arg6: memref<2x10000x128xf32, #tpu.memory_space<hbm>>, %arg7: memref<32x128xi32, #tpu.memory_space<vmem>>, %arg8: memref<32x128xi32, #tpu.memory_space<vmem>>, %arg9: memref<128x128xf32, #tpu.memory_space<vmem>>, %arg10: memref<128x128xf32, #tpu.memory_space<vmem>>, %arg11: memref<10240x128xf32, #tpu.memory_space<vmem_shared>>, %arg12: memref<!tpu.dma_semaphore, #tpu.memory_space<semaphore_mem>>, %arg13: memref<!tpu.dma_semaphore, #tpu.memory_space<semaphore_mem>>) attributes {dimension_semantics = [#tpu.dimension_semantics<core_parallel>, #tpu.dimension_semantics<subcore_parallel>], iteration_bounds = array<i64: 2, 16>, scalar_prefetch = 0 : i64, scratch_operands = 7 : i64, tpu.core_type = #tpu.core_type<sc_vector_subcore>, window_params = [{transform_indices = #map}, {transform_indices = #map}, {transform_indices = #map}, {transform_indices = #map}, {transform_indices = #map1}]} {
    %mul3A = arith.constant 640 : i32
    %mul3A_0 = arith.muli %arg1, %mul3A : i32
    %mul3A_1 = arith.constant 640 : i32
    %mul3A_2 = arith.muli %arg1, %mul3A_1 : i32
    "tpu.region"() ({
      %run_scoped3A = tpu.sem_alloc : memref<!tpu.dma_semaphore, #tpu.memory_space<semaphore_mem>>
      %dma_start3A = arith.constant 0 : i32
      %dma_start3A_20 = tpu.memref_slice %arg11[%mul3A_2, %dma_start3A] : memref<10240x128xf32, #tpu.memory_space<vmem_shared>> -> memref<640x128xf32, #tpu.memory_space<vmem_shared>>
      %dma_start3A_21 = arith.constant 0 : i32
      %dma_start3A_22 = tpu.memref_slice %arg5[%mul3A_0, %dma_start3A_21] : memref<10240x128xf32, #tpu.memory_space<hbm>> -> memref<640x128xf32, #tpu.memory_space<hbm>>
      tpu.enqueue_dma source(%dma_start3A_22 : memref<640x128xf32, #tpu.memory_space<hbm>>) target(%dma_start3A_20 : memref<640x128xf32, #tpu.memory_space<vmem_shared>>) target_semaphore(%run_scoped3A : memref<!tpu.dma_semaphore, #tpu.memory_space<semaphore_mem>>)
      %dma_wait3A = arith.constant 0 : i32
      %dma_wait3A_23 = tpu.memref_slice %arg11[%mul3A_2, %dma_wait3A] : memref<10240x128xf32, #tpu.memory_space<vmem_shared>> -> memref<640x128xf32, #tpu.memory_space<vmem_shared>>
      %dma_wait3A_24 = arith.constant 0 : i32
      %dma_wait3A_25 = tpu.memref_slice %arg5[%mul3A_0, %dma_wait3A_24] : memref<10240x128xf32, #tpu.memory_space<hbm>> -> memref<640x128xf32, #tpu.memory_space<hbm>>
      tpu.wait_dma2 semaphore(%run_scoped3A : memref<!tpu.dma_semaphore, #tpu.memory_space<semaphore_mem>>) src(%dma_wait3A_25 : memref<640x128xf32, #tpu.memory_space<hbm>>) dst(%dma_wait3A_23 : memref<640x128xf32, #tpu.memory_space<vmem_shared>>)
      tpu.yield
    }) : () -> ()
    %barrier3A = arith.constant 0 : index
    tpu.barrier barrier_id(%barrier3A)
    %eq3A = arith.constant 0 : i32
    %eq3A_3 = arith.cmpi eq, %arg0, %eq3A : i32
    %convert_element_type3A = arith.extui %eq3A_3 : i1 to i32
    %cond3A = arith.constant 0 : i32
    %cond3A_4 = arith.cmpi ne, %convert_element_type3A, %cond3A : i32
    scf.if %cond3A_4 {
      %mul3A_20 = arith.constant 128 : i32
      %mul3A_21 = arith.muli %arg1, %mul3A_20 : i32
      %add3A = arith.constant 0 : i32
      %add3A_22 = arith.addi %mul3A_21, %add3A : i32
      "tpu.region"() ({
        %run_scoped3A_169 = tpu.sem_alloc : memref<!tpu.dma_semaphore, #tpu.memory_space<semaphore_mem>>
        %dma_start3A_170 = arith.constant 0 : i32
        %dma_start3A_171 = tpu.memref_slice %arg3[%add3A_22, %dma_start3A_170] : memref<2560x128xi32, #tpu.memory_space<hbm>> -> memref<32x128xi32, #tpu.memory_space<hbm>>
        %dma_start3A_172 = arith.constant 0 : i32
        %dma_start3A_173 = tpu.memref_slice %arg3[%add3A_22, %dma_start3A_172] : memref<2560x128xi32, #tpu.memory_space<hbm>> -> memref<32x128xi32, #tpu.memory_space<hbm>>
        tpu.enqueue_dma source(%dma_start3A_173 : memref<32x128xi32, #tpu.memory_space<hbm>>) target(%arg7 : memref<32x128xi32, #tpu.memory_space<vmem>>) target_semaphore(%run_scoped3A_169 : memref<!tpu.dma_semaphore, #tpu.memory_space<semaphore_mem>>)
        %dma_wait3A_174 = arith.constant 0 : i32
        %dma_wait3A_175 = tpu.memref_slice %arg3[%add3A_22, %dma_wait3A_174] : memref<2560x128xi32, #tpu.memory_space<hbm>> -> memref<32x128xi32, #tpu.memory_space<hbm>>
        %dma_wait3A_176 = arith.constant 0 : i32
        %dma_wait3A_177 = tpu.memref_slice %arg3[%add3A_22, %dma_wait3A_176] : memref<2560x128xi32, #tpu.memory_space<hbm>> -> memref<32x128xi32, #tpu.memory_space<hbm>>
        tpu.wait_dma2 semaphore(%run_scoped3A_169 : memref<!tpu.dma_semaphore, #tpu.memory_space<semaphore_mem>>) src(%dma_wait3A_177 : memref<32x128xi32, #tpu.memory_space<hbm>>) dst(%arg7 : memref<32x128xi32, #tpu.memory_space<vmem>>)
        tpu.yield
      }) : () -> ()
      "tpu.region"() ({
        %run_scoped3A_169 = tpu.sem_alloc : memref<!tpu.dma_semaphore, #tpu.memory_space<semaphore_mem>>
        %dma_start3A_170 = arith.constant 0 : i32
        %dma_start3A_171 = tpu.memref_slice %arg4[%add3A_22, %dma_start3A_170] : memref<2560x128xi32, #tpu.memory_space<hbm>> -> memref<32x128xi32, #tpu.memory_space<hbm>>
        %dma_start3A_172 = arith.constant 0 : i32
        %dma_start3A_173 = tpu.memref_slice %arg4[%add3A_22, %dma_start3A_172] : memref<2560x128xi32, #tpu.memory_space<hbm>> -> memref<32x128xi32, #tpu.memory_space<hbm>>
        tpu.enqueue_dma source(%dma_start3A_173 : memref<32x128xi32, #tpu.memory_space<hbm>>) target(%arg8 : memref<32x128xi32, #tpu.memory_space<vmem>>) target_semaphore(%run_scoped3A_169 : memref<!tpu.dma_semaphore, #tpu.memory_space<semaphore_mem>>)
        %dma_wait3A_174 = arith.constant 0 : i32
        %dma_wait3A_175 = tpu.memref_slice %arg4[%add3A_22, %dma_wait3A_174] : memref<2560x128xi32, #tpu.memory_space<hbm>> -> memref<32x128xi32, #tpu.memory_space<hbm>>
        %dma_wait3A_176 = arith.constant 0 : i32
        %dma_wait3A_177 = tpu.memref_slice %arg4[%add3A_22, %dma_wait3A_176] : memref<2560x128xi32, #tpu.memory_space<hbm>> -> memref<32x128xi32, #tpu.memory_space<hbm>>
        tpu.wait_dma2 semaphore(%run_scoped3A_169 : memref<!tpu.dma_semaphore, #tpu.memory_space<semaphore_mem>>) src(%dma_wait3A_177 : memref<32x128xi32, #tpu.memory_space<hbm>>) dst(%arg8 : memref<32x128xi32, #tpu.memory_space<vmem>>)
        tpu.yield
      }) : () -> ()
      %dma_start3A = arith.constant 0 : i32
      %dma_start3A_23 = arith.constant 0 : i32
      %dma_start3A_24 = tpu.memref_slice %arg7[%dma_start3A, %dma_start3A_23] : memref<32x128xi32, #tpu.memory_space<vmem>> -> memref<1x128xi32, #tpu.memory_space<vmem>>
      %dma_start3A_25 = tpu.memref_squeeze %dma_start3A_24 : memref<1x128xi32, #tpu.memory_space<vmem>> -> memref<128xi32, #tpu.memory_space<vmem>>
      %dma_start3A_26 = arith.constant 0 : i32
      %dma_start3A_27 = arith.constant 0 : i32
      %dma_start3A_28 = tpu.memref_slice %arg2[%dma_start3A_26, %dma_start3A_27] : memref<10000x128xf32, #tpu.memory_space<hbm>> -> memref<10000x128xf32, #tpu.memory_space<hbm>>
      tpu.enqueue_indirect_dma source(%dma_start3A_28 : memref<10000x128xf32, #tpu.memory_space<hbm>>) target(%arg9 : memref<128x128xf32, #tpu.memory_space<vmem>>) offsets(%dma_start3A_25 : memref<128xi32, #tpu.memory_space<vmem>>) semaphore(%arg12 : memref<!tpu.dma_semaphore, #tpu.memory_space<semaphore_mem>>)
      %scan3A = arith.constant 0 : i32
      %scan3A_29 = arith.constant 0 : i32
      %scan3A_30 = arith.constant 15 : i32
      %scan3A_31 = arith.addi %scan3A_29, %scan3A_30 : i32
      %scan3A_32 = arith.constant 1 : i32
      scf.for %scan3A_169 = %scan3A_29 to %scan3A_31 step %scan3A_32  : i32 {
        %mul3A_170 = arith.constant 2 : i32
        %mul3A_171 = arith.muli %scan3A_169, %mul3A_170 : i32
        %add3A_172 = arith.constant 1 : i32
        %add3A_173 = arith.addi %mul3A_171, %add3A_172 : i32
        %dma_start3A_174 = arith.constant 0 : i32
        %dma_start3A_175 = tpu.memref_slice %arg7[%add3A_173, %dma_start3A_174] : memref<32x128xi32, #tpu.memory_space<vmem>> -> memref<1x128xi32, #tpu.memory_space<vmem>>
        %dma_start3A_176 = tpu.memref_squeeze %dma_start3A_175 : memref<1x128xi32, #tpu.memory_space<vmem>> -> memref<128xi32, #tpu.memory_space<vmem>>
        %dma_start3A_177 = arith.constant 0 : i32
        %dma_start3A_178 = arith.constant 0 : i32
        %dma_start3A_179 = tpu.memref_slice %arg2[%dma_start3A_177, %dma_start3A_178] : memref<10000x128xf32, #tpu.memory_space<hbm>> -> memref<10000x128xf32, #tpu.memory_space<hbm>>
        tpu.enqueue_indirect_dma source(%dma_start3A_179 : memref<10000x128xf32, #tpu.memory_space<hbm>>) target(%arg10 : memref<128x128xf32, #tpu.memory_space<vmem>>) offsets(%dma_start3A_176 : memref<128xi32, #tpu.memory_space<vmem>>) semaphore(%arg13 : memref<!tpu.dma_semaphore, #tpu.memory_space<semaphore_mem>>)
        %dma_wait3A_180 = arith.constant 0 : i32
        %dma_wait3A_181 = tpu.memref_slice %arg7[%mul3A_171, %dma_wait3A_180] : memref<32x128xi32, #tpu.memory_space<vmem>> -> memref<1x128xi32, #tpu.memory_space<vmem>>
        %dma_wait3A_182 = tpu.memref_squeeze %dma_wait3A_181 : memref<1x128xi32, #tpu.memory_space<vmem>> -> memref<128xi32, #tpu.memory_space<vmem>>
        %dma_wait3A_183 = arith.constant 0 : i32
        %dma_wait3A_184 = arith.constant 0 : i32
        %dma_wait3A_185 = tpu.memref_slice %arg2[%dma_wait3A_183, %dma_wait3A_184] : memref<10000x128xf32, #tpu.memory_space<hbm>> -> memref<10000x128xf32, #tpu.memory_space<hbm>>
        tpu.wait_indirect_dma semaphore(%arg12 : memref<!tpu.dma_semaphore, #tpu.memory_space<semaphore_mem>>) src(%dma_wait3A_185 : memref<10000x128xf32, #tpu.memory_space<hbm>>) dst(%arg9 : memref<128x128xf32, #tpu.memory_space<vmem>>)
        "tpu.region"() ({
          %run_scoped3A_200 = tpu.sem_alloc : memref<!tpu.dma_semaphore, #tpu.memory_space<semaphore_mem>>
          %dma_start3A_201 = arith.constant 0 : i32
          %dma_start3A_202 = tpu.memref_slice %arg8[%mul3A_171, %dma_start3A_201] : memref<32x128xi32, #tpu.memory_space<vmem>> -> memref<1x128xi32, #tpu.memory_space<vmem>>
          %dma_start3A_203 = tpu.memref_squeeze %dma_start3A_202 : memref<1x128xi32, #tpu.memory_space<vmem>> -> memref<128xi32, #tpu.memory_space<vmem>>
          %dma_start3A_204 = arith.constant 0 : i32
          %dma_start3A_205 = arith.constant 0 : i32
          %dma_start3A_206 = tpu.memref_slice %arg11[%dma_start3A_204, %dma_start3A_205] : memref<10240x128xf32, #tpu.memory_space<vmem_shared>> -> memref<10240x128xf32, #tpu.memory_space<vmem_shared>>
          tpu.enqueue_indirect_dma source(%arg9 : memref<128x128xf32, #tpu.memory_space<vmem>>) target(%dma_start3A_206 : memref<10240x128xf32, #tpu.memory_space<vmem_shared>>) offsets(%dma_start3A_203 : memref<128xi32, #tpu.memory_space<vmem>>) semaphore(%run_scoped3A_200 : memref<!tpu.dma_semaphore, #tpu.memory_space<semaphore_mem>>) {add = true}
          %dma_wait3A_207 = arith.constant 0 : i32
          %dma_wait3A_208 = tpu.memref_slice %arg8[%mul3A_171, %dma_wait3A_207] : memref<32x128xi32, #tpu.memory_space<vmem>> -> memref<1x128xi32, #tpu.memory_space<vmem>>
          %dma_wait3A_209 = tpu.memref_squeeze %dma_wait3A_208 : memref<1x128xi32, #tpu.memory_space<vmem>> -> memref<128xi32, #tpu.memory_space<vmem>>
          %dma_wait3A_210 = arith.constant 0 : i32
          %dma_wait3A_211 = arith.constant 0 : i32
          %dma_wait3A_212 = tpu.memref_slice %arg11[%dma_wait3A_210, %dma_wait3A_211] : memref<10240x128xf32, #tpu.memory_space<vmem_shared>> -> memref<10240x128xf32, #tpu.memory_space<vmem_shared>>
          tpu.wait_indirect_dma semaphore(%run_scoped3A_200 : memref<!tpu.dma_semaphore, #tpu.memory_space<semaphore_mem>>) src(%arg9 : memref<128x128xf32, #tpu.memory_space<vmem>>) dst(%dma_wait3A_212 : memref<10240x128xf32, #tpu.memory_space<vmem_shared>>)
          tpu.yield
        }) : () -> ()
        %add3A_186 = arith.constant 2 : i32
        %add3A_187 = arith.addi %mul3A_171, %add3A_186 : i32
        %dma_start3A_188 = arith.constant 0 : i32
        %dma_start3A_189 = tpu.memref_slice %arg7[%add3A_187, %dma_start3A_188] : memref<32x128xi32, #tpu.memory_space<vmem>> -> memref<1x128xi32, #tpu.memory_space<vmem>>
        %dma_start3A_190 = tpu.memref_squeeze %dma_start3A_189 : memref<1x128xi32, #tpu.memory_space<vmem>> -> memref<128xi32, #tpu.memory_space<vmem>>
        %dma_start3A_191 = arith.constant 0 : i32
        %dma_start3A_192 = arith.constant 0 : i32
        %dma_start3A_193 = tpu.memref_slice %arg2[%dma_start3A_191, %dma_start3A_192] : memref<10000x128xf32, #tpu.memory_space<hbm>> -> memref<10000x128xf32, #tpu.memory_space<hbm>>
        tpu.enqueue_indirect_dma source(%dma_start3A_193 : memref<10000x128xf32, #tpu.memory_space<hbm>>) target(%arg9 : memref<128x128xf32, #tpu.memory_space<vmem>>) offsets(%dma_start3A_190 : memref<128xi32, #tpu.memory_space<vmem>>) semaphore(%arg12 : memref<!tpu.dma_semaphore, #tpu.memory_space<semaphore_mem>>)
        %dma_wait3A_194 = arith.constant 0 : i32
        %dma_wait3A_195 = tpu.memref_slice %arg7[%add3A_173, %dma_wait3A_194] : memref<32x128xi32, #tpu.memory_space<vmem>> -> memref<1x128xi32, #tpu.memory_space<vmem>>
        %dma_wait3A_196 = tpu.memref_squeeze %dma_wait3A_195 : memref<1x128xi32, #tpu.memory_space<vmem>> -> memref<128xi32, #tpu.memory_space<vmem>>
        %dma_wait3A_197 = arith.constant 0 : i32
        %dma_wait3A_198 = arith.constant 0 : i32
        %dma_wait3A_199 = tpu.memref_slice %arg2[%dma_wait3A_197, %dma_wait3A_198] : memref<10000x128xf32, #tpu.memory_space<hbm>> -> memref<10000x128xf32, #tpu.memory_space<hbm>>
        tpu.wait_indirect_dma semaphore(%arg13 : memref<!tpu.dma_semaphore, #tpu.memory_space<semaphore_mem>>) src(%dma_wait3A_199 : memref<10000x128xf32, #tpu.memory_space<hbm>>) dst(%arg10 : memref<128x128xf32, #tpu.memory_space<vmem>>)
        "tpu.region"() ({
          %run_scoped3A_200 = tpu.sem_alloc : memref<!tpu.dma_semaphore, #tpu.memory_space<semaphore_mem>>
          %dma_start3A_201 = arith.constant 0 : i32
          %dma_start3A_202 = tpu.memref_slice %arg8[%add3A_173, %dma_start3A_201] : memref<32x128xi32, #tpu.memory_space<vmem>> -> memref<1x128xi32, #tpu.memory_space<vmem>>
          %dma_start3A_203 = tpu.memref_squeeze %dma_start3A_202 : memref<1x128xi32, #tpu.memory_space<vmem>> -> memref<128xi32, #tpu.memory_space<vmem>>
          %dma_start3A_204 = arith.constant 0 : i32
          %dma_start3A_205 = arith.constant 0 : i32
          %dma_start3A_206 = tpu.memref_slice %arg11[%dma_start3A_204, %dma_start3A_205] : memref<10240x128xf32, #tpu.memory_space<vmem_shared>> -> memref<10240x128xf32, #tpu.memory_space<vmem_shared>>
          tpu.enqueue_indirect_dma source(%arg10 : memref<128x128xf32, #tpu.memory_space<vmem>>) target(%dma_start3A_206 : memref<10240x128xf32, #tpu.memory_space<vmem_shared>>) offsets(%dma_start3A_203 : memref<128xi32, #tpu.memory_space<vmem>>) semaphore(%run_scoped3A_200 : memref<!tpu.dma_semaphore, #tpu.memory_space<semaphore_mem>>) {add = true}
          %dma_wait3A_207 = arith.constant 0 : i32
          %dma_wait3A_208 = tpu.memref_slice %arg8[%add3A_173, %dma_wait3A_207] : memref<32x128xi32, #tpu.memory_space<vmem>> -> memref<1x128xi32, #tpu.memory_space<vmem>>
          %dma_wait3A_209 = tpu.memref_squeeze %dma_wait3A_208 : memref<1x128xi32, #tpu.memory_space<vmem>> -> memref<128xi32, #tpu.memory_space<vmem>>
          %dma_wait3A_210 = arith.constant 0 : i32
          %dma_wait3A_211 = arith.constant 0 : i32
          %dma_wait3A_212 = tpu.memref_slice %arg11[%dma_wait3A_210, %dma_wait3A_211] : memref<10240x128xf32, #tpu.memory_space<vmem_shared>> -> memref<10240x128xf32, #tpu.memory_space<vmem_shared>>
          tpu.wait_indirect_dma semaphore(%run_scoped3A_200 : memref<!tpu.dma_semaphore, #tpu.memory_space<semaphore_mem>>) src(%arg10 : memref<128x128xf32, #tpu.memory_space<vmem>>) dst(%dma_wait3A_212 : memref<10240x128xf32, #tpu.memory_space<vmem_shared>>)
          tpu.yield
        }) : () -> ()
      }
      %scan3A_33 = arith.constant 15 : i32
      %dma_start3A_34 = arith.constant 31 : i32
      %dma_start3A_35 = arith.constant 0 : i32
      %dma_start3A_36 = tpu.memref_slice %arg7[%dma_start3A_34, %dma_start3A_35] : memref<32x128xi32, #tpu.memory_space<vmem>> -> memref<1x128xi32, #tpu.memory_space<vmem>>
      %dma_start3A_37 = tpu.memref_squeeze %dma_start3A_36 : memref<1x128xi32, #tpu.memory_space<vmem>> -> memref<128xi32, #tpu.memory_space<vmem>>
      %dma_start3A_38 = arith.constant 0 : i32
      %dma_start3A_39 = arith.constant 0 : i32
      %dma_start3A_40 = tpu.memref_slice %arg2[%dma_start3A_38, %dma_start3A_39] : memref<10000x128xf32, #tpu.memory_space<hbm>> -> memref<10000x128xf32, #tpu.memory_space<hbm>>
      tpu.enqueue_indirect_dma source(%dma_start3A_40 : memref<10000x128xf32, #tpu.memory_space<hbm>>) target(%arg10 : memref<128x128xf32, #tpu.memory_space<vmem>>) offsets(%dma_start3A_37 : memref<128xi32, #tpu.memory_space<vmem>>) semaphore(%arg13 : memref<!tpu.dma_semaphore, #tpu.memory_space<semaphore_mem>>)
      %dma_wait3A = arith.constant 30 : i32
      %dma_wait3A_41 = arith.constant 0 : i32
      %dma_wait3A_42 = tpu.memref_slice %arg7[%dma_wait3A, %dma_wait3A_41] : memref<32x128xi32, #tpu.memory_space<vmem>> -> memref<1x128xi32, #tpu.memory_space<vmem>>
      %dma_wait3A_43 = tpu.memref_squeeze %dma_wait3A_42 : memref<1x128xi32, #tpu.memory_space<vmem>> -> memref<128xi32, #tpu.memory_space<vmem>>
      %dma_wait3A_44 = arith.constant 0 : i32
      %dma_wait3A_45 = arith.constant 0 : i32
      %dma_wait3A_46 = tpu.memref_slice %arg2[%dma_wait3A_44, %dma_wait3A_45] : memref<10000x128xf32, #tpu.memory_space<hbm>> -> memref<10000x128xf32, #tpu.memory_space<hbm>>
      tpu.wait_indirect_dma semaphore(%arg12 : memref<!tpu.dma_semaphore, #tpu.memory_space<semaphore_mem>>) src(%dma_wait3A_46 : memref<10000x128xf32, #tpu.memory_space<hbm>>) dst(%arg9 : memref<128x128xf32, #tpu.memory_space<vmem>>)
      %run_scoped3A = arith.constant 30 : i32
      "tpu.region"() ({
        %run_scoped3A_169 = tpu.sem_alloc : memref<!tpu.dma_semaphore, #tpu.memory_space<semaphore_mem>>
        %dma_start3A_170 = arith.constant 0 : i32
        %dma_start3A_171 = tpu.memref_slice %arg8[%run_scoped3A, %dma_start3A_170] : memref<32x128xi32, #tpu.memory_space<vmem>> -> memref<1x128xi32, #tpu.memory_space<vmem>>
        %dma_start3A_172 = tpu.memref_squeeze %dma_start3A_171 : memref<1x128xi32, #tpu.memory_space<vmem>> -> memref<128xi32, #tpu.memory_space<vmem>>
        %dma_start3A_173 = arith.constant 0 : i32
        %dma_start3A_174 = arith.constant 0 : i32
        %dma_start3A_175 = tpu.memref_slice %arg11[%dma_start3A_173, %dma_start3A_174] : memref<10240x128xf32, #tpu.memory_space<vmem_shared>> -> memref<10240x128xf32, #tpu.memory_space<vmem_shared>>
        tpu.enqueue_indirect_dma source(%arg9 : memref<128x128xf32, #tpu.memory_space<vmem>>) target(%dma_start3A_175 : memref<10240x128xf32, #tpu.memory_space<vmem_shared>>) offsets(%dma_start3A_172 : memref<128xi32, #tpu.memory_space<vmem>>) semaphore(%run_scoped3A_169 : memref<!tpu.dma_semaphore, #tpu.memory_space<semaphore_mem>>) {add = true}
        %dma_wait3A_176 = arith.constant 0 : i32
        %dma_wait3A_177 = tpu.memref_slice %arg8[%run_scoped3A, %dma_wait3A_176] : memref<32x128xi32, #tpu.memory_space<vmem>> -> memref<1x128xi32, #tpu.memory_space<vmem>>
        %dma_wait3A_178 = tpu.memref_squeeze %dma_wait3A_177 : memref<1x128xi32, #tpu.memory_space<vmem>> -> memref<128xi32, #tpu.memory_space<vmem>>
        %dma_wait3A_179 = arith.constant 0 : i32
        %dma_wait3A_180 = arith.constant 0 : i32
        %dma_wait3A_181 = tpu.memref_slice %arg11[%dma_wait3A_179, %dma_wait3A_180] : memref<10240x128xf32, #tpu.memory_space<vmem_shared>> -> memref<10240x128xf32, #tpu.memory_space<vmem_shared>>
        tpu.wait_indirect_dma semaphore(%run_scoped3A_169 : memref<!tpu.dma_semaphore, #tpu.memory_space<semaphore_mem>>) src(%arg9 : memref<128x128xf32, #tpu.memory_space<vmem>>) dst(%dma_wait3A_181 : memref<10240x128xf32, #tpu.memory_space<vmem_shared>>)
        tpu.yield
      }) : () -> ()
      %dma_wait3A_47 = arith.constant 31 : i32
      %dma_wait3A_48 = arith.constant 0 : i32
      %dma_wait3A_49 = tpu.memref_slice %arg7[%dma_wait3A_47, %dma_wait3A_48] : memref<32x128xi32, #tpu.memory_space<vmem>> -> memref<1x128xi32, #tpu.memory_space<vmem>>
      %dma_wait3A_50 = tpu.memref_squeeze %dma_wait3A_49 : memref<1x128xi32, #tpu.memory_space<vmem>> -> memref<128xi32, #tpu.memory_space<vmem>>
      %dma_wait3A_51 = arith.constant 0 : i32
      %dma_wait3A_52 = arith.constant 0 : i32
      %dma_wait3A_53 = tpu.memref_slice %arg2[%dma_wait3A_51, %dma_wait3A_52] : memref<10000x128xf32, #tpu.memory_space<hbm>> -> memref<10000x128xf32, #tpu.memory_space<hbm>>
      tpu.wait_indirect_dma semaphore(%arg13 : memref<!tpu.dma_semaphore, #tpu.memory_space<semaphore_mem>>) src(%dma_wait3A_53 : memref<10000x128xf32, #tpu.memory_space<hbm>>) dst(%arg10 : memref<128x128xf32, #tpu.memory_space<vmem>>)
      %run_scoped3A_54 = arith.constant 31 : i32
      "tpu.region"() ({
        %run_scoped3A_169 = tpu.sem_alloc : memref<!tpu.dma_semaphore, #tpu.memory_space<semaphore_mem>>
        %dma_start3A_170 = arith.constant 0 : i32
        %dma_start3A_171 = tpu.memref_slice %arg8[%run_scoped3A_54, %dma_start3A_170] : memref<32x128xi32, #tpu.memory_space<vmem>> -> memref<1x128xi32, #tpu.memory_space<vmem>>
        %dma_start3A_172 = tpu.memref_squeeze %dma_start3A_171 : memref<1x128xi32, #tpu.memory_space<vmem>> -> memref<128xi32, #tpu.memory_space<vmem>>
        %dma_start3A_173 = arith.constant 0 : i32
        %dma_start3A_174 = arith.constant 0 : i32
        %dma_start3A_175 = tpu.memref_slice %arg11[%dma_start3A_173, %dma_start3A_174] : memref<10240x128xf32, #tpu.memory_space<vmem_shared>> -> memref<10240x128xf32, #tpu.memory_space<vmem_shared>>
        tpu.enqueue_indirect_dma source(%arg10 : memref<128x128xf32, #tpu.memory_space<vmem>>) target(%dma_start3A_175 : memref<10240x128xf32, #tpu.memory_space<vmem_shared>>) offsets(%dma_start3A_172 : memref<128xi32, #tpu.memory_space<vmem>>) semaphore(%run_scoped3A_169 : memref<!tpu.dma_semaphore, #tpu.memory_space<semaphore_mem>>) {add = true}
        %dma_wait3A_176 = arith.constant 0 : i32
        %dma_wait3A_177 = tpu.memref_slice %arg8[%run_scoped3A_54, %dma_wait3A_176] : memref<32x128xi32, #tpu.memory_space<vmem>> -> memref<1x128xi32, #tpu.memory_space<vmem>>
        %dma_wait3A_178 = tpu.memref_squeeze %dma_wait3A_177 : memref<1x128xi32, #tpu.memory_space<vmem>> -> memref<128xi32, #tpu.memory_space<vmem>>
        %dma_wait3A_179 = arith.constant 0 : i32
        %dma_wait3A_180 = arith.constant 0 : i32
        %dma_wait3A_181 = tpu.memref_slice %arg11[%dma_wait3A_179, %dma_wait3A_180] : memref<10240x128xf32, #tpu.memory_space<vmem_shared>> -> memref<10240x128xf32, #tpu.memory_space<vmem_shared>>
        tpu.wait_indirect_dma semaphore(%run_scoped3A_169 : memref<!tpu.dma_semaphore, #tpu.memory_space<semaphore_mem>>) src(%arg10 : memref<128x128xf32, #tpu.memory_space<vmem>>) dst(%dma_wait3A_181 : memref<10240x128xf32, #tpu.memory_space<vmem_shared>>)
        tpu.yield
      }) : () -> ()
      %add3A_55 = arith.constant 32 : i32
      %add3A_56 = arith.addi %mul3A_21, %add3A_55 : i32
      "tpu.region"() ({
        %run_scoped3A_169 = tpu.sem_alloc : memref<!tpu.dma_semaphore, #tpu.memory_space<semaphore_mem>>
        %dma_start3A_170 = arith.constant 0 : i32
        %dma_start3A_171 = tpu.memref_slice %arg3[%add3A_56, %dma_start3A_170] : memref<2560x128xi32, #tpu.memory_space<hbm>> -> memref<32x128xi32, #tpu.memory_space<hbm>>
        %dma_start3A_172 = arith.constant 0 : i32
        %dma_start3A_173 = tpu.memref_slice %arg3[%add3A_56, %dma_start3A_172] : memref<2560x128xi32, #tpu.memory_space<hbm>> -> memref<32x128xi32, #tpu.memory_space<hbm>>
        tpu.enqueue_dma source(%dma_start3A_173 : memref<32x128xi32, #tpu.memory_space<hbm>>) target(%arg7 : memref<32x128xi32, #tpu.memory_space<vmem>>) target_semaphore(%run_scoped3A_169 : memref<!tpu.dma_semaphore, #tpu.memory_space<semaphore_mem>>)
        %dma_wait3A_174 = arith.constant 0 : i32
        %dma_wait3A_175 = tpu.memref_slice %arg3[%add3A_56, %dma_wait3A_174] : memref<2560x128xi32, #tpu.memory_space<hbm>> -> memref<32x128xi32, #tpu.memory_space<hbm>>
        %dma_wait3A_176 = arith.constant 0 : i32
        %dma_wait3A_177 = tpu.memref_slice %arg3[%add3A_56, %dma_wait3A_176] : memref<2560x128xi32, #tpu.memory_space<hbm>> -> memref<32x128xi32, #tpu.memory_space<hbm>>
        tpu.wait_dma2 semaphore(%run_scoped3A_169 : memref<!tpu.dma_semaphore, #tpu.memory_space<semaphore_mem>>) src(%dma_wait3A_177 : memref<32x128xi32, #tpu.memory_space<hbm>>) dst(%arg7 : memref<32x128xi32, #tpu.memory_space<vmem>>)
        tpu.yield
      }) : () -> ()
      "tpu.region"() ({
        %run_scoped3A_169 = tpu.sem_alloc : memref<!tpu.dma_semaphore, #tpu.memory_space<semaphore_mem>>
        %dma_start3A_170 = arith.constant 0 : i32
        %dma_start3A_171 = tpu.memref_slice %arg4[%add3A_56, %dma_start3A_170] : memref<2560x128xi32, #tpu.memory_space<hbm>> -> memref<32x128xi32, #tpu.memory_space<hbm>>
        %dma_start3A_172 = arith.constant 0 : i32
        %dma_start3A_173 = tpu.memref_slice %arg4[%add3A_56, %dma_start3A_172] : memref<2560x128xi32, #tpu.memory_space<hbm>> -> memref<32x128xi32, #tpu.memory_space<hbm>>
        tpu.enqueue_dma source(%dma_start3A_173 : memref<32x128xi32, #tpu.memory_space<hbm>>) target(%arg8 : memref<32x128xi32, #tpu.memory_space<vmem>>) target_semaphore(%run_scoped3A_169 : memref<!tpu.dma_semaphore, #tpu.memory_space<semaphore_mem>>)
        %dma_wait3A_174 = arith.constant 0 : i32
        %dma_wait3A_175 = tpu.memref_slice %arg4[%add3A_56, %dma_wait3A_174] : memref<2560x128xi32, #tpu.memory_space<hbm>> -> memref<32x128xi32, #tpu.memory_space<hbm>>
        %dma_wait3A_176 = arith.constant 0 : i32
        %dma_wait3A_177 = tpu.memref_slice %arg4[%add3A_56, %dma_wait3A_176] : memref<2560x128xi32, #tpu.memory_space<hbm>> -> memref<32x128xi32, #tpu.memory_space<hbm>>
        tpu.wait_dma2 semaphore(%run_scoped3A_169 : memref<!tpu.dma_semaphore, #tpu.memory_space<semaphore_mem>>) src(%dma_wait3A_177 : memref<32x128xi32, #tpu.memory_space<hbm>>) dst(%arg8 : memref<32x128xi32, #tpu.memory_space<vmem>>)
        tpu.yield
      }) : () -> ()
      %dma_start3A_57 = arith.constant 0 : i32
      %dma_start3A_58 = arith.constant 0 : i32
      %dma_start3A_59 = tpu.memref_slice %arg7[%dma_start3A_57, %dma_start3A_58] : memref<32x128xi32, #tpu.memory_space<vmem>> -> memref<1x128xi32, #tpu.memory_space<vmem>>
      %dma_start3A_60 = tpu.memref_squeeze %dma_start3A_59 : memref<1x128xi32, #tpu.memory_space<vmem>> -> memref<128xi32, #tpu.memory_space<vmem>>
      %dma_start3A_61 = arith.constant 0 : i32
      %dma_start3A_62 = arith.constant 0 : i32
      %dma_start3A_63 = tpu.memref_slice %arg2[%dma_start3A_61, %dma_start3A_62] : memref<10000x128xf32, #tpu.memory_space<hbm>> -> memref<10000x128xf32, #tpu.memory_space<hbm>>
      tpu.enqueue_indirect_dma source(%dma_start3A_63 : memref<10000x128xf32, #tpu.memory_space<hbm>>) target(%arg9 : memref<128x128xf32, #tpu.memory_space<vmem>>) offsets(%dma_start3A_60 : memref<128xi32, #tpu.memory_space<vmem>>) semaphore(%arg12 : memref<!tpu.dma_semaphore, #tpu.memory_space<semaphore_mem>>)
      %scan3A_64 = arith.constant 0 : i32
      %scan3A_65 = arith.constant 0 : i32
      %scan3A_66 = arith.constant 15 : i32
      %scan3A_67 = arith.addi %scan3A_65, %scan3A_66 : i32
      %scan3A_68 = arith.constant 1 : i32
      scf.for %scan3A_169 = %scan3A_65 to %scan3A_67 step %scan3A_68  : i32 {
        %mul3A_170 = arith.constant 2 : i32
        %mul3A_171 = arith.muli %scan3A_169, %mul3A_170 : i32
        %add3A_172 = arith.constant 1 : i32
        %add3A_173 = arith.addi %mul3A_171, %add3A_172 : i32
        %dma_start3A_174 = arith.constant 0 : i32
        %dma_start3A_175 = tpu.memref_slice %arg7[%add3A_173, %dma_start3A_174] : memref<32x128xi32, #tpu.memory_space<vmem>> -> memref<1x128xi32, #tpu.memory_space<vmem>>
        %dma_start3A_176 = tpu.memref_squeeze %dma_start3A_175 : memref<1x128xi32, #tpu.memory_space<vmem>> -> memref<128xi32, #tpu.memory_space<vmem>>
        %dma_start3A_177 = arith.constant 0 : i32
        %dma_start3A_178 = arith.constant 0 : i32
        %dma_start3A_179 = tpu.memref_slice %arg2[%dma_start3A_177, %dma_start3A_178] : memref<10000x128xf32, #tpu.memory_space<hbm>> -> memref<10000x128xf32, #tpu.memory_space<hbm>>
        tpu.enqueue_indirect_dma source(%dma_start3A_179 : memref<10000x128xf32, #tpu.memory_space<hbm>>) target(%arg10 : memref<128x128xf32, #tpu.memory_space<vmem>>) offsets(%dma_start3A_176 : memref<128xi32, #tpu.memory_space<vmem>>) semaphore(%arg13 : memref<!tpu.dma_semaphore, #tpu.memory_space<semaphore_mem>>)
        %dma_wait3A_180 = arith.constant 0 : i32
        %dma_wait3A_181 = tpu.memref_slice %arg7[%mul3A_171, %dma_wait3A_180] : memref<32x128xi32, #tpu.memory_space<vmem>> -> memref<1x128xi32, #tpu.memory_space<vmem>>
        %dma_wait3A_182 = tpu.memref_squeeze %dma_wait3A_181 : memref<1x128xi32, #tpu.memory_space<vmem>> -> memref<128xi32, #tpu.memory_space<vmem>>
        %dma_wait3A_183 = arith.constant 0 : i32
        %dma_wait3A_184 = arith.constant 0 : i32
        %dma_wait3A_185 = tpu.memref_slice %arg2[%dma_wait3A_183, %dma_wait3A_184] : memref<10000x128xf32, #tpu.memory_space<hbm>> -> memref<10000x128xf32, #tpu.memory_space<hbm>>
        tpu.wait_indirect_dma semaphore(%arg12 : memref<!tpu.dma_semaphore, #tpu.memory_space<semaphore_mem>>) src(%dma_wait3A_185 : memref<10000x128xf32, #tpu.memory_space<hbm>>) dst(%arg9 : memref<128x128xf32, #tpu.memory_space<vmem>>)
        "tpu.region"() ({
          %run_scoped3A_200 = tpu.sem_alloc : memref<!tpu.dma_semaphore, #tpu.memory_space<semaphore_mem>>
          %dma_start3A_201 = arith.constant 0 : i32
          %dma_start3A_202 = tpu.memref_slice %arg8[%mul3A_171, %dma_start3A_201] : memref<32x128xi32, #tpu.memory_space<vmem>> -> memref<1x128xi32, #tpu.memory_space<vmem>>
          %dma_start3A_203 = tpu.memref_squeeze %dma_start3A_202 : memref<1x128xi32, #tpu.memory_space<vmem>> -> memref<128xi32, #tpu.memory_space<vmem>>
          %dma_start3A_204 = arith.constant 0 : i32
          %dma_start3A_205 = arith.constant 0 : i32
          %dma_start3A_206 = tpu.memref_slice %arg11[%dma_start3A_204, %dma_start3A_205] : memref<10240x128xf32, #tpu.memory_space<vmem_shared>> -> memref<10240x128xf32, #tpu.memory_space<vmem_shared>>
          tpu.enqueue_indirect_dma source(%arg9 : memref<128x128xf32, #tpu.memory_space<vmem>>) target(%dma_start3A_206 : memref<10240x128xf32, #tpu.memory_space<vmem_shared>>) offsets(%dma_start3A_203 : memref<128xi32, #tpu.memory_space<vmem>>) semaphore(%run_scoped3A_200 : memref<!tpu.dma_semaphore, #tpu.memory_space<semaphore_mem>>) {add = true}
          %dma_wait3A_207 = arith.constant 0 : i32
          %dma_wait3A_208 = tpu.memref_slice %arg8[%mul3A_171, %dma_wait3A_207] : memref<32x128xi32, #tpu.memory_space<vmem>> -> memref<1x128xi32, #tpu.memory_space<vmem>>
          %dma_wait3A_209 = tpu.memref_squeeze %dma_wait3A_208 : memref<1x128xi32, #tpu.memory_space<vmem>> -> memref<128xi32, #tpu.memory_space<vmem>>
          %dma_wait3A_210 = arith.constant 0 : i32
          %dma_wait3A_211 = arith.constant 0 : i32
          %dma_wait3A_212 = tpu.memref_slice %arg11[%dma_wait3A_210, %dma_wait3A_211] : memref<10240x128xf32, #tpu.memory_space<vmem_shared>> -> memref<10240x128xf32, #tpu.memory_space<vmem_shared>>
          tpu.wait_indirect_dma semaphore(%run_scoped3A_200 : memref<!tpu.dma_semaphore, #tpu.memory_space<semaphore_mem>>) src(%arg9 : memref<128x128xf32, #tpu.memory_space<vmem>>) dst(%dma_wait3A_212 : memref<10240x128xf32, #tpu.memory_space<vmem_shared>>)
          tpu.yield
        }) : () -> ()
        %add3A_186 = arith.constant 2 : i32
        %add3A_187 = arith.addi %mul3A_171, %add3A_186 : i32
        %dma_start3A_188 = arith.constant 0 : i32
        %dma_start3A_189 = tpu.memref_slice %arg7[%add3A_187, %dma_start3A_188] : memref<32x128xi32, #tpu.memory_space<vmem>> -> memref<1x128xi32, #tpu.memory_space<vmem>>
        %dma_start3A_190 = tpu.memref_squeeze %dma_start3A_189 : memref<1x128xi32, #tpu.memory_space<vmem>> -> memref<128xi32, #tpu.memory_space<vmem>>
        %dma_start3A_191 = arith.constant 0 : i32
        %dma_start3A_192 = arith.constant 0 : i32
        %dma_start3A_193 = tpu.memref_slice %arg2[%dma_start3A_191, %dma_start3A_192] : memref<10000x128xf32, #tpu.memory_space<hbm>> -> memref<10000x128xf32, #tpu.memory_space<hbm>>
        tpu.enqueue_indirect_dma source(%dma_start3A_193 : memref<10000x128xf32, #tpu.memory_space<hbm>>) target(%arg9 : memref<128x128xf32, #tpu.memory_space<vmem>>) offsets(%dma_start3A_190 : memref<128xi32, #tpu.memory_space<vmem>>) semaphore(%arg12 : memref<!tpu.dma_semaphore, #tpu.memory_space<semaphore_mem>>)
        %dma_wait3A_194 = arith.constant 0 : i32
        %dma_wait3A_195 = tpu.memref_slice %arg7[%add3A_173, %dma_wait3A_194] : memref<32x128xi32, #tpu.memory_space<vmem>> -> memref<1x128xi32, #tpu.memory_space<vmem>>
        %dma_wait3A_196 = tpu.memref_squeeze %dma_wait3A_195 : memref<1x128xi32, #tpu.memory_space<vmem>> -> memref<128xi32, #tpu.memory_space<vmem>>
        %dma_wait3A_197 = arith.constant 0 : i32
        %dma_wait3A_198 = arith.constant 0 : i32
        %dma_wait3A_199 = tpu.memref_slice %arg2[%dma_wait3A_197, %dma_wait3A_198] : memref<10000x128xf32, #tpu.memory_space<hbm>> -> memref<10000x128xf32, #tpu.memory_space<hbm>>
        tpu.wait_indirect_dma semaphore(%arg13 : memref<!tpu.dma_semaphore, #tpu.memory_space<semaphore_mem>>) src(%dma_wait3A_199 : memref<10000x128xf32, #tpu.memory_space<hbm>>) dst(%arg10 : memref<128x128xf32, #tpu.memory_space<vmem>>)
        "tpu.region"() ({
          %run_scoped3A_200 = tpu.sem_alloc : memref<!tpu.dma_semaphore, #tpu.memory_space<semaphore_mem>>
          %dma_start3A_201 = arith.constant 0 : i32
          %dma_start3A_202 = tpu.memref_slice %arg8[%add3A_173, %dma_start3A_201] : memref<32x128xi32, #tpu.memory_space<vmem>> -> memref<1x128xi32, #tpu.memory_space<vmem>>
          %dma_start3A_203 = tpu.memref_squeeze %dma_start3A_202 : memref<1x128xi32, #tpu.memory_space<vmem>> -> memref<128xi32, #tpu.memory_space<vmem>>
          %dma_start3A_204 = arith.constant 0 : i32
          %dma_start3A_205 = arith.constant 0 : i32
          %dma_start3A_206 = tpu.memref_slice %arg11[%dma_start3A_204, %dma_start3A_205] : memref<10240x128xf32, #tpu.memory_space<vmem_shared>> -> memref<10240x128xf32, #tpu.memory_space<vmem_shared>>
          tpu.enqueue_indirect_dma source(%arg10 : memref<128x128xf32, #tpu.memory_space<vmem>>) target(%dma_start3A_206 : memref<10240x128xf32, #tpu.memory_space<vmem_shared>>) offsets(%dma_start3A_203 : memref<128xi32, #tpu.memory_space<vmem>>) semaphore(%run_scoped3A_200 : memref<!tpu.dma_semaphore, #tpu.memory_space<semaphore_mem>>) {add = true}
          %dma_wait3A_207 = arith.constant 0 : i32
          %dma_wait3A_208 = tpu.memref_slice %arg8[%add3A_173, %dma_wait3A_207] : memref<32x128xi32, #tpu.memory_space<vmem>> -> memref<1x128xi32, #tpu.memory_space<vmem>>
          %dma_wait3A_209 = tpu.memref_squeeze %dma_wait3A_208 : memref<1x128xi32, #tpu.memory_space<vmem>> -> memref<128xi32, #tpu.memory_space<vmem>>
          %dma_wait3A_210 = arith.constant 0 : i32
          %dma_wait3A_211 = arith.constant 0 : i32
          %dma_wait3A_212 = tpu.memref_slice %arg11[%dma_wait3A_210, %dma_wait3A_211] : memref<10240x128xf32, #tpu.memory_space<vmem_shared>> -> memref<10240x128xf32, #tpu.memory_space<vmem_shared>>
          tpu.wait_indirect_dma semaphore(%run_scoped3A_200 : memref<!tpu.dma_semaphore, #tpu.memory_space<semaphore_mem>>) src(%arg10 : memref<128x128xf32, #tpu.memory_space<vmem>>) dst(%dma_wait3A_212 : memref<10240x128xf32, #tpu.memory_space<vmem_shared>>)
          tpu.yield
        }) : () -> ()
      }
      %scan3A_69 = arith.constant 15 : i32
      %dma_start3A_70 = arith.constant 31 : i32
      %dma_start3A_71 = arith.constant 0 : i32
      %dma_start3A_72 = tpu.memref_slice %arg7[%dma_start3A_70, %dma_start3A_71] : memref<32x128xi32, #tpu.memory_space<vmem>> -> memref<1x128xi32, #tpu.memory_space<vmem>>
      %dma_start3A_73 = tpu.memref_squeeze %dma_start3A_72 : memref<1x128xi32, #tpu.memory_space<vmem>> -> memref<128xi32, #tpu.memory_space<vmem>>
      %dma_start3A_74 = arith.constant 0 : i32
      %dma_start3A_75 = arith.constant 0 : i32
      %dma_start3A_76 = tpu.memref_slice %arg2[%dma_start3A_74, %dma_start3A_75] : memref<10000x128xf32, #tpu.memory_space<hbm>> -> memref<10000x128xf32, #tpu.memory_space<hbm>>
      tpu.enqueue_indirect_dma source(%dma_start3A_76 : memref<10000x128xf32, #tpu.memory_space<hbm>>) target(%arg10 : memref<128x128xf32, #tpu.memory_space<vmem>>) offsets(%dma_start3A_73 : memref<128xi32, #tpu.memory_space<vmem>>) semaphore(%arg13 : memref<!tpu.dma_semaphore, #tpu.memory_space<semaphore_mem>>)
      %dma_wait3A_77 = arith.constant 30 : i32
      %dma_wait3A_78 = arith.constant 0 : i32
      %dma_wait3A_79 = tpu.memref_slice %arg7[%dma_wait3A_77, %dma_wait3A_78] : memref<32x128xi32, #tpu.memory_space<vmem>> -> memref<1x128xi32, #tpu.memory_space<vmem>>
      %dma_wait3A_80 = tpu.memref_squeeze %dma_wait3A_79 : memref<1x128xi32, #tpu.memory_space<vmem>> -> memref<128xi32, #tpu.memory_space<vmem>>
      %dma_wait3A_81 = arith.constant 0 : i32
      %dma_wait3A_82 = arith.constant 0 : i32
      %dma_wait3A_83 = tpu.memref_slice %arg2[%dma_wait3A_81, %dma_wait3A_82] : memref<10000x128xf32, #tpu.memory_space<hbm>> -> memref<10000x128xf32, #tpu.memory_space<hbm>>
      tpu.wait_indirect_dma semaphore(%arg12 : memref<!tpu.dma_semaphore, #tpu.memory_space<semaphore_mem>>) src(%dma_wait3A_83 : memref<10000x128xf32, #tpu.memory_space<hbm>>) dst(%arg9 : memref<128x128xf32, #tpu.memory_space<vmem>>)
      %run_scoped3A_84 = arith.constant 30 : i32
      "tpu.region"() ({
        %run_scoped3A_169 = tpu.sem_alloc : memref<!tpu.dma_semaphore, #tpu.memory_space<semaphore_mem>>
        %dma_start3A_170 = arith.constant 0 : i32
        %dma_start3A_171 = tpu.memref_slice %arg8[%run_scoped3A_84, %dma_start3A_170] : memref<32x128xi32, #tpu.memory_space<vmem>> -> memref<1x128xi32, #tpu.memory_space<vmem>>
        %dma_start3A_172 = tpu.memref_squeeze %dma_start3A_171 : memref<1x128xi32, #tpu.memory_space<vmem>> -> memref<128xi32, #tpu.memory_space<vmem>>
        %dma_start3A_173 = arith.constant 0 : i32
        %dma_start3A_174 = arith.constant 0 : i32
        %dma_start3A_175 = tpu.memref_slice %arg11[%dma_start3A_173, %dma_start3A_174] : memref<10240x128xf32, #tpu.memory_space<vmem_shared>> -> memref<10240x128xf32, #tpu.memory_space<vmem_shared>>
        tpu.enqueue_indirect_dma source(%arg9 : memref<128x128xf32, #tpu.memory_space<vmem>>) target(%dma_start3A_175 : memref<10240x128xf32, #tpu.memory_space<vmem_shared>>) offsets(%dma_start3A_172 : memref<128xi32, #tpu.memory_space<vmem>>) semaphore(%run_scoped3A_169 : memref<!tpu.dma_semaphore, #tpu.memory_space<semaphore_mem>>) {add = true}
        %dma_wait3A_176 = arith.constant 0 : i32
        %dma_wait3A_177 = tpu.memref_slice %arg8[%run_scoped3A_84, %dma_wait3A_176] : memref<32x128xi32, #tpu.memory_space<vmem>> -> memref<1x128xi32, #tpu.memory_space<vmem>>
        %dma_wait3A_178 = tpu.memref_squeeze %dma_wait3A_177 : memref<1x128xi32, #tpu.memory_space<vmem>> -> memref<128xi32, #tpu.memory_space<vmem>>
        %dma_wait3A_179 = arith.constant 0 : i32
        %dma_wait3A_180 = arith.constant 0 : i32
        %dma_wait3A_181 = tpu.memref_slice %arg11[%dma_wait3A_179, %dma_wait3A_180] : memref<10240x128xf32, #tpu.memory_space<vmem_shared>> -> memref<10240x128xf32, #tpu.memory_space<vmem_shared>>
        tpu.wait_indirect_dma semaphore(%run_scoped3A_169 : memref<!tpu.dma_semaphore, #tpu.memory_space<semaphore_mem>>) src(%arg9 : memref<128x128xf32, #tpu.memory_space<vmem>>) dst(%dma_wait3A_181 : memref<10240x128xf32, #tpu.memory_space<vmem_shared>>)
        tpu.yield
      }) : () -> ()
      %dma_wait3A_85 = arith.constant 31 : i32
      %dma_wait3A_86 = arith.constant 0 : i32
      %dma_wait3A_87 = tpu.memref_slice %arg7[%dma_wait3A_85, %dma_wait3A_86] : memref<32x128xi32, #tpu.memory_space<vmem>> -> memref<1x128xi32, #tpu.memory_space<vmem>>
      %dma_wait3A_88 = tpu.memref_squeeze %dma_wait3A_87 : memref<1x128xi32, #tpu.memory_space<vmem>> -> memref<128xi32, #tpu.memory_space<vmem>>
      %dma_wait3A_89 = arith.constant 0 : i32
      %dma_wait3A_90 = arith.constant 0 : i32
      %dma_wait3A_91 = tpu.memref_slice %arg2[%dma_wait3A_89, %dma_wait3A_90] : memref<10000x128xf32, #tpu.memory_space<hbm>> -> memref<10000x128xf32, #tpu.memory_space<hbm>>
      tpu.wait_indirect_dma semaphore(%arg13 : memref<!tpu.dma_semaphore, #tpu.memory_space<semaphore_mem>>) src(%dma_wait3A_91 : memref<10000x128xf32, #tpu.memory_space<hbm>>) dst(%arg10 : memref<128x128xf32, #tpu.memory_space<vmem>>)
      %run_scoped3A_92 = arith.constant 31 : i32
      "tpu.region"() ({
        %run_scoped3A_169 = tpu.sem_alloc : memref<!tpu.dma_semaphore, #tpu.memory_space<semaphore_mem>>
        %dma_start3A_170 = arith.constant 0 : i32
        %dma_start3A_171 = tpu.memref_slice %arg8[%run_scoped3A_92, %dma_start3A_170] : memref<32x128xi32, #tpu.memory_space<vmem>> -> memref<1x128xi32, #tpu.memory_space<vmem>>
        %dma_start3A_172 = tpu.memref_squeeze %dma_start3A_171 : memref<1x128xi32, #tpu.memory_space<vmem>> -> memref<128xi32, #tpu.memory_space<vmem>>
        %dma_start3A_173 = arith.constant 0 : i32
        %dma_start3A_174 = arith.constant 0 : i32
        %dma_start3A_175 = tpu.memref_slice %arg11[%dma_start3A_173, %dma_start3A_174] : memref<10240x128xf32, #tpu.memory_space<vmem_shared>> -> memref<10240x128xf32, #tpu.memory_space<vmem_shared>>
        tpu.enqueue_indirect_dma source(%arg10 : memref<128x128xf32, #tpu.memory_space<vmem>>) target(%dma_start3A_175 : memref<10240x128xf32, #tpu.memory_space<vmem_shared>>) offsets(%dma_start3A_172 : memref<128xi32, #tpu.memory_space<vmem>>) semaphore(%run_scoped3A_169 : memref<!tpu.dma_semaphore, #tpu.memory_space<semaphore_mem>>) {add = true}
        %dma_wait3A_176 = arith.constant 0 : i32
        %dma_wait3A_177 = tpu.memref_slice %arg8[%run_scoped3A_92, %dma_wait3A_176] : memref<32x128xi32, #tpu.memory_space<vmem>> -> memref<1x128xi32, #tpu.memory_space<vmem>>
        %dma_wait3A_178 = tpu.memref_squeeze %dma_wait3A_177 : memref<1x128xi32, #tpu.memory_space<vmem>> -> memref<128xi32, #tpu.memory_space<vmem>>
        %dma_wait3A_179 = arith.constant 0 : i32
        %dma_wait3A_180 = arith.constant 0 : i32
        %dma_wait3A_181 = tpu.memref_slice %arg11[%dma_wait3A_179, %dma_wait3A_180] : memref<10240x128xf32, #tpu.memory_space<vmem_shared>> -> memref<10240x128xf32, #tpu.memory_space<vmem_shared>>
        tpu.wait_indirect_dma semaphore(%run_scoped3A_169 : memref<!tpu.dma_semaphore, #tpu.memory_space<semaphore_mem>>) src(%arg10 : memref<128x128xf32, #tpu.memory_space<vmem>>) dst(%dma_wait3A_181 : memref<10240x128xf32, #tpu.memory_space<vmem_shared>>)
        tpu.yield
      }) : () -> ()
      %add3A_93 = arith.constant 64 : i32
      %add3A_94 = arith.addi %mul3A_21, %add3A_93 : i32
      "tpu.region"() ({
        %run_scoped3A_169 = tpu.sem_alloc : memref<!tpu.dma_semaphore, #tpu.memory_space<semaphore_mem>>
        %dma_start3A_170 = arith.constant 0 : i32
        %dma_start3A_171 = tpu.memref_slice %arg3[%add3A_94, %dma_start3A_170] : memref<2560x128xi32, #tpu.memory_space<hbm>> -> memref<32x128xi32, #tpu.memory_space<hbm>>
        %dma_start3A_172 = arith.constant 0 : i32
        %dma_start3A_173 = tpu.memref_slice %arg3[%add3A_94, %dma_start3A_172] : memref<2560x128xi32, #tpu.memory_space<hbm>> -> memref<32x128xi32, #tpu.memory_space<hbm>>
        tpu.enqueue_dma source(%dma_start3A_173 : memref<32x128xi32, #tpu.memory_space<hbm>>) target(%arg7 : memref<32x128xi32, #tpu.memory_space<vmem>>) target_semaphore(%run_scoped3A_169 : memref<!tpu.dma_semaphore, #tpu.memory_space<semaphore_mem>>)
        %dma_wait3A_174 = arith.constant 0 : i32
        %dma_wait3A_175 = tpu.memref_slice %arg3[%add3A_94, %dma_wait3A_174] : memref<2560x128xi32, #tpu.memory_space<hbm>> -> memref<32x128xi32, #tpu.memory_space<hbm>>
        %dma_wait3A_176 = arith.constant 0 : i32
        %dma_wait3A_177 = tpu.memref_slice %arg3[%add3A_94, %dma_wait3A_176] : memref<2560x128xi32, #tpu.memory_space<hbm>> -> memref<32x128xi32, #tpu.memory_space<hbm>>
        tpu.wait_dma2 semaphore(%run_scoped3A_169 : memref<!tpu.dma_semaphore, #tpu.memory_space<semaphore_mem>>) src(%dma_wait3A_177 : memref<32x128xi32, #tpu.memory_space<hbm>>) dst(%arg7 : memref<32x128xi32, #tpu.memory_space<vmem>>)
        tpu.yield
      }) : () -> ()
      "tpu.region"() ({
        %run_scoped3A_169 = tpu.sem_alloc : memref<!tpu.dma_semaphore, #tpu.memory_space<semaphore_mem>>
        %dma_start3A_170 = arith.constant 0 : i32
        %dma_start3A_171 = tpu.memref_slice %arg4[%add3A_94, %dma_start3A_170] : memref<2560x128xi32, #tpu.memory_space<hbm>> -> memref<32x128xi32, #tpu.memory_space<hbm>>
        %dma_start3A_172 = arith.constant 0 : i32
        %dma_start3A_173 = tpu.memref_slice %arg4[%add3A_94, %dma_start3A_172] : memref<2560x128xi32, #tpu.memory_space<hbm>> -> memref<32x128xi32, #tpu.memory_space<hbm>>
        tpu.enqueue_dma source(%dma_start3A_173 : memref<32x128xi32, #tpu.memory_space<hbm>>) target(%arg8 : memref<32x128xi32, #tpu.memory_space<vmem>>) target_semaphore(%run_scoped3A_169 : memref<!tpu.dma_semaphore, #tpu.memory_space<semaphore_mem>>)
        %dma_wait3A_174 = arith.constant 0 : i32
        %dma_wait3A_175 = tpu.memref_slice %arg4[%add3A_94, %dma_wait3A_174] : memref<2560x128xi32, #tpu.memory_space<hbm>> -> memref<32x128xi32, #tpu.memory_space<hbm>>
        %dma_wait3A_176 = arith.constant 0 : i32
        %dma_wait3A_177 = tpu.memref_slice %arg4[%add3A_94, %dma_wait3A_176] : memref<2560x128xi32, #tpu.memory_space<hbm>> -> memref<32x128xi32, #tpu.memory_space<hbm>>
        tpu.wait_dma2 semaphore(%run_scoped3A_169 : memref<!tpu.dma_semaphore, #tpu.memory_space<semaphore_mem>>) src(%dma_wait3A_177 : memref<32x128xi32, #tpu.memory_space<hbm>>) dst(%arg8 : memref<32x128xi32, #tpu.memory_space<vmem>>)
        tpu.yield
      }) : () -> ()
      %dma_start3A_95 = arith.constant 0 : i32
      %dma_start3A_96 = arith.constant 0 : i32
      %dma_start3A_97 = tpu.memref_slice %arg7[%dma_start3A_95, %dma_start3A_96] : memref<32x128xi32, #tpu.memory_space<vmem>> -> memref<1x128xi32, #tpu.memory_space<vmem>>
      %dma_start3A_98 = tpu.memref_squeeze %dma_start3A_97 : memref<1x128xi32, #tpu.memory_space<vmem>> -> memref<128xi32, #tpu.memory_space<vmem>>
      %dma_start3A_99 = arith.constant 0 : i32
      %dma_start3A_100 = arith.constant 0 : i32
      %dma_start3A_101 = tpu.memref_slice %arg2[%dma_start3A_99, %dma_start3A_100] : memref<10000x128xf32, #tpu.memory_space<hbm>> -> memref<10000x128xf32, #tpu.memory_space<hbm>>
      tpu.enqueue_indirect_dma source(%dma_start3A_101 : memref<10000x128xf32, #tpu.memory_space<hbm>>) target(%arg9 : memref<128x128xf32, #tpu.memory_space<vmem>>) offsets(%dma_start3A_98 : memref<128xi32, #tpu.memory_space<vmem>>) semaphore(%arg12 : memref<!tpu.dma_semaphore, #tpu.memory_space<semaphore_mem>>)
      %scan3A_102 = arith.constant 0 : i32
      %scan3A_103 = arith.constant 0 : i32
      %scan3A_104 = arith.constant 15 : i32
      %scan3A_105 = arith.addi %scan3A_103, %scan3A_104 : i32
      %scan3A_106 = arith.constant 1 : i32
      scf.for %scan3A_169 = %scan3A_103 to %scan3A_105 step %scan3A_106  : i32 {
        %mul3A_170 = arith.constant 2 : i32
        %mul3A_171 = arith.muli %scan3A_169, %mul3A_170 : i32
        %add3A_172 = arith.constant 1 : i32
        %add3A_173 = arith.addi %mul3A_171, %add3A_172 : i32
        %dma_start3A_174 = arith.constant 0 : i32
        %dma_start3A_175 = tpu.memref_slice %arg7[%add3A_173, %dma_start3A_174] : memref<32x128xi32, #tpu.memory_space<vmem>> -> memref<1x128xi32, #tpu.memory_space<vmem>>
        %dma_start3A_176 = tpu.memref_squeeze %dma_start3A_175 : memref<1x128xi32, #tpu.memory_space<vmem>> -> memref<128xi32, #tpu.memory_space<vmem>>
        %dma_start3A_177 = arith.constant 0 : i32
        %dma_start3A_178 = arith.constant 0 : i32
        %dma_start3A_179 = tpu.memref_slice %arg2[%dma_start3A_177, %dma_start3A_178] : memref<10000x128xf32, #tpu.memory_space<hbm>> -> memref<10000x128xf32, #tpu.memory_space<hbm>>
        tpu.enqueue_indirect_dma source(%dma_start3A_179 : memref<10000x128xf32, #tpu.memory_space<hbm>>) target(%arg10 : memref<128x128xf32, #tpu.memory_space<vmem>>) offsets(%dma_start3A_176 : memref<128xi32, #tpu.memory_space<vmem>>) semaphore(%arg13 : memref<!tpu.dma_semaphore, #tpu.memory_space<semaphore_mem>>)
        %dma_wait3A_180 = arith.constant 0 : i32
        %dma_wait3A_181 = tpu.memref_slice %arg7[%mul3A_171, %dma_wait3A_180] : memref<32x128xi32, #tpu.memory_space<vmem>> -> memref<1x128xi32, #tpu.memory_space<vmem>>
        %dma_wait3A_182 = tpu.memref_squeeze %dma_wait3A_181 : memref<1x128xi32, #tpu.memory_space<vmem>> -> memref<128xi32, #tpu.memory_space<vmem>>
        %dma_wait3A_183 = arith.constant 0 : i32
        %dma_wait3A_184 = arith.constant 0 : i32
        %dma_wait3A_185 = tpu.memref_slice %arg2[%dma_wait3A_183, %dma_wait3A_184] : memref<10000x128xf32, #tpu.memory_space<hbm>> -> memref<10000x128xf32, #tpu.memory_space<hbm>>
        tpu.wait_indirect_dma semaphore(%arg12 : memref<!tpu.dma_semaphore, #tpu.memory_space<semaphore_mem>>) src(%dma_wait3A_185 : memref<10000x128xf32, #tpu.memory_space<hbm>>) dst(%arg9 : memref<128x128xf32, #tpu.memory_space<vmem>>)
        "tpu.region"() ({
          %run_scoped3A_200 = tpu.sem_alloc : memref<!tpu.dma_semaphore, #tpu.memory_space<semaphore_mem>>
          %dma_start3A_201 = arith.constant 0 : i32
          %dma_start3A_202 = tpu.memref_slice %arg8[%mul3A_171, %dma_start3A_201] : memref<32x128xi32, #tpu.memory_space<vmem>> -> memref<1x128xi32, #tpu.memory_space<vmem>>
          %dma_start3A_203 = tpu.memref_squeeze %dma_start3A_202 : memref<1x128xi32, #tpu.memory_space<vmem>> -> memref<128xi32, #tpu.memory_space<vmem>>
          %dma_start3A_204 = arith.constant 0 : i32
          %dma_start3A_205 = arith.constant 0 : i32
          %dma_start3A_206 = tpu.memref_slice %arg11[%dma_start3A_204, %dma_start3A_205] : memref<10240x128xf32, #tpu.memory_space<vmem_shared>> -> memref<10240x128xf32, #tpu.memory_space<vmem_shared>>
          tpu.enqueue_indirect_dma source(%arg9 : memref<128x128xf32, #tpu.memory_space<vmem>>) target(%dma_start3A_206 : memref<10240x128xf32, #tpu.memory_space<vmem_shared>>) offsets(%dma_start3A_203 : memref<128xi32, #tpu.memory_space<vmem>>) semaphore(%run_scoped3A_200 : memref<!tpu.dma_semaphore, #tpu.memory_space<semaphore_mem>>) {add = true}
          %dma_wait3A_207 = arith.constant 0 : i32
          %dma_wait3A_208 = tpu.memref_slice %arg8[%mul3A_171, %dma_wait3A_207] : memref<32x128xi32, #tpu.memory_space<vmem>> -> memref<1x128xi32, #tpu.memory_space<vmem>>
          %dma_wait3A_209 = tpu.memref_squeeze %dma_wait3A_208 : memref<1x128xi32, #tpu.memory_space<vmem>> -> memref<128xi32, #tpu.memory_space<vmem>>
          %dma_wait3A_210 = arith.constant 0 : i32
          %dma_wait3A_211 = arith.constant 0 : i32
          %dma_wait3A_212 = tpu.memref_slice %arg11[%dma_wait3A_210, %dma_wait3A_211] : memref<10240x128xf32, #tpu.memory_space<vmem_shared>> -> memref<10240x128xf32, #tpu.memory_space<vmem_shared>>
          tpu.wait_indirect_dma semaphore(%run_scoped3A_200 : memref<!tpu.dma_semaphore, #tpu.memory_space<semaphore_mem>>) src(%arg9 : memref<128x128xf32, #tpu.memory_space<vmem>>) dst(%dma_wait3A_212 : memref<10240x128xf32, #tpu.memory_space<vmem_shared>>)
          tpu.yield
        }) : () -> ()
        %add3A_186 = arith.constant 2 : i32
        %add3A_187 = arith.addi %mul3A_171, %add3A_186 : i32
        %dma_start3A_188 = arith.constant 0 : i32
        %dma_start3A_189 = tpu.memref_slice %arg7[%add3A_187, %dma_start3A_188] : memref<32x128xi32, #tpu.memory_space<vmem>> -> memref<1x128xi32, #tpu.memory_space<vmem>>
        %dma_start3A_190 = tpu.memref_squeeze %dma_start3A_189 : memref<1x128xi32, #tpu.memory_space<vmem>> -> memref<128xi32, #tpu.memory_space<vmem>>
        %dma_start3A_191 = arith.constant 0 : i32
        %dma_start3A_192 = arith.constant 0 : i32
        %dma_start3A_193 = tpu.memref_slice %arg2[%dma_start3A_191, %dma_start3A_192] : memref<10000x128xf32, #tpu.memory_space<hbm>> -> memref<10000x128xf32, #tpu.memory_space<hbm>>
        tpu.enqueue_indirect_dma source(%dma_start3A_193 : memref<10000x128xf32, #tpu.memory_space<hbm>>) target(%arg9 : memref<128x128xf32, #tpu.memory_space<vmem>>) offsets(%dma_start3A_190 : memref<128xi32, #tpu.memory_space<vmem>>) semaphore(%arg12 : memref<!tpu.dma_semaphore, #tpu.memory_space<semaphore_mem>>)
        %dma_wait3A_194 = arith.constant 0 : i32
        %dma_wait3A_195 = tpu.memref_slice %arg7[%add3A_173, %dma_wait3A_194] : memref<32x128xi32, #tpu.memory_space<vmem>> -> memref<1x128xi32, #tpu.memory_space<vmem>>
        %dma_wait3A_196 = tpu.memref_squeeze %dma_wait3A_195 : memref<1x128xi32, #tpu.memory_space<vmem>> -> memref<128xi32, #tpu.memory_space<vmem>>
        %dma_wait3A_197 = arith.constant 0 : i32
        %dma_wait3A_198 = arith.constant 0 : i32
        %dma_wait3A_199 = tpu.memref_slice %arg2[%dma_wait3A_197, %dma_wait3A_198] : memref<10000x128xf32, #tpu.memory_space<hbm>> -> memref<10000x128xf32, #tpu.memory_space<hbm>>
        tpu.wait_indirect_dma semaphore(%arg13 : memref<!tpu.dma_semaphore, #tpu.memory_space<semaphore_mem>>) src(%dma_wait3A_199 : memref<10000x128xf32, #tpu.memory_space<hbm>>) dst(%arg10 : memref<128x128xf32, #tpu.memory_space<vmem>>)
        "tpu.region"() ({
          %run_scoped3A_200 = tpu.sem_alloc : memref<!tpu.dma_semaphore, #tpu.memory_space<semaphore_mem>>
          %dma_start3A_201 = arith.constant 0 : i32
          %dma_start3A_202 = tpu.memref_slice %arg8[%add3A_173, %dma_start3A_201] : memref<32x128xi32, #tpu.memory_space<vmem>> -> memref<1x128xi32, #tpu.memory_space<vmem>>
          %dma_start3A_203 = tpu.memref_squeeze %dma_start3A_202 : memref<1x128xi32, #tpu.memory_space<vmem>> -> memref<128xi32, #tpu.memory_space<vmem>>
          %dma_start3A_204 = arith.constant 0 : i32
          %dma_start3A_205 = arith.constant 0 : i32
          %dma_start3A_206 = tpu.memref_slice %arg11[%dma_start3A_204, %dma_start3A_205] : memref<10240x128xf32, #tpu.memory_space<vmem_shared>> -> memref<10240x128xf32, #tpu.memory_space<vmem_shared>>
          tpu.enqueue_indirect_dma source(%arg10 : memref<128x128xf32, #tpu.memory_space<vmem>>) target(%dma_start3A_206 : memref<10240x128xf32, #tpu.memory_space<vmem_shared>>) offsets(%dma_start3A_203 : memref<128xi32, #tpu.memory_space<vmem>>) semaphore(%run_scoped3A_200 : memref<!tpu.dma_semaphore, #tpu.memory_space<semaphore_mem>>) {add = true}
          %dma_wait3A_207 = arith.constant 0 : i32
          %dma_wait3A_208 = tpu.memref_slice %arg8[%add3A_173, %dma_wait3A_207] : memref<32x128xi32, #tpu.memory_space<vmem>> -> memref<1x128xi32, #tpu.memory_space<vmem>>
          %dma_wait3A_209 = tpu.memref_squeeze %dma_wait3A_208 : memref<1x128xi32, #tpu.memory_space<vmem>> -> memref<128xi32, #tpu.memory_space<vmem>>
          %dma_wait3A_210 = arith.constant 0 : i32
          %dma_wait3A_211 = arith.constant 0 : i32
          %dma_wait3A_212 = tpu.memref_slice %arg11[%dma_wait3A_210, %dma_wait3A_211] : memref<10240x128xf32, #tpu.memory_space<vmem_shared>> -> memref<10240x128xf32, #tpu.memory_space<vmem_shared>>
          tpu.wait_indirect_dma semaphore(%run_scoped3A_200 : memref<!tpu.dma_semaphore, #tpu.memory_space<semaphore_mem>>) src(%arg10 : memref<128x128xf32, #tpu.memory_space<vmem>>) dst(%dma_wait3A_212 : memref<10240x128xf32, #tpu.memory_space<vmem_shared>>)
          tpu.yield
        }) : () -> ()
      }
      %scan3A_107 = arith.constant 15 : i32
      %dma_start3A_108 = arith.constant 31 : i32
      %dma_start3A_109 = arith.constant 0 : i32
      %dma_start3A_110 = tpu.memref_slice %arg7[%dma_start3A_108, %dma_start3A_109] : memref<32x128xi32, #tpu.memory_space<vmem>> -> memref<1x128xi32, #tpu.memory_space<vmem>>
      %dma_start3A_111 = tpu.memref_squeeze %dma_start3A_110 : memref<1x128xi32, #tpu.memory_space<vmem>> -> memref<128xi32, #tpu.memory_space<vmem>>
      %dma_start3A_112 = arith.constant 0 : i32
      %dma_start3A_113 = arith.constant 0 : i32
      %dma_start3A_114 = tpu.memref_slice %arg2[%dma_start3A_112, %dma_start3A_113] : memref<10000x128xf32, #tpu.memory_space<hbm>> -> memref<10000x128xf32, #tpu.memory_space<hbm>>
      tpu.enqueue_indirect_dma source(%dma_start3A_114 : memref<10000x128xf32, #tpu.memory_space<hbm>>) target(%arg10 : memref<128x128xf32, #tpu.memory_space<vmem>>) offsets(%dma_start3A_111 : memref<128xi32, #tpu.memory_space<vmem>>) semaphore(%arg13 : memref<!tpu.dma_semaphore, #tpu.memory_space<semaphore_mem>>)
      %dma_wait3A_115 = arith.constant 30 : i32
      %dma_wait3A_116 = arith.constant 0 : i32
      %dma_wait3A_117 = tpu.memref_slice %arg7[%dma_wait3A_115, %dma_wait3A_116] : memref<32x128xi32, #tpu.memory_space<vmem>> -> memref<1x128xi32, #tpu.memory_space<vmem>>
      %dma_wait3A_118 = tpu.memref_squeeze %dma_wait3A_117 : memref<1x128xi32, #tpu.memory_space<vmem>> -> memref<128xi32, #tpu.memory_space<vmem>>
      %dma_wait3A_119 = arith.constant 0 : i32
      %dma_wait3A_120 = arith.constant 0 : i32
      %dma_wait3A_121 = tpu.memref_slice %arg2[%dma_wait3A_119, %dma_wait3A_120] : memref<10000x128xf32, #tpu.memory_space<hbm>> -> memref<10000x128xf32, #tpu.memory_space<hbm>>
      tpu.wait_indirect_dma semaphore(%arg12 : memref<!tpu.dma_semaphore, #tpu.memory_space<semaphore_mem>>) src(%dma_wait3A_121 : memref<10000x128xf32, #tpu.memory_space<hbm>>) dst(%arg9 : memref<128x128xf32, #tpu.memory_space<vmem>>)
      %run_scoped3A_122 = arith.constant 30 : i32
      "tpu.region"() ({
        %run_scoped3A_169 = tpu.sem_alloc : memref<!tpu.dma_semaphore, #tpu.memory_space<semaphore_mem>>
        %dma_start3A_170 = arith.constant 0 : i32
        %dma_start3A_171 = tpu.memref_slice %arg8[%run_scoped3A_122, %dma_start3A_170] : memref<32x128xi32, #tpu.memory_space<vmem>> -> memref<1x128xi32, #tpu.memory_space<vmem>>
        %dma_start3A_172 = tpu.memref_squeeze %dma_start3A_171 : memref<1x128xi32, #tpu.memory_space<vmem>> -> memref<128xi32, #tpu.memory_space<vmem>>
        %dma_start3A_173 = arith.constant 0 : i32
        %dma_start3A_174 = arith.constant 0 : i32
        %dma_start3A_175 = tpu.memref_slice %arg11[%dma_start3A_173, %dma_start3A_174] : memref<10240x128xf32, #tpu.memory_space<vmem_shared>> -> memref<10240x128xf32, #tpu.memory_space<vmem_shared>>
        tpu.enqueue_indirect_dma source(%arg9 : memref<128x128xf32, #tpu.memory_space<vmem>>) target(%dma_start3A_175 : memref<10240x128xf32, #tpu.memory_space<vmem_shared>>) offsets(%dma_start3A_172 : memref<128xi32, #tpu.memory_space<vmem>>) semaphore(%run_scoped3A_169 : memref<!tpu.dma_semaphore, #tpu.memory_space<semaphore_mem>>) {add = true}
        %dma_wait3A_176 = arith.constant 0 : i32
        %dma_wait3A_177 = tpu.memref_slice %arg8[%run_scoped3A_122, %dma_wait3A_176] : memref<32x128xi32, #tpu.memory_space<vmem>> -> memref<1x128xi32, #tpu.memory_space<vmem>>
        %dma_wait3A_178 = tpu.memref_squeeze %dma_wait3A_177 : memref<1x128xi32, #tpu.memory_space<vmem>> -> memref<128xi32, #tpu.memory_space<vmem>>
        %dma_wait3A_179 = arith.constant 0 : i32
        %dma_wait3A_180 = arith.constant 0 : i32
        %dma_wait3A_181 = tpu.memref_slice %arg11[%dma_wait3A_179, %dma_wait3A_180] : memref<10240x128xf32, #tpu.memory_space<vmem_shared>> -> memref<10240x128xf32, #tpu.memory_space<vmem_shared>>
        tpu.wait_indirect_dma semaphore(%run_scoped3A_169 : memref<!tpu.dma_semaphore, #tpu.memory_space<semaphore_mem>>) src(%arg9 : memref<128x128xf32, #tpu.memory_space<vmem>>) dst(%dma_wait3A_181 : memref<10240x128xf32, #tpu.memory_space<vmem_shared>>)
        tpu.yield
      }) : () -> ()
      %dma_wait3A_123 = arith.constant 31 : i32
      %dma_wait3A_124 = arith.constant 0 : i32
      %dma_wait3A_125 = tpu.memref_slice %arg7[%dma_wait3A_123, %dma_wait3A_124] : memref<32x128xi32, #tpu.memory_space<vmem>> -> memref<1x128xi32, #tpu.memory_space<vmem>>
      %dma_wait3A_126 = tpu.memref_squeeze %dma_wait3A_125 : memref<1x128xi32, #tpu.memory_space<vmem>> -> memref<128xi32, #tpu.memory_space<vmem>>
      %dma_wait3A_127 = arith.constant 0 : i32
      %dma_wait3A_128 = arith.constant 0 : i32
      %dma_wait3A_129 = tpu.memref_slice %arg2[%dma_wait3A_127, %dma_wait3A_128] : memref<10000x128xf32, #tpu.memory_space<hbm>> -> memref<10000x128xf32, #tpu.memory_space<hbm>>
      tpu.wait_indirect_dma semaphore(%arg13 : memref<!tpu.dma_semaphore, #tpu.memory_space<semaphore_mem>>) src(%dma_wait3A_129 : memref<10000x128xf32, #tpu.memory_space<hbm>>) dst(%arg10 : memref<128x128xf32, #tpu.memory_space<vmem>>)
      %run_scoped3A_130 = arith.constant 31 : i32
      "tpu.region"() ({
        %run_scoped3A_169 = tpu.sem_alloc : memref<!tpu.dma_semaphore, #tpu.memory_space<semaphore_mem>>
        %dma_start3A_170 = arith.constant 0 : i32
        %dma_start3A_171 = tpu.memref_slice %arg8[%run_scoped3A_130, %dma_start3A_170] : memref<32x128xi32, #tpu.memory_space<vmem>> -> memref<1x128xi32, #tpu.memory_space<vmem>>
        %dma_start3A_172 = tpu.memref_squeeze %dma_start3A_171 : memref<1x128xi32, #tpu.memory_space<vmem>> -> memref<128xi32, #tpu.memory_space<vmem>>
        %dma_start3A_173 = arith.constant 0 : i32
        %dma_start3A_174 = arith.constant 0 : i32
        %dma_start3A_175 = tpu.memref_slice %arg11[%dma_start3A_173, %dma_start3A_174] : memref<10240x128xf32, #tpu.memory_space<vmem_shared>> -> memref<10240x128xf32, #tpu.memory_space<vmem_shared>>
        tpu.enqueue_indirect_dma source(%arg10 : memref<128x128xf32, #tpu.memory_space<vmem>>) target(%dma_start3A_175 : memref<10240x128xf32, #tpu.memory_space<vmem_shared>>) offsets(%dma_start3A_172 : memref<128xi32, #tpu.memory_space<vmem>>) semaphore(%run_scoped3A_169 : memref<!tpu.dma_semaphore, #tpu.memory_space<semaphore_mem>>) {add = true}
        %dma_wait3A_176 = arith.constant 0 : i32
        %dma_wait3A_177 = tpu.memref_slice %arg8[%run_scoped3A_130, %dma_wait3A_176] : memref<32x128xi32, #tpu.memory_space<vmem>> -> memref<1x128xi32, #tpu.memory_space<vmem>>
        %dma_wait3A_178 = tpu.memref_squeeze %dma_wait3A_177 : memref<1x128xi32, #tpu.memory_space<vmem>> -> memref<128xi32, #tpu.memory_space<vmem>>
        %dma_wait3A_179 = arith.constant 0 : i32
        %dma_wait3A_180 = arith.constant 0 : i32
        %dma_wait3A_181 = tpu.memref_slice %arg11[%dma_wait3A_179, %dma_wait3A_180] : memref<10240x128xf32, #tpu.memory_space<vmem_shared>> -> memref<10240x128xf32, #tpu.memory_space<vmem_shared>>
        tpu.wait_indirect_dma semaphore(%run_scoped3A_169 : memref<!tpu.dma_semaphore, #tpu.memory_space<semaphore_mem>>) src(%arg10 : memref<128x128xf32, #tpu.memory_space<vmem>>) dst(%dma_wait3A_181 : memref<10240x128xf32, #tpu.memory_space<vmem_shared>>)
        tpu.yield
      }) : () -> ()
      %add3A_131 = arith.constant 96 : i32
      %add3A_132 = arith.addi %mul3A_21, %add3A_131 : i32
      "tpu.region"() ({
        %run_scoped3A_169 = tpu.sem_alloc : memref<!tpu.dma_semaphore, #tpu.memory_space<semaphore_mem>>
        %dma_start3A_170 = arith.constant 0 : i32
        %dma_start3A_171 = tpu.memref_slice %arg3[%add3A_132, %dma_start3A_170] : memref<2560x128xi32, #tpu.memory_space<hbm>> -> memref<32x128xi32, #tpu.memory_space<hbm>>
        %dma_start3A_172 = arith.constant 0 : i32
        %dma_start3A_173 = tpu.memref_slice %arg3[%add3A_132, %dma_start3A_172] : memref<2560x128xi32, #tpu.memory_space<hbm>> -> memref<32x128xi32, #tpu.memory_space<hbm>>
        tpu.enqueue_dma source(%dma_start3A_173 : memref<32x128xi32, #tpu.memory_space<hbm>>) target(%arg7 : memref<32x128xi32, #tpu.memory_space<vmem>>) target_semaphore(%run_scoped3A_169 : memref<!tpu.dma_semaphore, #tpu.memory_space<semaphore_mem>>)
        %dma_wait3A_174 = arith.constant 0 : i32
        %dma_wait3A_175 = tpu.memref_slice %arg3[%add3A_132, %dma_wait3A_174] : memref<2560x128xi32, #tpu.memory_space<hbm>> -> memref<32x128xi32, #tpu.memory_space<hbm>>
        %dma_wait3A_176 = arith.constant 0 : i32
        %dma_wait3A_177 = tpu.memref_slice %arg3[%add3A_132, %dma_wait3A_176] : memref<2560x128xi32, #tpu.memory_space<hbm>> -> memref<32x128xi32, #tpu.memory_space<hbm>>
        tpu.wait_dma2 semaphore(%run_scoped3A_169 : memref<!tpu.dma_semaphore, #tpu.memory_space<semaphore_mem>>) src(%dma_wait3A_177 : memref<32x128xi32, #tpu.memory_space<hbm>>) dst(%arg7 : memref<32x128xi32, #tpu.memory_space<vmem>>)
        tpu.yield
      }) : () -> ()
      "tpu.region"() ({
        %run_scoped3A_169 = tpu.sem_alloc : memref<!tpu.dma_semaphore, #tpu.memory_space<semaphore_mem>>
        %dma_start3A_170 = arith.constant 0 : i32
        %dma_start3A_171 = tpu.memref_slice %arg4[%add3A_132, %dma_start3A_170] : memref<2560x128xi32, #tpu.memory_space<hbm>> -> memref<32x128xi32, #tpu.memory_space<hbm>>
        %dma_start3A_172 = arith.constant 0 : i32
        %dma_start3A_173 = tpu.memref_slice %arg4[%add3A_132, %dma_start3A_172] : memref<2560x128xi32, #tpu.memory_space<hbm>> -> memref<32x128xi32, #tpu.memory_space<hbm>>
        tpu.enqueue_dma source(%dma_start3A_173 : memref<32x128xi32, #tpu.memory_space<hbm>>) target(%arg8 : memref<32x128xi32, #tpu.memory_space<vmem>>) target_semaphore(%run_scoped3A_169 : memref<!tpu.dma_semaphore, #tpu.memory_space<semaphore_mem>>)
        %dma_wait3A_174 = arith.constant 0 : i32
        %dma_wait3A_175 = tpu.memref_slice %arg4[%add3A_132, %dma_wait3A_174] : memref<2560x128xi32, #tpu.memory_space<hbm>> -> memref<32x128xi32, #tpu.memory_space<hbm>>
        %dma_wait3A_176 = arith.constant 0 : i32
        %dma_wait3A_177 = tpu.memref_slice %arg4[%add3A_132, %dma_wait3A_176] : memref<2560x128xi32, #tpu.memory_space<hbm>> -> memref<32x128xi32, #tpu.memory_space<hbm>>
        tpu.wait_dma2 semaphore(%run_scoped3A_169 : memref<!tpu.dma_semaphore, #tpu.memory_space<semaphore_mem>>) src(%dma_wait3A_177 : memref<32x128xi32, #tpu.memory_space<hbm>>) dst(%arg8 : memref<32x128xi32, #tpu.memory_space<vmem>>)
        tpu.yield
      }) : () -> ()
      %dma_start3A_133 = arith.constant 0 : i32
      %dma_start3A_134 = arith.constant 0 : i32
      %dma_start3A_135 = tpu.memref_slice %arg7[%dma_start3A_133, %dma_start3A_134] : memref<32x128xi32, #tpu.memory_space<vmem>> -> memref<1x128xi32, #tpu.memory_space<vmem>>
      %dma_start3A_136 = tpu.memref_squeeze %dma_start3A_135 : memref<1x128xi32, #tpu.memory_space<vmem>> -> memref<128xi32, #tpu.memory_space<vmem>>
      %dma_start3A_137 = arith.constant 0 : i32
      %dma_start3A_138 = arith.constant 0 : i32
      %dma_start3A_139 = tpu.memref_slice %arg2[%dma_start3A_137, %dma_start3A_138] : memref<10000x128xf32, #tpu.memory_space<hbm>> -> memref<10000x128xf32, #tpu.memory_space<hbm>>
      tpu.enqueue_indirect_dma source(%dma_start3A_139 : memref<10000x128xf32, #tpu.memory_space<hbm>>) target(%arg9 : memref<128x128xf32, #tpu.memory_space<vmem>>) offsets(%dma_start3A_136 : memref<128xi32, #tpu.memory_space<vmem>>) semaphore(%arg12 : memref<!tpu.dma_semaphore, #tpu.memory_space<semaphore_mem>>)
      %scan3A_140 = arith.constant 0 : i32
      %scan3A_141 = arith.constant 0 : i32
      %scan3A_142 = arith.constant 15 : i32
      %scan3A_143 = arith.addi %scan3A_141, %scan3A_142 : i32
      %scan3A_144 = arith.constant 1 : i32
      scf.for %scan3A_169 = %scan3A_141 to %scan3A_143 step %scan3A_144  : i32 {
        %mul3A_170 = arith.constant 2 : i32
        %mul3A_171 = arith.muli %scan3A_169, %mul3A_170 : i32
        %add3A_172 = arith.constant 1 : i32
        %add3A_173 = arith.addi %mul3A_171, %add3A_172 : i32
        %dma_start3A_174 = arith.constant 0 : i32
        %dma_start3A_175 = tpu.memref_slice %arg7[%add3A_173, %dma_start3A_174] : memref<32x128xi32, #tpu.memory_space<vmem>> -> memref<1x128xi32, #tpu.memory_space<vmem>>
        %dma_start3A_176 = tpu.memref_squeeze %dma_start3A_175 : memref<1x128xi32, #tpu.memory_space<vmem>> -> memref<128xi32, #tpu.memory_space<vmem>>
        %dma_start3A_177 = arith.constant 0 : i32
        %dma_start3A_178 = arith.constant 0 : i32
        %dma_start3A_179 = tpu.memref_slice %arg2[%dma_start3A_177, %dma_start3A_178] : memref<10000x128xf32, #tpu.memory_space<hbm>> -> memref<10000x128xf32, #tpu.memory_space<hbm>>
        tpu.enqueue_indirect_dma source(%dma_start3A_179 : memref<10000x128xf32, #tpu.memory_space<hbm>>) target(%arg10 : memref<128x128xf32, #tpu.memory_space<vmem>>) offsets(%dma_start3A_176 : memref<128xi32, #tpu.memory_space<vmem>>) semaphore(%arg13 : memref<!tpu.dma_semaphore, #tpu.memory_space<semaphore_mem>>)
        %dma_wait3A_180 = arith.constant 0 : i32
        %dma_wait3A_181 = tpu.memref_slice %arg7[%mul3A_171, %dma_wait3A_180] : memref<32x128xi32, #tpu.memory_space<vmem>> -> memref<1x128xi32, #tpu.memory_space<vmem>>
        %dma_wait3A_182 = tpu.memref_squeeze %dma_wait3A_181 : memref<1x128xi32, #tpu.memory_space<vmem>> -> memref<128xi32, #tpu.memory_space<vmem>>
        %dma_wait3A_183 = arith.constant 0 : i32
        %dma_wait3A_184 = arith.constant 0 : i32
        %dma_wait3A_185 = tpu.memref_slice %arg2[%dma_wait3A_183, %dma_wait3A_184] : memref<10000x128xf32, #tpu.memory_space<hbm>> -> memref<10000x128xf32, #tpu.memory_space<hbm>>
        tpu.wait_indirect_dma semaphore(%arg12 : memref<!tpu.dma_semaphore, #tpu.memory_space<semaphore_mem>>) src(%dma_wait3A_185 : memref<10000x128xf32, #tpu.memory_space<hbm>>) dst(%arg9 : memref<128x128xf32, #tpu.memory_space<vmem>>)
        "tpu.region"() ({
          %run_scoped3A_200 = tpu.sem_alloc : memref<!tpu.dma_semaphore, #tpu.memory_space<semaphore_mem>>
          %dma_start3A_201 = arith.constant 0 : i32
          %dma_start3A_202 = tpu.memref_slice %arg8[%mul3A_171, %dma_start3A_201] : memref<32x128xi32, #tpu.memory_space<vmem>> -> memref<1x128xi32, #tpu.memory_space<vmem>>
          %dma_start3A_203 = tpu.memref_squeeze %dma_start3A_202 : memref<1x128xi32, #tpu.memory_space<vmem>> -> memref<128xi32, #tpu.memory_space<vmem>>
          %dma_start3A_204 = arith.constant 0 : i32
          %dma_start3A_205 = arith.constant 0 : i32
          %dma_start3A_206 = tpu.memref_slice %arg11[%dma_start3A_204, %dma_start3A_205] : memref<10240x128xf32, #tpu.memory_space<vmem_shared>> -> memref<10240x128xf32, #tpu.memory_space<vmem_shared>>
          tpu.enqueue_indirect_dma source(%arg9 : memref<128x128xf32, #tpu.memory_space<vmem>>) target(%dma_start3A_206 : memref<10240x128xf32, #tpu.memory_space<vmem_shared>>) offsets(%dma_start3A_203 : memref<128xi32, #tpu.memory_space<vmem>>) semaphore(%run_scoped3A_200 : memref<!tpu.dma_semaphore, #tpu.memory_space<semaphore_mem>>) {add = true}
          %dma_wait3A_207 = arith.constant 0 : i32
          %dma_wait3A_208 = tpu.memref_slice %arg8[%mul3A_171, %dma_wait3A_207] : memref<32x128xi32, #tpu.memory_space<vmem>> -> memref<1x128xi32, #tpu.memory_space<vmem>>
          %dma_wait3A_209 = tpu.memref_squeeze %dma_wait3A_208 : memref<1x128xi32, #tpu.memory_space<vmem>> -> memref<128xi32, #tpu.memory_space<vmem>>
          %dma_wait3A_210 = arith.constant 0 : i32
          %dma_wait3A_211 = arith.constant 0 : i32
          %dma_wait3A_212 = tpu.memref_slice %arg11[%dma_wait3A_210, %dma_wait3A_211] : memref<10240x128xf32, #tpu.memory_space<vmem_shared>> -> memref<10240x128xf32, #tpu.memory_space<vmem_shared>>
          tpu.wait_indirect_dma semaphore(%run_scoped3A_200 : memref<!tpu.dma_semaphore, #tpu.memory_space<semaphore_mem>>) src(%arg9 : memref<128x128xf32, #tpu.memory_space<vmem>>) dst(%dma_wait3A_212 : memref<10240x128xf32, #tpu.memory_space<vmem_shared>>)
          tpu.yield
        }) : () -> ()
        %add3A_186 = arith.constant 2 : i32
        %add3A_187 = arith.addi %mul3A_171, %add3A_186 : i32
        %dma_start3A_188 = arith.constant 0 : i32
        %dma_start3A_189 = tpu.memref_slice %arg7[%add3A_187, %dma_start3A_188] : memref<32x128xi32, #tpu.memory_space<vmem>> -> memref<1x128xi32, #tpu.memory_space<vmem>>
        %dma_start3A_190 = tpu.memref_squeeze %dma_start3A_189 : memref<1x128xi32, #tpu.memory_space<vmem>> -> memref<128xi32, #tpu.memory_space<vmem>>
        %dma_start3A_191 = arith.constant 0 : i32
        %dma_start3A_192 = arith.constant 0 : i32
        %dma_start3A_193 = tpu.memref_slice %arg2[%dma_start3A_191, %dma_start3A_192] : memref<10000x128xf32, #tpu.memory_space<hbm>> -> memref<10000x128xf32, #tpu.memory_space<hbm>>
        tpu.enqueue_indirect_dma source(%dma_start3A_193 : memref<10000x128xf32, #tpu.memory_space<hbm>>) target(%arg9 : memref<128x128xf32, #tpu.memory_space<vmem>>) offsets(%dma_start3A_190 : memref<128xi32, #tpu.memory_space<vmem>>) semaphore(%arg12 : memref<!tpu.dma_semaphore, #tpu.memory_space<semaphore_mem>>)
        %dma_wait3A_194 = arith.constant 0 : i32
        %dma_wait3A_195 = tpu.memref_slice %arg7[%add3A_173, %dma_wait3A_194] : memref<32x128xi32, #tpu.memory_space<vmem>> -> memref<1x128xi32, #tpu.memory_space<vmem>>
        %dma_wait3A_196 = tpu.memref_squeeze %dma_wait3A_195 : memref<1x128xi32, #tpu.memory_space<vmem>> -> memref<128xi32, #tpu.memory_space<vmem>>
        %dma_wait3A_197 = arith.constant 0 : i32
        %dma_wait3A_198 = arith.constant 0 : i32
        %dma_wait3A_199 = tpu.memref_slice %arg2[%dma_wait3A_197, %dma_wait3A_198] : memref<10000x128xf32, #tpu.memory_space<hbm>> -> memref<10000x128xf32, #tpu.memory_space<hbm>>
        tpu.wait_indirect_dma semaphore(%arg13 : memref<!tpu.dma_semaphore, #tpu.memory_space<semaphore_mem>>) src(%dma_wait3A_199 : memref<10000x128xf32, #tpu.memory_space<hbm>>) dst(%arg10 : memref<128x128xf32, #tpu.memory_space<vmem>>)
        "tpu.region"() ({
          %run_scoped3A_200 = tpu.sem_alloc : memref<!tpu.dma_semaphore, #tpu.memory_space<semaphore_mem>>
          %dma_start3A_201 = arith.constant 0 : i32
          %dma_start3A_202 = tpu.memref_slice %arg8[%add3A_173, %dma_start3A_201] : memref<32x128xi32, #tpu.memory_space<vmem>> -> memref<1x128xi32, #tpu.memory_space<vmem>>
          %dma_start3A_203 = tpu.memref_squeeze %dma_start3A_202 : memref<1x128xi32, #tpu.memory_space<vmem>> -> memref<128xi32, #tpu.memory_space<vmem>>
          %dma_start3A_204 = arith.constant 0 : i32
          %dma_start3A_205 = arith.constant 0 : i32
          %dma_start3A_206 = tpu.memref_slice %arg11[%dma_start3A_204, %dma_start3A_205] : memref<10240x128xf32, #tpu.memory_space<vmem_shared>> -> memref<10240x128xf32, #tpu.memory_space<vmem_shared>>
          tpu.enqueue_indirect_dma source(%arg10 : memref<128x128xf32, #tpu.memory_space<vmem>>) target(%dma_start3A_206 : memref<10240x128xf32, #tpu.memory_space<vmem_shared>>) offsets(%dma_start3A_203 : memref<128xi32, #tpu.memory_space<vmem>>) semaphore(%run_scoped3A_200 : memref<!tpu.dma_semaphore, #tpu.memory_space<semaphore_mem>>) {add = true}
          %dma_wait3A_207 = arith.constant 0 : i32
          %dma_wait3A_208 = tpu.memref_slice %arg8[%add3A_173, %dma_wait3A_207] : memref<32x128xi32, #tpu.memory_space<vmem>> -> memref<1x128xi32, #tpu.memory_space<vmem>>
          %dma_wait3A_209 = tpu.memref_squeeze %dma_wait3A_208 : memref<1x128xi32, #tpu.memory_space<vmem>> -> memref<128xi32, #tpu.memory_space<vmem>>
          %dma_wait3A_210 = arith.constant 0 : i32
          %dma_wait3A_211 = arith.constant 0 : i32
          %dma_wait3A_212 = tpu.memref_slice %arg11[%dma_wait3A_210, %dma_wait3A_211] : memref<10240x128xf32, #tpu.memory_space<vmem_shared>> -> memref<10240x128xf32, #tpu.memory_space<vmem_shared>>
          tpu.wait_indirect_dma semaphore(%run_scoped3A_200 : memref<!tpu.dma_semaphore, #tpu.memory_space<semaphore_mem>>) src(%arg10 : memref<128x128xf32, #tpu.memory_space<vmem>>) dst(%dma_wait3A_212 : memref<10240x128xf32, #tpu.memory_space<vmem_shared>>)
          tpu.yield
        }) : () -> ()
      }
      %scan3A_145 = arith.constant 15 : i32
      %dma_start3A_146 = arith.constant 31 : i32
      %dma_start3A_147 = arith.constant 0 : i32
      %dma_start3A_148 = tpu.memref_slice %arg7[%dma_start3A_146, %dma_start3A_147] : memref<32x128xi32, #tpu.memory_space<vmem>> -> memref<1x128xi32, #tpu.memory_space<vmem>>
      %dma_start3A_149 = tpu.memref_squeeze %dma_start3A_148 : memref<1x128xi32, #tpu.memory_space<vmem>> -> memref<128xi32, #tpu.memory_space<vmem>>
      %dma_start3A_150 = arith.constant 0 : i32
      %dma_start3A_151 = arith.constant 0 : i32
      %dma_start3A_152 = tpu.memref_slice %arg2[%dma_start3A_150, %dma_start3A_151] : memref<10000x128xf32, #tpu.memory_space<hbm>> -> memref<10000x128xf32, #tpu.memory_space<hbm>>
      tpu.enqueue_indirect_dma source(%dma_start3A_152 : memref<10000x128xf32, #tpu.memory_space<hbm>>) target(%arg10 : memref<128x128xf32, #tpu.memory_space<vmem>>) offsets(%dma_start3A_149 : memref<128xi32, #tpu.memory_space<vmem>>) semaphore(%arg13 : memref<!tpu.dma_semaphore, #tpu.memory_space<semaphore_mem>>)
      %dma_wait3A_153 = arith.constant 30 : i32
      %dma_wait3A_154 = arith.constant 0 : i32
      %dma_wait3A_155 = tpu.memref_slice %arg7[%dma_wait3A_153, %dma_wait3A_154] : memref<32x128xi32, #tpu.memory_space<vmem>> -> memref<1x128xi32, #tpu.memory_space<vmem>>
      %dma_wait3A_156 = tpu.memref_squeeze %dma_wait3A_155 : memref<1x128xi32, #tpu.memory_space<vmem>> -> memref<128xi32, #tpu.memory_space<vmem>>
      %dma_wait3A_157 = arith.constant 0 : i32
      %dma_wait3A_158 = arith.constant 0 : i32
      %dma_wait3A_159 = tpu.memref_slice %arg2[%dma_wait3A_157, %dma_wait3A_158] : memref<10000x128xf32, #tpu.memory_space<hbm>> -> memref<10000x128xf32, #tpu.memory_space<hbm>>
      tpu.wait_indirect_dma semaphore(%arg12 : memref<!tpu.dma_semaphore, #tpu.memory_space<semaphore_mem>>) src(%dma_wait3A_159 : memref<10000x128xf32, #tpu.memory_space<hbm>>) dst(%arg9 : memref<128x128xf32, #tpu.memory_space<vmem>>)
      %run_scoped3A_160 = arith.constant 30 : i32
      "tpu.region"() ({
        %run_scoped3A_169 = tpu.sem_alloc : memref<!tpu.dma_semaphore, #tpu.memory_space<semaphore_mem>>
        %dma_start3A_170 = arith.constant 0 : i32
        %dma_start3A_171 = tpu.memref_slice %arg8[%run_scoped3A_160, %dma_start3A_170] : memref<32x128xi32, #tpu.memory_space<vmem>> -> memref<1x128xi32, #tpu.memory_space<vmem>>
        %dma_start3A_172 = tpu.memref_squeeze %dma_start3A_171 : memref<1x128xi32, #tpu.memory_space<vmem>> -> memref<128xi32, #tpu.memory_space<vmem>>
        %dma_start3A_173 = arith.constant 0 : i32
        %dma_start3A_174 = arith.constant 0 : i32
        %dma_start3A_175 = tpu.memref_slice %arg11[%dma_start3A_173, %dma_start3A_174] : memref<10240x128xf32, #tpu.memory_space<vmem_shared>> -> memref<10240x128xf32, #tpu.memory_space<vmem_shared>>
        tpu.enqueue_indirect_dma source(%arg9 : memref<128x128xf32, #tpu.memory_space<vmem>>) target(%dma_start3A_175 : memref<10240x128xf32, #tpu.memory_space<vmem_shared>>) offsets(%dma_start3A_172 : memref<128xi32, #tpu.memory_space<vmem>>) semaphore(%run_scoped3A_169 : memref<!tpu.dma_semaphore, #tpu.memory_space<semaphore_mem>>) {add = true}
        %dma_wait3A_176 = arith.constant 0 : i32
        %dma_wait3A_177 = tpu.memref_slice %arg8[%run_scoped3A_160, %dma_wait3A_176] : memref<32x128xi32, #tpu.memory_space<vmem>> -> memref<1x128xi32, #tpu.memory_space<vmem>>
        %dma_wait3A_178 = tpu.memref_squeeze %dma_wait3A_177 : memref<1x128xi32, #tpu.memory_space<vmem>> -> memref<128xi32, #tpu.memory_space<vmem>>
        %dma_wait3A_179 = arith.constant 0 : i32
        %dma_wait3A_180 = arith.constant 0 : i32
        %dma_wait3A_181 = tpu.memref_slice %arg11[%dma_wait3A_179, %dma_wait3A_180] : memref<10240x128xf32, #tpu.memory_space<vmem_shared>> -> memref<10240x128xf32, #tpu.memory_space<vmem_shared>>
        tpu.wait_indirect_dma semaphore(%run_scoped3A_169 : memref<!tpu.dma_semaphore, #tpu.memory_space<semaphore_mem>>) src(%arg9 : memref<128x128xf32, #tpu.memory_space<vmem>>) dst(%dma_wait3A_181 : memref<10240x128xf32, #tpu.memory_space<vmem_shared>>)
        tpu.yield
      }) : () -> ()
      %dma_wait3A_161 = arith.constant 31 : i32
      %dma_wait3A_162 = arith.constant 0 : i32
      %dma_wait3A_163 = tpu.memref_slice %arg7[%dma_wait3A_161, %dma_wait3A_162] : memref<32x128xi32, #tpu.memory_space<vmem>> -> memref<1x128xi32, #tpu.memory_space<vmem>>
      %dma_wait3A_164 = tpu.memref_squeeze %dma_wait3A_163 : memref<1x128xi32, #tpu.memory_space<vmem>> -> memref<128xi32, #tpu.memory_space<vmem>>
      %dma_wait3A_165 = arith.constant 0 : i32
      %dma_wait3A_166 = arith.constant 0 : i32
      %dma_wait3A_167 = tpu.memref_slice %arg2[%dma_wait3A_165, %dma_wait3A_166] : memref<10000x128xf32, #tpu.memory_space<hbm>> -> memref<10000x128xf32, #tpu.memory_space<hbm>>
      tpu.wait_indirect_dma semaphore(%arg13 : memref<!tpu.dma_semaphore, #tpu.memory_space<semaphore_mem>>) src(%dma_wait3A_167 : memref<10000x128xf32, #tpu.memory_space<hbm>>) dst(%arg10 : memref<128x128xf32, #tpu.memory_space<vmem>>)
      %run_scoped3A_168 = arith.constant 31 : i32
      "tpu.region"() ({
        %run_scoped3A_169 = tpu.sem_alloc : memref<!tpu.dma_semaphore, #tpu.memory_space<semaphore_mem>>
        %dma_start3A_170 = arith.constant 0 : i32
        %dma_start3A_171 = tpu.memref_slice %arg8[%run_scoped3A_168, %dma_start3A_170] : memref<32x128xi32, #tpu.memory_space<vmem>> -> memref<1x128xi32, #tpu.memory_space<vmem>>
        %dma_start3A_172 = tpu.memref_squeeze %dma_start3A_171 : memref<1x128xi32, #tpu.memory_space<vmem>> -> memref<128xi32, #tpu.memory_space<vmem>>
        %dma_start3A_173 = arith.constant 0 : i32
        %dma_start3A_174 = arith.constant 0 : i32
        %dma_start3A_175 = tpu.memref_slice %arg11[%dma_start3A_173, %dma_start3A_174] : memref<10240x128xf32, #tpu.memory_space<vmem_shared>> -> memref<10240x128xf32, #tpu.memory_space<vmem_shared>>
        tpu.enqueue_indirect_dma source(%arg10 : memref<128x128xf32, #tpu.memory_space<vmem>>) target(%dma_start3A_175 : memref<10240x128xf32, #tpu.memory_space<vmem_shared>>) offsets(%dma_start3A_172 : memref<128xi32, #tpu.memory_space<vmem>>) semaphore(%run_scoped3A_169 : memref<!tpu.dma_semaphore, #tpu.memory_space<semaphore_mem>>) {add = true}
        %dma_wait3A_176 = arith.constant 0 : i32
        %dma_wait3A_177 = tpu.memref_slice %arg8[%run_scoped3A_168, %dma_wait3A_176] : memref<32x128xi32, #tpu.memory_space<vmem>> -> memref<1x128xi32, #tpu.memory_space<vmem>>
        %dma_wait3A_178 = tpu.memref_squeeze %dma_wait3A_177 : memref<1x128xi32, #tpu.memory_space<vmem>> -> memref<128xi32, #tpu.memory_space<vmem>>
        %dma_wait3A_179 = arith.constant 0 : i32
        %dma_wait3A_180 = arith.constant 0 : i32
        %dma_wait3A_181 = tpu.memref_slice %arg11[%dma_wait3A_179, %dma_wait3A_180] : memref<10240x128xf32, #tpu.memory_space<vmem_shared>> -> memref<10240x128xf32, #tpu.memory_space<vmem_shared>>
        tpu.wait_indirect_dma semaphore(%run_scoped3A_169 : memref<!tpu.dma_semaphore, #tpu.memory_space<semaphore_mem>>) src(%arg10 : memref<128x128xf32, #tpu.memory_space<vmem>>) dst(%dma_wait3A_181 : memref<10240x128xf32, #tpu.memory_space<vmem_shared>>)
        tpu.yield
      }) : () -> ()
    } else {
    }
    %eq3A_5 = arith.constant 1 : i32
    %eq3A_6 = arith.cmpi eq, %arg0, %eq3A_5 : i32
    %convert_element_type3A_7 = arith.extui %eq3A_6 : i1 to i32
    %cond3A_8 = arith.constant 0 : i32
    %cond3A_9 = arith.cmpi ne, %convert_element_type3A_7, %cond3A_8 : i32
    scf.if %cond3A_9 {
      %mul3A_20 = arith.constant 32 : i32
      %mul3A_21 = arith.muli %arg1, %mul3A_20 : i32
      %add3A = arith.constant 2048 : i32
      %add3A_22 = arith.addi %add3A, %mul3A_21 : i32
      %add3A_23 = arith.constant 0 : i32
      %add3A_24 = arith.addi %add3A_22, %add3A_23 : i32
      "tpu.region"() ({
        %run_scoped3A_57 = tpu.sem_alloc : memref<!tpu.dma_semaphore, #tpu.memory_space<semaphore_mem>>
        %dma_start3A_58 = arith.constant 0 : i32
        %dma_start3A_59 = tpu.memref_slice %arg3[%add3A_24, %dma_start3A_58] : memref<2560x128xi32, #tpu.memory_space<hbm>> -> memref<32x128xi32, #tpu.memory_space<hbm>>
        %dma_start3A_60 = arith.constant 0 : i32
        %dma_start3A_61 = tpu.memref_slice %arg3[%add3A_24, %dma_start3A_60] : memref<2560x128xi32, #tpu.memory_space<hbm>> -> memref<32x128xi32, #tpu.memory_space<hbm>>
        tpu.enqueue_dma source(%dma_start3A_61 : memref<32x128xi32, #tpu.memory_space<hbm>>) target(%arg7 : memref<32x128xi32, #tpu.memory_space<vmem>>) target_semaphore(%run_scoped3A_57 : memref<!tpu.dma_semaphore, #tpu.memory_space<semaphore_mem>>)
        %dma_wait3A_62 = arith.constant 0 : i32
        %dma_wait3A_63 = tpu.memref_slice %arg3[%add3A_24, %dma_wait3A_62] : memref<2560x128xi32, #tpu.memory_space<hbm>> -> memref<32x128xi32, #tpu.memory_space<hbm>>
        %dma_wait3A_64 = arith.constant 0 : i32
        %dma_wait3A_65 = tpu.memref_slice %arg3[%add3A_24, %dma_wait3A_64] : memref<2560x128xi32, #tpu.memory_space<hbm>> -> memref<32x128xi32, #tpu.memory_space<hbm>>
        tpu.wait_dma2 semaphore(%run_scoped3A_57 : memref<!tpu.dma_semaphore, #tpu.memory_space<semaphore_mem>>) src(%dma_wait3A_65 : memref<32x128xi32, #tpu.memory_space<hbm>>) dst(%arg7 : memref<32x128xi32, #tpu.memory_space<vmem>>)
        tpu.yield
      }) : () -> ()
      "tpu.region"() ({
        %run_scoped3A_57 = tpu.sem_alloc : memref<!tpu.dma_semaphore, #tpu.memory_space<semaphore_mem>>
        %dma_start3A_58 = arith.constant 0 : i32
        %dma_start3A_59 = tpu.memref_slice %arg4[%add3A_24, %dma_start3A_58] : memref<2560x128xi32, #tpu.memory_space<hbm>> -> memref<32x128xi32, #tpu.memory_space<hbm>>
        %dma_start3A_60 = arith.constant 0 : i32
        %dma_start3A_61 = tpu.memref_slice %arg4[%add3A_24, %dma_start3A_60] : memref<2560x128xi32, #tpu.memory_space<hbm>> -> memref<32x128xi32, #tpu.memory_space<hbm>>
        tpu.enqueue_dma source(%dma_start3A_61 : memref<32x128xi32, #tpu.memory_space<hbm>>) target(%arg8 : memref<32x128xi32, #tpu.memory_space<vmem>>) target_semaphore(%run_scoped3A_57 : memref<!tpu.dma_semaphore, #tpu.memory_space<semaphore_mem>>)
        %dma_wait3A_62 = arith.constant 0 : i32
        %dma_wait3A_63 = tpu.memref_slice %arg4[%add3A_24, %dma_wait3A_62] : memref<2560x128xi32, #tpu.memory_space<hbm>> -> memref<32x128xi32, #tpu.memory_space<hbm>>
        %dma_wait3A_64 = arith.constant 0 : i32
        %dma_wait3A_65 = tpu.memref_slice %arg4[%add3A_24, %dma_wait3A_64] : memref<2560x128xi32, #tpu.memory_space<hbm>> -> memref<32x128xi32, #tpu.memory_space<hbm>>
        tpu.wait_dma2 semaphore(%run_scoped3A_57 : memref<!tpu.dma_semaphore, #tpu.memory_space<semaphore_mem>>) src(%dma_wait3A_65 : memref<32x128xi32, #tpu.memory_space<hbm>>) dst(%arg8 : memref<32x128xi32, #tpu.memory_space<vmem>>)
        tpu.yield
      }) : () -> ()
      %dma_start3A = arith.constant 0 : i32
      %dma_start3A_25 = arith.constant 0 : i32
      %dma_start3A_26 = tpu.memref_slice %arg7[%dma_start3A, %dma_start3A_25] : memref<32x128xi32, #tpu.memory_space<vmem>> -> memref<1x128xi32, #tpu.memory_space<vmem>>
      %dma_start3A_27 = tpu.memref_squeeze %dma_start3A_26 : memref<1x128xi32, #tpu.memory_space<vmem>> -> memref<128xi32, #tpu.memory_space<vmem>>
      %dma_start3A_28 = arith.constant 0 : i32
      %dma_start3A_29 = arith.constant 0 : i32
      %dma_start3A_30 = tpu.memref_slice %arg2[%dma_start3A_28, %dma_start3A_29] : memref<10000x128xf32, #tpu.memory_space<hbm>> -> memref<10000x128xf32, #tpu.memory_space<hbm>>
      tpu.enqueue_indirect_dma source(%dma_start3A_30 : memref<10000x128xf32, #tpu.memory_space<hbm>>) target(%arg9 : memref<128x128xf32, #tpu.memory_space<vmem>>) offsets(%dma_start3A_27 : memref<128xi32, #tpu.memory_space<vmem>>) semaphore(%arg12 : memref<!tpu.dma_semaphore, #tpu.memory_space<semaphore_mem>>)
      %scan3A = arith.constant 0 : i32
      %scan3A_31 = arith.constant 0 : i32
      %scan3A_32 = arith.constant 15 : i32
      %scan3A_33 = arith.addi %scan3A_31, %scan3A_32 : i32
      %scan3A_34 = arith.constant 1 : i32
      scf.for %scan3A_57 = %scan3A_31 to %scan3A_33 step %scan3A_34  : i32 {
        %mul3A_58 = arith.constant 2 : i32
        %mul3A_59 = arith.muli %scan3A_57, %mul3A_58 : i32
        %add3A_60 = arith.constant 1 : i32
        %add3A_61 = arith.addi %mul3A_59, %add3A_60 : i32
        %dma_start3A_62 = arith.constant 0 : i32
        %dma_start3A_63 = tpu.memref_slice %arg7[%add3A_61, %dma_start3A_62] : memref<32x128xi32, #tpu.memory_space<vmem>> -> memref<1x128xi32, #tpu.memory_space<vmem>>
        %dma_start3A_64 = tpu.memref_squeeze %dma_start3A_63 : memref<1x128xi32, #tpu.memory_space<vmem>> -> memref<128xi32, #tpu.memory_space<vmem>>
        %dma_start3A_65 = arith.constant 0 : i32
        %dma_start3A_66 = arith.constant 0 : i32
        %dma_start3A_67 = tpu.memref_slice %arg2[%dma_start3A_65, %dma_start3A_66] : memref<10000x128xf32, #tpu.memory_space<hbm>> -> memref<10000x128xf32, #tpu.memory_space<hbm>>
        tpu.enqueue_indirect_dma source(%dma_start3A_67 : memref<10000x128xf32, #tpu.memory_space<hbm>>) target(%arg10 : memref<128x128xf32, #tpu.memory_space<vmem>>) offsets(%dma_start3A_64 : memref<128xi32, #tpu.memory_space<vmem>>) semaphore(%arg13 : memref<!tpu.dma_semaphore, #tpu.memory_space<semaphore_mem>>)
        %dma_wait3A_68 = arith.constant 0 : i32
        %dma_wait3A_69 = tpu.memref_slice %arg7[%mul3A_59, %dma_wait3A_68] : memref<32x128xi32, #tpu.memory_space<vmem>> -> memref<1x128xi32, #tpu.memory_space<vmem>>
        %dma_wait3A_70 = tpu.memref_squeeze %dma_wait3A_69 : memref<1x128xi32, #tpu.memory_space<vmem>> -> memref<128xi32, #tpu.memory_space<vmem>>
        %dma_wait3A_71 = arith.constant 0 : i32
        %dma_wait3A_72 = arith.constant 0 : i32
        %dma_wait3A_73 = tpu.memref_slice %arg2[%dma_wait3A_71, %dma_wait3A_72] : memref<10000x128xf32, #tpu.memory_space<hbm>> -> memref<10000x128xf32, #tpu.memory_space<hbm>>
        tpu.wait_indirect_dma semaphore(%arg12 : memref<!tpu.dma_semaphore, #tpu.memory_space<semaphore_mem>>) src(%dma_wait3A_73 : memref<10000x128xf32, #tpu.memory_space<hbm>>) dst(%arg9 : memref<128x128xf32, #tpu.memory_space<vmem>>)
        "tpu.region"() ({
          %run_scoped3A_88 = tpu.sem_alloc : memref<!tpu.dma_semaphore, #tpu.memory_space<semaphore_mem>>
          %dma_start3A_89 = arith.constant 0 : i32
          %dma_start3A_90 = tpu.memref_slice %arg8[%mul3A_59, %dma_start3A_89] : memref<32x128xi32, #tpu.memory_space<vmem>> -> memref<1x128xi32, #tpu.memory_space<vmem>>
          %dma_start3A_91 = tpu.memref_squeeze %dma_start3A_90 : memref<1x128xi32, #tpu.memory_space<vmem>> -> memref<128xi32, #tpu.memory_space<vmem>>
          %dma_start3A_92 = arith.constant 0 : i32
          %dma_start3A_93 = arith.constant 0 : i32
          %dma_start3A_94 = tpu.memref_slice %arg11[%dma_start3A_92, %dma_start3A_93] : memref<10240x128xf32, #tpu.memory_space<vmem_shared>> -> memref<10240x128xf32, #tpu.memory_space<vmem_shared>>
          tpu.enqueue_indirect_dma source(%arg9 : memref<128x128xf32, #tpu.memory_space<vmem>>) target(%dma_start3A_94 : memref<10240x128xf32, #tpu.memory_space<vmem_shared>>) offsets(%dma_start3A_91 : memref<128xi32, #tpu.memory_space<vmem>>) semaphore(%run_scoped3A_88 : memref<!tpu.dma_semaphore, #tpu.memory_space<semaphore_mem>>) {add = true}
          %dma_wait3A_95 = arith.constant 0 : i32
          %dma_wait3A_96 = tpu.memref_slice %arg8[%mul3A_59, %dma_wait3A_95] : memref<32x128xi32, #tpu.memory_space<vmem>> -> memref<1x128xi32, #tpu.memory_space<vmem>>
          %dma_wait3A_97 = tpu.memref_squeeze %dma_wait3A_96 : memref<1x128xi32, #tpu.memory_space<vmem>> -> memref<128xi32, #tpu.memory_space<vmem>>
          %dma_wait3A_98 = arith.constant 0 : i32
          %dma_wait3A_99 = arith.constant 0 : i32
          %dma_wait3A_100 = tpu.memref_slice %arg11[%dma_wait3A_98, %dma_wait3A_99] : memref<10240x128xf32, #tpu.memory_space<vmem_shared>> -> memref<10240x128xf32, #tpu.memory_space<vmem_shared>>
          tpu.wait_indirect_dma semaphore(%run_scoped3A_88 : memref<!tpu.dma_semaphore, #tpu.memory_space<semaphore_mem>>) src(%arg9 : memref<128x128xf32, #tpu.memory_space<vmem>>) dst(%dma_wait3A_100 : memref<10240x128xf32, #tpu.memory_space<vmem_shared>>)
          tpu.yield
        }) : () -> ()
        %add3A_74 = arith.constant 2 : i32
        %add3A_75 = arith.addi %mul3A_59, %add3A_74 : i32
        %dma_start3A_76 = arith.constant 0 : i32
        %dma_start3A_77 = tpu.memref_slice %arg7[%add3A_75, %dma_start3A_76] : memref<32x128xi32, #tpu.memory_space<vmem>> -> memref<1x128xi32, #tpu.memory_space<vmem>>
        %dma_start3A_78 = tpu.memref_squeeze %dma_start3A_77 : memref<1x128xi32, #tpu.memory_space<vmem>> -> memref<128xi32, #tpu.memory_space<vmem>>
        %dma_start3A_79 = arith.constant 0 : i32
        %dma_start3A_80 = arith.constant 0 : i32
        %dma_start3A_81 = tpu.memref_slice %arg2[%dma_start3A_79, %dma_start3A_80] : memref<10000x128xf32, #tpu.memory_space<hbm>> -> memref<10000x128xf32, #tpu.memory_space<hbm>>
        tpu.enqueue_indirect_dma source(%dma_start3A_81 : memref<10000x128xf32, #tpu.memory_space<hbm>>) target(%arg9 : memref<128x128xf32, #tpu.memory_space<vmem>>) offsets(%dma_start3A_78 : memref<128xi32, #tpu.memory_space<vmem>>) semaphore(%arg12 : memref<!tpu.dma_semaphore, #tpu.memory_space<semaphore_mem>>)
        %dma_wait3A_82 = arith.constant 0 : i32
        %dma_wait3A_83 = tpu.memref_slice %arg7[%add3A_61, %dma_wait3A_82] : memref<32x128xi32, #tpu.memory_space<vmem>> -> memref<1x128xi32, #tpu.memory_space<vmem>>
        %dma_wait3A_84 = tpu.memref_squeeze %dma_wait3A_83 : memref<1x128xi32, #tpu.memory_space<vmem>> -> memref<128xi32, #tpu.memory_space<vmem>>
        %dma_wait3A_85 = arith.constant 0 : i32
        %dma_wait3A_86 = arith.constant 0 : i32
        %dma_wait3A_87 = tpu.memref_slice %arg2[%dma_wait3A_85, %dma_wait3A_86] : memref<10000x128xf32, #tpu.memory_space<hbm>> -> memref<10000x128xf32, #tpu.memory_space<hbm>>
        tpu.wait_indirect_dma semaphore(%arg13 : memref<!tpu.dma_semaphore, #tpu.memory_space<semaphore_mem>>) src(%dma_wait3A_87 : memref<10000x128xf32, #tpu.memory_space<hbm>>) dst(%arg10 : memref<128x128xf32, #tpu.memory_space<vmem>>)
        "tpu.region"() ({
          %run_scoped3A_88 = tpu.sem_alloc : memref<!tpu.dma_semaphore, #tpu.memory_space<semaphore_mem>>
          %dma_start3A_89 = arith.constant 0 : i32
          %dma_start3A_90 = tpu.memref_slice %arg8[%add3A_61, %dma_start3A_89] : memref<32x128xi32, #tpu.memory_space<vmem>> -> memref<1x128xi32, #tpu.memory_space<vmem>>
          %dma_start3A_91 = tpu.memref_squeeze %dma_start3A_90 : memref<1x128xi32, #tpu.memory_space<vmem>> -> memref<128xi32, #tpu.memory_space<vmem>>
          %dma_start3A_92 = arith.constant 0 : i32
          %dma_start3A_93 = arith.constant 0 : i32
          %dma_start3A_94 = tpu.memref_slice %arg11[%dma_start3A_92, %dma_start3A_93] : memref<10240x128xf32, #tpu.memory_space<vmem_shared>> -> memref<10240x128xf32, #tpu.memory_space<vmem_shared>>
          tpu.enqueue_indirect_dma source(%arg10 : memref<128x128xf32, #tpu.memory_space<vmem>>) target(%dma_start3A_94 : memref<10240x128xf32, #tpu.memory_space<vmem_shared>>) offsets(%dma_start3A_91 : memref<128xi32, #tpu.memory_space<vmem>>) semaphore(%run_scoped3A_88 : memref<!tpu.dma_semaphore, #tpu.memory_space<semaphore_mem>>) {add = true}
          %dma_wait3A_95 = arith.constant 0 : i32
          %dma_wait3A_96 = tpu.memref_slice %arg8[%add3A_61, %dma_wait3A_95] : memref<32x128xi32, #tpu.memory_space<vmem>> -> memref<1x128xi32, #tpu.memory_space<vmem>>
          %dma_wait3A_97 = tpu.memref_squeeze %dma_wait3A_96 : memref<1x128xi32, #tpu.memory_space<vmem>> -> memref<128xi32, #tpu.memory_space<vmem>>
          %dma_wait3A_98 = arith.constant 0 : i32
          %dma_wait3A_99 = arith.constant 0 : i32
          %dma_wait3A_100 = tpu.memref_slice %arg11[%dma_wait3A_98, %dma_wait3A_99] : memref<10240x128xf32, #tpu.memory_space<vmem_shared>> -> memref<10240x128xf32, #tpu.memory_space<vmem_shared>>
          tpu.wait_indirect_dma semaphore(%run_scoped3A_88 : memref<!tpu.dma_semaphore, #tpu.memory_space<semaphore_mem>>) src(%arg10 : memref<128x128xf32, #tpu.memory_space<vmem>>) dst(%dma_wait3A_100 : memref<10240x128xf32, #tpu.memory_space<vmem_shared>>)
          tpu.yield
        }) : () -> ()
      }
      %scan3A_35 = arith.constant 15 : i32
      %dma_start3A_36 = arith.constant 31 : i32
      %dma_start3A_37 = arith.constant 0 : i32
      %dma_start3A_38 = tpu.memref_slice %arg7[%dma_start3A_36, %dma_start3A_37] : memref<32x128xi32, #tpu.memory_space<vmem>> -> memref<1x128xi32, #tpu.memory_space<vmem>>
      %dma_start3A_39 = tpu.memref_squeeze %dma_start3A_38 : memref<1x128xi32, #tpu.memory_space<vmem>> -> memref<128xi32, #tpu.memory_space<vmem>>
      %dma_start3A_40 = arith.constant 0 : i32
      %dma_start3A_41 = arith.constant 0 : i32
      %dma_start3A_42 = tpu.memref_slice %arg2[%dma_start3A_40, %dma_start3A_41] : memref<10000x128xf32, #tpu.memory_space<hbm>> -> memref<10000x128xf32, #tpu.memory_space<hbm>>
      tpu.enqueue_indirect_dma source(%dma_start3A_42 : memref<10000x128xf32, #tpu.memory_space<hbm>>) target(%arg10 : memref<128x128xf32, #tpu.memory_space<vmem>>) offsets(%dma_start3A_39 : memref<128xi32, #tpu.memory_space<vmem>>) semaphore(%arg13 : memref<!tpu.dma_semaphore, #tpu.memory_space<semaphore_mem>>)
      %dma_wait3A = arith.constant 30 : i32
      %dma_wait3A_43 = arith.constant 0 : i32
      %dma_wait3A_44 = tpu.memref_slice %arg7[%dma_wait3A, %dma_wait3A_43] : memref<32x128xi32, #tpu.memory_space<vmem>> -> memref<1x128xi32, #tpu.memory_space<vmem>>
      %dma_wait3A_45 = tpu.memref_squeeze %dma_wait3A_44 : memref<1x128xi32, #tpu.memory_space<vmem>> -> memref<128xi32, #tpu.memory_space<vmem>>
      %dma_wait3A_46 = arith.constant 0 : i32
      %dma_wait3A_47 = arith.constant 0 : i32
      %dma_wait3A_48 = tpu.memref_slice %arg2[%dma_wait3A_46, %dma_wait3A_47] : memref<10000x128xf32, #tpu.memory_space<hbm>> -> memref<10000x128xf32, #tpu.memory_space<hbm>>
      tpu.wait_indirect_dma semaphore(%arg12 : memref<!tpu.dma_semaphore, #tpu.memory_space<semaphore_mem>>) src(%dma_wait3A_48 : memref<10000x128xf32, #tpu.memory_space<hbm>>) dst(%arg9 : memref<128x128xf32, #tpu.memory_space<vmem>>)
      %run_scoped3A = arith.constant 30 : i32
      "tpu.region"() ({
        %run_scoped3A_57 = tpu.sem_alloc : memref<!tpu.dma_semaphore, #tpu.memory_space<semaphore_mem>>
        %dma_start3A_58 = arith.constant 0 : i32
        %dma_start3A_59 = tpu.memref_slice %arg8[%run_scoped3A, %dma_start3A_58] : memref<32x128xi32, #tpu.memory_space<vmem>> -> memref<1x128xi32, #tpu.memory_space<vmem>>
        %dma_start3A_60 = tpu.memref_squeeze %dma_start3A_59 : memref<1x128xi32, #tpu.memory_space<vmem>> -> memref<128xi32, #tpu.memory_space<vmem>>
        %dma_start3A_61 = arith.constant 0 : i32
        %dma_start3A_62 = arith.constant 0 : i32
        %dma_start3A_63 = tpu.memref_slice %arg11[%dma_start3A_61, %dma_start3A_62] : memref<10240x128xf32, #tpu.memory_space<vmem_shared>> -> memref<10240x128xf32, #tpu.memory_space<vmem_shared>>
        tpu.enqueue_indirect_dma source(%arg9 : memref<128x128xf32, #tpu.memory_space<vmem>>) target(%dma_start3A_63 : memref<10240x128xf32, #tpu.memory_space<vmem_shared>>) offsets(%dma_start3A_60 : memref<128xi32, #tpu.memory_space<vmem>>) semaphore(%run_scoped3A_57 : memref<!tpu.dma_semaphore, #tpu.memory_space<semaphore_mem>>) {add = true}
        %dma_wait3A_64 = arith.constant 0 : i32
        %dma_wait3A_65 = tpu.memref_slice %arg8[%run_scoped3A, %dma_wait3A_64] : memref<32x128xi32, #tpu.memory_space<vmem>> -> memref<1x128xi32, #tpu.memory_space<vmem>>
        %dma_wait3A_66 = tpu.memref_squeeze %dma_wait3A_65 : memref<1x128xi32, #tpu.memory_space<vmem>> -> memref<128xi32, #tpu.memory_space<vmem>>
        %dma_wait3A_67 = arith.constant 0 : i32
        %dma_wait3A_68 = arith.constant 0 : i32
        %dma_wait3A_69 = tpu.memref_slice %arg11[%dma_wait3A_67, %dma_wait3A_68] : memref<10240x128xf32, #tpu.memory_space<vmem_shared>> -> memref<10240x128xf32, #tpu.memory_space<vmem_shared>>
        tpu.wait_indirect_dma semaphore(%run_scoped3A_57 : memref<!tpu.dma_semaphore, #tpu.memory_space<semaphore_mem>>) src(%arg9 : memref<128x128xf32, #tpu.memory_space<vmem>>) dst(%dma_wait3A_69 : memref<10240x128xf32, #tpu.memory_space<vmem_shared>>)
        tpu.yield
      }) : () -> ()
      %dma_wait3A_49 = arith.constant 31 : i32
      %dma_wait3A_50 = arith.constant 0 : i32
      %dma_wait3A_51 = tpu.memref_slice %arg7[%dma_wait3A_49, %dma_wait3A_50] : memref<32x128xi32, #tpu.memory_space<vmem>> -> memref<1x128xi32, #tpu.memory_space<vmem>>
      %dma_wait3A_52 = tpu.memref_squeeze %dma_wait3A_51 : memref<1x128xi32, #tpu.memory_space<vmem>> -> memref<128xi32, #tpu.memory_space<vmem>>
      %dma_wait3A_53 = arith.constant 0 : i32
      %dma_wait3A_54 = arith.constant 0 : i32
      %dma_wait3A_55 = tpu.memref_slice %arg2[%dma_wait3A_53, %dma_wait3A_54] : memref<10000x128xf32, #tpu.memory_space<hbm>> -> memref<10000x128xf32, #tpu.memory_space<hbm>>
      tpu.wait_indirect_dma semaphore(%arg13 : memref<!tpu.dma_semaphore, #tpu.memory_space<semaphore_mem>>) src(%dma_wait3A_55 : memref<10000x128xf32, #tpu.memory_space<hbm>>) dst(%arg10 : memref<128x128xf32, #tpu.memory_space<vmem>>)
      %run_scoped3A_56 = arith.constant 31 : i32
      "tpu.region"() ({
        %run_scoped3A_57 = tpu.sem_alloc : memref<!tpu.dma_semaphore, #tpu.memory_space<semaphore_mem>>
        %dma_start3A_58 = arith.constant 0 : i32
        %dma_start3A_59 = tpu.memref_slice %arg8[%run_scoped3A_56, %dma_start3A_58] : memref<32x128xi32, #tpu.memory_space<vmem>> -> memref<1x128xi32, #tpu.memory_space<vmem>>
        %dma_start3A_60 = tpu.memref_squeeze %dma_start3A_59 : memref<1x128xi32, #tpu.memory_space<vmem>> -> memref<128xi32, #tpu.memory_space<vmem>>
        %dma_start3A_61 = arith.constant 0 : i32
        %dma_start3A_62 = arith.constant 0 : i32
        %dma_start3A_63 = tpu.memref_slice %arg11[%dma_start3A_61, %dma_start3A_62] : memref<10240x128xf32, #tpu.memory_space<vmem_shared>> -> memref<10240x128xf32, #tpu.memory_space<vmem_shared>>
        tpu.enqueue_indirect_dma source(%arg10 : memref<128x128xf32, #tpu.memory_space<vmem>>) target(%dma_start3A_63 : memref<10240x128xf32, #tpu.memory_space<vmem_shared>>) offsets(%dma_start3A_60 : memref<128xi32, #tpu.memory_space<vmem>>) semaphore(%run_scoped3A_57 : memref<!tpu.dma_semaphore, #tpu.memory_space<semaphore_mem>>) {add = true}
        %dma_wait3A_64 = arith.constant 0 : i32
        %dma_wait3A_65 = tpu.memref_slice %arg8[%run_scoped3A_56, %dma_wait3A_64] : memref<32x128xi32, #tpu.memory_space<vmem>> -> memref<1x128xi32, #tpu.memory_space<vmem>>
        %dma_wait3A_66 = tpu.memref_squeeze %dma_wait3A_65 : memref<1x128xi32, #tpu.memory_space<vmem>> -> memref<128xi32, #tpu.memory_space<vmem>>
        %dma_wait3A_67 = arith.constant 0 : i32
        %dma_wait3A_68 = arith.constant 0 : i32
        %dma_wait3A_69 = tpu.memref_slice %arg11[%dma_wait3A_67, %dma_wait3A_68] : memref<10240x128xf32, #tpu.memory_space<vmem_shared>> -> memref<10240x128xf32, #tpu.memory_space<vmem_shared>>
        tpu.wait_indirect_dma semaphore(%run_scoped3A_57 : memref<!tpu.dma_semaphore, #tpu.memory_space<semaphore_mem>>) src(%arg10 : memref<128x128xf32, #tpu.memory_space<vmem>>) dst(%dma_wait3A_69 : memref<10240x128xf32, #tpu.memory_space<vmem_shared>>)
        tpu.yield
      }) : () -> ()
    } else {
    }
    %barrier3A_10 = arith.constant 0 : index
    tpu.barrier barrier_id(%barrier3A_10)
    %mul3A_11 = arith.constant 624 : i32
    %mul3A_12 = arith.muli %arg1, %mul3A_11 : i32
    %mul3A_13 = arith.constant 624 : i32
    %mul3A_14 = arith.muli %arg1, %mul3A_13 : i32
    "tpu.region"() ({
      %run_scoped3A = tpu.sem_alloc : memref<!tpu.dma_semaphore, #tpu.memory_space<semaphore_mem>>
      %dma_start3A = arith.constant 0 : i32
      %dma_start3A_20 = tpu.memref_slice %arg6[%arg0, %mul3A_14, %dma_start3A] : memref<2x10000x128xf32, #tpu.memory_space<hbm>> -> memref<1x624x128xf32, #tpu.memory_space<hbm>>
      %dma_start3A_21 = tpu.memref_squeeze %dma_start3A_20 : memref<1x624x128xf32, #tpu.memory_space<hbm>> -> memref<624x128xf32, #tpu.memory_space<hbm>>
      %dma_start3A_22 = arith.constant 0 : i32
      %dma_start3A_23 = tpu.memref_slice %arg11[%mul3A_12, %dma_start3A_22] : memref<10240x128xf32, #tpu.memory_space<vmem_shared>> -> memref<624x128xf32, #tpu.memory_space<vmem_shared>>
      tpu.enqueue_dma source(%dma_start3A_23 : memref<624x128xf32, #tpu.memory_space<vmem_shared>>) target(%dma_start3A_21 : memref<624x128xf32, #tpu.memory_space<hbm>>) target_semaphore(%run_scoped3A : memref<!tpu.dma_semaphore, #tpu.memory_space<semaphore_mem>>)
      %dma_wait3A = arith.constant 0 : i32
      %dma_wait3A_24 = tpu.memref_slice %arg6[%arg0, %mul3A_14, %dma_wait3A] : memref<2x10000x128xf32, #tpu.memory_space<hbm>> -> memref<1x624x128xf32, #tpu.memory_space<hbm>>
      %dma_wait3A_25 = tpu.memref_squeeze %dma_wait3A_24 : memref<1x624x128xf32, #tpu.memory_space<hbm>> -> memref<624x128xf32, #tpu.memory_space<hbm>>
      %dma_wait3A_26 = arith.constant 0 : i32
      %dma_wait3A_27 = tpu.memref_slice %arg11[%mul3A_12, %dma_wait3A_26] : memref<10240x128xf32, #tpu.memory_space<vmem_shared>> -> memref<624x128xf32, #tpu.memory_space<vmem_shared>>
      tpu.wait_dma2 semaphore(%run_scoped3A : memref<!tpu.dma_semaphore, #tpu.memory_space<semaphore_mem>>) src(%dma_wait3A_27 : memref<624x128xf32, #tpu.memory_space<vmem_shared>>) dst(%dma_wait3A_25 : memref<624x128xf32, #tpu.memory_space<hbm>>)
      tpu.yield
    }) : () -> ()
    %eq3A_15 = arith.constant 15 : i32
    %eq3A_16 = arith.cmpi eq, %arg1, %eq3A_15 : i32
    %convert_element_type3A_17 = arith.extui %eq3A_16 : i1 to i32
    %cond3A_18 = arith.constant 0 : i32
    %cond3A_19 = arith.cmpi ne, %convert_element_type3A_17, %cond3A_18 : i32
    scf.if %cond3A_19 {
      "tpu.region"() ({
        %run_scoped3A = tpu.sem_alloc : memref<!tpu.dma_semaphore, #tpu.memory_space<semaphore_mem>>
        %dma_start3A = arith.constant 9984 : i32
        %dma_start3A_20 = arith.constant 0 : i32
        %dma_start3A_21 = tpu.memref_slice %arg6[%arg0, %dma_start3A, %dma_start3A_20] : memref<2x10000x128xf32, #tpu.memory_space<hbm>> -> memref<1x16x128xf32, #tpu.memory_space<hbm>>
        %dma_start3A_22 = tpu.memref_squeeze %dma_start3A_21 : memref<1x16x128xf32, #tpu.memory_space<hbm>> -> memref<16x128xf32, #tpu.memory_space<hbm>>
        %dma_start3A_23 = arith.constant 9984 : i32
        %dma_start3A_24 = arith.constant 0 : i32
        %dma_start3A_25 = tpu.memref_slice %arg11[%dma_start3A_23, %dma_start3A_24] : memref<10240x128xf32, #tpu.memory_space<vmem_shared>> -> memref<16x128xf32, #tpu.memory_space<vmem_shared>>
        tpu.enqueue_dma source(%dma_start3A_25 : memref<16x128xf32, #tpu.memory_space<vmem_shared>>) target(%dma_start3A_22 : memref<16x128xf32, #tpu.memory_space<hbm>>) target_semaphore(%run_scoped3A : memref<!tpu.dma_semaphore, #tpu.memory_space<semaphore_mem>>)
        %dma_wait3A = arith.constant 9984 : i32
        %dma_wait3A_26 = arith.constant 0 : i32
        %dma_wait3A_27 = tpu.memref_slice %arg6[%arg0, %dma_wait3A, %dma_wait3A_26] : memref<2x10000x128xf32, #tpu.memory_space<hbm>> -> memref<1x16x128xf32, #tpu.memory_space<hbm>>
        %dma_wait3A_28 = tpu.memref_squeeze %dma_wait3A_27 : memref<1x16x128xf32, #tpu.memory_space<hbm>> -> memref<16x128xf32, #tpu.memory_space<hbm>>
        %dma_wait3A_29 = arith.constant 9984 : i32
        %dma_wait3A_30 = arith.constant 0 : i32
        %dma_wait3A_31 = tpu.memref_slice %arg11[%dma_wait3A_29, %dma_wait3A_30] : memref<10240x128xf32, #tpu.memory_space<vmem_shared>> -> memref<16x128xf32, #tpu.memory_space<vmem_shared>>
        tpu.wait_dma2 semaphore(%run_scoped3A : memref<!tpu.dma_semaphore, #tpu.memory_space<semaphore_mem>>) src(%dma_wait3A_31 : memref<16x128xf32, #tpu.memory_space<vmem_shared>>) dst(%dma_wait3A_28 : memref<16x128xf32, #tpu.memory_space<hbm>>)
        tpu.yield
      }) : () -> ()
    } else {
    }
    return
  }
}

#map = affine_map<(d0, d1) -> (0, 0)>
#map1 = affine_map<(d0, d1) -> (0, 0, 0)>
module attributes {stable_mosaic.version = 14 : i64} {
  func.func @_sc_agg(%arg0: i32, %arg1: i32, %arg2: memref<10000x128xf32, #tpu.memory_space<hbm>>, %arg3: memref<2560x128xi32, #tpu.memory_space<hbm>>, %arg4: memref<2560x128xi32, #tpu.memory_space<hbm>>, %arg5: memref<10240x128xf32, #tpu.memory_space<hbm>>, %arg6: memref<2x10000x128xf32, #tpu.memory_space<hbm>>, %arg7: memref<32x128xi32, #tpu.memory_space<vmem>>, %arg8: memref<32x128xi32, #tpu.memory_space<vmem>>, %arg9: memref<128x128xf32, #tpu.memory_space<vmem>>, %arg10: memref<128x128xf32, #tpu.memory_space<vmem>>, %arg11: memref<10240x128xf32, #tpu.memory_space<vmem_shared>>, %arg12: memref<!tpu.dma_semaphore, #tpu.memory_space<semaphore_mem>>, %arg13: memref<!tpu.dma_semaphore, #tpu.memory_space<semaphore_mem>>) attributes {dimension_semantics = [#tpu.dimension_semantics<core_parallel>, #tpu.dimension_semantics<subcore_parallel>], iteration_bounds = array<i64: 2, 16>, scalar_prefetch = 0 : i64, scratch_operands = 7 : i64, tpu.core_type = #tpu.core_type<sc_vector_subcore>, window_params = [{transform_indices = #map}, {transform_indices = #map}, {transform_indices = #map}, {transform_indices = #map}, {transform_indices = #map1}]} {
    %mul3A = arith.constant 640 : i32
    %mul3A_0 = arith.muli %arg1, %mul3A : i32
    %mul3A_1 = arith.constant 640 : i32
    %mul3A_2 = arith.muli %arg1, %mul3A_1 : i32
    "tpu.region"() ({
      %run_scoped3A = tpu.sem_alloc : memref<!tpu.dma_semaphore, #tpu.memory_space<semaphore_mem>>
      %dma_start3A = arith.constant 0 : i32
      %dma_start3A_20 = tpu.memref_slice %arg11[%mul3A_2, %dma_start3A] : memref<10240x128xf32, #tpu.memory_space<vmem_shared>> -> memref<640x128xf32, #tpu.memory_space<vmem_shared>>
      %dma_start3A_21 = arith.constant 0 : i32
      %dma_start3A_22 = tpu.memref_slice %arg5[%mul3A_0, %dma_start3A_21] : memref<10240x128xf32, #tpu.memory_space<hbm>> -> memref<640x128xf32, #tpu.memory_space<hbm>>
      tpu.enqueue_dma source(%dma_start3A_22 : memref<640x128xf32, #tpu.memory_space<hbm>>) target(%dma_start3A_20 : memref<640x128xf32, #tpu.memory_space<vmem_shared>>) target_semaphore(%run_scoped3A : memref<!tpu.dma_semaphore, #tpu.memory_space<semaphore_mem>>)
      %dma_wait3A = arith.constant 0 : i32
      %dma_wait3A_23 = tpu.memref_slice %arg11[%mul3A_2, %dma_wait3A] : memref<10240x128xf32, #tpu.memory_space<vmem_shared>> -> memref<640x128xf32, #tpu.memory_space<vmem_shared>>
      %dma_wait3A_24 = arith.constant 0 : i32
      %dma_wait3A_25 = tpu.memref_slice %arg5[%mul3A_0, %dma_wait3A_24] : memref<10240x128xf32, #tpu.memory_space<hbm>> -> memref<640x128xf32, #tpu.memory_space<hbm>>
      tpu.wait_dma2 semaphore(%run_scoped3A : memref<!tpu.dma_semaphore, #tpu.memory_space<semaphore_mem>>) src(%dma_wait3A_25 : memref<640x128xf32, #tpu.memory_space<hbm>>) dst(%dma_wait3A_23 : memref<640x128xf32, #tpu.memory_space<vmem_shared>>)
      tpu.yield
    }) : () -> ()
    %barrier3A = arith.constant 0 : index
    tpu.barrier barrier_id(%barrier3A)
    %eq3A = arith.constant 0 : i32
    %eq3A_3 = arith.cmpi eq, %arg0, %eq3A : i32
    %convert_element_type3A = arith.extui %eq3A_3 : i1 to i32
    %cond3A = arith.constant 0 : i32
    %cond3A_4 = arith.cmpi ne, %convert_element_type3A, %cond3A : i32
    scf.if %cond3A_4 {
      %mul3A_20 = arith.constant 128 : i32
      %mul3A_21 = arith.muli %arg1, %mul3A_20 : i32
      %add3A = arith.constant 0 : i32
      %add3A_22 = arith.addi %mul3A_21, %add3A : i32
      "tpu.region"() ({
        %run_scoped3A_169 = tpu.sem_alloc : memref<!tpu.dma_semaphore, #tpu.memory_space<semaphore_mem>>
        %dma_start3A_170 = arith.constant 0 : i32
        %dma_start3A_171 = tpu.memref_slice %arg3[%add3A_22, %dma_start3A_170] : memref<2560x128xi32, #tpu.memory_space<hbm>> -> memref<32x128xi32, #tpu.memory_space<hbm>>
        %dma_start3A_172 = arith.constant 0 : i32
        %dma_start3A_173 = tpu.memref_slice %arg3[%add3A_22, %dma_start3A_172] : memref<2560x128xi32, #tpu.memory_space<hbm>> -> memref<32x128xi32, #tpu.memory_space<hbm>>
        tpu.enqueue_dma source(%dma_start3A_173 : memref<32x128xi32, #tpu.memory_space<hbm>>) target(%arg7 : memref<32x128xi32, #tpu.memory_space<vmem>>) target_semaphore(%run_scoped3A_169 : memref<!tpu.dma_semaphore, #tpu.memory_space<semaphore_mem>>)
        %dma_wait3A_174 = arith.constant 0 : i32
        %dma_wait3A_175 = tpu.memref_slice %arg3[%add3A_22, %dma_wait3A_174] : memref<2560x128xi32, #tpu.memory_space<hbm>> -> memref<32x128xi32, #tpu.memory_space<hbm>>
        %dma_wait3A_176 = arith.constant 0 : i32
        %dma_wait3A_177 = tpu.memref_slice %arg3[%add3A_22, %dma_wait3A_176] : memref<2560x128xi32, #tpu.memory_space<hbm>> -> memref<32x128xi32, #tpu.memory_space<hbm>>
        tpu.wait_dma2 semaphore(%run_scoped3A_169 : memref<!tpu.dma_semaphore, #tpu.memory_space<semaphore_mem>>) src(%dma_wait3A_177 : memref<32x128xi32, #tpu.memory_space<hbm>>) dst(%arg7 : memref<32x128xi32, #tpu.memory_space<vmem>>)
        tpu.yield
      }) : () -> ()
      "tpu.region"() ({
        %run_scoped3A_169 = tpu.sem_alloc : memref<!tpu.dma_semaphore, #tpu.memory_space<semaphore_mem>>
        %dma_start3A_170 = arith.constant 0 : i32
        %dma_start3A_171 = tpu.memref_slice %arg4[%add3A_22, %dma_start3A_170] : memref<2560x128xi32, #tpu.memory_space<hbm>> -> memref<32x128xi32, #tpu.memory_space<hbm>>
        %dma_start3A_172 = arith.constant 0 : i32
        %dma_start3A_173 = tpu.memref_slice %arg4[%add3A_22, %dma_start3A_172] : memref<2560x128xi32, #tpu.memory_space<hbm>> -> memref<32x128xi32, #tpu.memory_space<hbm>>
        tpu.enqueue_dma source(%dma_start3A_173 : memref<32x128xi32, #tpu.memory_space<hbm>>) target(%arg8 : memref<32x128xi32, #tpu.memory_space<vmem>>) target_semaphore(%run_scoped3A_169 : memref<!tpu.dma_semaphore, #tpu.memory_space<semaphore_mem>>)
        %dma_wait3A_174 = arith.constant 0 : i32
        %dma_wait3A_175 = tpu.memref_slice %arg4[%add3A_22, %dma_wait3A_174] : memref<2560x128xi32, #tpu.memory_space<hbm>> -> memref<32x128xi32, #tpu.memory_space<hbm>>
        %dma_wait3A_176 = arith.constant 0 : i32
        %dma_wait3A_177 = tpu.memref_slice %arg4[%add3A_22, %dma_wait3A_176] : memref<2560x128xi32, #tpu.memory_space<hbm>> -> memref<32x128xi32, #tpu.memory_space<hbm>>
        tpu.wait_dma2 semaphore(%run_scoped3A_169 : memref<!tpu.dma_semaphore, #tpu.memory_space<semaphore_mem>>) src(%dma_wait3A_177 : memref<32x128xi32, #tpu.memory_space<hbm>>) dst(%arg8 : memref<32x128xi32, #tpu.memory_space<vmem>>)
        tpu.yield
      }) : () -> ()
      %dma_start3A = arith.constant 0 : i32
      %dma_start3A_23 = arith.constant 0 : i32
      %dma_start3A_24 = tpu.memref_slice %arg7[%dma_start3A, %dma_start3A_23] : memref<32x128xi32, #tpu.memory_space<vmem>> -> memref<1x128xi32, #tpu.memory_space<vmem>>
      %dma_start3A_25 = tpu.memref_squeeze %dma_start3A_24 : memref<1x128xi32, #tpu.memory_space<vmem>> -> memref<128xi32, #tpu.memory_space<vmem>>
      %dma_start3A_26 = arith.constant 0 : i32
      %dma_start3A_27 = arith.constant 0 : i32
      %dma_start3A_28 = tpu.memref_slice %arg2[%dma_start3A_26, %dma_start3A_27] : memref<10000x128xf32, #tpu.memory_space<hbm>> -> memref<10000x128xf32, #tpu.memory_space<hbm>>
      tpu.enqueue_indirect_dma source(%dma_start3A_28 : memref<10000x128xf32, #tpu.memory_space<hbm>>) target(%arg9 : memref<128x128xf32, #tpu.memory_space<vmem>>) offsets(%dma_start3A_25 : memref<128xi32, #tpu.memory_space<vmem>>) semaphore(%arg12 : memref<!tpu.dma_semaphore, #tpu.memory_space<semaphore_mem>>)
      %scan3A = arith.constant 0 : i32
      %scan3A_29 = arith.constant 0 : i32
      %scan3A_30 = arith.constant 15 : i32
      %scan3A_31 = arith.addi %scan3A_29, %scan3A_30 : i32
      %scan3A_32 = arith.constant 1 : i32
      scf.for %scan3A_169 = %scan3A_29 to %scan3A_31 step %scan3A_32  : i32 {
        %mul3A_170 = arith.constant 2 : i32
        %mul3A_171 = arith.muli %scan3A_169, %mul3A_170 : i32
        %add3A_172 = arith.constant 1 : i32
        %add3A_173 = arith.addi %mul3A_171, %add3A_172 : i32
        %dma_start3A_174 = arith.constant 0 : i32
        %dma_start3A_175 = tpu.memref_slice %arg7[%add3A_173, %dma_start3A_174] : memref<32x128xi32, #tpu.memory_space<vmem>> -> memref<1x128xi32, #tpu.memory_space<vmem>>
        %dma_start3A_176 = tpu.memref_squeeze %dma_start3A_175 : memref<1x128xi32, #tpu.memory_space<vmem>> -> memref<128xi32, #tpu.memory_space<vmem>>
        %dma_start3A_177 = arith.constant 0 : i32
        %dma_start3A_178 = arith.constant 0 : i32
        %dma_start3A_179 = tpu.memref_slice %arg2[%dma_start3A_177, %dma_start3A_178] : memref<10000x128xf32, #tpu.memory_space<hbm>> -> memref<10000x128xf32, #tpu.memory_space<hbm>>
        tpu.enqueue_indirect_dma source(%dma_start3A_179 : memref<10000x128xf32, #tpu.memory_space<hbm>>) target(%arg10 : memref<128x128xf32, #tpu.memory_space<vmem>>) offsets(%dma_start3A_176 : memref<128xi32, #tpu.memory_space<vmem>>) semaphore(%arg13 : memref<!tpu.dma_semaphore, #tpu.memory_space<semaphore_mem>>)
        %dma_wait3A_180 = arith.constant 0 : i32
        %dma_wait3A_181 = tpu.memref_slice %arg7[%mul3A_171, %dma_wait3A_180] : memref<32x128xi32, #tpu.memory_space<vmem>> -> memref<1x128xi32, #tpu.memory_space<vmem>>
        %dma_wait3A_182 = tpu.memref_squeeze %dma_wait3A_181 : memref<1x128xi32, #tpu.memory_space<vmem>> -> memref<128xi32, #tpu.memory_space<vmem>>
        %dma_wait3A_183 = arith.constant 0 : i32
        %dma_wait3A_184 = arith.constant 0 : i32
        %dma_wait3A_185 = tpu.memref_slice %arg2[%dma_wait3A_183, %dma_wait3A_184] : memref<10000x128xf32, #tpu.memory_space<hbm>> -> memref<10000x128xf32, #tpu.memory_space<hbm>>
        tpu.wait_indirect_dma semaphore(%arg12 : memref<!tpu.dma_semaphore, #tpu.memory_space<semaphore_mem>>) src(%dma_wait3A_185 : memref<10000x128xf32, #tpu.memory_space<hbm>>) dst(%arg9 : memref<128x128xf32, #tpu.memory_space<vmem>>)
        "tpu.region"() ({
          %run_scoped3A_200 = tpu.sem_alloc : memref<!tpu.dma_semaphore, #tpu.memory_space<semaphore_mem>>
          %dma_start3A_201 = arith.constant 0 : i32
          %dma_start3A_202 = tpu.memref_slice %arg8[%mul3A_171, %dma_start3A_201] : memref<32x128xi32, #tpu.memory_space<vmem>> -> memref<1x128xi32, #tpu.memory_space<vmem>>
          %dma_start3A_203 = tpu.memref_squeeze %dma_start3A_202 : memref<1x128xi32, #tpu.memory_space<vmem>> -> memref<128xi32, #tpu.memory_space<vmem>>
          %dma_start3A_204 = arith.constant 0 : i32
          %dma_start3A_205 = arith.constant 0 : i32
          %dma_start3A_206 = tpu.memref_slice %arg11[%dma_start3A_204, %dma_start3A_205] : memref<10240x128xf32, #tpu.memory_space<vmem_shared>> -> memref<10240x128xf32, #tpu.memory_space<vmem_shared>>
          tpu.enqueue_indirect_dma source(%arg9 : memref<128x128xf32, #tpu.memory_space<vmem>>) target(%dma_start3A_206 : memref<10240x128xf32, #tpu.memory_space<vmem_shared>>) offsets(%dma_start3A_203 : memref<128xi32, #tpu.memory_space<vmem>>) semaphore(%run_scoped3A_200 : memref<!tpu.dma_semaphore, #tpu.memory_space<semaphore_mem>>) {add = true}
          %dma_wait3A_207 = arith.constant 0 : i32
          %dma_wait3A_208 = tpu.memref_slice %arg8[%mul3A_171, %dma_wait3A_207] : memref<32x128xi32, #tpu.memory_space<vmem>> -> memref<1x128xi32, #tpu.memory_space<vmem>>
          %dma_wait3A_209 = tpu.memref_squeeze %dma_wait3A_208 : memref<1x128xi32, #tpu.memory_space<vmem>> -> memref<128xi32, #tpu.memory_space<vmem>>
          %dma_wait3A_210 = arith.constant 0 : i32
          %dma_wait3A_211 = arith.constant 0 : i32
          %dma_wait3A_212 = tpu.memref_slice %arg11[%dma_wait3A_210, %dma_wait3A_211] : memref<10240x128xf32, #tpu.memory_space<vmem_shared>> -> memref<10240x128xf32, #tpu.memory_space<vmem_shared>>
          tpu.wait_indirect_dma semaphore(%run_scoped3A_200 : memref<!tpu.dma_semaphore, #tpu.memory_space<semaphore_mem>>) src(%arg9 : memref<128x128xf32, #tpu.memory_space<vmem>>) dst(%dma_wait3A_212 : memref<10240x128xf32, #tpu.memory_space<vmem_shared>>)
          tpu.yield
        }) : () -> ()
        %add3A_186 = arith.constant 2 : i32
        %add3A_187 = arith.addi %mul3A_171, %add3A_186 : i32
        %dma_start3A_188 = arith.constant 0 : i32
        %dma_start3A_189 = tpu.memref_slice %arg7[%add3A_187, %dma_start3A_188] : memref<32x128xi32, #tpu.memory_space<vmem>> -> memref<1x128xi32, #tpu.memory_space<vmem>>
        %dma_start3A_190 = tpu.memref_squeeze %dma_start3A_189 : memref<1x128xi32, #tpu.memory_space<vmem>> -> memref<128xi32, #tpu.memory_space<vmem>>
        %dma_start3A_191 = arith.constant 0 : i32
        %dma_start3A_192 = arith.constant 0 : i32
        %dma_start3A_193 = tpu.memref_slice %arg2[%dma_start3A_191, %dma_start3A_192] : memref<10000x128xf32, #tpu.memory_space<hbm>> -> memref<10000x128xf32, #tpu.memory_space<hbm>>
        tpu.enqueue_indirect_dma source(%dma_start3A_193 : memref<10000x128xf32, #tpu.memory_space<hbm>>) target(%arg9 : memref<128x128xf32, #tpu.memory_space<vmem>>) offsets(%dma_start3A_190 : memref<128xi32, #tpu.memory_space<vmem>>) semaphore(%arg12 : memref<!tpu.dma_semaphore, #tpu.memory_space<semaphore_mem>>)
        %dma_wait3A_194 = arith.constant 0 : i32
        %dma_wait3A_195 = tpu.memref_slice %arg7[%add3A_173, %dma_wait3A_194] : memref<32x128xi32, #tpu.memory_space<vmem>> -> memref<1x128xi32, #tpu.memory_space<vmem>>
        %dma_wait3A_196 = tpu.memref_squeeze %dma_wait3A_195 : memref<1x128xi32, #tpu.memory_space<vmem>> -> memref<128xi32, #tpu.memory_space<vmem>>
        %dma_wait3A_197 = arith.constant 0 : i32
        %dma_wait3A_198 = arith.constant 0 : i32
        %dma_wait3A_199 = tpu.memref_slice %arg2[%dma_wait3A_197, %dma_wait3A_198] : memref<10000x128xf32, #tpu.memory_space<hbm>> -> memref<10000x128xf32, #tpu.memory_space<hbm>>
        tpu.wait_indirect_dma semaphore(%arg13 : memref<!tpu.dma_semaphore, #tpu.memory_space<semaphore_mem>>) src(%dma_wait3A_199 : memref<10000x128xf32, #tpu.memory_space<hbm>>) dst(%arg10 : memref<128x128xf32, #tpu.memory_space<vmem>>)
        "tpu.region"() ({
          %run_scoped3A_200 = tpu.sem_alloc : memref<!tpu.dma_semaphore, #tpu.memory_space<semaphore_mem>>
          %dma_start3A_201 = arith.constant 0 : i32
          %dma_start3A_202 = tpu.memref_slice %arg8[%add3A_173, %dma_start3A_201] : memref<32x128xi32, #tpu.memory_space<vmem>> -> memref<1x128xi32, #tpu.memory_space<vmem>>
          %dma_start3A_203 = tpu.memref_squeeze %dma_start3A_202 : memref<1x128xi32, #tpu.memory_space<vmem>> -> memref<128xi32, #tpu.memory_space<vmem>>
          %dma_start3A_204 = arith.constant 0 : i32
          %dma_start3A_205 = arith.constant 0 : i32
          %dma_start3A_206 = tpu.memref_slice %arg11[%dma_start3A_204, %dma_start3A_205] : memref<10240x128xf32, #tpu.memory_space<vmem_shared>> -> memref<10240x128xf32, #tpu.memory_space<vmem_shared>>
          tpu.enqueue_indirect_dma source(%arg10 : memref<128x128xf32, #tpu.memory_space<vmem>>) target(%dma_start3A_206 : memref<10240x128xf32, #tpu.memory_space<vmem_shared>>) offsets(%dma_start3A_203 : memref<128xi32, #tpu.memory_space<vmem>>) semaphore(%run_scoped3A_200 : memref<!tpu.dma_semaphore, #tpu.memory_space<semaphore_mem>>) {add = true}
          %dma_wait3A_207 = arith.constant 0 : i32
          %dma_wait3A_208 = tpu.memref_slice %arg8[%add3A_173, %dma_wait3A_207] : memref<32x128xi32, #tpu.memory_space<vmem>> -> memref<1x128xi32, #tpu.memory_space<vmem>>
          %dma_wait3A_209 = tpu.memref_squeeze %dma_wait3A_208 : memref<1x128xi32, #tpu.memory_space<vmem>> -> memref<128xi32, #tpu.memory_space<vmem>>
          %dma_wait3A_210 = arith.constant 0 : i32
          %dma_wait3A_211 = arith.constant 0 : i32
          %dma_wait3A_212 = tpu.memref_slice %arg11[%dma_wait3A_210, %dma_wait3A_211] : memref<10240x128xf32, #tpu.memory_space<vmem_shared>> -> memref<10240x128xf32, #tpu.memory_space<vmem_shared>>
          tpu.wait_indirect_dma semaphore(%run_scoped3A_200 : memref<!tpu.dma_semaphore, #tpu.memory_space<semaphore_mem>>) src(%arg10 : memref<128x128xf32, #tpu.memory_space<vmem>>) dst(%dma_wait3A_212 : memref<10240x128xf32, #tpu.memory_space<vmem_shared>>)
          tpu.yield
        }) : () -> ()
      }
      %scan3A_33 = arith.constant 15 : i32
      %dma_start3A_34 = arith.constant 31 : i32
      %dma_start3A_35 = arith.constant 0 : i32
      %dma_start3A_36 = tpu.memref_slice %arg7[%dma_start3A_34, %dma_start3A_35] : memref<32x128xi32, #tpu.memory_space<vmem>> -> memref<1x128xi32, #tpu.memory_space<vmem>>
      %dma_start3A_37 = tpu.memref_squeeze %dma_start3A_36 : memref<1x128xi32, #tpu.memory_space<vmem>> -> memref<128xi32, #tpu.memory_space<vmem>>
      %dma_start3A_38 = arith.constant 0 : i32
      %dma_start3A_39 = arith.constant 0 : i32
      %dma_start3A_40 = tpu.memref_slice %arg2[%dma_start3A_38, %dma_start3A_39] : memref<10000x128xf32, #tpu.memory_space<hbm>> -> memref<10000x128xf32, #tpu.memory_space<hbm>>
      tpu.enqueue_indirect_dma source(%dma_start3A_40 : memref<10000x128xf32, #tpu.memory_space<hbm>>) target(%arg10 : memref<128x128xf32, #tpu.memory_space<vmem>>) offsets(%dma_start3A_37 : memref<128xi32, #tpu.memory_space<vmem>>) semaphore(%arg13 : memref<!tpu.dma_semaphore, #tpu.memory_space<semaphore_mem>>)
      %dma_wait3A = arith.constant 30 : i32
      %dma_wait3A_41 = arith.constant 0 : i32
      %dma_wait3A_42 = tpu.memref_slice %arg7[%dma_wait3A, %dma_wait3A_41] : memref<32x128xi32, #tpu.memory_space<vmem>> -> memref<1x128xi32, #tpu.memory_space<vmem>>
      %dma_wait3A_43 = tpu.memref_squeeze %dma_wait3A_42 : memref<1x128xi32, #tpu.memory_space<vmem>> -> memref<128xi32, #tpu.memory_space<vmem>>
      %dma_wait3A_44 = arith.constant 0 : i32
      %dma_wait3A_45 = arith.constant 0 : i32
      %dma_wait3A_46 = tpu.memref_slice %arg2[%dma_wait3A_44, %dma_wait3A_45] : memref<10000x128xf32, #tpu.memory_space<hbm>> -> memref<10000x128xf32, #tpu.memory_space<hbm>>
      tpu.wait_indirect_dma semaphore(%arg12 : memref<!tpu.dma_semaphore, #tpu.memory_space<semaphore_mem>>) src(%dma_wait3A_46 : memref<10000x128xf32, #tpu.memory_space<hbm>>) dst(%arg9 : memref<128x128xf32, #tpu.memory_space<vmem>>)
      %run_scoped3A = arith.constant 30 : i32
      "tpu.region"() ({
        %run_scoped3A_169 = tpu.sem_alloc : memref<!tpu.dma_semaphore, #tpu.memory_space<semaphore_mem>>
        %dma_start3A_170 = arith.constant 0 : i32
        %dma_start3A_171 = tpu.memref_slice %arg8[%run_scoped3A, %dma_start3A_170] : memref<32x128xi32, #tpu.memory_space<vmem>> -> memref<1x128xi32, #tpu.memory_space<vmem>>
        %dma_start3A_172 = tpu.memref_squeeze %dma_start3A_171 : memref<1x128xi32, #tpu.memory_space<vmem>> -> memref<128xi32, #tpu.memory_space<vmem>>
        %dma_start3A_173 = arith.constant 0 : i32
        %dma_start3A_174 = arith.constant 0 : i32
        %dma_start3A_175 = tpu.memref_slice %arg11[%dma_start3A_173, %dma_start3A_174] : memref<10240x128xf32, #tpu.memory_space<vmem_shared>> -> memref<10240x128xf32, #tpu.memory_space<vmem_shared>>
        tpu.enqueue_indirect_dma source(%arg9 : memref<128x128xf32, #tpu.memory_space<vmem>>) target(%dma_start3A_175 : memref<10240x128xf32, #tpu.memory_space<vmem_shared>>) offsets(%dma_start3A_172 : memref<128xi32, #tpu.memory_space<vmem>>) semaphore(%run_scoped3A_169 : memref<!tpu.dma_semaphore, #tpu.memory_space<semaphore_mem>>) {add = true}
        %dma_wait3A_176 = arith.constant 0 : i32
        %dma_wait3A_177 = tpu.memref_slice %arg8[%run_scoped3A, %dma_wait3A_176] : memref<32x128xi32, #tpu.memory_space<vmem>> -> memref<1x128xi32, #tpu.memory_space<vmem>>
        %dma_wait3A_178 = tpu.memref_squeeze %dma_wait3A_177 : memref<1x128xi32, #tpu.memory_space<vmem>> -> memref<128xi32, #tpu.memory_space<vmem>>
        %dma_wait3A_179 = arith.constant 0 : i32
        %dma_wait3A_180 = arith.constant 0 : i32
        %dma_wait3A_181 = tpu.memref_slice %arg11[%dma_wait3A_179, %dma_wait3A_180] : memref<10240x128xf32, #tpu.memory_space<vmem_shared>> -> memref<10240x128xf32, #tpu.memory_space<vmem_shared>>
        tpu.wait_indirect_dma semaphore(%run_scoped3A_169 : memref<!tpu.dma_semaphore, #tpu.memory_space<semaphore_mem>>) src(%arg9 : memref<128x128xf32, #tpu.memory_space<vmem>>) dst(%dma_wait3A_181 : memref<10240x128xf32, #tpu.memory_space<vmem_shared>>)
        tpu.yield
      }) : () -> ()
      %dma_wait3A_47 = arith.constant 31 : i32
      %dma_wait3A_48 = arith.constant 0 : i32
      %dma_wait3A_49 = tpu.memref_slice %arg7[%dma_wait3A_47, %dma_wait3A_48] : memref<32x128xi32, #tpu.memory_space<vmem>> -> memref<1x128xi32, #tpu.memory_space<vmem>>
      %dma_wait3A_50 = tpu.memref_squeeze %dma_wait3A_49 : memref<1x128xi32, #tpu.memory_space<vmem>> -> memref<128xi32, #tpu.memory_space<vmem>>
      %dma_wait3A_51 = arith.constant 0 : i32
      %dma_wait3A_52 = arith.constant 0 : i32
      %dma_wait3A_53 = tpu.memref_slice %arg2[%dma_wait3A_51, %dma_wait3A_52] : memref<10000x128xf32, #tpu.memory_space<hbm>> -> memref<10000x128xf32, #tpu.memory_space<hbm>>
      tpu.wait_indirect_dma semaphore(%arg13 : memref<!tpu.dma_semaphore, #tpu.memory_space<semaphore_mem>>) src(%dma_wait3A_53 : memref<10000x128xf32, #tpu.memory_space<hbm>>) dst(%arg10 : memref<128x128xf32, #tpu.memory_space<vmem>>)
      %run_scoped3A_54 = arith.constant 31 : i32
      "tpu.region"() ({
        %run_scoped3A_169 = tpu.sem_alloc : memref<!tpu.dma_semaphore, #tpu.memory_space<semaphore_mem>>
        %dma_start3A_170 = arith.constant 0 : i32
        %dma_start3A_171 = tpu.memref_slice %arg8[%run_scoped3A_54, %dma_start3A_170] : memref<32x128xi32, #tpu.memory_space<vmem>> -> memref<1x128xi32, #tpu.memory_space<vmem>>
        %dma_start3A_172 = tpu.memref_squeeze %dma_start3A_171 : memref<1x128xi32, #tpu.memory_space<vmem>> -> memref<128xi32, #tpu.memory_space<vmem>>
        %dma_start3A_173 = arith.constant 0 : i32
        %dma_start3A_174 = arith.constant 0 : i32
        %dma_start3A_175 = tpu.memref_slice %arg11[%dma_start3A_173, %dma_start3A_174] : memref<10240x128xf32, #tpu.memory_space<vmem_shared>> -> memref<10240x128xf32, #tpu.memory_space<vmem_shared>>
        tpu.enqueue_indirect_dma source(%arg10 : memref<128x128xf32, #tpu.memory_space<vmem>>) target(%dma_start3A_175 : memref<10240x128xf32, #tpu.memory_space<vmem_shared>>) offsets(%dma_start3A_172 : memref<128xi32, #tpu.memory_space<vmem>>) semaphore(%run_scoped3A_169 : memref<!tpu.dma_semaphore, #tpu.memory_space<semaphore_mem>>) {add = true}
        %dma_wait3A_176 = arith.constant 0 : i32
        %dma_wait3A_177 = tpu.memref_slice %arg8[%run_scoped3A_54, %dma_wait3A_176] : memref<32x128xi32, #tpu.memory_space<vmem>> -> memref<1x128xi32, #tpu.memory_space<vmem>>
        %dma_wait3A_178 = tpu.memref_squeeze %dma_wait3A_177 : memref<1x128xi32, #tpu.memory_space<vmem>> -> memref<128xi32, #tpu.memory_space<vmem>>
        %dma_wait3A_179 = arith.constant 0 : i32
        %dma_wait3A_180 = arith.constant 0 : i32
        %dma_wait3A_181 = tpu.memref_slice %arg11[%dma_wait3A_179, %dma_wait3A_180] : memref<10240x128xf32, #tpu.memory_space<vmem_shared>> -> memref<10240x128xf32, #tpu.memory_space<vmem_shared>>
        tpu.wait_indirect_dma semaphore(%run_scoped3A_169 : memref<!tpu.dma_semaphore, #tpu.memory_space<semaphore_mem>>) src(%arg10 : memref<128x128xf32, #tpu.memory_space<vmem>>) dst(%dma_wait3A_181 : memref<10240x128xf32, #tpu.memory_space<vmem_shared>>)
        tpu.yield
      }) : () -> ()
      %add3A_55 = arith.constant 32 : i32
      %add3A_56 = arith.addi %mul3A_21, %add3A_55 : i32
      "tpu.region"() ({
        %run_scoped3A_169 = tpu.sem_alloc : memref<!tpu.dma_semaphore, #tpu.memory_space<semaphore_mem>>
        %dma_start3A_170 = arith.constant 0 : i32
        %dma_start3A_171 = tpu.memref_slice %arg3[%add3A_56, %dma_start3A_170] : memref<2560x128xi32, #tpu.memory_space<hbm>> -> memref<32x128xi32, #tpu.memory_space<hbm>>
        %dma_start3A_172 = arith.constant 0 : i32
        %dma_start3A_173 = tpu.memref_slice %arg3[%add3A_56, %dma_start3A_172] : memref<2560x128xi32, #tpu.memory_space<hbm>> -> memref<32x128xi32, #tpu.memory_space<hbm>>
        tpu.enqueue_dma source(%dma_start3A_173 : memref<32x128xi32, #tpu.memory_space<hbm>>) target(%arg7 : memref<32x128xi32, #tpu.memory_space<vmem>>) target_semaphore(%run_scoped3A_169 : memref<!tpu.dma_semaphore, #tpu.memory_space<semaphore_mem>>)
        %dma_wait3A_174 = arith.constant 0 : i32
        %dma_wait3A_175 = tpu.memref_slice %arg3[%add3A_56, %dma_wait3A_174] : memref<2560x128xi32, #tpu.memory_space<hbm>> -> memref<32x128xi32, #tpu.memory_space<hbm>>
        %dma_wait3A_176 = arith.constant 0 : i32
        %dma_wait3A_177 = tpu.memref_slice %arg3[%add3A_56, %dma_wait3A_176] : memref<2560x128xi32, #tpu.memory_space<hbm>> -> memref<32x128xi32, #tpu.memory_space<hbm>>
        tpu.wait_dma2 semaphore(%run_scoped3A_169 : memref<!tpu.dma_semaphore, #tpu.memory_space<semaphore_mem>>) src(%dma_wait3A_177 : memref<32x128xi32, #tpu.memory_space<hbm>>) dst(%arg7 : memref<32x128xi32, #tpu.memory_space<vmem>>)
        tpu.yield
      }) : () -> ()
      "tpu.region"() ({
        %run_scoped3A_169 = tpu.sem_alloc : memref<!tpu.dma_semaphore, #tpu.memory_space<semaphore_mem>>
        %dma_start3A_170 = arith.constant 0 : i32
        %dma_start3A_171 = tpu.memref_slice %arg4[%add3A_56, %dma_start3A_170] : memref<2560x128xi32, #tpu.memory_space<hbm>> -> memref<32x128xi32, #tpu.memory_space<hbm>>
        %dma_start3A_172 = arith.constant 0 : i32
        %dma_start3A_173 = tpu.memref_slice %arg4[%add3A_56, %dma_start3A_172] : memref<2560x128xi32, #tpu.memory_space<hbm>> -> memref<32x128xi32, #tpu.memory_space<hbm>>
        tpu.enqueue_dma source(%dma_start3A_173 : memref<32x128xi32, #tpu.memory_space<hbm>>) target(%arg8 : memref<32x128xi32, #tpu.memory_space<vmem>>) target_semaphore(%run_scoped3A_169 : memref<!tpu.dma_semaphore, #tpu.memory_space<semaphore_mem>>)
        %dma_wait3A_174 = arith.constant 0 : i32
        %dma_wait3A_175 = tpu.memref_slice %arg4[%add3A_56, %dma_wait3A_174] : memref<2560x128xi32, #tpu.memory_space<hbm>> -> memref<32x128xi32, #tpu.memory_space<hbm>>
        %dma_wait3A_176 = arith.constant 0 : i32
        %dma_wait3A_177 = tpu.memref_slice %arg4[%add3A_56, %dma_wait3A_176] : memref<2560x128xi32, #tpu.memory_space<hbm>> -> memref<32x128xi32, #tpu.memory_space<hbm>>
        tpu.wait_dma2 semaphore(%run_scoped3A_169 : memref<!tpu.dma_semaphore, #tpu.memory_space<semaphore_mem>>) src(%dma_wait3A_177 : memref<32x128xi32, #tpu.memory_space<hbm>>) dst(%arg8 : memref<32x128xi32, #tpu.memory_space<vmem>>)
        tpu.yield
      }) : () -> ()
      %dma_start3A_57 = arith.constant 0 : i32
      %dma_start3A_58 = arith.constant 0 : i32
      %dma_start3A_59 = tpu.memref_slice %arg7[%dma_start3A_57, %dma_start3A_58] : memref<32x128xi32, #tpu.memory_space<vmem>> -> memref<1x128xi32, #tpu.memory_space<vmem>>
      %dma_start3A_60 = tpu.memref_squeeze %dma_start3A_59 : memref<1x128xi32, #tpu.memory_space<vmem>> -> memref<128xi32, #tpu.memory_space<vmem>>
      %dma_start3A_61 = arith.constant 0 : i32
      %dma_start3A_62 = arith.constant 0 : i32
      %dma_start3A_63 = tpu.memref_slice %arg2[%dma_start3A_61, %dma_start3A_62] : memref<10000x128xf32, #tpu.memory_space<hbm>> -> memref<10000x128xf32, #tpu.memory_space<hbm>>
      tpu.enqueue_indirect_dma source(%dma_start3A_63 : memref<10000x128xf32, #tpu.memory_space<hbm>>) target(%arg9 : memref<128x128xf32, #tpu.memory_space<vmem>>) offsets(%dma_start3A_60 : memref<128xi32, #tpu.memory_space<vmem>>) semaphore(%arg12 : memref<!tpu.dma_semaphore, #tpu.memory_space<semaphore_mem>>)
      %scan3A_64 = arith.constant 0 : i32
      %scan3A_65 = arith.constant 0 : i32
      %scan3A_66 = arith.constant 15 : i32
      %scan3A_67 = arith.addi %scan3A_65, %scan3A_66 : i32
      %scan3A_68 = arith.constant 1 : i32
      scf.for %scan3A_169 = %scan3A_65 to %scan3A_67 step %scan3A_68  : i32 {
        %mul3A_170 = arith.constant 2 : i32
        %mul3A_171 = arith.muli %scan3A_169, %mul3A_170 : i32
        %add3A_172 = arith.constant 1 : i32
        %add3A_173 = arith.addi %mul3A_171, %add3A_172 : i32
        %dma_start3A_174 = arith.constant 0 : i32
        %dma_start3A_175 = tpu.memref_slice %arg7[%add3A_173, %dma_start3A_174] : memref<32x128xi32, #tpu.memory_space<vmem>> -> memref<1x128xi32, #tpu.memory_space<vmem>>
        %dma_start3A_176 = tpu.memref_squeeze %dma_start3A_175 : memref<1x128xi32, #tpu.memory_space<vmem>> -> memref<128xi32, #tpu.memory_space<vmem>>
        %dma_start3A_177 = arith.constant 0 : i32
        %dma_start3A_178 = arith.constant 0 : i32
        %dma_start3A_179 = tpu.memref_slice %arg2[%dma_start3A_177, %dma_start3A_178] : memref<10000x128xf32, #tpu.memory_space<hbm>> -> memref<10000x128xf32, #tpu.memory_space<hbm>>
        tpu.enqueue_indirect_dma source(%dma_start3A_179 : memref<10000x128xf32, #tpu.memory_space<hbm>>) target(%arg10 : memref<128x128xf32, #tpu.memory_space<vmem>>) offsets(%dma_start3A_176 : memref<128xi32, #tpu.memory_space<vmem>>) semaphore(%arg13 : memref<!tpu.dma_semaphore, #tpu.memory_space<semaphore_mem>>)
        %dma_wait3A_180 = arith.constant 0 : i32
        %dma_wait3A_181 = tpu.memref_slice %arg7[%mul3A_171, %dma_wait3A_180] : memref<32x128xi32, #tpu.memory_space<vmem>> -> memref<1x128xi32, #tpu.memory_space<vmem>>
        %dma_wait3A_182 = tpu.memref_squeeze %dma_wait3A_181 : memref<1x128xi32, #tpu.memory_space<vmem>> -> memref<128xi32, #tpu.memory_space<vmem>>
        %dma_wait3A_183 = arith.constant 0 : i32
        %dma_wait3A_184 = arith.constant 0 : i32
        %dma_wait3A_185 = tpu.memref_slice %arg2[%dma_wait3A_183, %dma_wait3A_184] : memref<10000x128xf32, #tpu.memory_space<hbm>> -> memref<10000x128xf32, #tpu.memory_space<hbm>>
        tpu.wait_indirect_dma semaphore(%arg12 : memref<!tpu.dma_semaphore, #tpu.memory_space<semaphore_mem>>) src(%dma_wait3A_185 : memref<10000x128xf32, #tpu.memory_space<hbm>>) dst(%arg9 : memref<128x128xf32, #tpu.memory_space<vmem>>)
        "tpu.region"() ({
          %run_scoped3A_200 = tpu.sem_alloc : memref<!tpu.dma_semaphore, #tpu.memory_space<semaphore_mem>>
          %dma_start3A_201 = arith.constant 0 : i32
          %dma_start3A_202 = tpu.memref_slice %arg8[%mul3A_171, %dma_start3A_201] : memref<32x128xi32, #tpu.memory_space<vmem>> -> memref<1x128xi32, #tpu.memory_space<vmem>>
          %dma_start3A_203 = tpu.memref_squeeze %dma_start3A_202 : memref<1x128xi32, #tpu.memory_space<vmem>> -> memref<128xi32, #tpu.memory_space<vmem>>
          %dma_start3A_204 = arith.constant 0 : i32
          %dma_start3A_205 = arith.constant 0 : i32
          %dma_start3A_206 = tpu.memref_slice %arg11[%dma_start3A_204, %dma_start3A_205] : memref<10240x128xf32, #tpu.memory_space<vmem_shared>> -> memref<10240x128xf32, #tpu.memory_space<vmem_shared>>
          tpu.enqueue_indirect_dma source(%arg9 : memref<128x128xf32, #tpu.memory_space<vmem>>) target(%dma_start3A_206 : memref<10240x128xf32, #tpu.memory_space<vmem_shared>>) offsets(%dma_start3A_203 : memref<128xi32, #tpu.memory_space<vmem>>) semaphore(%run_scoped3A_200 : memref<!tpu.dma_semaphore, #tpu.memory_space<semaphore_mem>>) {add = true}
          %dma_wait3A_207 = arith.constant 0 : i32
          %dma_wait3A_208 = tpu.memref_slice %arg8[%mul3A_171, %dma_wait3A_207] : memref<32x128xi32, #tpu.memory_space<vmem>> -> memref<1x128xi32, #tpu.memory_space<vmem>>
          %dma_wait3A_209 = tpu.memref_squeeze %dma_wait3A_208 : memref<1x128xi32, #tpu.memory_space<vmem>> -> memref<128xi32, #tpu.memory_space<vmem>>
          %dma_wait3A_210 = arith.constant 0 : i32
          %dma_wait3A_211 = arith.constant 0 : i32
          %dma_wait3A_212 = tpu.memref_slice %arg11[%dma_wait3A_210, %dma_wait3A_211] : memref<10240x128xf32, #tpu.memory_space<vmem_shared>> -> memref<10240x128xf32, #tpu.memory_space<vmem_shared>>
          tpu.wait_indirect_dma semaphore(%run_scoped3A_200 : memref<!tpu.dma_semaphore, #tpu.memory_space<semaphore_mem>>) src(%arg9 : memref<128x128xf32, #tpu.memory_space<vmem>>) dst(%dma_wait3A_212 : memref<10240x128xf32, #tpu.memory_space<vmem_shared>>)
          tpu.yield
        }) : () -> ()
        %add3A_186 = arith.constant 2 : i32
        %add3A_187 = arith.addi %mul3A_171, %add3A_186 : i32
        %dma_start3A_188 = arith.constant 0 : i32
        %dma_start3A_189 = tpu.memref_slice %arg7[%add3A_187, %dma_start3A_188] : memref<32x128xi32, #tpu.memory_space<vmem>> -> memref<1x128xi32, #tpu.memory_space<vmem>>
        %dma_start3A_190 = tpu.memref_squeeze %dma_start3A_189 : memref<1x128xi32, #tpu.memory_space<vmem>> -> memref<128xi32, #tpu.memory_space<vmem>>
        %dma_start3A_191 = arith.constant 0 : i32
        %dma_start3A_192 = arith.constant 0 : i32
        %dma_start3A_193 = tpu.memref_slice %arg2[%dma_start3A_191, %dma_start3A_192] : memref<10000x128xf32, #tpu.memory_space<hbm>> -> memref<10000x128xf32, #tpu.memory_space<hbm>>
        tpu.enqueue_indirect_dma source(%dma_start3A_193 : memref<10000x128xf32, #tpu.memory_space<hbm>>) target(%arg9 : memref<128x128xf32, #tpu.memory_space<vmem>>) offsets(%dma_start3A_190 : memref<128xi32, #tpu.memory_space<vmem>>) semaphore(%arg12 : memref<!tpu.dma_semaphore, #tpu.memory_space<semaphore_mem>>)
        %dma_wait3A_194 = arith.constant 0 : i32
        %dma_wait3A_195 = tpu.memref_slice %arg7[%add3A_173, %dma_wait3A_194] : memref<32x128xi32, #tpu.memory_space<vmem>> -> memref<1x128xi32, #tpu.memory_space<vmem>>
        %dma_wait3A_196 = tpu.memref_squeeze %dma_wait3A_195 : memref<1x128xi32, #tpu.memory_space<vmem>> -> memref<128xi32, #tpu.memory_space<vmem>>
        %dma_wait3A_197 = arith.constant 0 : i32
        %dma_wait3A_198 = arith.constant 0 : i32
        %dma_wait3A_199 = tpu.memref_slice %arg2[%dma_wait3A_197, %dma_wait3A_198] : memref<10000x128xf32, #tpu.memory_space<hbm>> -> memref<10000x128xf32, #tpu.memory_space<hbm>>
        tpu.wait_indirect_dma semaphore(%arg13 : memref<!tpu.dma_semaphore, #tpu.memory_space<semaphore_mem>>) src(%dma_wait3A_199 : memref<10000x128xf32, #tpu.memory_space<hbm>>) dst(%arg10 : memref<128x128xf32, #tpu.memory_space<vmem>>)
        "tpu.region"() ({
          %run_scoped3A_200 = tpu.sem_alloc : memref<!tpu.dma_semaphore, #tpu.memory_space<semaphore_mem>>
          %dma_start3A_201 = arith.constant 0 : i32
          %dma_start3A_202 = tpu.memref_slice %arg8[%add3A_173, %dma_start3A_201] : memref<32x128xi32, #tpu.memory_space<vmem>> -> memref<1x128xi32, #tpu.memory_space<vmem>>
          %dma_start3A_203 = tpu.memref_squeeze %dma_start3A_202 : memref<1x128xi32, #tpu.memory_space<vmem>> -> memref<128xi32, #tpu.memory_space<vmem>>
          %dma_start3A_204 = arith.constant 0 : i32
          %dma_start3A_205 = arith.constant 0 : i32
          %dma_start3A_206 = tpu.memref_slice %arg11[%dma_start3A_204, %dma_start3A_205] : memref<10240x128xf32, #tpu.memory_space<vmem_shared>> -> memref<10240x128xf32, #tpu.memory_space<vmem_shared>>
          tpu.enqueue_indirect_dma source(%arg10 : memref<128x128xf32, #tpu.memory_space<vmem>>) target(%dma_start3A_206 : memref<10240x128xf32, #tpu.memory_space<vmem_shared>>) offsets(%dma_start3A_203 : memref<128xi32, #tpu.memory_space<vmem>>) semaphore(%run_scoped3A_200 : memref<!tpu.dma_semaphore, #tpu.memory_space<semaphore_mem>>) {add = true}
          %dma_wait3A_207 = arith.constant 0 : i32
          %dma_wait3A_208 = tpu.memref_slice %arg8[%add3A_173, %dma_wait3A_207] : memref<32x128xi32, #tpu.memory_space<vmem>> -> memref<1x128xi32, #tpu.memory_space<vmem>>
          %dma_wait3A_209 = tpu.memref_squeeze %dma_wait3A_208 : memref<1x128xi32, #tpu.memory_space<vmem>> -> memref<128xi32, #tpu.memory_space<vmem>>
          %dma_wait3A_210 = arith.constant 0 : i32
          %dma_wait3A_211 = arith.constant 0 : i32
          %dma_wait3A_212 = tpu.memref_slice %arg11[%dma_wait3A_210, %dma_wait3A_211] : memref<10240x128xf32, #tpu.memory_space<vmem_shared>> -> memref<10240x128xf32, #tpu.memory_space<vmem_shared>>
          tpu.wait_indirect_dma semaphore(%run_scoped3A_200 : memref<!tpu.dma_semaphore, #tpu.memory_space<semaphore_mem>>) src(%arg10 : memref<128x128xf32, #tpu.memory_space<vmem>>) dst(%dma_wait3A_212 : memref<10240x128xf32, #tpu.memory_space<vmem_shared>>)
          tpu.yield
        }) : () -> ()
      }
      %scan3A_69 = arith.constant 15 : i32
      %dma_start3A_70 = arith.constant 31 : i32
      %dma_start3A_71 = arith.constant 0 : i32
      %dma_start3A_72 = tpu.memref_slice %arg7[%dma_start3A_70, %dma_start3A_71] : memref<32x128xi32, #tpu.memory_space<vmem>> -> memref<1x128xi32, #tpu.memory_space<vmem>>
      %dma_start3A_73 = tpu.memref_squeeze %dma_start3A_72 : memref<1x128xi32, #tpu.memory_space<vmem>> -> memref<128xi32, #tpu.memory_space<vmem>>
      %dma_start3A_74 = arith.constant 0 : i32
      %dma_start3A_75 = arith.constant 0 : i32
      %dma_start3A_76 = tpu.memref_slice %arg2[%dma_start3A_74, %dma_start3A_75] : memref<10000x128xf32, #tpu.memory_space<hbm>> -> memref<10000x128xf32, #tpu.memory_space<hbm>>
      tpu.enqueue_indirect_dma source(%dma_start3A_76 : memref<10000x128xf32, #tpu.memory_space<hbm>>) target(%arg10 : memref<128x128xf32, #tpu.memory_space<vmem>>) offsets(%dma_start3A_73 : memref<128xi32, #tpu.memory_space<vmem>>) semaphore(%arg13 : memref<!tpu.dma_semaphore, #tpu.memory_space<semaphore_mem>>)
      %dma_wait3A_77 = arith.constant 30 : i32
      %dma_wait3A_78 = arith.constant 0 : i32
      %dma_wait3A_79 = tpu.memref_slice %arg7[%dma_wait3A_77, %dma_wait3A_78] : memref<32x128xi32, #tpu.memory_space<vmem>> -> memref<1x128xi32, #tpu.memory_space<vmem>>
      %dma_wait3A_80 = tpu.memref_squeeze %dma_wait3A_79 : memref<1x128xi32, #tpu.memory_space<vmem>> -> memref<128xi32, #tpu.memory_space<vmem>>
      %dma_wait3A_81 = arith.constant 0 : i32
      %dma_wait3A_82 = arith.constant 0 : i32
      %dma_wait3A_83 = tpu.memref_slice %arg2[%dma_wait3A_81, %dma_wait3A_82] : memref<10000x128xf32, #tpu.memory_space<hbm>> -> memref<10000x128xf32, #tpu.memory_space<hbm>>
      tpu.wait_indirect_dma semaphore(%arg12 : memref<!tpu.dma_semaphore, #tpu.memory_space<semaphore_mem>>) src(%dma_wait3A_83 : memref<10000x128xf32, #tpu.memory_space<hbm>>) dst(%arg9 : memref<128x128xf32, #tpu.memory_space<vmem>>)
      %run_scoped3A_84 = arith.constant 30 : i32
      "tpu.region"() ({
        %run_scoped3A_169 = tpu.sem_alloc : memref<!tpu.dma_semaphore, #tpu.memory_space<semaphore_mem>>
        %dma_start3A_170 = arith.constant 0 : i32
        %dma_start3A_171 = tpu.memref_slice %arg8[%run_scoped3A_84, %dma_start3A_170] : memref<32x128xi32, #tpu.memory_space<vmem>> -> memref<1x128xi32, #tpu.memory_space<vmem>>
        %dma_start3A_172 = tpu.memref_squeeze %dma_start3A_171 : memref<1x128xi32, #tpu.memory_space<vmem>> -> memref<128xi32, #tpu.memory_space<vmem>>
        %dma_start3A_173 = arith.constant 0 : i32
        %dma_start3A_174 = arith.constant 0 : i32
        %dma_start3A_175 = tpu.memref_slice %arg11[%dma_start3A_173, %dma_start3A_174] : memref<10240x128xf32, #tpu.memory_space<vmem_shared>> -> memref<10240x128xf32, #tpu.memory_space<vmem_shared>>
        tpu.enqueue_indirect_dma source(%arg9 : memref<128x128xf32, #tpu.memory_space<vmem>>) target(%dma_start3A_175 : memref<10240x128xf32, #tpu.memory_space<vmem_shared>>) offsets(%dma_start3A_172 : memref<128xi32, #tpu.memory_space<vmem>>) semaphore(%run_scoped3A_169 : memref<!tpu.dma_semaphore, #tpu.memory_space<semaphore_mem>>) {add = true}
        %dma_wait3A_176 = arith.constant 0 : i32
        %dma_wait3A_177 = tpu.memref_slice %arg8[%run_scoped3A_84, %dma_wait3A_176] : memref<32x128xi32, #tpu.memory_space<vmem>> -> memref<1x128xi32, #tpu.memory_space<vmem>>
        %dma_wait3A_178 = tpu.memref_squeeze %dma_wait3A_177 : memref<1x128xi32, #tpu.memory_space<vmem>> -> memref<128xi32, #tpu.memory_space<vmem>>
        %dma_wait3A_179 = arith.constant 0 : i32
        %dma_wait3A_180 = arith.constant 0 : i32
        %dma_wait3A_181 = tpu.memref_slice %arg11[%dma_wait3A_179, %dma_wait3A_180] : memref<10240x128xf32, #tpu.memory_space<vmem_shared>> -> memref<10240x128xf32, #tpu.memory_space<vmem_shared>>
        tpu.wait_indirect_dma semaphore(%run_scoped3A_169 : memref<!tpu.dma_semaphore, #tpu.memory_space<semaphore_mem>>) src(%arg9 : memref<128x128xf32, #tpu.memory_space<vmem>>) dst(%dma_wait3A_181 : memref<10240x128xf32, #tpu.memory_space<vmem_shared>>)
        tpu.yield
      }) : () -> ()
      %dma_wait3A_85 = arith.constant 31 : i32
      %dma_wait3A_86 = arith.constant 0 : i32
      %dma_wait3A_87 = tpu.memref_slice %arg7[%dma_wait3A_85, %dma_wait3A_86] : memref<32x128xi32, #tpu.memory_space<vmem>> -> memref<1x128xi32, #tpu.memory_space<vmem>>
      %dma_wait3A_88 = tpu.memref_squeeze %dma_wait3A_87 : memref<1x128xi32, #tpu.memory_space<vmem>> -> memref<128xi32, #tpu.memory_space<vmem>>
      %dma_wait3A_89 = arith.constant 0 : i32
      %dma_wait3A_90 = arith.constant 0 : i32
      %dma_wait3A_91 = tpu.memref_slice %arg2[%dma_wait3A_89, %dma_wait3A_90] : memref<10000x128xf32, #tpu.memory_space<hbm>> -> memref<10000x128xf32, #tpu.memory_space<hbm>>
      tpu.wait_indirect_dma semaphore(%arg13 : memref<!tpu.dma_semaphore, #tpu.memory_space<semaphore_mem>>) src(%dma_wait3A_91 : memref<10000x128xf32, #tpu.memory_space<hbm>>) dst(%arg10 : memref<128x128xf32, #tpu.memory_space<vmem>>)
      %run_scoped3A_92 = arith.constant 31 : i32
      "tpu.region"() ({
        %run_scoped3A_169 = tpu.sem_alloc : memref<!tpu.dma_semaphore, #tpu.memory_space<semaphore_mem>>
        %dma_start3A_170 = arith.constant 0 : i32
        %dma_start3A_171 = tpu.memref_slice %arg8[%run_scoped3A_92, %dma_start3A_170] : memref<32x128xi32, #tpu.memory_space<vmem>> -> memref<1x128xi32, #tpu.memory_space<vmem>>
        %dma_start3A_172 = tpu.memref_squeeze %dma_start3A_171 : memref<1x128xi32, #tpu.memory_space<vmem>> -> memref<128xi32, #tpu.memory_space<vmem>>
        %dma_start3A_173 = arith.constant 0 : i32
        %dma_start3A_174 = arith.constant 0 : i32
        %dma_start3A_175 = tpu.memref_slice %arg11[%dma_start3A_173, %dma_start3A_174] : memref<10240x128xf32, #tpu.memory_space<vmem_shared>> -> memref<10240x128xf32, #tpu.memory_space<vmem_shared>>
        tpu.enqueue_indirect_dma source(%arg10 : memref<128x128xf32, #tpu.memory_space<vmem>>) target(%dma_start3A_175 : memref<10240x128xf32, #tpu.memory_space<vmem_shared>>) offsets(%dma_start3A_172 : memref<128xi32, #tpu.memory_space<vmem>>) semaphore(%run_scoped3A_169 : memref<!tpu.dma_semaphore, #tpu.memory_space<semaphore_mem>>) {add = true}
        %dma_wait3A_176 = arith.constant 0 : i32
        %dma_wait3A_177 = tpu.memref_slice %arg8[%run_scoped3A_92, %dma_wait3A_176] : memref<32x128xi32, #tpu.memory_space<vmem>> -> memref<1x128xi32, #tpu.memory_space<vmem>>
        %dma_wait3A_178 = tpu.memref_squeeze %dma_wait3A_177 : memref<1x128xi32, #tpu.memory_space<vmem>> -> memref<128xi32, #tpu.memory_space<vmem>>
        %dma_wait3A_179 = arith.constant 0 : i32
        %dma_wait3A_180 = arith.constant 0 : i32
        %dma_wait3A_181 = tpu.memref_slice %arg11[%dma_wait3A_179, %dma_wait3A_180] : memref<10240x128xf32, #tpu.memory_space<vmem_shared>> -> memref<10240x128xf32, #tpu.memory_space<vmem_shared>>
        tpu.wait_indirect_dma semaphore(%run_scoped3A_169 : memref<!tpu.dma_semaphore, #tpu.memory_space<semaphore_mem>>) src(%arg10 : memref<128x128xf32, #tpu.memory_space<vmem>>) dst(%dma_wait3A_181 : memref<10240x128xf32, #tpu.memory_space<vmem_shared>>)
        tpu.yield
      }) : () -> ()
      %add3A_93 = arith.constant 64 : i32
      %add3A_94 = arith.addi %mul3A_21, %add3A_93 : i32
      "tpu.region"() ({
        %run_scoped3A_169 = tpu.sem_alloc : memref<!tpu.dma_semaphore, #tpu.memory_space<semaphore_mem>>
        %dma_start3A_170 = arith.constant 0 : i32
        %dma_start3A_171 = tpu.memref_slice %arg3[%add3A_94, %dma_start3A_170] : memref<2560x128xi32, #tpu.memory_space<hbm>> -> memref<32x128xi32, #tpu.memory_space<hbm>>
        %dma_start3A_172 = arith.constant 0 : i32
        %dma_start3A_173 = tpu.memref_slice %arg3[%add3A_94, %dma_start3A_172] : memref<2560x128xi32, #tpu.memory_space<hbm>> -> memref<32x128xi32, #tpu.memory_space<hbm>>
        tpu.enqueue_dma source(%dma_start3A_173 : memref<32x128xi32, #tpu.memory_space<hbm>>) target(%arg7 : memref<32x128xi32, #tpu.memory_space<vmem>>) target_semaphore(%run_scoped3A_169 : memref<!tpu.dma_semaphore, #tpu.memory_space<semaphore_mem>>)
        %dma_wait3A_174 = arith.constant 0 : i32
        %dma_wait3A_175 = tpu.memref_slice %arg3[%add3A_94, %dma_wait3A_174] : memref<2560x128xi32, #tpu.memory_space<hbm>> -> memref<32x128xi32, #tpu.memory_space<hbm>>
        %dma_wait3A_176 = arith.constant 0 : i32
        %dma_wait3A_177 = tpu.memref_slice %arg3[%add3A_94, %dma_wait3A_176] : memref<2560x128xi32, #tpu.memory_space<hbm>> -> memref<32x128xi32, #tpu.memory_space<hbm>>
        tpu.wait_dma2 semaphore(%run_scoped3A_169 : memref<!tpu.dma_semaphore, #tpu.memory_space<semaphore_mem>>) src(%dma_wait3A_177 : memref<32x128xi32, #tpu.memory_space<hbm>>) dst(%arg7 : memref<32x128xi32, #tpu.memory_space<vmem>>)
        tpu.yield
      }) : () -> ()
      "tpu.region"() ({
        %run_scoped3A_169 = tpu.sem_alloc : memref<!tpu.dma_semaphore, #tpu.memory_space<semaphore_mem>>
        %dma_start3A_170 = arith.constant 0 : i32
        %dma_start3A_171 = tpu.memref_slice %arg4[%add3A_94, %dma_start3A_170] : memref<2560x128xi32, #tpu.memory_space<hbm>> -> memref<32x128xi32, #tpu.memory_space<hbm>>
        %dma_start3A_172 = arith.constant 0 : i32
        %dma_start3A_173 = tpu.memref_slice %arg4[%add3A_94, %dma_start3A_172] : memref<2560x128xi32, #tpu.memory_space<hbm>> -> memref<32x128xi32, #tpu.memory_space<hbm>>
        tpu.enqueue_dma source(%dma_start3A_173 : memref<32x128xi32, #tpu.memory_space<hbm>>) target(%arg8 : memref<32x128xi32, #tpu.memory_space<vmem>>) target_semaphore(%run_scoped3A_169 : memref<!tpu.dma_semaphore, #tpu.memory_space<semaphore_mem>>)
        %dma_wait3A_174 = arith.constant 0 : i32
        %dma_wait3A_175 = tpu.memref_slice %arg4[%add3A_94, %dma_wait3A_174] : memref<2560x128xi32, #tpu.memory_space<hbm>> -> memref<32x128xi32, #tpu.memory_space<hbm>>
        %dma_wait3A_176 = arith.constant 0 : i32
        %dma_wait3A_177 = tpu.memref_slice %arg4[%add3A_94, %dma_wait3A_176] : memref<2560x128xi32, #tpu.memory_space<hbm>> -> memref<32x128xi32, #tpu.memory_space<hbm>>
        tpu.wait_dma2 semaphore(%run_scoped3A_169 : memref<!tpu.dma_semaphore, #tpu.memory_space<semaphore_mem>>) src(%dma_wait3A_177 : memref<32x128xi32, #tpu.memory_space<hbm>>) dst(%arg8 : memref<32x128xi32, #tpu.memory_space<vmem>>)
        tpu.yield
      }) : () -> ()
      %dma_start3A_95 = arith.constant 0 : i32
      %dma_start3A_96 = arith.constant 0 : i32
      %dma_start3A_97 = tpu.memref_slice %arg7[%dma_start3A_95, %dma_start3A_96] : memref<32x128xi32, #tpu.memory_space<vmem>> -> memref<1x128xi32, #tpu.memory_space<vmem>>
      %dma_start3A_98 = tpu.memref_squeeze %dma_start3A_97 : memref<1x128xi32, #tpu.memory_space<vmem>> -> memref<128xi32, #tpu.memory_space<vmem>>
      %dma_start3A_99 = arith.constant 0 : i32
      %dma_start3A_100 = arith.constant 0 : i32
      %dma_start3A_101 = tpu.memref_slice %arg2[%dma_start3A_99, %dma_start3A_100] : memref<10000x128xf32, #tpu.memory_space<hbm>> -> memref<10000x128xf32, #tpu.memory_space<hbm>>
      tpu.enqueue_indirect_dma source(%dma_start3A_101 : memref<10000x128xf32, #tpu.memory_space<hbm>>) target(%arg9 : memref<128x128xf32, #tpu.memory_space<vmem>>) offsets(%dma_start3A_98 : memref<128xi32, #tpu.memory_space<vmem>>) semaphore(%arg12 : memref<!tpu.dma_semaphore, #tpu.memory_space<semaphore_mem>>)
      %scan3A_102 = arith.constant 0 : i32
      %scan3A_103 = arith.constant 0 : i32
      %scan3A_104 = arith.constant 15 : i32
      %scan3A_105 = arith.addi %scan3A_103, %scan3A_104 : i32
      %scan3A_106 = arith.constant 1 : i32
      scf.for %scan3A_169 = %scan3A_103 to %scan3A_105 step %scan3A_106  : i32 {
        %mul3A_170 = arith.constant 2 : i32
        %mul3A_171 = arith.muli %scan3A_169, %mul3A_170 : i32
        %add3A_172 = arith.constant 1 : i32
        %add3A_173 = arith.addi %mul3A_171, %add3A_172 : i32
        %dma_start3A_174 = arith.constant 0 : i32
        %dma_start3A_175 = tpu.memref_slice %arg7[%add3A_173, %dma_start3A_174] : memref<32x128xi32, #tpu.memory_space<vmem>> -> memref<1x128xi32, #tpu.memory_space<vmem>>
        %dma_start3A_176 = tpu.memref_squeeze %dma_start3A_175 : memref<1x128xi32, #tpu.memory_space<vmem>> -> memref<128xi32, #tpu.memory_space<vmem>>
        %dma_start3A_177 = arith.constant 0 : i32
        %dma_start3A_178 = arith.constant 0 : i32
        %dma_start3A_179 = tpu.memref_slice %arg2[%dma_start3A_177, %dma_start3A_178] : memref<10000x128xf32, #tpu.memory_space<hbm>> -> memref<10000x128xf32, #tpu.memory_space<hbm>>
        tpu.enqueue_indirect_dma source(%dma_start3A_179 : memref<10000x128xf32, #tpu.memory_space<hbm>>) target(%arg10 : memref<128x128xf32, #tpu.memory_space<vmem>>) offsets(%dma_start3A_176 : memref<128xi32, #tpu.memory_space<vmem>>) semaphore(%arg13 : memref<!tpu.dma_semaphore, #tpu.memory_space<semaphore_mem>>)
        %dma_wait3A_180 = arith.constant 0 : i32
        %dma_wait3A_181 = tpu.memref_slice %arg7[%mul3A_171, %dma_wait3A_180] : memref<32x128xi32, #tpu.memory_space<vmem>> -> memref<1x128xi32, #tpu.memory_space<vmem>>
        %dma_wait3A_182 = tpu.memref_squeeze %dma_wait3A_181 : memref<1x128xi32, #tpu.memory_space<vmem>> -> memref<128xi32, #tpu.memory_space<vmem>>
        %dma_wait3A_183 = arith.constant 0 : i32
        %dma_wait3A_184 = arith.constant 0 : i32
        %dma_wait3A_185 = tpu.memref_slice %arg2[%dma_wait3A_183, %dma_wait3A_184] : memref<10000x128xf32, #tpu.memory_space<hbm>> -> memref<10000x128xf32, #tpu.memory_space<hbm>>
        tpu.wait_indirect_dma semaphore(%arg12 : memref<!tpu.dma_semaphore, #tpu.memory_space<semaphore_mem>>) src(%dma_wait3A_185 : memref<10000x128xf32, #tpu.memory_space<hbm>>) dst(%arg9 : memref<128x128xf32, #tpu.memory_space<vmem>>)
        "tpu.region"() ({
          %run_scoped3A_200 = tpu.sem_alloc : memref<!tpu.dma_semaphore, #tpu.memory_space<semaphore_mem>>
          %dma_start3A_201 = arith.constant 0 : i32
          %dma_start3A_202 = tpu.memref_slice %arg8[%mul3A_171, %dma_start3A_201] : memref<32x128xi32, #tpu.memory_space<vmem>> -> memref<1x128xi32, #tpu.memory_space<vmem>>
          %dma_start3A_203 = tpu.memref_squeeze %dma_start3A_202 : memref<1x128xi32, #tpu.memory_space<vmem>> -> memref<128xi32, #tpu.memory_space<vmem>>
          %dma_start3A_204 = arith.constant 0 : i32
          %dma_start3A_205 = arith.constant 0 : i32
          %dma_start3A_206 = tpu.memref_slice %arg11[%dma_start3A_204, %dma_start3A_205] : memref<10240x128xf32, #tpu.memory_space<vmem_shared>> -> memref<10240x128xf32, #tpu.memory_space<vmem_shared>>
          tpu.enqueue_indirect_dma source(%arg9 : memref<128x128xf32, #tpu.memory_space<vmem>>) target(%dma_start3A_206 : memref<10240x128xf32, #tpu.memory_space<vmem_shared>>) offsets(%dma_start3A_203 : memref<128xi32, #tpu.memory_space<vmem>>) semaphore(%run_scoped3A_200 : memref<!tpu.dma_semaphore, #tpu.memory_space<semaphore_mem>>) {add = true}
          %dma_wait3A_207 = arith.constant 0 : i32
          %dma_wait3A_208 = tpu.memref_slice %arg8[%mul3A_171, %dma_wait3A_207] : memref<32x128xi32, #tpu.memory_space<vmem>> -> memref<1x128xi32, #tpu.memory_space<vmem>>
          %dma_wait3A_209 = tpu.memref_squeeze %dma_wait3A_208 : memref<1x128xi32, #tpu.memory_space<vmem>> -> memref<128xi32, #tpu.memory_space<vmem>>
          %dma_wait3A_210 = arith.constant 0 : i32
          %dma_wait3A_211 = arith.constant 0 : i32
          %dma_wait3A_212 = tpu.memref_slice %arg11[%dma_wait3A_210, %dma_wait3A_211] : memref<10240x128xf32, #tpu.memory_space<vmem_shared>> -> memref<10240x128xf32, #tpu.memory_space<vmem_shared>>
          tpu.wait_indirect_dma semaphore(%run_scoped3A_200 : memref<!tpu.dma_semaphore, #tpu.memory_space<semaphore_mem>>) src(%arg9 : memref<128x128xf32, #tpu.memory_space<vmem>>) dst(%dma_wait3A_212 : memref<10240x128xf32, #tpu.memory_space<vmem_shared>>)
          tpu.yield
        }) : () -> ()
        %add3A_186 = arith.constant 2 : i32
        %add3A_187 = arith.addi %mul3A_171, %add3A_186 : i32
        %dma_start3A_188 = arith.constant 0 : i32
        %dma_start3A_189 = tpu.memref_slice %arg7[%add3A_187, %dma_start3A_188] : memref<32x128xi32, #tpu.memory_space<vmem>> -> memref<1x128xi32, #tpu.memory_space<vmem>>
        %dma_start3A_190 = tpu.memref_squeeze %dma_start3A_189 : memref<1x128xi32, #tpu.memory_space<vmem>> -> memref<128xi32, #tpu.memory_space<vmem>>
        %dma_start3A_191 = arith.constant 0 : i32
        %dma_start3A_192 = arith.constant 0 : i32
        %dma_start3A_193 = tpu.memref_slice %arg2[%dma_start3A_191, %dma_start3A_192] : memref<10000x128xf32, #tpu.memory_space<hbm>> -> memref<10000x128xf32, #tpu.memory_space<hbm>>
        tpu.enqueue_indirect_dma source(%dma_start3A_193 : memref<10000x128xf32, #tpu.memory_space<hbm>>) target(%arg9 : memref<128x128xf32, #tpu.memory_space<vmem>>) offsets(%dma_start3A_190 : memref<128xi32, #tpu.memory_space<vmem>>) semaphore(%arg12 : memref<!tpu.dma_semaphore, #tpu.memory_space<semaphore_mem>>)
        %dma_wait3A_194 = arith.constant 0 : i32
        %dma_wait3A_195 = tpu.memref_slice %arg7[%add3A_173, %dma_wait3A_194] : memref<32x128xi32, #tpu.memory_space<vmem>> -> memref<1x128xi32, #tpu.memory_space<vmem>>
        %dma_wait3A_196 = tpu.memref_squeeze %dma_wait3A_195 : memref<1x128xi32, #tpu.memory_space<vmem>> -> memref<128xi32, #tpu.memory_space<vmem>>
        %dma_wait3A_197 = arith.constant 0 : i32
        %dma_wait3A_198 = arith.constant 0 : i32
        %dma_wait3A_199 = tpu.memref_slice %arg2[%dma_wait3A_197, %dma_wait3A_198] : memref<10000x128xf32, #tpu.memory_space<hbm>> -> memref<10000x128xf32, #tpu.memory_space<hbm>>
        tpu.wait_indirect_dma semaphore(%arg13 : memref<!tpu.dma_semaphore, #tpu.memory_space<semaphore_mem>>) src(%dma_wait3A_199 : memref<10000x128xf32, #tpu.memory_space<hbm>>) dst(%arg10 : memref<128x128xf32, #tpu.memory_space<vmem>>)
        "tpu.region"() ({
          %run_scoped3A_200 = tpu.sem_alloc : memref<!tpu.dma_semaphore, #tpu.memory_space<semaphore_mem>>
          %dma_start3A_201 = arith.constant 0 : i32
          %dma_start3A_202 = tpu.memref_slice %arg8[%add3A_173, %dma_start3A_201] : memref<32x128xi32, #tpu.memory_space<vmem>> -> memref<1x128xi32, #tpu.memory_space<vmem>>
          %dma_start3A_203 = tpu.memref_squeeze %dma_start3A_202 : memref<1x128xi32, #tpu.memory_space<vmem>> -> memref<128xi32, #tpu.memory_space<vmem>>
          %dma_start3A_204 = arith.constant 0 : i32
          %dma_start3A_205 = arith.constant 0 : i32
          %dma_start3A_206 = tpu.memref_slice %arg11[%dma_start3A_204, %dma_start3A_205] : memref<10240x128xf32, #tpu.memory_space<vmem_shared>> -> memref<10240x128xf32, #tpu.memory_space<vmem_shared>>
          tpu.enqueue_indirect_dma source(%arg10 : memref<128x128xf32, #tpu.memory_space<vmem>>) target(%dma_start3A_206 : memref<10240x128xf32, #tpu.memory_space<vmem_shared>>) offsets(%dma_start3A_203 : memref<128xi32, #tpu.memory_space<vmem>>) semaphore(%run_scoped3A_200 : memref<!tpu.dma_semaphore, #tpu.memory_space<semaphore_mem>>) {add = true}
          %dma_wait3A_207 = arith.constant 0 : i32
          %dma_wait3A_208 = tpu.memref_slice %arg8[%add3A_173, %dma_wait3A_207] : memref<32x128xi32, #tpu.memory_space<vmem>> -> memref<1x128xi32, #tpu.memory_space<vmem>>
          %dma_wait3A_209 = tpu.memref_squeeze %dma_wait3A_208 : memref<1x128xi32, #tpu.memory_space<vmem>> -> memref<128xi32, #tpu.memory_space<vmem>>
          %dma_wait3A_210 = arith.constant 0 : i32
          %dma_wait3A_211 = arith.constant 0 : i32
          %dma_wait3A_212 = tpu.memref_slice %arg11[%dma_wait3A_210, %dma_wait3A_211] : memref<10240x128xf32, #tpu.memory_space<vmem_shared>> -> memref<10240x128xf32, #tpu.memory_space<vmem_shared>>
          tpu.wait_indirect_dma semaphore(%run_scoped3A_200 : memref<!tpu.dma_semaphore, #tpu.memory_space<semaphore_mem>>) src(%arg10 : memref<128x128xf32, #tpu.memory_space<vmem>>) dst(%dma_wait3A_212 : memref<10240x128xf32, #tpu.memory_space<vmem_shared>>)
          tpu.yield
        }) : () -> ()
      }
      %scan3A_107 = arith.constant 15 : i32
      %dma_start3A_108 = arith.constant 31 : i32
      %dma_start3A_109 = arith.constant 0 : i32
      %dma_start3A_110 = tpu.memref_slice %arg7[%dma_start3A_108, %dma_start3A_109] : memref<32x128xi32, #tpu.memory_space<vmem>> -> memref<1x128xi32, #tpu.memory_space<vmem>>
      %dma_start3A_111 = tpu.memref_squeeze %dma_start3A_110 : memref<1x128xi32, #tpu.memory_space<vmem>> -> memref<128xi32, #tpu.memory_space<vmem>>
      %dma_start3A_112 = arith.constant 0 : i32
      %dma_start3A_113 = arith.constant 0 : i32
      %dma_start3A_114 = tpu.memref_slice %arg2[%dma_start3A_112, %dma_start3A_113] : memref<10000x128xf32, #tpu.memory_space<hbm>> -> memref<10000x128xf32, #tpu.memory_space<hbm>>
      tpu.enqueue_indirect_dma source(%dma_start3A_114 : memref<10000x128xf32, #tpu.memory_space<hbm>>) target(%arg10 : memref<128x128xf32, #tpu.memory_space<vmem>>) offsets(%dma_start3A_111 : memref<128xi32, #tpu.memory_space<vmem>>) semaphore(%arg13 : memref<!tpu.dma_semaphore, #tpu.memory_space<semaphore_mem>>)
      %dma_wait3A_115 = arith.constant 30 : i32
      %dma_wait3A_116 = arith.constant 0 : i32
      %dma_wait3A_117 = tpu.memref_slice %arg7[%dma_wait3A_115, %dma_wait3A_116] : memref<32x128xi32, #tpu.memory_space<vmem>> -> memref<1x128xi32, #tpu.memory_space<vmem>>
      %dma_wait3A_118 = tpu.memref_squeeze %dma_wait3A_117 : memref<1x128xi32, #tpu.memory_space<vmem>> -> memref<128xi32, #tpu.memory_space<vmem>>
      %dma_wait3A_119 = arith.constant 0 : i32
      %dma_wait3A_120 = arith.constant 0 : i32
      %dma_wait3A_121 = tpu.memref_slice %arg2[%dma_wait3A_119, %dma_wait3A_120] : memref<10000x128xf32, #tpu.memory_space<hbm>> -> memref<10000x128xf32, #tpu.memory_space<hbm>>
      tpu.wait_indirect_dma semaphore(%arg12 : memref<!tpu.dma_semaphore, #tpu.memory_space<semaphore_mem>>) src(%dma_wait3A_121 : memref<10000x128xf32, #tpu.memory_space<hbm>>) dst(%arg9 : memref<128x128xf32, #tpu.memory_space<vmem>>)
      %run_scoped3A_122 = arith.constant 30 : i32
      "tpu.region"() ({
        %run_scoped3A_169 = tpu.sem_alloc : memref<!tpu.dma_semaphore, #tpu.memory_space<semaphore_mem>>
        %dma_start3A_170 = arith.constant 0 : i32
        %dma_start3A_171 = tpu.memref_slice %arg8[%run_scoped3A_122, %dma_start3A_170] : memref<32x128xi32, #tpu.memory_space<vmem>> -> memref<1x128xi32, #tpu.memory_space<vmem>>
        %dma_start3A_172 = tpu.memref_squeeze %dma_start3A_171 : memref<1x128xi32, #tpu.memory_space<vmem>> -> memref<128xi32, #tpu.memory_space<vmem>>
        %dma_start3A_173 = arith.constant 0 : i32
        %dma_start3A_174 = arith.constant 0 : i32
        %dma_start3A_175 = tpu.memref_slice %arg11[%dma_start3A_173, %dma_start3A_174] : memref<10240x128xf32, #tpu.memory_space<vmem_shared>> -> memref<10240x128xf32, #tpu.memory_space<vmem_shared>>
        tpu.enqueue_indirect_dma source(%arg9 : memref<128x128xf32, #tpu.memory_space<vmem>>) target(%dma_start3A_175 : memref<10240x128xf32, #tpu.memory_space<vmem_shared>>) offsets(%dma_start3A_172 : memref<128xi32, #tpu.memory_space<vmem>>) semaphore(%run_scoped3A_169 : memref<!tpu.dma_semaphore, #tpu.memory_space<semaphore_mem>>) {add = true}
        %dma_wait3A_176 = arith.constant 0 : i32
        %dma_wait3A_177 = tpu.memref_slice %arg8[%run_scoped3A_122, %dma_wait3A_176] : memref<32x128xi32, #tpu.memory_space<vmem>> -> memref<1x128xi32, #tpu.memory_space<vmem>>
        %dma_wait3A_178 = tpu.memref_squeeze %dma_wait3A_177 : memref<1x128xi32, #tpu.memory_space<vmem>> -> memref<128xi32, #tpu.memory_space<vmem>>
        %dma_wait3A_179 = arith.constant 0 : i32
        %dma_wait3A_180 = arith.constant 0 : i32
        %dma_wait3A_181 = tpu.memref_slice %arg11[%dma_wait3A_179, %dma_wait3A_180] : memref<10240x128xf32, #tpu.memory_space<vmem_shared>> -> memref<10240x128xf32, #tpu.memory_space<vmem_shared>>
        tpu.wait_indirect_dma semaphore(%run_scoped3A_169 : memref<!tpu.dma_semaphore, #tpu.memory_space<semaphore_mem>>) src(%arg9 : memref<128x128xf32, #tpu.memory_space<vmem>>) dst(%dma_wait3A_181 : memref<10240x128xf32, #tpu.memory_space<vmem_shared>>)
        tpu.yield
      }) : () -> ()
      %dma_wait3A_123 = arith.constant 31 : i32
      %dma_wait3A_124 = arith.constant 0 : i32
      %dma_wait3A_125 = tpu.memref_slice %arg7[%dma_wait3A_123, %dma_wait3A_124] : memref<32x128xi32, #tpu.memory_space<vmem>> -> memref<1x128xi32, #tpu.memory_space<vmem>>
      %dma_wait3A_126 = tpu.memref_squeeze %dma_wait3A_125 : memref<1x128xi32, #tpu.memory_space<vmem>> -> memref<128xi32, #tpu.memory_space<vmem>>
      %dma_wait3A_127 = arith.constant 0 : i32
      %dma_wait3A_128 = arith.constant 0 : i32
      %dma_wait3A_129 = tpu.memref_slice %arg2[%dma_wait3A_127, %dma_wait3A_128] : memref<10000x128xf32, #tpu.memory_space<hbm>> -> memref<10000x128xf32, #tpu.memory_space<hbm>>
      tpu.wait_indirect_dma semaphore(%arg13 : memref<!tpu.dma_semaphore, #tpu.memory_space<semaphore_mem>>) src(%dma_wait3A_129 : memref<10000x128xf32, #tpu.memory_space<hbm>>) dst(%arg10 : memref<128x128xf32, #tpu.memory_space<vmem>>)
      %run_scoped3A_130 = arith.constant 31 : i32
      "tpu.region"() ({
        %run_scoped3A_169 = tpu.sem_alloc : memref<!tpu.dma_semaphore, #tpu.memory_space<semaphore_mem>>
        %dma_start3A_170 = arith.constant 0 : i32
        %dma_start3A_171 = tpu.memref_slice %arg8[%run_scoped3A_130, %dma_start3A_170] : memref<32x128xi32, #tpu.memory_space<vmem>> -> memref<1x128xi32, #tpu.memory_space<vmem>>
        %dma_start3A_172 = tpu.memref_squeeze %dma_start3A_171 : memref<1x128xi32, #tpu.memory_space<vmem>> -> memref<128xi32, #tpu.memory_space<vmem>>
        %dma_start3A_173 = arith.constant 0 : i32
        %dma_start3A_174 = arith.constant 0 : i32
        %dma_start3A_175 = tpu.memref_slice %arg11[%dma_start3A_173, %dma_start3A_174] : memref<10240x128xf32, #tpu.memory_space<vmem_shared>> -> memref<10240x128xf32, #tpu.memory_space<vmem_shared>>
        tpu.enqueue_indirect_dma source(%arg10 : memref<128x128xf32, #tpu.memory_space<vmem>>) target(%dma_start3A_175 : memref<10240x128xf32, #tpu.memory_space<vmem_shared>>) offsets(%dma_start3A_172 : memref<128xi32, #tpu.memory_space<vmem>>) semaphore(%run_scoped3A_169 : memref<!tpu.dma_semaphore, #tpu.memory_space<semaphore_mem>>) {add = true}
        %dma_wait3A_176 = arith.constant 0 : i32
        %dma_wait3A_177 = tpu.memref_slice %arg8[%run_scoped3A_130, %dma_wait3A_176] : memref<32x128xi32, #tpu.memory_space<vmem>> -> memref<1x128xi32, #tpu.memory_space<vmem>>
        %dma_wait3A_178 = tpu.memref_squeeze %dma_wait3A_177 : memref<1x128xi32, #tpu.memory_space<vmem>> -> memref<128xi32, #tpu.memory_space<vmem>>
        %dma_wait3A_179 = arith.constant 0 : i32
        %dma_wait3A_180 = arith.constant 0 : i32
        %dma_wait3A_181 = tpu.memref_slice %arg11[%dma_wait3A_179, %dma_wait3A_180] : memref<10240x128xf32, #tpu.memory_space<vmem_shared>> -> memref<10240x128xf32, #tpu.memory_space<vmem_shared>>
        tpu.wait_indirect_dma semaphore(%run_scoped3A_169 : memref<!tpu.dma_semaphore, #tpu.memory_space<semaphore_mem>>) src(%arg10 : memref<128x128xf32, #tpu.memory_space<vmem>>) dst(%dma_wait3A_181 : memref<10240x128xf32, #tpu.memory_space<vmem_shared>>)
        tpu.yield
      }) : () -> ()
      %add3A_131 = arith.constant 96 : i32
      %add3A_132 = arith.addi %mul3A_21, %add3A_131 : i32
      "tpu.region"() ({
        %run_scoped3A_169 = tpu.sem_alloc : memref<!tpu.dma_semaphore, #tpu.memory_space<semaphore_mem>>
        %dma_start3A_170 = arith.constant 0 : i32
        %dma_start3A_171 = tpu.memref_slice %arg3[%add3A_132, %dma_start3A_170] : memref<2560x128xi32, #tpu.memory_space<hbm>> -> memref<32x128xi32, #tpu.memory_space<hbm>>
        %dma_start3A_172 = arith.constant 0 : i32
        %dma_start3A_173 = tpu.memref_slice %arg3[%add3A_132, %dma_start3A_172] : memref<2560x128xi32, #tpu.memory_space<hbm>> -> memref<32x128xi32, #tpu.memory_space<hbm>>
        tpu.enqueue_dma source(%dma_start3A_173 : memref<32x128xi32, #tpu.memory_space<hbm>>) target(%arg7 : memref<32x128xi32, #tpu.memory_space<vmem>>) target_semaphore(%run_scoped3A_169 : memref<!tpu.dma_semaphore, #tpu.memory_space<semaphore_mem>>)
        %dma_wait3A_174 = arith.constant 0 : i32
        %dma_wait3A_175 = tpu.memref_slice %arg3[%add3A_132, %dma_wait3A_174] : memref<2560x128xi32, #tpu.memory_space<hbm>> -> memref<32x128xi32, #tpu.memory_space<hbm>>
        %dma_wait3A_176 = arith.constant 0 : i32
        %dma_wait3A_177 = tpu.memref_slice %arg3[%add3A_132, %dma_wait3A_176] : memref<2560x128xi32, #tpu.memory_space<hbm>> -> memref<32x128xi32, #tpu.memory_space<hbm>>
        tpu.wait_dma2 semaphore(%run_scoped3A_169 : memref<!tpu.dma_semaphore, #tpu.memory_space<semaphore_mem>>) src(%dma_wait3A_177 : memref<32x128xi32, #tpu.memory_space<hbm>>) dst(%arg7 : memref<32x128xi32, #tpu.memory_space<vmem>>)
        tpu.yield
      }) : () -> ()
      "tpu.region"() ({
        %run_scoped3A_169 = tpu.sem_alloc : memref<!tpu.dma_semaphore, #tpu.memory_space<semaphore_mem>>
        %dma_start3A_170 = arith.constant 0 : i32
        %dma_start3A_171 = tpu.memref_slice %arg4[%add3A_132, %dma_start3A_170] : memref<2560x128xi32, #tpu.memory_space<hbm>> -> memref<32x128xi32, #tpu.memory_space<hbm>>
        %dma_start3A_172 = arith.constant 0 : i32
        %dma_start3A_173 = tpu.memref_slice %arg4[%add3A_132, %dma_start3A_172] : memref<2560x128xi32, #tpu.memory_space<hbm>> -> memref<32x128xi32, #tpu.memory_space<hbm>>
        tpu.enqueue_dma source(%dma_start3A_173 : memref<32x128xi32, #tpu.memory_space<hbm>>) target(%arg8 : memref<32x128xi32, #tpu.memory_space<vmem>>) target_semaphore(%run_scoped3A_169 : memref<!tpu.dma_semaphore, #tpu.memory_space<semaphore_mem>>)
        %dma_wait3A_174 = arith.constant 0 : i32
        %dma_wait3A_175 = tpu.memref_slice %arg4[%add3A_132, %dma_wait3A_174] : memref<2560x128xi32, #tpu.memory_space<hbm>> -> memref<32x128xi32, #tpu.memory_space<hbm>>
        %dma_wait3A_176 = arith.constant 0 : i32
        %dma_wait3A_177 = tpu.memref_slice %arg4[%add3A_132, %dma_wait3A_176] : memref<2560x128xi32, #tpu.memory_space<hbm>> -> memref<32x128xi32, #tpu.memory_space<hbm>>
        tpu.wait_dma2 semaphore(%run_scoped3A_169 : memref<!tpu.dma_semaphore, #tpu.memory_space<semaphore_mem>>) src(%dma_wait3A_177 : memref<32x128xi32, #tpu.memory_space<hbm>>) dst(%arg8 : memref<32x128xi32, #tpu.memory_space<vmem>>)
        tpu.yield
      }) : () -> ()
      %dma_start3A_133 = arith.constant 0 : i32
      %dma_start3A_134 = arith.constant 0 : i32
      %dma_start3A_135 = tpu.memref_slice %arg7[%dma_start3A_133, %dma_start3A_134] : memref<32x128xi32, #tpu.memory_space<vmem>> -> memref<1x128xi32, #tpu.memory_space<vmem>>
      %dma_start3A_136 = tpu.memref_squeeze %dma_start3A_135 : memref<1x128xi32, #tpu.memory_space<vmem>> -> memref<128xi32, #tpu.memory_space<vmem>>
      %dma_start3A_137 = arith.constant 0 : i32
      %dma_start3A_138 = arith.constant 0 : i32
      %dma_start3A_139 = tpu.memref_slice %arg2[%dma_start3A_137, %dma_start3A_138] : memref<10000x128xf32, #tpu.memory_space<hbm>> -> memref<10000x128xf32, #tpu.memory_space<hbm>>
      tpu.enqueue_indirect_dma source(%dma_start3A_139 : memref<10000x128xf32, #tpu.memory_space<hbm>>) target(%arg9 : memref<128x128xf32, #tpu.memory_space<vmem>>) offsets(%dma_start3A_136 : memref<128xi32, #tpu.memory_space<vmem>>) semaphore(%arg12 : memref<!tpu.dma_semaphore, #tpu.memory_space<semaphore_mem>>)
      %scan3A_140 = arith.constant 0 : i32
      %scan3A_141 = arith.constant 0 : i32
      %scan3A_142 = arith.constant 15 : i32
      %scan3A_143 = arith.addi %scan3A_141, %scan3A_142 : i32
      %scan3A_144 = arith.constant 1 : i32
      scf.for %scan3A_169 = %scan3A_141 to %scan3A_143 step %scan3A_144  : i32 {
        %mul3A_170 = arith.constant 2 : i32
        %mul3A_171 = arith.muli %scan3A_169, %mul3A_170 : i32
        %add3A_172 = arith.constant 1 : i32
        %add3A_173 = arith.addi %mul3A_171, %add3A_172 : i32
        %dma_start3A_174 = arith.constant 0 : i32
        %dma_start3A_175 = tpu.memref_slice %arg7[%add3A_173, %dma_start3A_174] : memref<32x128xi32, #tpu.memory_space<vmem>> -> memref<1x128xi32, #tpu.memory_space<vmem>>
        %dma_start3A_176 = tpu.memref_squeeze %dma_start3A_175 : memref<1x128xi32, #tpu.memory_space<vmem>> -> memref<128xi32, #tpu.memory_space<vmem>>
        %dma_start3A_177 = arith.constant 0 : i32
        %dma_start3A_178 = arith.constant 0 : i32
        %dma_start3A_179 = tpu.memref_slice %arg2[%dma_start3A_177, %dma_start3A_178] : memref<10000x128xf32, #tpu.memory_space<hbm>> -> memref<10000x128xf32, #tpu.memory_space<hbm>>
        tpu.enqueue_indirect_dma source(%dma_start3A_179 : memref<10000x128xf32, #tpu.memory_space<hbm>>) target(%arg10 : memref<128x128xf32, #tpu.memory_space<vmem>>) offsets(%dma_start3A_176 : memref<128xi32, #tpu.memory_space<vmem>>) semaphore(%arg13 : memref<!tpu.dma_semaphore, #tpu.memory_space<semaphore_mem>>)
        %dma_wait3A_180 = arith.constant 0 : i32
        %dma_wait3A_181 = tpu.memref_slice %arg7[%mul3A_171, %dma_wait3A_180] : memref<32x128xi32, #tpu.memory_space<vmem>> -> memref<1x128xi32, #tpu.memory_space<vmem>>
        %dma_wait3A_182 = tpu.memref_squeeze %dma_wait3A_181 : memref<1x128xi32, #tpu.memory_space<vmem>> -> memref<128xi32, #tpu.memory_space<vmem>>
        %dma_wait3A_183 = arith.constant 0 : i32
        %dma_wait3A_184 = arith.constant 0 : i32
        %dma_wait3A_185 = tpu.memref_slice %arg2[%dma_wait3A_183, %dma_wait3A_184] : memref<10000x128xf32, #tpu.memory_space<hbm>> -> memref<10000x128xf32, #tpu.memory_space<hbm>>
        tpu.wait_indirect_dma semaphore(%arg12 : memref<!tpu.dma_semaphore, #tpu.memory_space<semaphore_mem>>) src(%dma_wait3A_185 : memref<10000x128xf32, #tpu.memory_space<hbm>>) dst(%arg9 : memref<128x128xf32, #tpu.memory_space<vmem>>)
        "tpu.region"() ({
          %run_scoped3A_200 = tpu.sem_alloc : memref<!tpu.dma_semaphore, #tpu.memory_space<semaphore_mem>>
          %dma_start3A_201 = arith.constant 0 : i32
          %dma_start3A_202 = tpu.memref_slice %arg8[%mul3A_171, %dma_start3A_201] : memref<32x128xi32, #tpu.memory_space<vmem>> -> memref<1x128xi32, #tpu.memory_space<vmem>>
          %dma_start3A_203 = tpu.memref_squeeze %dma_start3A_202 : memref<1x128xi32, #tpu.memory_space<vmem>> -> memref<128xi32, #tpu.memory_space<vmem>>
          %dma_start3A_204 = arith.constant 0 : i32
          %dma_start3A_205 = arith.constant 0 : i32
          %dma_start3A_206 = tpu.memref_slice %arg11[%dma_start3A_204, %dma_start3A_205] : memref<10240x128xf32, #tpu.memory_space<vmem_shared>> -> memref<10240x128xf32, #tpu.memory_space<vmem_shared>>
          tpu.enqueue_indirect_dma source(%arg9 : memref<128x128xf32, #tpu.memory_space<vmem>>) target(%dma_start3A_206 : memref<10240x128xf32, #tpu.memory_space<vmem_shared>>) offsets(%dma_start3A_203 : memref<128xi32, #tpu.memory_space<vmem>>) semaphore(%run_scoped3A_200 : memref<!tpu.dma_semaphore, #tpu.memory_space<semaphore_mem>>) {add = true}
          %dma_wait3A_207 = arith.constant 0 : i32
          %dma_wait3A_208 = tpu.memref_slice %arg8[%mul3A_171, %dma_wait3A_207] : memref<32x128xi32, #tpu.memory_space<vmem>> -> memref<1x128xi32, #tpu.memory_space<vmem>>
          %dma_wait3A_209 = tpu.memref_squeeze %dma_wait3A_208 : memref<1x128xi32, #tpu.memory_space<vmem>> -> memref<128xi32, #tpu.memory_space<vmem>>
          %dma_wait3A_210 = arith.constant 0 : i32
          %dma_wait3A_211 = arith.constant 0 : i32
          %dma_wait3A_212 = tpu.memref_slice %arg11[%dma_wait3A_210, %dma_wait3A_211] : memref<10240x128xf32, #tpu.memory_space<vmem_shared>> -> memref<10240x128xf32, #tpu.memory_space<vmem_shared>>
          tpu.wait_indirect_dma semaphore(%run_scoped3A_200 : memref<!tpu.dma_semaphore, #tpu.memory_space<semaphore_mem>>) src(%arg9 : memref<128x128xf32, #tpu.memory_space<vmem>>) dst(%dma_wait3A_212 : memref<10240x128xf32, #tpu.memory_space<vmem_shared>>)
          tpu.yield
        }) : () -> ()
        %add3A_186 = arith.constant 2 : i32
        %add3A_187 = arith.addi %mul3A_171, %add3A_186 : i32
        %dma_start3A_188 = arith.constant 0 : i32
        %dma_start3A_189 = tpu.memref_slice %arg7[%add3A_187, %dma_start3A_188] : memref<32x128xi32, #tpu.memory_space<vmem>> -> memref<1x128xi32, #tpu.memory_space<vmem>>
        %dma_start3A_190 = tpu.memref_squeeze %dma_start3A_189 : memref<1x128xi32, #tpu.memory_space<vmem>> -> memref<128xi32, #tpu.memory_space<vmem>>
        %dma_start3A_191 = arith.constant 0 : i32
        %dma_start3A_192 = arith.constant 0 : i32
        %dma_start3A_193 = tpu.memref_slice %arg2[%dma_start3A_191, %dma_start3A_192] : memref<10000x128xf32, #tpu.memory_space<hbm>> -> memref<10000x128xf32, #tpu.memory_space<hbm>>
        tpu.enqueue_indirect_dma source(%dma_start3A_193 : memref<10000x128xf32, #tpu.memory_space<hbm>>) target(%arg9 : memref<128x128xf32, #tpu.memory_space<vmem>>) offsets(%dma_start3A_190 : memref<128xi32, #tpu.memory_space<vmem>>) semaphore(%arg12 : memref<!tpu.dma_semaphore, #tpu.memory_space<semaphore_mem>>)
        %dma_wait3A_194 = arith.constant 0 : i32
        %dma_wait3A_195 = tpu.memref_slice %arg7[%add3A_173, %dma_wait3A_194] : memref<32x128xi32, #tpu.memory_space<vmem>> -> memref<1x128xi32, #tpu.memory_space<vmem>>
        %dma_wait3A_196 = tpu.memref_squeeze %dma_wait3A_195 : memref<1x128xi32, #tpu.memory_space<vmem>> -> memref<128xi32, #tpu.memory_space<vmem>>
        %dma_wait3A_197 = arith.constant 0 : i32
        %dma_wait3A_198 = arith.constant 0 : i32
        %dma_wait3A_199 = tpu.memref_slice %arg2[%dma_wait3A_197, %dma_wait3A_198] : memref<10000x128xf32, #tpu.memory_space<hbm>> -> memref<10000x128xf32, #tpu.memory_space<hbm>>
        tpu.wait_indirect_dma semaphore(%arg13 : memref<!tpu.dma_semaphore, #tpu.memory_space<semaphore_mem>>) src(%dma_wait3A_199 : memref<10000x128xf32, #tpu.memory_space<hbm>>) dst(%arg10 : memref<128x128xf32, #tpu.memory_space<vmem>>)
        "tpu.region"() ({
          %run_scoped3A_200 = tpu.sem_alloc : memref<!tpu.dma_semaphore, #tpu.memory_space<semaphore_mem>>
          %dma_start3A_201 = arith.constant 0 : i32
          %dma_start3A_202 = tpu.memref_slice %arg8[%add3A_173, %dma_start3A_201] : memref<32x128xi32, #tpu.memory_space<vmem>> -> memref<1x128xi32, #tpu.memory_space<vmem>>
          %dma_start3A_203 = tpu.memref_squeeze %dma_start3A_202 : memref<1x128xi32, #tpu.memory_space<vmem>> -> memref<128xi32, #tpu.memory_space<vmem>>
          %dma_start3A_204 = arith.constant 0 : i32
          %dma_start3A_205 = arith.constant 0 : i32
          %dma_start3A_206 = tpu.memref_slice %arg11[%dma_start3A_204, %dma_start3A_205] : memref<10240x128xf32, #tpu.memory_space<vmem_shared>> -> memref<10240x128xf32, #tpu.memory_space<vmem_shared>>
          tpu.enqueue_indirect_dma source(%arg10 : memref<128x128xf32, #tpu.memory_space<vmem>>) target(%dma_start3A_206 : memref<10240x128xf32, #tpu.memory_space<vmem_shared>>) offsets(%dma_start3A_203 : memref<128xi32, #tpu.memory_space<vmem>>) semaphore(%run_scoped3A_200 : memref<!tpu.dma_semaphore, #tpu.memory_space<semaphore_mem>>) {add = true}
          %dma_wait3A_207 = arith.constant 0 : i32
          %dma_wait3A_208 = tpu.memref_slice %arg8[%add3A_173, %dma_wait3A_207] : memref<32x128xi32, #tpu.memory_space<vmem>> -> memref<1x128xi32, #tpu.memory_space<vmem>>
          %dma_wait3A_209 = tpu.memref_squeeze %dma_wait3A_208 : memref<1x128xi32, #tpu.memory_space<vmem>> -> memref<128xi32, #tpu.memory_space<vmem>>
          %dma_wait3A_210 = arith.constant 0 : i32
          %dma_wait3A_211 = arith.constant 0 : i32
          %dma_wait3A_212 = tpu.memref_slice %arg11[%dma_wait3A_210, %dma_wait3A_211] : memref<10240x128xf32, #tpu.memory_space<vmem_shared>> -> memref<10240x128xf32, #tpu.memory_space<vmem_shared>>
          tpu.wait_indirect_dma semaphore(%run_scoped3A_200 : memref<!tpu.dma_semaphore, #tpu.memory_space<semaphore_mem>>) src(%arg10 : memref<128x128xf32, #tpu.memory_space<vmem>>) dst(%dma_wait3A_212 : memref<10240x128xf32, #tpu.memory_space<vmem_shared>>)
          tpu.yield
        }) : () -> ()
      }
      %scan3A_145 = arith.constant 15 : i32
      %dma_start3A_146 = arith.constant 31 : i32
      %dma_start3A_147 = arith.constant 0 : i32
      %dma_start3A_148 = tpu.memref_slice %arg7[%dma_start3A_146, %dma_start3A_147] : memref<32x128xi32, #tpu.memory_space<vmem>> -> memref<1x128xi32, #tpu.memory_space<vmem>>
      %dma_start3A_149 = tpu.memref_squeeze %dma_start3A_148 : memref<1x128xi32, #tpu.memory_space<vmem>> -> memref<128xi32, #tpu.memory_space<vmem>>
      %dma_start3A_150 = arith.constant 0 : i32
      %dma_start3A_151 = arith.constant 0 : i32
      %dma_start3A_152 = tpu.memref_slice %arg2[%dma_start3A_150, %dma_start3A_151] : memref<10000x128xf32, #tpu.memory_space<hbm>> -> memref<10000x128xf32, #tpu.memory_space<hbm>>
      tpu.enqueue_indirect_dma source(%dma_start3A_152 : memref<10000x128xf32, #tpu.memory_space<hbm>>) target(%arg10 : memref<128x128xf32, #tpu.memory_space<vmem>>) offsets(%dma_start3A_149 : memref<128xi32, #tpu.memory_space<vmem>>) semaphore(%arg13 : memref<!tpu.dma_semaphore, #tpu.memory_space<semaphore_mem>>)
      %dma_wait3A_153 = arith.constant 30 : i32
      %dma_wait3A_154 = arith.constant 0 : i32
      %dma_wait3A_155 = tpu.memref_slice %arg7[%dma_wait3A_153, %dma_wait3A_154] : memref<32x128xi32, #tpu.memory_space<vmem>> -> memref<1x128xi32, #tpu.memory_space<vmem>>
      %dma_wait3A_156 = tpu.memref_squeeze %dma_wait3A_155 : memref<1x128xi32, #tpu.memory_space<vmem>> -> memref<128xi32, #tpu.memory_space<vmem>>
      %dma_wait3A_157 = arith.constant 0 : i32
      %dma_wait3A_158 = arith.constant 0 : i32
      %dma_wait3A_159 = tpu.memref_slice %arg2[%dma_wait3A_157, %dma_wait3A_158] : memref<10000x128xf32, #tpu.memory_space<hbm>> -> memref<10000x128xf32, #tpu.memory_space<hbm>>
      tpu.wait_indirect_dma semaphore(%arg12 : memref<!tpu.dma_semaphore, #tpu.memory_space<semaphore_mem>>) src(%dma_wait3A_159 : memref<10000x128xf32, #tpu.memory_space<hbm>>) dst(%arg9 : memref<128x128xf32, #tpu.memory_space<vmem>>)
      %run_scoped3A_160 = arith.constant 30 : i32
      "tpu.region"() ({
        %run_scoped3A_169 = tpu.sem_alloc : memref<!tpu.dma_semaphore, #tpu.memory_space<semaphore_mem>>
        %dma_start3A_170 = arith.constant 0 : i32
        %dma_start3A_171 = tpu.memref_slice %arg8[%run_scoped3A_160, %dma_start3A_170] : memref<32x128xi32, #tpu.memory_space<vmem>> -> memref<1x128xi32, #tpu.memory_space<vmem>>
        %dma_start3A_172 = tpu.memref_squeeze %dma_start3A_171 : memref<1x128xi32, #tpu.memory_space<vmem>> -> memref<128xi32, #tpu.memory_space<vmem>>
        %dma_start3A_173 = arith.constant 0 : i32
        %dma_start3A_174 = arith.constant 0 : i32
        %dma_start3A_175 = tpu.memref_slice %arg11[%dma_start3A_173, %dma_start3A_174] : memref<10240x128xf32, #tpu.memory_space<vmem_shared>> -> memref<10240x128xf32, #tpu.memory_space<vmem_shared>>
        tpu.enqueue_indirect_dma source(%arg9 : memref<128x128xf32, #tpu.memory_space<vmem>>) target(%dma_start3A_175 : memref<10240x128xf32, #tpu.memory_space<vmem_shared>>) offsets(%dma_start3A_172 : memref<128xi32, #tpu.memory_space<vmem>>) semaphore(%run_scoped3A_169 : memref<!tpu.dma_semaphore, #tpu.memory_space<semaphore_mem>>) {add = true}
        %dma_wait3A_176 = arith.constant 0 : i32
        %dma_wait3A_177 = tpu.memref_slice %arg8[%run_scoped3A_160, %dma_wait3A_176] : memref<32x128xi32, #tpu.memory_space<vmem>> -> memref<1x128xi32, #tpu.memory_space<vmem>>
        %dma_wait3A_178 = tpu.memref_squeeze %dma_wait3A_177 : memref<1x128xi32, #tpu.memory_space<vmem>> -> memref<128xi32, #tpu.memory_space<vmem>>
        %dma_wait3A_179 = arith.constant 0 : i32
        %dma_wait3A_180 = arith.constant 0 : i32
        %dma_wait3A_181 = tpu.memref_slice %arg11[%dma_wait3A_179, %dma_wait3A_180] : memref<10240x128xf32, #tpu.memory_space<vmem_shared>> -> memref<10240x128xf32, #tpu.memory_space<vmem_shared>>
        tpu.wait_indirect_dma semaphore(%run_scoped3A_169 : memref<!tpu.dma_semaphore, #tpu.memory_space<semaphore_mem>>) src(%arg9 : memref<128x128xf32, #tpu.memory_space<vmem>>) dst(%dma_wait3A_181 : memref<10240x128xf32, #tpu.memory_space<vmem_shared>>)
        tpu.yield
      }) : () -> ()
      %dma_wait3A_161 = arith.constant 31 : i32
      %dma_wait3A_162 = arith.constant 0 : i32
      %dma_wait3A_163 = tpu.memref_slice %arg7[%dma_wait3A_161, %dma_wait3A_162] : memref<32x128xi32, #tpu.memory_space<vmem>> -> memref<1x128xi32, #tpu.memory_space<vmem>>
      %dma_wait3A_164 = tpu.memref_squeeze %dma_wait3A_163 : memref<1x128xi32, #tpu.memory_space<vmem>> -> memref<128xi32, #tpu.memory_space<vmem>>
      %dma_wait3A_165 = arith.constant 0 : i32
      %dma_wait3A_166 = arith.constant 0 : i32
      %dma_wait3A_167 = tpu.memref_slice %arg2[%dma_wait3A_165, %dma_wait3A_166] : memref<10000x128xf32, #tpu.memory_space<hbm>> -> memref<10000x128xf32, #tpu.memory_space<hbm>>
      tpu.wait_indirect_dma semaphore(%arg13 : memref<!tpu.dma_semaphore, #tpu.memory_space<semaphore_mem>>) src(%dma_wait3A_167 : memref<10000x128xf32, #tpu.memory_space<hbm>>) dst(%arg10 : memref<128x128xf32, #tpu.memory_space<vmem>>)
      %run_scoped3A_168 = arith.constant 31 : i32
      "tpu.region"() ({
        %run_scoped3A_169 = tpu.sem_alloc : memref<!tpu.dma_semaphore, #tpu.memory_space<semaphore_mem>>
        %dma_start3A_170 = arith.constant 0 : i32
        %dma_start3A_171 = tpu.memref_slice %arg8[%run_scoped3A_168, %dma_start3A_170] : memref<32x128xi32, #tpu.memory_space<vmem>> -> memref<1x128xi32, #tpu.memory_space<vmem>>
        %dma_start3A_172 = tpu.memref_squeeze %dma_start3A_171 : memref<1x128xi32, #tpu.memory_space<vmem>> -> memref<128xi32, #tpu.memory_space<vmem>>
        %dma_start3A_173 = arith.constant 0 : i32
        %dma_start3A_174 = arith.constant 0 : i32
        %dma_start3A_175 = tpu.memref_slice %arg11[%dma_start3A_173, %dma_start3A_174] : memref<10240x128xf32, #tpu.memory_space<vmem_shared>> -> memref<10240x128xf32, #tpu.memory_space<vmem_shared>>
        tpu.enqueue_indirect_dma source(%arg10 : memref<128x128xf32, #tpu.memory_space<vmem>>) target(%dma_start3A_175 : memref<10240x128xf32, #tpu.memory_space<vmem_shared>>) offsets(%dma_start3A_172 : memref<128xi32, #tpu.memory_space<vmem>>) semaphore(%run_scoped3A_169 : memref<!tpu.dma_semaphore, #tpu.memory_space<semaphore_mem>>) {add = true}
        %dma_wait3A_176 = arith.constant 0 : i32
        %dma_wait3A_177 = tpu.memref_slice %arg8[%run_scoped3A_168, %dma_wait3A_176] : memref<32x128xi32, #tpu.memory_space<vmem>> -> memref<1x128xi32, #tpu.memory_space<vmem>>
        %dma_wait3A_178 = tpu.memref_squeeze %dma_wait3A_177 : memref<1x128xi32, #tpu.memory_space<vmem>> -> memref<128xi32, #tpu.memory_space<vmem>>
        %dma_wait3A_179 = arith.constant 0 : i32
        %dma_wait3A_180 = arith.constant 0 : i32
        %dma_wait3A_181 = tpu.memref_slice %arg11[%dma_wait3A_179, %dma_wait3A_180] : memref<10240x128xf32, #tpu.memory_space<vmem_shared>> -> memref<10240x128xf32, #tpu.memory_space<vmem_shared>>
        tpu.wait_indirect_dma semaphore(%run_scoped3A_169 : memref<!tpu.dma_semaphore, #tpu.memory_space<semaphore_mem>>) src(%arg10 : memref<128x128xf32, #tpu.memory_space<vmem>>) dst(%dma_wait3A_181 : memref<10240x128xf32, #tpu.memory_space<vmem_shared>>)
        tpu.yield
      }) : () -> ()
    } else {
    }
    %eq3A_5 = arith.constant 1 : i32
    %eq3A_6 = arith.cmpi eq, %arg0, %eq3A_5 : i32
    %convert_element_type3A_7 = arith.extui %eq3A_6 : i1 to i32
    %cond3A_8 = arith.constant 0 : i32
    %cond3A_9 = arith.cmpi ne, %convert_element_type3A_7, %cond3A_8 : i32
    scf.if %cond3A_9 {
      %mul3A_20 = arith.constant 32 : i32
      %mul3A_21 = arith.muli %arg1, %mul3A_20 : i32
      %add3A = arith.constant 2048 : i32
      %add3A_22 = arith.addi %add3A, %mul3A_21 : i32
      %add3A_23 = arith.constant 0 : i32
      %add3A_24 = arith.addi %add3A_22, %add3A_23 : i32
      "tpu.region"() ({
        %run_scoped3A_57 = tpu.sem_alloc : memref<!tpu.dma_semaphore, #tpu.memory_space<semaphore_mem>>
        %dma_start3A_58 = arith.constant 0 : i32
        %dma_start3A_59 = tpu.memref_slice %arg3[%add3A_24, %dma_start3A_58] : memref<2560x128xi32, #tpu.memory_space<hbm>> -> memref<32x128xi32, #tpu.memory_space<hbm>>
        %dma_start3A_60 = arith.constant 0 : i32
        %dma_start3A_61 = tpu.memref_slice %arg3[%add3A_24, %dma_start3A_60] : memref<2560x128xi32, #tpu.memory_space<hbm>> -> memref<32x128xi32, #tpu.memory_space<hbm>>
        tpu.enqueue_dma source(%dma_start3A_61 : memref<32x128xi32, #tpu.memory_space<hbm>>) target(%arg7 : memref<32x128xi32, #tpu.memory_space<vmem>>) target_semaphore(%run_scoped3A_57 : memref<!tpu.dma_semaphore, #tpu.memory_space<semaphore_mem>>)
        %dma_wait3A_62 = arith.constant 0 : i32
        %dma_wait3A_63 = tpu.memref_slice %arg3[%add3A_24, %dma_wait3A_62] : memref<2560x128xi32, #tpu.memory_space<hbm>> -> memref<32x128xi32, #tpu.memory_space<hbm>>
        %dma_wait3A_64 = arith.constant 0 : i32
        %dma_wait3A_65 = tpu.memref_slice %arg3[%add3A_24, %dma_wait3A_64] : memref<2560x128xi32, #tpu.memory_space<hbm>> -> memref<32x128xi32, #tpu.memory_space<hbm>>
        tpu.wait_dma2 semaphore(%run_scoped3A_57 : memref<!tpu.dma_semaphore, #tpu.memory_space<semaphore_mem>>) src(%dma_wait3A_65 : memref<32x128xi32, #tpu.memory_space<hbm>>) dst(%arg7 : memref<32x128xi32, #tpu.memory_space<vmem>>)
        tpu.yield
      }) : () -> ()
      "tpu.region"() ({
        %run_scoped3A_57 = tpu.sem_alloc : memref<!tpu.dma_semaphore, #tpu.memory_space<semaphore_mem>>
        %dma_start3A_58 = arith.constant 0 : i32
        %dma_start3A_59 = tpu.memref_slice %arg4[%add3A_24, %dma_start3A_58] : memref<2560x128xi32, #tpu.memory_space<hbm>> -> memref<32x128xi32, #tpu.memory_space<hbm>>
        %dma_start3A_60 = arith.constant 0 : i32
        %dma_start3A_61 = tpu.memref_slice %arg4[%add3A_24, %dma_start3A_60] : memref<2560x128xi32, #tpu.memory_space<hbm>> -> memref<32x128xi32, #tpu.memory_space<hbm>>
        tpu.enqueue_dma source(%dma_start3A_61 : memref<32x128xi32, #tpu.memory_space<hbm>>) target(%arg8 : memref<32x128xi32, #tpu.memory_space<vmem>>) target_semaphore(%run_scoped3A_57 : memref<!tpu.dma_semaphore, #tpu.memory_space<semaphore_mem>>)
        %dma_wait3A_62 = arith.constant 0 : i32
        %dma_wait3A_63 = tpu.memref_slice %arg4[%add3A_24, %dma_wait3A_62] : memref<2560x128xi32, #tpu.memory_space<hbm>> -> memref<32x128xi32, #tpu.memory_space<hbm>>
        %dma_wait3A_64 = arith.constant 0 : i32
        %dma_wait3A_65 = tpu.memref_slice %arg4[%add3A_24, %dma_wait3A_64] : memref<2560x128xi32, #tpu.memory_space<hbm>> -> memref<32x128xi32, #tpu.memory_space<hbm>>
        tpu.wait_dma2 semaphore(%run_scoped3A_57 : memref<!tpu.dma_semaphore, #tpu.memory_space<semaphore_mem>>) src(%dma_wait3A_65 : memref<32x128xi32, #tpu.memory_space<hbm>>) dst(%arg8 : memref<32x128xi32, #tpu.memory_space<vmem>>)
        tpu.yield
      }) : () -> ()
      %dma_start3A = arith.constant 0 : i32
      %dma_start3A_25 = arith.constant 0 : i32
      %dma_start3A_26 = tpu.memref_slice %arg7[%dma_start3A, %dma_start3A_25] : memref<32x128xi32, #tpu.memory_space<vmem>> -> memref<1x128xi32, #tpu.memory_space<vmem>>
      %dma_start3A_27 = tpu.memref_squeeze %dma_start3A_26 : memref<1x128xi32, #tpu.memory_space<vmem>> -> memref<128xi32, #tpu.memory_space<vmem>>
      %dma_start3A_28 = arith.constant 0 : i32
      %dma_start3A_29 = arith.constant 0 : i32
      %dma_start3A_30 = tpu.memref_slice %arg2[%dma_start3A_28, %dma_start3A_29] : memref<10000x128xf32, #tpu.memory_space<hbm>> -> memref<10000x128xf32, #tpu.memory_space<hbm>>
      tpu.enqueue_indirect_dma source(%dma_start3A_30 : memref<10000x128xf32, #tpu.memory_space<hbm>>) target(%arg9 : memref<128x128xf32, #tpu.memory_space<vmem>>) offsets(%dma_start3A_27 : memref<128xi32, #tpu.memory_space<vmem>>) semaphore(%arg12 : memref<!tpu.dma_semaphore, #tpu.memory_space<semaphore_mem>>)
      %scan3A = arith.constant 0 : i32
      %scan3A_31 = arith.constant 0 : i32
      %scan3A_32 = arith.constant 15 : i32
      %scan3A_33 = arith.addi %scan3A_31, %scan3A_32 : i32
      %scan3A_34 = arith.constant 1 : i32
      scf.for %scan3A_57 = %scan3A_31 to %scan3A_33 step %scan3A_34  : i32 {
        %mul3A_58 = arith.constant 2 : i32
        %mul3A_59 = arith.muli %scan3A_57, %mul3A_58 : i32
        %add3A_60 = arith.constant 1 : i32
        %add3A_61 = arith.addi %mul3A_59, %add3A_60 : i32
        %dma_start3A_62 = arith.constant 0 : i32
        %dma_start3A_63 = tpu.memref_slice %arg7[%add3A_61, %dma_start3A_62] : memref<32x128xi32, #tpu.memory_space<vmem>> -> memref<1x128xi32, #tpu.memory_space<vmem>>
        %dma_start3A_64 = tpu.memref_squeeze %dma_start3A_63 : memref<1x128xi32, #tpu.memory_space<vmem>> -> memref<128xi32, #tpu.memory_space<vmem>>
        %dma_start3A_65 = arith.constant 0 : i32
        %dma_start3A_66 = arith.constant 0 : i32
        %dma_start3A_67 = tpu.memref_slice %arg2[%dma_start3A_65, %dma_start3A_66] : memref<10000x128xf32, #tpu.memory_space<hbm>> -> memref<10000x128xf32, #tpu.memory_space<hbm>>
        tpu.enqueue_indirect_dma source(%dma_start3A_67 : memref<10000x128xf32, #tpu.memory_space<hbm>>) target(%arg10 : memref<128x128xf32, #tpu.memory_space<vmem>>) offsets(%dma_start3A_64 : memref<128xi32, #tpu.memory_space<vmem>>) semaphore(%arg13 : memref<!tpu.dma_semaphore, #tpu.memory_space<semaphore_mem>>)
        %dma_wait3A_68 = arith.constant 0 : i32
        %dma_wait3A_69 = tpu.memref_slice %arg7[%mul3A_59, %dma_wait3A_68] : memref<32x128xi32, #tpu.memory_space<vmem>> -> memref<1x128xi32, #tpu.memory_space<vmem>>
        %dma_wait3A_70 = tpu.memref_squeeze %dma_wait3A_69 : memref<1x128xi32, #tpu.memory_space<vmem>> -> memref<128xi32, #tpu.memory_space<vmem>>
        %dma_wait3A_71 = arith.constant 0 : i32
        %dma_wait3A_72 = arith.constant 0 : i32
        %dma_wait3A_73 = tpu.memref_slice %arg2[%dma_wait3A_71, %dma_wait3A_72] : memref<10000x128xf32, #tpu.memory_space<hbm>> -> memref<10000x128xf32, #tpu.memory_space<hbm>>
        tpu.wait_indirect_dma semaphore(%arg12 : memref<!tpu.dma_semaphore, #tpu.memory_space<semaphore_mem>>) src(%dma_wait3A_73 : memref<10000x128xf32, #tpu.memory_space<hbm>>) dst(%arg9 : memref<128x128xf32, #tpu.memory_space<vmem>>)
        "tpu.region"() ({
          %run_scoped3A_88 = tpu.sem_alloc : memref<!tpu.dma_semaphore, #tpu.memory_space<semaphore_mem>>
          %dma_start3A_89 = arith.constant 0 : i32
          %dma_start3A_90 = tpu.memref_slice %arg8[%mul3A_59, %dma_start3A_89] : memref<32x128xi32, #tpu.memory_space<vmem>> -> memref<1x128xi32, #tpu.memory_space<vmem>>
          %dma_start3A_91 = tpu.memref_squeeze %dma_start3A_90 : memref<1x128xi32, #tpu.memory_space<vmem>> -> memref<128xi32, #tpu.memory_space<vmem>>
          %dma_start3A_92 = arith.constant 0 : i32
          %dma_start3A_93 = arith.constant 0 : i32
          %dma_start3A_94 = tpu.memref_slice %arg11[%dma_start3A_92, %dma_start3A_93] : memref<10240x128xf32, #tpu.memory_space<vmem_shared>> -> memref<10240x128xf32, #tpu.memory_space<vmem_shared>>
          tpu.enqueue_indirect_dma source(%arg9 : memref<128x128xf32, #tpu.memory_space<vmem>>) target(%dma_start3A_94 : memref<10240x128xf32, #tpu.memory_space<vmem_shared>>) offsets(%dma_start3A_91 : memref<128xi32, #tpu.memory_space<vmem>>) semaphore(%run_scoped3A_88 : memref<!tpu.dma_semaphore, #tpu.memory_space<semaphore_mem>>) {add = true}
          %dma_wait3A_95 = arith.constant 0 : i32
          %dma_wait3A_96 = tpu.memref_slice %arg8[%mul3A_59, %dma_wait3A_95] : memref<32x128xi32, #tpu.memory_space<vmem>> -> memref<1x128xi32, #tpu.memory_space<vmem>>
          %dma_wait3A_97 = tpu.memref_squeeze %dma_wait3A_96 : memref<1x128xi32, #tpu.memory_space<vmem>> -> memref<128xi32, #tpu.memory_space<vmem>>
          %dma_wait3A_98 = arith.constant 0 : i32
          %dma_wait3A_99 = arith.constant 0 : i32
          %dma_wait3A_100 = tpu.memref_slice %arg11[%dma_wait3A_98, %dma_wait3A_99] : memref<10240x128xf32, #tpu.memory_space<vmem_shared>> -> memref<10240x128xf32, #tpu.memory_space<vmem_shared>>
          tpu.wait_indirect_dma semaphore(%run_scoped3A_88 : memref<!tpu.dma_semaphore, #tpu.memory_space<semaphore_mem>>) src(%arg9 : memref<128x128xf32, #tpu.memory_space<vmem>>) dst(%dma_wait3A_100 : memref<10240x128xf32, #tpu.memory_space<vmem_shared>>)
          tpu.yield
        }) : () -> ()
        %add3A_74 = arith.constant 2 : i32
        %add3A_75 = arith.addi %mul3A_59, %add3A_74 : i32
        %dma_start3A_76 = arith.constant 0 : i32
        %dma_start3A_77 = tpu.memref_slice %arg7[%add3A_75, %dma_start3A_76] : memref<32x128xi32, #tpu.memory_space<vmem>> -> memref<1x128xi32, #tpu.memory_space<vmem>>
        %dma_start3A_78 = tpu.memref_squeeze %dma_start3A_77 : memref<1x128xi32, #tpu.memory_space<vmem>> -> memref<128xi32, #tpu.memory_space<vmem>>
        %dma_start3A_79 = arith.constant 0 : i32
        %dma_start3A_80 = arith.constant 0 : i32
        %dma_start3A_81 = tpu.memref_slice %arg2[%dma_start3A_79, %dma_start3A_80] : memref<10000x128xf32, #tpu.memory_space<hbm>> -> memref<10000x128xf32, #tpu.memory_space<hbm>>
        tpu.enqueue_indirect_dma source(%dma_start3A_81 : memref<10000x128xf32, #tpu.memory_space<hbm>>) target(%arg9 : memref<128x128xf32, #tpu.memory_space<vmem>>) offsets(%dma_start3A_78 : memref<128xi32, #tpu.memory_space<vmem>>) semaphore(%arg12 : memref<!tpu.dma_semaphore, #tpu.memory_space<semaphore_mem>>)
        %dma_wait3A_82 = arith.constant 0 : i32
        %dma_wait3A_83 = tpu.memref_slice %arg7[%add3A_61, %dma_wait3A_82] : memref<32x128xi32, #tpu.memory_space<vmem>> -> memref<1x128xi32, #tpu.memory_space<vmem>>
        %dma_wait3A_84 = tpu.memref_squeeze %dma_wait3A_83 : memref<1x128xi32, #tpu.memory_space<vmem>> -> memref<128xi32, #tpu.memory_space<vmem>>
        %dma_wait3A_85 = arith.constant 0 : i32
        %dma_wait3A_86 = arith.constant 0 : i32
        %dma_wait3A_87 = tpu.memref_slice %arg2[%dma_wait3A_85, %dma_wait3A_86] : memref<10000x128xf32, #tpu.memory_space<hbm>> -> memref<10000x128xf32, #tpu.memory_space<hbm>>
        tpu.wait_indirect_dma semaphore(%arg13 : memref<!tpu.dma_semaphore, #tpu.memory_space<semaphore_mem>>) src(%dma_wait3A_87 : memref<10000x128xf32, #tpu.memory_space<hbm>>) dst(%arg10 : memref<128x128xf32, #tpu.memory_space<vmem>>)
        "tpu.region"() ({
          %run_scoped3A_88 = tpu.sem_alloc : memref<!tpu.dma_semaphore, #tpu.memory_space<semaphore_mem>>
          %dma_start3A_89 = arith.constant 0 : i32
          %dma_start3A_90 = tpu.memref_slice %arg8[%add3A_61, %dma_start3A_89] : memref<32x128xi32, #tpu.memory_space<vmem>> -> memref<1x128xi32, #tpu.memory_space<vmem>>
          %dma_start3A_91 = tpu.memref_squeeze %dma_start3A_90 : memref<1x128xi32, #tpu.memory_space<vmem>> -> memref<128xi32, #tpu.memory_space<vmem>>
          %dma_start3A_92 = arith.constant 0 : i32
          %dma_start3A_93 = arith.constant 0 : i32
          %dma_start3A_94 = tpu.memref_slice %arg11[%dma_start3A_92, %dma_start3A_93] : memref<10240x128xf32, #tpu.memory_space<vmem_shared>> -> memref<10240x128xf32, #tpu.memory_space<vmem_shared>>
          tpu.enqueue_indirect_dma source(%arg10 : memref<128x128xf32, #tpu.memory_space<vmem>>) target(%dma_start3A_94 : memref<10240x128xf32, #tpu.memory_space<vmem_shared>>) offsets(%dma_start3A_91 : memref<128xi32, #tpu.memory_space<vmem>>) semaphore(%run_scoped3A_88 : memref<!tpu.dma_semaphore, #tpu.memory_space<semaphore_mem>>) {add = true}
          %dma_wait3A_95 = arith.constant 0 : i32
          %dma_wait3A_96 = tpu.memref_slice %arg8[%add3A_61, %dma_wait3A_95] : memref<32x128xi32, #tpu.memory_space<vmem>> -> memref<1x128xi32, #tpu.memory_space<vmem>>
          %dma_wait3A_97 = tpu.memref_squeeze %dma_wait3A_96 : memref<1x128xi32, #tpu.memory_space<vmem>> -> memref<128xi32, #tpu.memory_space<vmem>>
          %dma_wait3A_98 = arith.constant 0 : i32
          %dma_wait3A_99 = arith.constant 0 : i32
          %dma_wait3A_100 = tpu.memref_slice %arg11[%dma_wait3A_98, %dma_wait3A_99] : memref<10240x128xf32, #tpu.memory_space<vmem_shared>> -> memref<10240x128xf32, #tpu.memory_space<vmem_shared>>
          tpu.wait_indirect_dma semaphore(%run_scoped3A_88 : memref<!tpu.dma_semaphore, #tpu.memory_space<semaphore_mem>>) src(%arg10 : memref<128x128xf32, #tpu.memory_space<vmem>>) dst(%dma_wait3A_100 : memref<10240x128xf32, #tpu.memory_space<vmem_shared>>)
          tpu.yield
        }) : () -> ()
      }
      %scan3A_35 = arith.constant 15 : i32
      %dma_start3A_36 = arith.constant 31 : i32
      %dma_start3A_37 = arith.constant 0 : i32
      %dma_start3A_38 = tpu.memref_slice %arg7[%dma_start3A_36, %dma_start3A_37] : memref<32x128xi32, #tpu.memory_space<vmem>> -> memref<1x128xi32, #tpu.memory_space<vmem>>
      %dma_start3A_39 = tpu.memref_squeeze %dma_start3A_38 : memref<1x128xi32, #tpu.memory_space<vmem>> -> memref<128xi32, #tpu.memory_space<vmem>>
      %dma_start3A_40 = arith.constant 0 : i32
      %dma_start3A_41 = arith.constant 0 : i32
      %dma_start3A_42 = tpu.memref_slice %arg2[%dma_start3A_40, %dma_start3A_41] : memref<10000x128xf32, #tpu.memory_space<hbm>> -> memref<10000x128xf32, #tpu.memory_space<hbm>>
      tpu.enqueue_indirect_dma source(%dma_start3A_42 : memref<10000x128xf32, #tpu.memory_space<hbm>>) target(%arg10 : memref<128x128xf32, #tpu.memory_space<vmem>>) offsets(%dma_start3A_39 : memref<128xi32, #tpu.memory_space<vmem>>) semaphore(%arg13 : memref<!tpu.dma_semaphore, #tpu.memory_space<semaphore_mem>>)
      %dma_wait3A = arith.constant 30 : i32
      %dma_wait3A_43 = arith.constant 0 : i32
      %dma_wait3A_44 = tpu.memref_slice %arg7[%dma_wait3A, %dma_wait3A_43] : memref<32x128xi32, #tpu.memory_space<vmem>> -> memref<1x128xi32, #tpu.memory_space<vmem>>
      %dma_wait3A_45 = tpu.memref_squeeze %dma_wait3A_44 : memref<1x128xi32, #tpu.memory_space<vmem>> -> memref<128xi32, #tpu.memory_space<vmem>>
      %dma_wait3A_46 = arith.constant 0 : i32
      %dma_wait3A_47 = arith.constant 0 : i32
      %dma_wait3A_48 = tpu.memref_slice %arg2[%dma_wait3A_46, %dma_wait3A_47] : memref<10000x128xf32, #tpu.memory_space<hbm>> -> memref<10000x128xf32, #tpu.memory_space<hbm>>
      tpu.wait_indirect_dma semaphore(%arg12 : memref<!tpu.dma_semaphore, #tpu.memory_space<semaphore_mem>>) src(%dma_wait3A_48 : memref<10000x128xf32, #tpu.memory_space<hbm>>) dst(%arg9 : memref<128x128xf32, #tpu.memory_space<vmem>>)
      %run_scoped3A = arith.constant 30 : i32
      "tpu.region"() ({
        %run_scoped3A_57 = tpu.sem_alloc : memref<!tpu.dma_semaphore, #tpu.memory_space<semaphore_mem>>
        %dma_start3A_58 = arith.constant 0 : i32
        %dma_start3A_59 = tpu.memref_slice %arg8[%run_scoped3A, %dma_start3A_58] : memref<32x128xi32, #tpu.memory_space<vmem>> -> memref<1x128xi32, #tpu.memory_space<vmem>>
        %dma_start3A_60 = tpu.memref_squeeze %dma_start3A_59 : memref<1x128xi32, #tpu.memory_space<vmem>> -> memref<128xi32, #tpu.memory_space<vmem>>
        %dma_start3A_61 = arith.constant 0 : i32
        %dma_start3A_62 = arith.constant 0 : i32
        %dma_start3A_63 = tpu.memref_slice %arg11[%dma_start3A_61, %dma_start3A_62] : memref<10240x128xf32, #tpu.memory_space<vmem_shared>> -> memref<10240x128xf32, #tpu.memory_space<vmem_shared>>
        tpu.enqueue_indirect_dma source(%arg9 : memref<128x128xf32, #tpu.memory_space<vmem>>) target(%dma_start3A_63 : memref<10240x128xf32, #tpu.memory_space<vmem_shared>>) offsets(%dma_start3A_60 : memref<128xi32, #tpu.memory_space<vmem>>) semaphore(%run_scoped3A_57 : memref<!tpu.dma_semaphore, #tpu.memory_space<semaphore_mem>>) {add = true}
        %dma_wait3A_64 = arith.constant 0 : i32
        %dma_wait3A_65 = tpu.memref_slice %arg8[%run_scoped3A, %dma_wait3A_64] : memref<32x128xi32, #tpu.memory_space<vmem>> -> memref<1x128xi32, #tpu.memory_space<vmem>>
        %dma_wait3A_66 = tpu.memref_squeeze %dma_wait3A_65 : memref<1x128xi32, #tpu.memory_space<vmem>> -> memref<128xi32, #tpu.memory_space<vmem>>
        %dma_wait3A_67 = arith.constant 0 : i32
        %dma_wait3A_68 = arith.constant 0 : i32
        %dma_wait3A_69 = tpu.memref_slice %arg11[%dma_wait3A_67, %dma_wait3A_68] : memref<10240x128xf32, #tpu.memory_space<vmem_shared>> -> memref<10240x128xf32, #tpu.memory_space<vmem_shared>>
        tpu.wait_indirect_dma semaphore(%run_scoped3A_57 : memref<!tpu.dma_semaphore, #tpu.memory_space<semaphore_mem>>) src(%arg9 : memref<128x128xf32, #tpu.memory_space<vmem>>) dst(%dma_wait3A_69 : memref<10240x128xf32, #tpu.memory_space<vmem_shared>>)
        tpu.yield
      }) : () -> ()
      %dma_wait3A_49 = arith.constant 31 : i32
      %dma_wait3A_50 = arith.constant 0 : i32
      %dma_wait3A_51 = tpu.memref_slice %arg7[%dma_wait3A_49, %dma_wait3A_50] : memref<32x128xi32, #tpu.memory_space<vmem>> -> memref<1x128xi32, #tpu.memory_space<vmem>>
      %dma_wait3A_52 = tpu.memref_squeeze %dma_wait3A_51 : memref<1x128xi32, #tpu.memory_space<vmem>> -> memref<128xi32, #tpu.memory_space<vmem>>
      %dma_wait3A_53 = arith.constant 0 : i32
      %dma_wait3A_54 = arith.constant 0 : i32
      %dma_wait3A_55 = tpu.memref_slice %arg2[%dma_wait3A_53, %dma_wait3A_54] : memref<10000x128xf32, #tpu.memory_space<hbm>> -> memref<10000x128xf32, #tpu.memory_space<hbm>>
      tpu.wait_indirect_dma semaphore(%arg13 : memref<!tpu.dma_semaphore, #tpu.memory_space<semaphore_mem>>) src(%dma_wait3A_55 : memref<10000x128xf32, #tpu.memory_space<hbm>>) dst(%arg10 : memref<128x128xf32, #tpu.memory_space<vmem>>)
      %run_scoped3A_56 = arith.constant 31 : i32
      "tpu.region"() ({
        %run_scoped3A_57 = tpu.sem_alloc : memref<!tpu.dma_semaphore, #tpu.memory_space<semaphore_mem>>
        %dma_start3A_58 = arith.constant 0 : i32
        %dma_start3A_59 = tpu.memref_slice %arg8[%run_scoped3A_56, %dma_start3A_58] : memref<32x128xi32, #tpu.memory_space<vmem>> -> memref<1x128xi32, #tpu.memory_space<vmem>>
        %dma_start3A_60 = tpu.memref_squeeze %dma_start3A_59 : memref<1x128xi32, #tpu.memory_space<vmem>> -> memref<128xi32, #tpu.memory_space<vmem>>
        %dma_start3A_61 = arith.constant 0 : i32
        %dma_start3A_62 = arith.constant 0 : i32
        %dma_start3A_63 = tpu.memref_slice %arg11[%dma_start3A_61, %dma_start3A_62] : memref<10240x128xf32, #tpu.memory_space<vmem_shared>> -> memref<10240x128xf32, #tpu.memory_space<vmem_shared>>
        tpu.enqueue_indirect_dma source(%arg10 : memref<128x128xf32, #tpu.memory_space<vmem>>) target(%dma_start3A_63 : memref<10240x128xf32, #tpu.memory_space<vmem_shared>>) offsets(%dma_start3A_60 : memref<128xi32, #tpu.memory_space<vmem>>) semaphore(%run_scoped3A_57 : memref<!tpu.dma_semaphore, #tpu.memory_space<semaphore_mem>>) {add = true}
        %dma_wait3A_64 = arith.constant 0 : i32
        %dma_wait3A_65 = tpu.memref_slice %arg8[%run_scoped3A_56, %dma_wait3A_64] : memref<32x128xi32, #tpu.memory_space<vmem>> -> memref<1x128xi32, #tpu.memory_space<vmem>>
        %dma_wait3A_66 = tpu.memref_squeeze %dma_wait3A_65 : memref<1x128xi32, #tpu.memory_space<vmem>> -> memref<128xi32, #tpu.memory_space<vmem>>
        %dma_wait3A_67 = arith.constant 0 : i32
        %dma_wait3A_68 = arith.constant 0 : i32
        %dma_wait3A_69 = tpu.memref_slice %arg11[%dma_wait3A_67, %dma_wait3A_68] : memref<10240x128xf32, #tpu.memory_space<vmem_shared>> -> memref<10240x128xf32, #tpu.memory_space<vmem_shared>>
        tpu.wait_indirect_dma semaphore(%run_scoped3A_57 : memref<!tpu.dma_semaphore, #tpu.memory_space<semaphore_mem>>) src(%arg10 : memref<128x128xf32, #tpu.memory_space<vmem>>) dst(%dma_wait3A_69 : memref<10240x128xf32, #tpu.memory_space<vmem_shared>>)
        tpu.yield
      }) : () -> ()
    } else {
    }
    %barrier3A_10 = arith.constant 0 : index
    tpu.barrier barrier_id(%barrier3A_10)
    %mul3A_11 = arith.constant 624 : i32
    %mul3A_12 = arith.muli %arg1, %mul3A_11 : i32
    %mul3A_13 = arith.constant 624 : i32
    %mul3A_14 = arith.muli %arg1, %mul3A_13 : i32
    "tpu.region"() ({
      %run_scoped3A = tpu.sem_alloc : memref<!tpu.dma_semaphore, #tpu.memory_space<semaphore_mem>>
      %dma_start3A = arith.constant 0 : i32
      %dma_start3A_20 = tpu.memref_slice %arg6[%arg0, %mul3A_14, %dma_start3A] : memref<2x10000x128xf32, #tpu.memory_space<hbm>> -> memref<1x624x128xf32, #tpu.memory_space<hbm>>
      %dma_start3A_21 = tpu.memref_squeeze %dma_start3A_20 : memref<1x624x128xf32, #tpu.memory_space<hbm>> -> memref<624x128xf32, #tpu.memory_space<hbm>>
      %dma_start3A_22 = arith.constant 0 : i32
      %dma_start3A_23 = tpu.memref_slice %arg11[%mul3A_12, %dma_start3A_22] : memref<10240x128xf32, #tpu.memory_space<vmem_shared>> -> memref<624x128xf32, #tpu.memory_space<vmem_shared>>
      tpu.enqueue_dma source(%dma_start3A_23 : memref<624x128xf32, #tpu.memory_space<vmem_shared>>) target(%dma_start3A_21 : memref<624x128xf32, #tpu.memory_space<hbm>>) target_semaphore(%run_scoped3A : memref<!tpu.dma_semaphore, #tpu.memory_space<semaphore_mem>>)
      %dma_wait3A = arith.constant 0 : i32
      %dma_wait3A_24 = tpu.memref_slice %arg6[%arg0, %mul3A_14, %dma_wait3A] : memref<2x10000x128xf32, #tpu.memory_space<hbm>> -> memref<1x624x128xf32, #tpu.memory_space<hbm>>
      %dma_wait3A_25 = tpu.memref_squeeze %dma_wait3A_24 : memref<1x624x128xf32, #tpu.memory_space<hbm>> -> memref<624x128xf32, #tpu.memory_space<hbm>>
      %dma_wait3A_26 = arith.constant 0 : i32
      %dma_wait3A_27 = tpu.memref_slice %arg11[%mul3A_12, %dma_wait3A_26] : memref<10240x128xf32, #tpu.memory_space<vmem_shared>> -> memref<624x128xf32, #tpu.memory_space<vmem_shared>>
      tpu.wait_dma2 semaphore(%run_scoped3A : memref<!tpu.dma_semaphore, #tpu.memory_space<semaphore_mem>>) src(%dma_wait3A_27 : memref<624x128xf32, #tpu.memory_space<vmem_shared>>) dst(%dma_wait3A_25 : memref<624x128xf32, #tpu.memory_space<hbm>>)
      tpu.yield
    }) : () -> ()
    %eq3A_15 = arith.constant 15 : i32
    %eq3A_16 = arith.cmpi eq, %arg1, %eq3A_15 : i32
    %convert_element_type3A_17 = arith.extui %eq3A_16 : i1 to i32
    %cond3A_18 = arith.constant 0 : i32
    %cond3A_19 = arith.cmpi ne, %convert_element_type3A_17, %cond3A_18 : i32
    scf.if %cond3A_19 {
      "tpu.region"() ({
        %run_scoped3A = tpu.sem_alloc : memref<!tpu.dma_semaphore, #tpu.memory_space<semaphore_mem>>
        %dma_start3A = arith.constant 9984 : i32
        %dma_start3A_20 = arith.constant 0 : i32
        %dma_start3A_21 = tpu.memref_slice %arg6[%arg0, %dma_start3A, %dma_start3A_20] : memref<2x10000x128xf32, #tpu.memory_space<hbm>> -> memref<1x16x128xf32, #tpu.memory_space<hbm>>
        %dma_start3A_22 = tpu.memref_squeeze %dma_start3A_21 : memref<1x16x128xf32, #tpu.memory_space<hbm>> -> memref<16x128xf32, #tpu.memory_space<hbm>>
        %dma_start3A_23 = arith.constant 9984 : i32
        %dma_start3A_24 = arith.constant 0 : i32
        %dma_start3A_25 = tpu.memref_slice %arg11[%dma_start3A_23, %dma_start3A_24] : memref<10240x128xf32, #tpu.memory_space<vmem_shared>> -> memref<16x128xf32, #tpu.memory_space<vmem_shared>>
        tpu.enqueue_dma source(%dma_start3A_25 : memref<16x128xf32, #tpu.memory_space<vmem_shared>>) target(%dma_start3A_22 : memref<16x128xf32, #tpu.memory_space<hbm>>) target_semaphore(%run_scoped3A : memref<!tpu.dma_semaphore, #tpu.memory_space<semaphore_mem>>)
        %dma_wait3A = arith.constant 9984 : i32
        %dma_wait3A_26 = arith.constant 0 : i32
        %dma_wait3A_27 = tpu.memref_slice %arg6[%arg0, %dma_wait3A, %dma_wait3A_26] : memref<2x10000x128xf32, #tpu.memory_space<hbm>> -> memref<1x16x128xf32, #tpu.memory_space<hbm>>
        %dma_wait3A_28 = tpu.memref_squeeze %dma_wait3A_27 : memref<1x16x128xf32, #tpu.memory_space<hbm>> -> memref<16x128xf32, #tpu.memory_space<hbm>>
        %dma_wait3A_29 = arith.constant 9984 : i32
        %dma_wait3A_30 = arith.constant 0 : i32
        %dma_wait3A_31 = tpu.memref_slice %arg11[%dma_wait3A_29, %dma_wait3A_30] : memref<10240x128xf32, #tpu.memory_space<vmem_shared>> -> memref<16x128xf32, #tpu.memory_space<vmem_shared>>
        tpu.wait_dma2 semaphore(%run_scoped3A : memref<!tpu.dma_semaphore, #tpu.memory_space<semaphore_mem>>) src(%dma_wait3A_31 : memref<16x128xf32, #tpu.memory_space<vmem_shared>>) dst(%dma_wait3A_28 : memref<16x128xf32, #tpu.memory_space<hbm>>)
        tpu.yield
      }) : () -> ()
    } else {
    }
    return
  }
}

module attributes {stable_mosaic.version = 14 : i64} {
  func.func @body(%arg0: i32, %arg1: memref<2x2000x128xf32, #tpu.memory_space<vmem>>, %arg2: memref<2000x1xf32, #tpu.memory_space<vmem>>) attributes {dimension_semantics = [#tpu.dimension_semantics<arbitrary>], iteration_bounds = array<i64: 5>, scalar_prefetch = 0 : i64, scratch_operands = 0 : i64, tpu.core_type = #tpu.core_type<tc>, window_params = [{transform_indices = @transform_0, window_bounds = array<i64: 2, 2000, 128>}, {transform_indices = @transform_1, window_bounds = array<i64: 2000, 1>}]} {
    %get3A = arith.constant 0 : index
    %get3A_0 = arith.constant 0 : index
    %get3A_1 = arith.constant 0 : index
    %get3A_2 = vector.load %arg1[%get3A, %get3A_0, %get3A_1] : memref<2x2000x128xf32, #tpu.memory_space<vmem>>, vector<1x2000x128xf32>
    %get3A_3 = vector.shape_cast %get3A_2 : vector<1x2000x128xf32> to vector<2000x128xf32>
    %get3A_4 = arith.constant 1 : index
    %get3A_5 = arith.constant 0 : index
    %get3A_6 = arith.constant 0 : index
    %get3A_7 = vector.load %arg1[%get3A_4, %get3A_5, %get3A_6] : memref<2x2000x128xf32, #tpu.memory_space<vmem>>, vector<1x2000x128xf32>
    %get3A_8 = vector.shape_cast %get3A_7 : vector<1x2000x128xf32> to vector<2000x128xf32>
    %add3A = arith.addf %get3A_3, %get3A_8 : vector<2000x128xf32>
    %slice3A = vector.extract_strided_slice %add3A {offsets = [0, 0], sizes = [2000, 1], strides = [1, 1]} : vector<2000x128xf32> to vector<2000x1xf32>
    %max3A = arith.constant 1.000000e+00 : f32
    %max3A_9 = vector.broadcast %max3A : f32 to vector<2000x1xf32>
    %max3A_10 = arith.maximumf %slice3A, %max3A_9 : vector<2000x1xf32>
    %div3A = arith.constant 1.000000e+00 : f32
    %div3A_11 = vector.broadcast %div3A : f32 to vector<2000x1xf32>
    %div3A_12 = arith.divf %div3A_11, %max3A_10 : vector<2000x1xf32>
    %swap3A = arith.constant 0 : index
    %swap3A_13 = arith.constant 0 : index
    %swap3A_14 = vector.load %arg2[%swap3A, %swap3A_13] : memref<2000x1xf32, #tpu.memory_space<vmem>>, vector<2000x1xf32>
    tpu.vector_store %arg2[%swap3A, %swap3A_13], %div3A_12 {strides = array<i32>} : memref<2000x1xf32, #tpu.memory_space<vmem>>, vector<2000x1xf32>,
    return
  }
  func.func @transform_0(%arg0: i32) -> (i32, i32, i32) {
    %c0_i32 = arith.constant 0 : i32
    %c0_i32_0 = arith.constant 0 : i32
    %c0_i32_1 = arith.constant 0 : i32
    return %c0_i32, %arg0, %c0_i32_0 : i32, i32, i32
  }
  func.func @transform_1(%arg0: i32) -> (i32, i32) {
    %c0_i32 = arith.constant 0 : i32
    %c0_i32_0 = arith.constant 0 : i32
    return %arg0, %c0_i32 : i32, i32
  }
}

module attributes {stable_mosaic.version = 14 : i64} {
  func.func @_tc_layer_body(%arg0: i32, %arg1: memref<2000x128xf32, #tpu.memory_space<vmem>>, %arg2: memref<2000x128xf32, #tpu.memory_space<vmem>>, %arg3: memref<2000x128xf32, #tpu.memory_space<vmem>>, %arg4: memref<2000x1xf32, #tpu.memory_space<vmem>>, %arg5: memref<128x128xf32, #tpu.memory_space<vmem>>, %arg6: memref<128x128xf32, #tpu.memory_space<vmem>>, %arg7: memref<1x128xf32, #tpu.memory_space<vmem>>, %arg8: memref<2000x128xf32, #tpu.memory_space<vmem>>) attributes {dimension_semantics = [#tpu.dimension_semantics<arbitrary>], iteration_bounds = array<i64: 5>, scalar_prefetch = 0 : i64, scratch_operands = 0 : i64, tpu.core_type = #tpu.core_type<tc>, window_params = [{transform_indices = @transform_0, window_bounds = array<i64: 2000, 128>}, {transform_indices = @transform_1, window_bounds = array<i64: 2000, 128>}, {transform_indices = @transform_2, window_bounds = array<i64: 2000, 128>}, {transform_indices = @transform_3, window_bounds = array<i64: 2000, 1>}, {pipeline_mode = #tpu.pipeline_mode<synchronous>, transform_indices = @transform_4, window_bounds = array<i64: 128, 128>}, {pipeline_mode = #tpu.pipeline_mode<synchronous>, transform_indices = @transform_5, window_bounds = array<i64: 128, 128>}, {pipeline_mode = #tpu.pipeline_mode<synchronous>, transform_indices = @transform_6, window_bounds = array<i64: 1, 128>}, {transform_indices = @transform_7, window_bounds = array<i64: 2000, 128>}]} {
    %get3A = arith.constant 0 : index
    %get3A_0 = arith.constant 0 : index
    %get3A_1 = vector.load %arg2[%get3A, %get3A_0] : memref<2000x128xf32, #tpu.memory_space<vmem>>, vector<2000x128xf32>
    %get3A_2 = arith.constant 0 : index
    %get3A_3 = arith.constant 0 : index
    %get3A_4 = vector.load %arg3[%get3A_2, %get3A_3] : memref<2000x128xf32, #tpu.memory_space<vmem>>, vector<2000x128xf32>
    %add3A = arith.addf %get3A_1, %get3A_4 : vector<2000x128xf32>
    %get3A_5 = arith.constant 0 : index
    %get3A_6 = arith.constant 0 : index
    %get3A_7 = vector.load %arg4[%get3A_5, %get3A_6] : memref<2000x1xf32, #tpu.memory_space<vmem>>, vector<2000x1xf32>
    %mul3A = vector.broadcast %get3A_7 : vector<2000x1xf32> to vector<2000x128xf32>
    %mul3A_8 = arith.mulf %add3A, %mul3A : vector<2000x128xf32>
    %get3A_9 = arith.constant 0 : index
    %get3A_10 = arith.constant 0 : index
    %get3A_11 = vector.load %arg1[%get3A_9, %get3A_10] : memref<2000x128xf32, #tpu.memory_space<vmem>>, vector<2000x128xf32>
    %get3A_12 = arith.constant 0 : index
    %get3A_13 = arith.constant 0 : index
    %get3A_14 = vector.load %arg5[%get3A_12, %get3A_13] : memref<128x128xf32, #tpu.memory_space<vmem>>, vector<128x128xf32>
    %dot_general3A = arith.constant dense<0.000000e+00> : vector<2000x128xf32>
    %dot_general3A_15 = tpu.matmul %get3A_11, %get3A_14, %dot_general3A {dimension_numbers = #tpu.dot_dimension_numbers<[1], [0], [0], [1], [0, 0, 1, 1], [], []>, transpose_lhs_hint = false} : vector<2000x128xf32>, vector<128x128xf32>, vector<2000x128xf32> -> vector<2000x128xf32>
    %get3A_16 = arith.constant 0 : index
    %get3A_17 = arith.constant 0 : index
    %get3A_18 = vector.load %arg6[%get3A_16, %get3A_17] : memref<128x128xf32, #tpu.memory_space<vmem>>, vector<128x128xf32>
    %dot_general3A_19 = arith.constant dense<0.000000e+00> : vector<2000x128xf32>
    %dot_general3A_20 = tpu.matmul %mul3A_8, %get3A_18, %dot_general3A_19 {dimension_numbers = #tpu.dot_dimension_numbers<[1], [0], [0], [1], [0, 0, 1, 1], [], []>, transpose_lhs_hint = false} : vector<2000x128xf32>, vector<128x128xf32>, vector<2000x128xf32> -> vector<2000x128xf32>
    %add3A_21 = arith.addf %dot_general3A_15, %dot_general3A_20 : vector<2000x128xf32>
    %get3A_22 = arith.constant 0 : index
    %get3A_23 = arith.constant 0 : index
    %get3A_24 = vector.load %arg7[%get3A_22, %get3A_23] : memref<1x128xf32, #tpu.memory_space<vmem>>, vector<1x128xf32>
    %add3A_25 = vector.broadcast %get3A_24 : vector<1x128xf32> to vector<2000x128xf32>
    %add3A_26 = arith.addf %add3A_21, %add3A_25 : vector<2000x128xf32>
    %max3A = arith.constant 0.000000e+00 : f32
    %max3A_27 = vector.broadcast %max3A : f32 to vector<2000x128xf32>
    %max3A_28 = arith.maximumf %add3A_26, %max3A_27 : vector<2000x128xf32>
    %swap3A = arith.constant 0 : index
    %swap3A_29 = arith.constant 0 : index
    %swap3A_30 = vector.load %arg8[%swap3A, %swap3A_29] : memref<2000x128xf32, #tpu.memory_space<vmem>>, vector<2000x128xf32>
    tpu.vector_store %arg8[%swap3A, %swap3A_29], %max3A_28 {strides = array<i32>} : memref<2000x128xf32, #tpu.memory_space<vmem>>, vector<2000x128xf32>,
    return
  }
  func.func @transform_0(%arg0: i32) -> (i32, i32) {
    %c0_i32 = arith.constant 0 : i32
    %c0_i32_0 = arith.constant 0 : i32
    return %arg0, %c0_i32 : i32, i32
  }
  func.func @transform_1(%arg0: i32) -> (i32, i32) {
    %c0_i32 = arith.constant 0 : i32
    %c0_i32_0 = arith.constant 0 : i32
    return %arg0, %c0_i32 : i32, i32
  }
  func.func @transform_2(%arg0: i32) -> (i32, i32) {
    %c0_i32 = arith.constant 0 : i32
    %c0_i32_0 = arith.constant 0 : i32
    return %arg0, %c0_i32 : i32, i32
  }
  func.func @transform_3(%arg0: i32) -> (i32, i32) {
    %c0_i32 = arith.constant 0 : i32
    %c0_i32_0 = arith.constant 0 : i32
    return %arg0, %c0_i32 : i32, i32
  }
  func.func @transform_4(%arg0: i32) -> (i32, i32) {
    %c0_i32 = arith.constant 0 : i32
    %c0_i32_0 = arith.constant 0 : i32
    %c0_i32_1 = arith.constant 0 : i32
    return %c0_i32, %c0_i32_0 : i32, i32
  }
  func.func @transform_5(%arg0: i32) -> (i32, i32) {
    %c0_i32 = arith.constant 0 : i32
    %c0_i32_0 = arith.constant 0 : i32
    %c0_i32_1 = arith.constant 0 : i32
    return %c0_i32, %c0_i32_0 : i32, i32
  }
  func.func @transform_6(%arg0: i32) -> (i32, i32) {
    %c0_i32 = arith.constant 0 : i32
    %c0_i32_0 = arith.constant 0 : i32
    %c0_i32_1 = arith.constant 0 : i32
    return %c0_i32, %c0_i32_0 : i32, i32
  }
  func.func @transform_7(%arg0: i32) -> (i32, i32) {
    %c0_i32 = arith.constant 0 : i32
    %c0_i32_0 = arith.constant 0 : i32
    return %arg0, %c0_i32 : i32, i32
  }
}

module attributes {stable_mosaic.version = 14 : i64} {
  func.func @_tc_layer_body(%arg0: i32, %arg1: memref<2000x128xf32, #tpu.memory_space<vmem>>, %arg2: memref<2000x128xf32, #tpu.memory_space<vmem>>, %arg3: memref<2000x128xf32, #tpu.memory_space<vmem>>, %arg4: memref<2000x1xf32, #tpu.memory_space<vmem>>, %arg5: memref<128x128xf32, #tpu.memory_space<vmem>>, %arg6: memref<128x128xf32, #tpu.memory_space<vmem>>, %arg7: memref<1x128xf32, #tpu.memory_space<vmem>>, %arg8: memref<2000x128xf32, #tpu.memory_space<vmem>>) attributes {dimension_semantics = [#tpu.dimension_semantics<arbitrary>], iteration_bounds = array<i64: 5>, scalar_prefetch = 0 : i64, scratch_operands = 0 : i64, tpu.core_type = #tpu.core_type<tc>, window_params = [{transform_indices = @transform_0, window_bounds = array<i64: 2000, 128>}, {transform_indices = @transform_1, window_bounds = array<i64: 2000, 128>}, {transform_indices = @transform_2, window_bounds = array<i64: 2000, 128>}, {transform_indices = @transform_3, window_bounds = array<i64: 2000, 1>}, {pipeline_mode = #tpu.pipeline_mode<synchronous>, transform_indices = @transform_4, window_bounds = array<i64: 128, 128>}, {pipeline_mode = #tpu.pipeline_mode<synchronous>, transform_indices = @transform_5, window_bounds = array<i64: 128, 128>}, {pipeline_mode = #tpu.pipeline_mode<synchronous>, transform_indices = @transform_6, window_bounds = array<i64: 1, 128>}, {transform_indices = @transform_7, window_bounds = array<i64: 2000, 128>}]} {
    %get3A = arith.constant 0 : index
    %get3A_0 = arith.constant 0 : index
    %get3A_1 = vector.load %arg2[%get3A, %get3A_0] : memref<2000x128xf32, #tpu.memory_space<vmem>>, vector<2000x128xf32>
    %get3A_2 = arith.constant 0 : index
    %get3A_3 = arith.constant 0 : index
    %get3A_4 = vector.load %arg3[%get3A_2, %get3A_3] : memref<2000x128xf32, #tpu.memory_space<vmem>>, vector<2000x128xf32>
    %add3A = arith.addf %get3A_1, %get3A_4 : vector<2000x128xf32>
    %get3A_5 = arith.constant 0 : index
    %get3A_6 = arith.constant 0 : index
    %get3A_7 = vector.load %arg4[%get3A_5, %get3A_6] : memref<2000x1xf32, #tpu.memory_space<vmem>>, vector<2000x1xf32>
    %mul3A = vector.broadcast %get3A_7 : vector<2000x1xf32> to vector<2000x128xf32>
    %mul3A_8 = arith.mulf %add3A, %mul3A : vector<2000x128xf32>
    %get3A_9 = arith.constant 0 : index
    %get3A_10 = arith.constant 0 : index
    %get3A_11 = vector.load %arg1[%get3A_9, %get3A_10] : memref<2000x128xf32, #tpu.memory_space<vmem>>, vector<2000x128xf32>
    %get3A_12 = arith.constant 0 : index
    %get3A_13 = arith.constant 0 : index
    %get3A_14 = vector.load %arg5[%get3A_12, %get3A_13] : memref<128x128xf32, #tpu.memory_space<vmem>>, vector<128x128xf32>
    %dot_general3A = arith.constant dense<0.000000e+00> : vector<2000x128xf32>
    %dot_general3A_15 = tpu.matmul %get3A_11, %get3A_14, %dot_general3A {dimension_numbers = #tpu.dot_dimension_numbers<[1], [0], [0], [1], [0, 0, 1, 1], [], []>, transpose_lhs_hint = false} : vector<2000x128xf32>, vector<128x128xf32>, vector<2000x128xf32> -> vector<2000x128xf32>
    %get3A_16 = arith.constant 0 : index
    %get3A_17 = arith.constant 0 : index
    %get3A_18 = vector.load %arg6[%get3A_16, %get3A_17] : memref<128x128xf32, #tpu.memory_space<vmem>>, vector<128x128xf32>
    %dot_general3A_19 = arith.constant dense<0.000000e+00> : vector<2000x128xf32>
    %dot_general3A_20 = tpu.matmul %mul3A_8, %get3A_18, %dot_general3A_19 {dimension_numbers = #tpu.dot_dimension_numbers<[1], [0], [0], [1], [0, 0, 1, 1], [], []>, transpose_lhs_hint = false} : vector<2000x128xf32>, vector<128x128xf32>, vector<2000x128xf32> -> vector<2000x128xf32>
    %add3A_21 = arith.addf %dot_general3A_15, %dot_general3A_20 : vector<2000x128xf32>
    %get3A_22 = arith.constant 0 : index
    %get3A_23 = arith.constant 0 : index
    %get3A_24 = vector.load %arg7[%get3A_22, %get3A_23] : memref<1x128xf32, #tpu.memory_space<vmem>>, vector<1x128xf32>
    %add3A_25 = vector.broadcast %get3A_24 : vector<1x128xf32> to vector<2000x128xf32>
    %add3A_26 = arith.addf %add3A_21, %add3A_25 : vector<2000x128xf32>
    %swap3A = arith.constant 0 : index
    %swap3A_27 = arith.constant 0 : index
    %swap3A_28 = vector.load %arg8[%swap3A, %swap3A_27] : memref<2000x128xf32, #tpu.memory_space<vmem>>, vector<2000x128xf32>
    tpu.vector_store %arg8[%swap3A, %swap3A_27], %add3A_26 {strides = array<i32>} : memref<2000x128xf32, #tpu.memory_space<vmem>>, vector<2000x128xf32>,
    return
  }
  func.func @transform_0(%arg0: i32) -> (i32, i32) {
    %c0_i32 = arith.constant 0 : i32
    %c0_i32_0 = arith.constant 0 : i32
    return %arg0, %c0_i32 : i32, i32
  }
  func.func @transform_1(%arg0: i32) -> (i32, i32) {
    %c0_i32 = arith.constant 0 : i32
    %c0_i32_0 = arith.constant 0 : i32
    return %arg0, %c0_i32 : i32, i32
  }
  func.func @transform_2(%arg0: i32) -> (i32, i32) {
    %c0_i32 = arith.constant 0 : i32
    %c0_i32_0 = arith.constant 0 : i32
    return %arg0, %c0_i32 : i32, i32
  }
  func.func @transform_3(%arg0: i32) -> (i32, i32) {
    %c0_i32 = arith.constant 0 : i32
    %c0_i32_0 = arith.constant 0 : i32
    return %arg0, %c0_i32 : i32, i32
  }
  func.func @transform_4(%arg0: i32) -> (i32, i32) {
    %c0_i32 = arith.constant 0 : i32
    %c0_i32_0 = arith.constant 0 : i32
    %c0_i32_1 = arith.constant 0 : i32
    return %c0_i32, %c0_i32_0 : i32, i32
  }
  func.func @transform_5(%arg0: i32) -> (i32, i32) {
    %c0_i32 = arith.constant 0 : i32
    %c0_i32_0 = arith.constant 0 : i32
    %c0_i32_1 = arith.constant 0 : i32
    return %c0_i32, %c0_i32_0 : i32, i32
  }
  func.func @transform_6(%arg0: i32) -> (i32, i32) {
    %c0_i32 = arith.constant 0 : i32
    %c0_i32_0 = arith.constant 0 : i32
    %c0_i32_1 = arith.constant 0 : i32
    return %c0_i32, %c0_i32_0 : i32, i32
  }
  func.func @transform_7(%arg0: i32) -> (i32, i32) {
    %c0_i32 = arith.constant 0 : i32
    %c0_i32_0 = arith.constant 0 : i32
    return %arg0, %c0_i32 : i32, i32
  }
}

</mosaic_0001>

<sc_bundles>
// kernel: kernel.10.cloned.1.call-start
scs
__scs_entry_jumppad:
0x0: {  	(pc) =	sbr.rel $0x88, $3  }
0x1: {  	(tag) =	ssettag $0x0;
	lr =	simm.s32 $0x1  }
0x2: {  	[smem:$0x3F96] =	sst lr;
	_ =	strace $0xD0000000  }
0x3: {  	_ = 	snop  }
0x4: {  	_ = 	snop  }
0x5: {  	_ = 	snop  }
0x6: {  	_ = 	snop  }
0x7: {  	_ = 	snop  }
__scs_overlays_trampoline_lowered:
0x8: {  	[smem:$0x3FA5] =	sst s0  }
0x9: {  	[smem:$0x3FA6] =	sst s1  }
0xa: {  	[smem:$0x3FA7] =	sst s2  }
0xb: {  	[smem:$0x3FA8] =	sst s3  }
0xc: {  	[smem:$0x3FA9] =	sst s4  }
0xd: {  	[smem:$0x3FAA] =	sst s5  }
0xe: {  	[smem:$0x3FAB] =	sst s6  }
0xf: {  	[smem:$0x3FAC] =	sst s7  }
0x10: {  	[smem:$0x3FAD] =	sst s8  }
0x11: {  	[smem:$0x3FAE] =	sst s9;
	s0 =	simm.s32 @!p0 $0x0  }
0x12: {  	s1 =	sld [smem:$0x3F94];
	s0 =	simm.s32 @p0 $0x1  }
0x13: {  	[smem:$0x3FAF] =	sst s0;
	s0 =	simm.s32 @!p1 $0x0  }
0x14: {  	s2 =	sld [smem:$0x3F93];
	s0 =	simm.s32 @p1 $0x1  }
0x15: {  	[smem:$0x3FB0] =	sst s0;
	s0 =	simm.s32 @!p2 $0x0  }
0x16: {  	s3 =	sld [smem:$0x3FDB];
	s0 =	simm.s32 @p2 $0x1  }
0x17: {  	s4 =	simm.s32 $0x1BF5;
	[smem:$0x3FB2] =	sst s0  }
0x18: {  	s0 =	sld [smem:$0x3F95];
	_ =	swait.ge [sflag:s4], $0x0  }
0x19: {  	s7 =	sld [smem:$0x3F96]  }
0x1a: {  	s8 =	sadd.s32 $0xFFFFE003, lr  }
0x1b: {  	s9 =	sadd.s32 $0xFFFFFEF7, lr;
	s5 =	simm.s32 $0xFFFFFFFF;
	p2 =	slt.u32 s8, $0xFFFFF086  }
0x1c: {  	p1 =	slt.u32 s9, $0xF7A;
	s5 =	simm.s32 @!p2 $0x0  }
0x1d: {  	s5 =	simm.s32 @p1 $0x1;
	p0 =	seq.s32 s7, s2  }
0x1e: {  	s7 =	smul.u32 @!p0 $0xF7A, s2;
	p2 =	seq.s32 @!p0 s5, $0x0  }
0x1f: {  	s9 =	smul.u32 $0xF7A, s1;
	s8 =	simm.s32 @!p0 $0x1BF5;
	p2 =	por !p2, p0  }
0x20: {  	[sflag:s8] =	ssyncset.s32 @!p0 $0xFFFFF086;
	s6 =	sadd.s32 @!p0 s3, s7;
	s7 =	simm.s32 @!p0 $0x108  }
0x21: {  	s3 =	sadd.s32 s3, s9;
	s6 =	sadd.s32 @!p0 $0x88, s6;
	s7 =	simm.s32 @p2 $0x1082  }
0x22: {  	[simem:s7], [sflag:s8] =	dma.local @!p0 [hbm:s6], $0xF7A  }
0x23: {  	s9 =	sor.u32 $0xD0000000, s2;
	s6 =	simm.s32 $0x108;
	_ =	swait.ge @!p0 [sflag:s8], $0x0  }
0x24: {  	s3 =	sadd.s32 $0x88, s3;
	s6 =	simm.s32 @!p1 $0x1082;
	[sflag:s4] =	ssyncset.s32 $0xFFFFF086  }
0x25: {  	[simem:s6], [sflag:s4] =	dma.local [hbm:s3], $0xF7A  }
0x26: {  	[smem:$0x3F96] =	sst s1;
	(tag) =	ssettag s2;
	_ =	strace s9  }
0x27: {  	s1 =	sld [smem:$0x3FA6]  }
0x28: {  	s2 =	sld [smem:$0x3FA7]  }
0x29: {  	s4 =	sld [smem:$0x3FA9]  }
0x2a: {  	p0 =	seq.s32 s5, $0x0;
	s5 =	sld [smem:$0x3FAA]  }
0x2b: {  	s6 =	sld [smem:$0x3FAB]  }
0x2c: {  	s7 =	sld [smem:$0x3FAC]  }
0x2d: {  	s3 =	simm.s32 $0x108;
	s8 =	sld [smem:$0x3FAD]  }
0x2e: {  	s3 =	simm.s32 @!p0 $0x1082;
	s9 =	sld [smem:$0x3FAE]  }
0x2f: {  	lr =	sadd.s32 s0, s3;
	s0 =	sld [smem:$0x3FA5]  }
0x30: {  	s3 =	sld [smem:$0x3FA8]  }
0x31: {  	[smem:$0x3FB1] =	sst s10  }
0x32: {  	s10 =	sld [smem:$0x3FAF];
	_ =	sdelay $0x3  }
0x33: {  	p0 =	seq.s32 s10, $0x1;
	s10 =	sld [smem:$0x3FB1];
	_ =	sdelay $0x3  }
0x34: {  	[smem:$0x3FB1] =	sst s10  }
0x35: {  	s10 =	sld [smem:$0x3FB0];
	_ =	sdelay $0x3  }
0x36: {  	p1 =	seq.s32 s10, $0x1;
	s10 =	sld [smem:$0x3FB1];
	_ =	sdelay $0x3  }
0x37: {  	[smem:$0x3FB1] =	sst s10  }
0x38: {  	s10 =	sld [smem:$0x3FB2]  }
0x39: {  	_ = 	snop;
	(pc) =	sbr.ind lr, $3  }
0x3a: {  	_ = 	snop  }
0x3b: {  	_ = 	snop  }
0x3c: {  	p2 =	seq.s32 s10, $0x1;
	s10 =	sld [smem:$0x3FB1]  }
0x3d: {  	_ =	shalt  }
0x3e: {  	_ =	shalt  }
0x3f: {  	_ =	shalt  }
0x40: {  	_ =	shalt  }
0x41: {  	_ =	shalt  }
0x42: {  	_ =	shalt  }
0x43: {  	_ =	shalt  }
0x44: {  	_ =	shalt  }
0x45: {  	_ =	shalt  }
0x46: {  	_ =	shalt  }
0x47: {  	_ =	shalt  }
0x48: {  	_ =	shalt  }
0x49: {  	_ =	shalt  }
0x4a: {  	_ =	shalt  }
0x4b: {  	_ =	shalt  }
0x4c: {  	_ =	shalt  }
0x4d: {  	_ =	shalt  }
0x4e: {  	_ =	shalt  }
0x4f: {  	_ =	shalt  }
0x50: {  	_ =	shalt  }
0x51: {  	_ =	shalt  }
0x52: {  	_ =	shalt  }
0x53: {  	_ =	shalt  }
0x54: {  	_ =	shalt  }
0x55: {  	_ =	shalt  }
0x56: {  	_ =	shalt  }
0x57: {  	_ =	shalt  }
0x58: {  	_ =	shalt  }
0x59: {  	_ =	shalt  }
0x5a: {  	_ =	shalt  }
0x5b: {  	_ =	shalt  }
0x5c: {  	_ =	shalt  }
0x5d: {  	_ =	shalt  }
0x5e: {  	_ =	shalt  }
0x5f: {  	_ =	shalt  }
0x60: {  	_ =	shalt  }
0x61: {  	_ =	shalt  }
0x62: {  	_ =	shalt  }
0x63: {  	_ =	shalt  }
0x64: {  	_ =	shalt  }
0x65: {  	_ =	shalt  }
0x66: {  	_ =	shalt  }
0x67: {  	_ =	shalt  }
0x68: {  	_ =	shalt  }
0x69: {  	_ =	shalt  }
0x6a: {  	_ =	shalt  }
0x6b: {  	_ =	shalt  }
0x6c: {  	_ =	shalt  }
0x6d: {  	_ =	shalt  }
0x6e: {  	_ =	shalt  }
0x6f: {  	_ =	shalt  }
0x70: {  	_ =	shalt  }
0x71: {  	_ =	shalt  }
0x72: {  	_ =	shalt  }
0x73: {  	_ =	shalt  }
0x74: {  	_ =	shalt  }
0x75: {  	_ =	shalt  }
0x76: {  	_ =	shalt  }
0x77: {  	_ =	shalt  }
0x78: {  	_ =	shalt  }
0x79: {  	_ =	shalt  }
0x7a: {  	_ =	shalt  }
0x7b: {  	_ =	shalt  }
0x7c: {  	_ =	shalt  }
0x7d: {  	_ =	shalt  }
0x7e: {  	_ =	shalt  }
0x7f: {  	_ =	shalt  }
0x80: {  	_ =	shalt  }
0x81: {  	_ =	shalt  }
0x82: {  	_ =	shalt  }
0x83: {  	_ =	shalt  }
0x84: {  	_ =	shalt  }
0x85: {  	_ =	shalt  }
0x86: {  	_ =	shalt  }
0x87: {  	_ =	shalt  }
.Lfunc_end0:
.L_simem_size_0:
called_computation_lowered:
.L_overlay_start_0:
0x88: {  	s2 =	sld [smem:$0x3FD9]  }
0x89: {  	s3 =	sld [smem:$0x3FFE];
	_ =	sdelay $0x1  }
0x8a: {  	s1 =	srdreg.scid  }
0x8b: {  	s0 =	sand.u32 $0x1, s1  }
0x8c: {  	s17 =	sshll.u32 s0, $0xA;
	s2 =	sadd.s32 s3, s2  }
0x8d: {  	s2 =	sadd.s32 s2, s17  }
0x8e: {  	[smem:$0x3FBD] =	sst s2  }
0x8f: {  	_ = 	snop  }
0x90: {  	s2 =	sld [smem:$0x3FD0];
	(tm) =	ssettm $0x1  }
0x91: {  	s18 =	sld [smem:$0x3FFB];
	_ =	sdelay $0x3  }
0x92: {  	_ =	strace s18  }
0x93: {  	s3 =	sld [smem:$0x3FFC];
	_ =	sdelay $0x3  }
0x94: {  	_ =	strace s3  }
0x95: {  	s3 =	sld [smem:$0x3FFD];
	_ =	sdelay $0x3  }
0x96: {  	_ =	strace s3  }
0x97: {  	_ =	strace $0x8FFFFFFF  }
0x98: {  	s19 =	sld [smem:$0x3FDB];
	_ =	sdelay $0x1  }
0x99: {  	s4 =	simm.s32 $_scs_section_size  }
0x9a: {  	s5 =	simm.s32 $_size__tile_overlayer_lowered;
	s6 =	simm.s32 $_tile_overlayer_lowered  }
0x9b: {  	s22 =	simm.s32 $0x1BFF;
	s21 =	sshll.u32 s6, $0x1;
	s3 =	sadd.s32 s4, s19  }
0x9c: {  	s7 =	simm.s32 $0x0;
	s20 =	sshll.u32 s5, $0x1;
	s5 =	sadd.s32 s21, s3  }
0x9d: {  	[timem:s7], [sflag:s22] =	dma.local [hbm:s5], s20  }
0x9e: {  	_ =	swait.ge [sflag:s22], s20  }
0x9f: {  	s4 =	ssub.s32 $0x0, s20;
	[sflag:s22] =	ssyncset.done $0x0  }
0xa0: {  	[sflag:s22] =	ssyncadd.s32 s4;
	_ =	sdelay $0x1  }
0xa1: {  	s23 =	simm.s32 $0x1B8B  }
0xa2: {  	_ =	swait.ge [sflag:s23], $0x1  }
0xa3: {  	[sflag:s23] =	ssyncset.done $0x0  }
0xa4: {  	s25 =	simm.s32 $0x1B8E;
	s24 =	sld [smem:$0x3FFE];
	[sflag:s23] =	ssyncadd.s32 $0xFFFFFFFF  }
0xa5: {  	s26 =	simm.s32 $execute0_lowered;
	[smem:$0x3FD2] =	sst s25  }
0xa6: {  	s5 =	sshll.u32 s26, $0x1;
	_ =	strace $0x80000046;
	[dreg:$0x1] =	wrdreg $0xFFFFFFFF  }
0xa7: {  	s28 =	simm.s32 $_size_execute0_lowered;
	s3 =	sadd.s32 s3, s5;
	[dreg:$0x0] =	wrdreg $0x0  }
0xa8: {  	s5 =	sshll.u32 s28, $0x1;
	[dreg:$0x2] =	wrdreg s3  }
0xa9: {  	[dreg:$0x3] =	wrdreg s5  }
0xaa: {  	[dreg:$0x4] =	wrdreg $0xC0  }
0xab: {  	_ =	task [dreg:s7], $0x5FFFF  }
0xac: {  	[dreg:$0x1] =	wrdreg $0xFFFFFFFF  }
0xad: {  	[dreg:$0x0] =	wrdreg $0x60  }
0xae: {  	[dreg:$0x2] =	wrdreg s24  }
0xaf: {  	[dreg:$0x3] =	wrdreg s2  }
0xb0: {  	[dreg:$0x4] =	wrdreg $0x68000  }
0xb1: {  	[dreg:$0x5] =	wrdreg $0x9  }
0xb2: {  	_ =	task.clear_ibuf [dreg:s7], $0x6FFFF;
	_ =	strace $0x90000046  }
0xb3: {  	s29 =	simm.s32 $0x9;
	_ =	strace $0x80000048  }
0xb4: {  	_ =	swait.ge [sflag:s29], $0x1  }
0xb5: {  	[sflag:s29] =	ssyncadd.s32 $0xFFFFFFFF  }
0xb6: {  	_ =	strace $0x90000048  }
0xb7: {  	_ =	sfence  }
0xb8: {  	s30 =	sld [smem:$0x0];
	_ =	sdelay $0x2  }
0xb9: {  	s31 =	sshll.u32 s1, $0xD;
	s1 =	sshrl.u32 s1, $0x2  }
0xba: {  	s3 =	sand.u32 $0x4000, s31;
	s1 =	sadd.s32 s1, s30  }
0xbb: {  	s0 =	sor.u32 s3, s0;
	s1 =	sshll.u32 s1, $0x11  }
0xbc: {  	s0 =	sor.u32 s1, s0  }
0xbd: {  	s0 =	sadd.s32 $0x8F2B, s0  }
0xbe: {  	[sflag:s0] =	ssyncadd.remote.s32 $0x1  }
0xbf: {  	_ =	sfence.sel $0xFFFF  }
0xc0: {  	[dreg:$0x0] =	wrdreg $0xFFFFFFFF;
	(pc) =	sbr.abs _section_cstart, $3  }
0xc1: {  	[dreg:$0x1] =	wrdreg $0xFFFFFFFF  }
0xc2: {  	_ =	task.clear_ibuf [dreg:s7], $0x2FFFF;
	_ =	strace $0x9FFFFFFF  }
0xc3: {  	(tm) =	ssettm $0x7FFFFFFF  }
tec
execute0_lowered:
.L_overlay_start_1:
0x0: {  	(tag) =	ssettag $0x1  }
0x1: {  	s5 =	rddreg [dreg:$0x0]  }
0x2: {  	s1 =	srdreg.scid;
	s2 =	rddreg [dreg:$0x1]  }
0x3: {  	s0 =	stileid.u32;
	s3 =	rddreg [dreg:$0x2];
	s4 =	simm.s32 $0x0  }
0x4: {  	s17 =	simm.s32 $0x0;
	s6 =	sand.u32 $0x1, s1;
	s8 =	smul.u32 $0x2800, s0  }
0x5: {  	s23 =	sshll.u32 s0, $0x1;
	s1 =	rddreg [dreg:$0x3];
	s10 =	smul.u32 $0x50000, s0  }
0x6: {  	[smem:$0x7FF] =	sst s4;
	s11 =	sadd.s32 $0x40400, s5;
	s26 =	smul.u32 $0x13800, s0  }
0x7: {  	s28 =	sshll.u32 s0, $0x6;
	s30 =	smul.u32 $0x4E000, s0;
	s16 =	sadd.s32 $0x138000, s3  }
0x8: {  	p0 =	sne.s32 s0, $0xF;
	s7 =	sor.u32 s6, s23;
	_ =	strace $0x80000047  }
0x9: {  	s9 =	ssub.s32 $0x2, s6;
	s12 =	smul.u32 $0x138800, s6;
	s6 =	sor.u32 $0x1C01, s28  }
0xa: {  	s16 =	sshrl.u32 @!p0 s16, $0x3;
	s7 =	smul.u32 $0x500, s7;
	s24 =	sshrl.u32 s9, $0x1  }
0xb: {  	s8 =	sadd.s32 s8, s5;
	s25 =	sshrl.u32 s10, $0x2;
	s13 =	ssub.s32 s9, s24  }
0xc: {  	s14 =	sadd.s32 s25, s3;
	s29 =	sadd.s32 s26, s12;
	s31 =	sshrl.u32 s12, $0x3  }
0xd: {  	s9 =	sshrl.u32 s30, $0x2;
	s12 =	simm.s32 $0x1;
	s7 =	sadd.s32 s7, s5  }
0xe: {  	s5 =	sadd.s32 $0x18400, s8;
	s8 =	sshrl.u32 s29, $0x3;
	s10 =	sadd.s32 s11, s31  }
0xf: {  	s15 =	sadd.s32 s9, s3;
	s7 =	sadd.s32 $0x4400, s7;
	s8 =	sadd.s32 s11, s8  }
0x10: {  	s9 =	sadd.s32 $0x27000, s10;
	s10 =	smax.u32 s13, $0x1;
	s11 =	sshrl.u32 s14, $0x3  }
0x11: {  	s13 =	simm.s32 $0x2800;
	s14 =	simm.s32 $0x80;
	s15 =	sshrl.u32 s15, $0x3  }
.LBB2_1:
0x12: {  	[spmem:s11], [sflag:s6] =	dma.local [hbm:s5], $0x2800  }
0x13: {  	_ =	swait.ge [sflag:s12], $0x2800  }
0x14: {  	[sflag:s12] =	ssyncset.done $0x0  }
0x15: {  	[sflag:s12] =	ssyncadd.s32 $0xFFFFD800  }
0x16: {  	[tilespmem:s13], [sflag:$0x1] =	stream.linear.gather [hbm4b:s2+s4], $0x4000, $0x38;
	[tilespmem:$0x1A800] =	vst v63  }
0x17: {  	_ =	swait.ge [sflag:s12], $0x4000  }
0x18: {  	[sflag:s12] =	ssyncset.done $0x0  }
0x19: {  	[sflag:s12] =	ssyncadd.s32 $0xFFFFC000  }
0x1a: {  	[tilespmem:s4], [sflag:$0x1] =	stream.linear.gather [hbm4b:s7+s4], $0x2800, $0x38;
	[tilespmem:$0x1A800] =	vst v63  }
0x1b: {  	_ =	swait.ge [sflag:s12], $0x2800  }
0x1c: {  	[sflag:s12] =	ssyncset.done $0x0  }
0x1d: {  	[sflag:s12] =	ssyncadd.s32 $0xFFFFD800  }
0x1e: {  	s18 =	simm.s32 $0x0;
	[bflag:$0x0] =	sbarrier.arrive $0xFFFF  }
0x1f: {  	[spmem:s3] =	stream.indirect.scatter.add.f32 [tilespmem:s13], [sflag:$0x1], $0x80, s18, s14, $0xb8;
	[tilespmem:$0x1A800] =	vst v63  }
0x20: {  	_ =	swait.ge [sflag:s12], $0x4000  }
0x21: {  	s18 =	simm.s32 $0x200;
	[sflag:s12] =	ssyncset.done $0x0  }
.LBB2_2:
0x22: {  	s19 =	sshra.s32 s18, $0x2;
	[sflag:s12] =	ssyncadd.s32 $0xFFFFC000;
	p1 =	sne.s32 s18, $0x9E00  }
0x23: {  	[spmem:s3] =	stream.indirect.scatter.add.f32 [tilespmem:s13], [sflag:$0x1], $0x80, s19, s14, $0xb8;
	[tilespmem:$0x1A800] =	vst v63  }
.Ltmp0:
0x24: {  	_ = 	snop;
	(pc) =	sbr.rel @p1 .LBB2_2-.Ltmp0, $4  }
0x25: {  	_ = 	snop  }
0x26: {  	s18 =	sadd.s32 $0x200, s18  }
0x27: {  	_ =	swait.ge [sflag:s12], $0x4000  }
0x28: {  	[sflag:s12] =	ssyncset.done $0x0  }
0x29: {  	[sflag:s12] =	ssyncadd.s32 $0xFFFFC000  }
0x2a: {  	[bflag:$0x0] =	sbarrier.arrive $0xFFFF  }
0x2b: {  	[hbm:s8], [sflag:s6] =	dma.local [spmem:s15], $0x2700  }
0x2c: {  	s17 =	sadd.s32 $0x1, s17;
	_ =	swait.ge [sflag:s12], $0x2700  }
0x2d: {  	p1 =	sne.s32 s17, s10;
	[sflag:s12] =	ssyncset.done $0x0  }
.Ltmp1:
0x2e: {  	s18 =	simm.s32 @!p0 $0x1;
	[sflag:s12] =	ssyncadd.s32 $0xFFFFD900;
	(pc) =	sbr.rel @p1 .LBB2_1-.Ltmp1, $4  }
0x2f: {  	[hbm:s9], [sflag:s6] =	dma.local @!p0 [spmem:s16], $0x100  }
0x30: {  	_ =	swait.ge @!p0 [sflag:s18], $0x100  }
0x31: {  	[sflag:s18] =	ssyncset.done @!p0 $0x0  }
0x32: {  	[sflag:s18] =	ssyncadd.s32 @!p0 $0xFFFFFF00  }
0x33: {  	_ =	sfence.sel $0x180000  }
0x34: {  	[bflag:$0x0] =	sbarrier.arrive $0xFFFF  }
0x35: {  	p0 =	sne.s32 s0, $0x0;
	_ =	strace $0x90000047  }
0x36: {  	s0 =	sadd.s32 @!p0 $0x100000, s1;
	[bflag:$0x2] =	sbarrier.arrive $0xFFFF  }
0x37: {  	[sflag:s0] =	ssyncadd.tile.s32 @!p0 $0x1;
	_ =	shalt  }
.Lfunc_end2:
_tile_overlayer_lowered:
.L_overlay_start_2:
0x38: {  	(tag) =	ssettag $0x2  }
0x39: {  	s0 =	rddreg [dreg:$0x0];
	s2 =	stileid.u32  }
0x3a: {  	s1 =	rddreg [dreg:$0x1];
	p0 =	sne.s32 s2, $0x0  }
0x3b: {  	s3 =	rddreg [dreg:$0x2];
	[bflag:$0x3] =	sbarrier.arrive $0xFFFF;
	s2 =	simm.s32 @!p0 $0x1C01  }
0x3c: {  	[timem:s3], [sflag:s2] =	dma.local @!p0 [hbm:s0], s1  }
0x3d: {  	s0 =	simm.s32 @!p0 $0x1  }
0x3e: {  	_ =	swait.ge @!p0 [sflag:s0], s1  }
0x3f: {  	s1 =	ssub.s32 @!p0 $0x0, s1;
	[sflag:s0] =	ssyncset.done @!p0 $0x0  }
0x40: {  	[sflag:s0] =	ssyncadd.s32 @!p0 s1  }
0x41: {  	[bflag:$0x3] =	sbarrier.arrive $0xFFFF  }
0x42: {  	_ =	shalt  }

// kernel: kernel.13.cloned.1.call-start
scs
__scs_entry_jumppad:
0x0: {  	(pc) =	sbr.rel $0x88, $3  }
0x1: {  	(tag) =	ssettag $0x0;
	lr =	simm.s32 $0x1  }
0x2: {  	[smem:$0x3F96] =	sst lr;
	_ =	strace $0xD0000000  }
0x3: {  	_ = 	snop  }
0x4: {  	_ = 	snop  }
0x5: {  	_ = 	snop  }
0x6: {  	_ = 	snop  }
0x7: {  	_ = 	snop  }
__scs_overlays_trampoline_lowered:
0x8: {  	[smem:$0x3FA5] =	sst s0  }
0x9: {  	[smem:$0x3FA6] =	sst s1  }
0xa: {  	[smem:$0x3FA7] =	sst s2  }
0xb: {  	[smem:$0x3FA8] =	sst s3  }
0xc: {  	[smem:$0x3FA9] =	sst s4  }
0xd: {  	[smem:$0x3FAA] =	sst s5  }
0xe: {  	[smem:$0x3FAB] =	sst s6  }
0xf: {  	[smem:$0x3FAC] =	sst s7  }
0x10: {  	[smem:$0x3FAD] =	sst s8  }
0x11: {  	[smem:$0x3FAE] =	sst s9;
	s0 =	simm.s32 @!p0 $0x0  }
0x12: {  	s1 =	sld [smem:$0x3F94];
	s0 =	simm.s32 @p0 $0x1  }
0x13: {  	[smem:$0x3FAF] =	sst s0;
	s0 =	simm.s32 @!p1 $0x0  }
0x14: {  	s2 =	sld [smem:$0x3F93];
	s0 =	simm.s32 @p1 $0x1  }
0x15: {  	[smem:$0x3FB0] =	sst s0;
	s0 =	simm.s32 @!p2 $0x0  }
0x16: {  	s3 =	sld [smem:$0x3FDB];
	s0 =	simm.s32 @p2 $0x1  }
0x17: {  	s4 =	simm.s32 $0x1BF5;
	[smem:$0x3FB2] =	sst s0  }
0x18: {  	s0 =	sld [smem:$0x3F95];
	_ =	swait.ge [sflag:s4], $0x0  }
0x19: {  	s7 =	sld [smem:$0x3F96]  }
0x1a: {  	s8 =	sadd.s32 $0xFFFFE003, lr  }
0x1b: {  	s9 =	sadd.s32 $0xFFFFFEF7, lr;
	s5 =	simm.s32 $0xFFFFFFFF;
	p2 =	slt.u32 s8, $0xFFFFF086  }
0x1c: {  	p1 =	slt.u32 s9, $0xF7A;
	s5 =	simm.s32 @!p2 $0x0  }
0x1d: {  	s5 =	simm.s32 @p1 $0x1;
	p0 =	seq.s32 s7, s2  }
0x1e: {  	s7 =	smul.u32 @!p0 $0xF7A, s2;
	p2 =	seq.s32 @!p0 s5, $0x0  }
0x1f: {  	s9 =	smul.u32 $0xF7A, s1;
	s8 =	simm.s32 @!p0 $0x1BF5;
	p2 =	por !p2, p0  }
0x20: {  	[sflag:s8] =	ssyncset.s32 @!p0 $0xFFFFF086;
	s6 =	sadd.s32 @!p0 s3, s7;
	s7 =	simm.s32 @!p0 $0x108  }
0x21: {  	s3 =	sadd.s32 s3, s9;
	s6 =	sadd.s32 @!p0 $0x88, s6;
	s7 =	simm.s32 @p2 $0x1082  }
0x22: {  	[simem:s7], [sflag:s8] =	dma.local @!p0 [hbm:s6], $0xF7A  }
0x23: {  	s9 =	sor.u32 $0xD0000000, s2;
	s6 =	simm.s32 $0x108;
	_ =	swait.ge @!p0 [sflag:s8], $0x0  }
0x24: {  	s3 =	sadd.s32 $0x88, s3;
	s6 =	simm.s32 @!p1 $0x1082;
	[sflag:s4] =	ssyncset.s32 $0xFFFFF086  }
0x25: {  	[simem:s6], [sflag:s4] =	dma.local [hbm:s3], $0xF7A  }
0x26: {  	[smem:$0x3F96] =	sst s1;
	(tag) =	ssettag s2;
	_ =	strace s9  }
0x27: {  	s1 =	sld [smem:$0x3FA6]  }
0x28: {  	s2 =	sld [smem:$0x3FA7]  }
0x29: {  	s4 =	sld [smem:$0x3FA9]  }
0x2a: {  	p0 =	seq.s32 s5, $0x0;
	s5 =	sld [smem:$0x3FAA]  }
0x2b: {  	s6 =	sld [smem:$0x3FAB]  }
0x2c: {  	s7 =	sld [smem:$0x3FAC]  }
0x2d: {  	s3 =	simm.s32 $0x108;
	s8 =	sld [smem:$0x3FAD]  }
0x2e: {  	s3 =	simm.s32 @!p0 $0x1082;
	s9 =	sld [smem:$0x3FAE]  }
0x2f: {  	lr =	sadd.s32 s0, s3;
	s0 =	sld [smem:$0x3FA5]  }
0x30: {  	s3 =	sld [smem:$0x3FA8]  }
0x31: {  	[smem:$0x3FB1] =	sst s10  }
0x32: {  	s10 =	sld [smem:$0x3FAF];
	_ =	sdelay $0x3  }
0x33: {  	p0 =	seq.s32 s10, $0x1;
	s10 =	sld [smem:$0x3FB1];
	_ =	sdelay $0x3  }
0x34: {  	[smem:$0x3FB1] =	sst s10  }
0x35: {  	s10 =	sld [smem:$0x3FB0];
	_ =	sdelay $0x3  }
0x36: {  	p1 =	seq.s32 s10, $0x1;
	s10 =	sld [smem:$0x3FB1];
	_ =	sdelay $0x3  }
0x37: {  	[smem:$0x3FB1] =	sst s10  }
0x38: {  	s10 =	sld [smem:$0x3FB2]  }
0x39: {  	_ = 	snop;
	(pc) =	sbr.ind lr, $3  }
0x3a: {  	_ = 	snop  }
0x3b: {  	_ = 	snop  }
0x3c: {  	p2 =	seq.s32 s10, $0x1;
	s10 =	sld [smem:$0x3FB1]  }
0x3d: {  	_ =	shalt  }
0x3e: {  	_ =	shalt  }
0x3f: {  	_ =	shalt  }
0x40: {  	_ =	shalt  }
0x41: {  	_ =	shalt  }
0x42: {  	_ =	shalt  }
0x43: {  	_ =	shalt  }
0x44: {  	_ =	shalt  }
0x45: {  	_ =	shalt  }
0x46: {  	_ =	shalt  }
0x47: {  	_ =	shalt  }
0x48: {  	_ =	shalt  }
0x49: {  	_ =	shalt  }
0x4a: {  	_ =	shalt  }
0x4b: {  	_ =	shalt  }
0x4c: {  	_ =	shalt  }
0x4d: {  	_ =	shalt  }
0x4e: {  	_ =	shalt  }
0x4f: {  	_ =	shalt  }
0x50: {  	_ =	shalt  }
0x51: {  	_ =	shalt  }
0x52: {  	_ =	shalt  }
0x53: {  	_ =	shalt  }
0x54: {  	_ =	shalt  }
0x55: {  	_ =	shalt  }
0x56: {  	_ =	shalt  }
0x57: {  	_ =	shalt  }
0x58: {  	_ =	shalt  }
0x59: {  	_ =	shalt  }
0x5a: {  	_ =	shalt  }
0x5b: {  	_ =	shalt  }
0x5c: {  	_ =	shalt  }
0x5d: {  	_ =	shalt  }
0x5e: {  	_ =	shalt  }
0x5f: {  	_ =	shalt  }
0x60: {  	_ =	shalt  }
0x61: {  	_ =	shalt  }
0x62: {  	_ =	shalt  }
0x63: {  	_ =	shalt  }
0x64: {  	_ =	shalt  }
0x65: {  	_ =	shalt  }
0x66: {  	_ =	shalt  }
0x67: {  	_ =	shalt  }
0x68: {  	_ =	shalt  }
0x69: {  	_ =	shalt  }
0x6a: {  	_ =	shalt  }
0x6b: {  	_ =	shalt  }
0x6c: {  	_ =	shalt  }
0x6d: {  	_ =	shalt  }
0x6e: {  	_ =	shalt  }
0x6f: {  	_ =	shalt  }
0x70: {  	_ =	shalt  }
0x71: {  	_ =	shalt  }
0x72: {  	_ =	shalt  }
0x73: {  	_ =	shalt  }
0x74: {  	_ =	shalt  }
0x75: {  	_ =	shalt  }
0x76: {  	_ =	shalt  }
0x77: {  	_ =	shalt  }
0x78: {  	_ =	shalt  }
0x79: {  	_ =	shalt  }
0x7a: {  	_ =	shalt  }
0x7b: {  	_ =	shalt  }
0x7c: {  	_ =	shalt  }
0x7d: {  	_ =	shalt  }
0x7e: {  	_ =	shalt  }
0x7f: {  	_ =	shalt  }
0x80: {  	_ =	shalt  }
0x81: {  	_ =	shalt  }
0x82: {  	_ =	shalt  }
0x83: {  	_ =	shalt  }
0x84: {  	_ =	shalt  }
0x85: {  	_ =	shalt  }
0x86: {  	_ =	shalt  }
0x87: {  	_ =	shalt  }
.Lfunc_end0:
.L_simem_size_0:
called_computation.1_lowered:
.L_overlay_start_0:
0x88: {  	s2 =	sld [smem:$0x3FD9]  }
0x89: {  	s3 =	sld [smem:$0x3FFE];
	_ =	sdelay $0x1  }
0x8a: {  	s1 =	srdreg.scid  }
0x8b: {  	s0 =	sand.u32 $0x1, s1  }
0x8c: {  	s17 =	sshll.u32 s0, $0xA;
	s2 =	sadd.s32 s3, s2  }
0x8d: {  	s2 =	sadd.s32 s2, s17  }
0x8e: {  	[smem:$0x3FBD] =	sst s2  }
0x8f: {  	_ = 	snop  }
0x90: {  	s18 =	sld [smem:$0x3FC9];
	(tm) =	ssettm $0x1  }
0x91: {  	s19 =	sld [smem:$0x3FFB];
	_ =	sdelay $0x3  }
0x92: {  	_ =	strace s19  }
0x93: {  	s2 =	sld [smem:$0x3FFC];
	_ =	sdelay $0x3  }
0x94: {  	_ =	strace s2  }
0x95: {  	s2 =	sld [smem:$0x3FFD];
	_ =	sdelay $0x3  }
0x96: {  	_ =	strace s2  }
0x97: {  	_ =	strace $0x8FFFFFFF  }
0x98: {  	s20 =	sld [smem:$0x3FDB];
	_ =	sdelay $0x1  }
0x99: {  	s4 =	simm.s32 $_scs_section_size  }
0x9a: {  	s5 =	simm.s32 $_size__tile_overlayer_lowered;
	s6 =	simm.s32 $_tile_overlayer_lowered  }
0x9b: {  	s7 =	simm.s32 $0x1BFF;
	s21 =	sshll.u32 s6, $0x1;
	s4 =	sadd.s32 s4, s20  }
0x9c: {  	s22 =	simm.s32 $0x0;
	s5 =	sshll.u32 s5, $0x1;
	s6 =	sadd.s32 s21, s4  }
0x9d: {  	[timem:s22], [sflag:s7] =	dma.local [hbm:s6], s5  }
0x9e: {  	_ =	swait.ge [sflag:s7], s5  }
0x9f: {  	s5 =	ssub.s32 $0x0, s5;
	[sflag:s7] =	ssyncset.done $0x0  }
0xa0: {  	[sflag:s7] =	ssyncadd.s32 s5;
	_ =	sdelay $0x1  }
0xa1: {  	s23 =	simm.s32 $0x1B8B  }
0xa2: {  	_ =	swait.ge [sflag:s23], $0x1  }
0xa3: {  	[sflag:s23] =	ssyncset.done $0x0  }
0xa4: {  	[sflag:s23] =	ssyncadd.s32 $0xFFFFFFFF  }
0xa5: {  	s5 =	sld [smem:$0x0]  }
0xa6: {  	s6 =	sand.u32 $0xFFFFFFFE, s1  }
0xa7: {  	p0 =	sne.s32 s1, s6  }
0xa8: {  	s6 =	sshll.u32 @p0 s6, $0xE  }
0xa9: {  	s6 =	sadd.s32 @p0 $0x11B8D, s6;
	s7 =	sshll.u32 @p0 s5, $0x11  }
0xaa: {  	s6 =	sor.u32 @p0 s7, s6  }
0xab: {  	[sflag:s6] =	ssyncadd.remote.s32 @p0 $0x1;
	_ =	sdelay $0x1  }
0xac: {  	s6 =	simm.s32 @p0 $0x1B8D  }
0xad: {  	_ =	swait.eq @p0 [sflag:s6], $0x1  }
0xae: {  	[sflag:s6] =	ssyncadd.s32 @p0 $0xFFFFFFFF  }
0xaf: {  	s7 =	sshll.u32 @!p0 s1, $0xE  }
0xb0: {  	s7 =	sor.u32 @!p0 $0x4000, s7;
	s6 =	simm.s32 @!p0 $0x1B8D  }
0xb1: {  	s5 =	sshll.u32 @!p0 s5, $0x11;
	s7 =	sadd.s32 @!p0 $0x11B8D, s7;
	_ =	swait.eq @!p0 [sflag:s6], $0x1  }
0xb2: {  	s5 =	sor.u32 @!p0 s5, s7;
	[sflag:s6] =	ssyncadd.s32 @!p0 $0xFFFFFFFF  }
0xb3: {  	s25 =	simm.s32 $0x1B8E;
	s24 =	sld [smem:$0x3FFE];
	[sflag:s5] =	ssyncadd.remote.s32 @!p0 $0x1  }
0xb4: {  	s26 =	simm.s32 $execute0_lowered;
	[smem:$0x3FD2] =	sst s25  }
0xb5: {  	s6 =	sshll.u32 s26, $0x1;
	_ =	strace $0x80000049;
	[dreg:$0x1] =	wrdreg $0xFFFFFFFF  }
0xb6: {  	s28 =	simm.s32 $_size_execute0_lowered;
	s4 =	sadd.s32 s4, s6;
	[dreg:$0x0] =	wrdreg $0x0  }
0xb7: {  	s6 =	sshll.u32 s28, $0x1;
	[dreg:$0x2] =	wrdreg s4  }
0xb8: {  	[dreg:$0x3] =	wrdreg s6  }
0xb9: {  	[dreg:$0x4] =	wrdreg $0xC0  }
0xba: {  	_ =	task [dreg:s22], $0x5FFFF  }
0xbb: {  	[dreg:$0x1] =	wrdreg $0xFFFFFFFF  }
0xbc: {  	[dreg:$0x0] =	wrdreg $0x60  }
0xbd: {  	[dreg:$0x2] =	wrdreg s18  }
0xbe: {  	[dreg:$0x3] =	wrdreg s24  }
0xbf: {  	[dreg:$0x4] =	wrdreg $0xA0000  }
0xc0: {  	[dreg:$0x5] =	wrdreg $0xA  }
0xc1: {  	_ =	task.clear_ibuf [dreg:s22], $0x6FFFF;
	_ =	strace $0x90000049  }
0xc2: {  	s29 =	simm.s32 $0xA;
	_ =	strace $0x8000004B  }
0xc3: {  	_ =	swait.ge [sflag:s29], $0x1  }
0xc4: {  	[sflag:s29] =	ssyncadd.s32 $0xFFFFFFFF  }
0xc5: {  	_ =	strace $0x9000004B  }
0xc6: {  	_ =	sfence  }
0xc7: {  	s30 =	sld [smem:$0x0];
	_ =	sdelay $0x2  }
0xc8: {  	s31 =	sshll.u32 s1, $0xD;
	s1 =	sshrl.u32 s1, $0x2  }
0xc9: {  	s4 =	sand.u32 $0x4000, s31;
	s1 =	sadd.s32 s1, s30  }
0xca: {  	s0 =	sor.u32 s4, s0;
	s1 =	sshll.u32 s1, $0x11  }
0xcb: {  	s0 =	sor.u32 s1, s0  }
0xcc: {  	s0 =	sadd.s32 $0x8F2B, s0  }
0xcd: {  	[sflag:s0] =	ssyncadd.remote.s32 $0x1  }
0xce: {  	_ =	sfence.sel $0xFFFF  }
0xcf: {  	[dreg:$0x0] =	wrdreg $0xFFFFFFFF;
	(pc) =	sbr.abs _section_cstart, $3  }
0xd0: {  	[dreg:$0x1] =	wrdreg $0xFFFFFFFF  }
0xd1: {  	_ =	task.clear_ibuf [dreg:s22], $0x2FFFF;
	_ =	strace $0x9FFFFFFF  }
0xd2: {  	(tm) =	ssettm $0x7FFFFFFF  }
0xd3: {  	_ =	shalt  }
tec
execute0_lowered:
.L_overlay_start_1:
0x0: {  	(tag) =	ssettag $0x1  }
0x1: {  	s1 =	rddreg [dreg:$0x0]  }
0x2: {  	s0 =	rddreg [dreg:$0x1]  }
0x3: {  	s3 =	rddreg [dreg:$0x2];
	s4 =	simm.s32 $0x0  }
0x4: {  	s11 =	stileid.u32;
	s2 =	srdreg.scid;
	s28 =	simm.s32 $0x6000  }
0x5: {  	s29 =	simm.s32 $0x1;
	s30 =	simm.s32 $0x2;
	s31 =	simm.s32 $0xF80  }
0x6: {  	[smem:$0x7FF] =	sst s4;
	s5 =	smul.u32 $0x2800, s11;
	s2 =	sand.u32 $0x1, s2  }
0x7: {  	s7 =	sadd.s32 $0xE400, s0;
	s8 =	smul.u32 $0x50000, s11;
	s16 =	sadd.s32 $0x4400, s0  }
0x8: {  	s17 =	sshll.u32 s11, $0x6;
	s13 =	sshll.u32 s11, $0xB;
	p1 =	sne.s32 s11, $0xF  }
0x9: {  	_ =	strace $0x8000004A;
	s6 =	ssub.s32 $0x2, s2;
	p0 =	seq.s32 s2, $0x1  }
0xa: {  	s18 =	sadd.s32 s7, s13;
	s20 =	sadd.s32 s16, s13;
	s10 =	sor.u32 $0x200, s13  }
0xb: {  	s12 =	sor.u32 $0x400, s13;
	s2 =	smul.u32 $0x138800, s2;
	s14 =	sor.u32 $0x600, s13  }
0xc: {  	s5 =	sadd.s32 s5, s0;
	s9 =	sshrl.u32 s6, $0x1;
	[dreg:$0x4] =	wrdreg s18  }
0xd: {  	s0 =	sadd.s32 $0x8E600, s0;
	s15 =	sshrl.u32 s8, $0x2;
	[dreg:$0x5] =	wrdreg s20  }
0xe: {  	s21 =	sadd.s32 s7, s10;
	s22 =	sadd.s32 s16, s10;
	s23 =	sadd.s32 s7, s12  }
0xf: {  	s12 =	sadd.s32 s16, s12;
	s13 =	sadd.s32 s7, s14;
	s14 =	sadd.s32 s16, s14  }
0x10: {  	s20 =	smul.u32 $0x4E000, s11;
	s19 =	ssub.s32 s6, s9;
	[dreg:$0x6] =	wrdreg s21  }
0x11: {  	s8 =	sadd.s32 s15, s3;
	s5 =	sadd.s32 $0x18400, s5;
	[dreg:$0x7] =	wrdreg s22  }
0x12: {  	s6 =	sor.u32 $0x1C03, s17;
	[dreg:$0x8] =	wrdreg s23;
	s15 =	sshll.u32 s11, $0x9  }
0x13: {  	s17 =	smul.u32 $0x13800, s11;
	s21 =	simm.s32 $0x3;
	s22 =	simm.s32 $0x1000  }
0x14: {  	s23 =	simm.s32 $0x80;
	s18 =	sor.u32 $0x8000, s15;
	s25 =	sshrl.u32 s20, $0x2  }
0x15: {  	s19 =	smax.u32 s19, $0x1;
	s20 =	sshrl.u32 s8, $0x3;
	s15 =	sadd.s32 s7, s18  }
.Ltmp0:
0x16: {  	s24 =	sadd.s32 s17, s2;
	s16 =	sadd.s32 s16, s18;
	(pc) =	sbr.rel .LBB2_1-.Ltmp0, $4  }
0x17: {  	s2 =	sshrl.u32 s2, $0x3;
	s26 =	sadd.s32 s25, s3;
	s7 =	sshrl.u32 s24, $0x3  }
0x18: {  	s24 =	sshrl.u32 s26, $0x3;
	s17 =	sadd.s32 s0, s7;
	s0 =	sadd.s32 s0, s2  }
0x19: {  	s26 =	simm.s32 $0x2000;
	s18 =	sadd.s32 $0x27000, s0;
	s0 =	sadd.s32 $0x138000, s3  }
0x1a: {  	s2 =	simm.s32 $0x1F80;
	s25 =	sshrl.u32 @!p1 s0, $0x3;
	s0 =	simm.s32 $0x1F00  }
.LBB2_13:
0x1b: {  	s8 =	sadd.s32 $0x80, s7;
	[sflag:s21] =	ssyncadd.s32 $0xFFFFC000  }
0x1c: {  	[tilespmem:s28], [sflag:$0x2] =	stream.indirect.gather [hbm4b:s1+s23], $0x80, s8, s23, $0xb8;
	[tilespmem:$0x1E000] =	vst v63  }
0x1d: {  	_ =	swait.ge [sflag:s29], $0x4000  }
0x1e: {  	[sflag:s29] =	ssyncset.done $0x0  }
0x1f: {  	s9 =	sadd.s32 $0x1000, s7;
	[sflag:s29] =	ssyncadd.s32 $0xFFFFC000  }
0x20: {  	[spmem:s3] =	stream.indirect.scatter.add.f32 [tilespmem:s26], [sflag:$0x3], $0x80, s9, s23, $0xb8;
	[tilespmem:$0x1E000] =	vst v63  }
0x21: {  	_ =	swait.ge [sflag:s21], $0x4000  }
0x22: {  	[sflag:s21] =	ssyncset.done $0x0  }
0x23: {  	s10 =	sadd.s32 $0x100, s7;
	[sflag:s21] =	ssyncadd.s32 $0xFFFFC000  }
0x24: {  	[tilespmem:s26], [sflag:$0x1] =	stream.indirect.gather [hbm4b:s1+s23], $0x80, s10, s23, $0xb8;
	[tilespmem:$0x1E000] =	vst v63  }
0x25: {  	_ =	swait.ge [sflag:s30], $0x4000  }
0x26: {  	[sflag:s30] =	ssyncset.done $0x0  }
0x27: {  	s11 =	sadd.s32 $0x1080, s7;
	[sflag:s30] =	ssyncadd.s32 $0xFFFFC000  }
0x28: {  	[spmem:s3] =	stream.indirect.scatter.add.f32 [tilespmem:s28], [sflag:$0x3], $0x80, s11, s23, $0xb8;
	[tilespmem:$0x1E000] =	vst v63  }
0x29: {  	_ =	swait.ge [sflag:s21], $0x4000  }
0x2a: {  	[sflag:s21] =	ssyncset.done $0x0  }
0x2b: {  	[sflag:s21] =	ssyncadd.s32 $0xFFFFC000  }
.LBB2_14:
0x2c: {  	[tilespmem:s28], [sflag:$0x2] =	stream.indirect.gather [hbm4b:s1+s23], $0x80, s31, s23, $0xb8;
	[tilespmem:$0x1E000] =	vst v63  }
0x2d: {  	_ =	swait.ge [sflag:s29], $0x4000  }
0x2e: {  	[sflag:s29] =	ssyncset.done $0x0  }
0x2f: {  	[sflag:s29] =	ssyncadd.s32 $0xFFFFC000  }
0x30: {  	[spmem:s3] =	stream.indirect.scatter.add.f32 [tilespmem:s26], [sflag:$0x3], $0x80, s0, s23, $0xb8;
	[tilespmem:$0x1E000] =	vst v63  }
0x31: {  	_ =	swait.ge [sflag:s21], $0x4000  }
0x32: {  	[sflag:s21] =	ssyncset.done $0x0  }
0x33: {  	[sflag:s21] =	ssyncadd.s32 $0xFFFFC000  }
0x34: {  	_ =	swait.ge [sflag:s30], $0x4000  }
0x35: {  	[sflag:s30] =	ssyncset.done $0x0  }
0x36: {  	[sflag:s30] =	ssyncadd.s32 $0xFFFFC000  }
0x37: {  	[spmem:s3] =	stream.indirect.scatter.add.f32 [tilespmem:s28], [sflag:$0x3], $0x80, s2, s23, $0xb8;
	[tilespmem:$0x1E000] =	vst v63  }
0x38: {  	_ =	swait.ge [sflag:s21], $0x4000  }
0x39: {  	[sflag:s21] =	ssyncset.done $0x0  }
0x3a: {  	[sflag:s21] =	ssyncadd.s32 $0xFFFFC000  }
0x3b: {  	[bflag:$0x0] =	sbarrier.arrive $0xFFFF  }
0x3c: {  	[hbm:s17], [sflag:s6] =	dma.local [spmem:s24], $0x2700  }
0x3d: {  	s4 =	sadd.s32 $0x1, s4;
	_ =	swait.ge [sflag:s21], $0x2700  }
0x3e: {  	p2 =	sne.s32 s4, s19;
	[sflag:s21] =	ssyncset.done $0x0  }
.Ltmp1:
0x3f: {  	s7 =	simm.s32 @!p1 $0x3;
	[sflag:s21] =	ssyncadd.s32 $0xFFFFD900;
	(pc) =	sbr.rel @!p2 .LBB2_15-.Ltmp1, $4  }
0x40: {  	[hbm:s18], [sflag:s6] =	dma.local @!p1 [spmem:s25], $0x100  }
0x41: {  	_ =	swait.ge @!p1 [sflag:s7], $0x100  }
0x42: {  	[sflag:s7] =	ssyncset.done @!p1 $0x0  }
0x43: {  	[sflag:s7] =	ssyncadd.s32 @!p1 $0xFFFFFF00  }
.LBB2_1:
0x44: {  	[spmem:s20], [sflag:s6] =	dma.local [hbm:s5], $0x2800  }
.Ltmp2:
0x45: {  	_ =	swait.ge [sflag:s21], $0x2800;
	(pc) =	sbr.rel @!p0 .LBB2_2-.Ltmp2, $4  }
0x46: {  	[sflag:s21] =	ssyncset.done $0x0  }
0x47: {  	[sflag:s21] =	ssyncadd.s32 $0xFFFFD800  }
0x48: {  	[bflag:$0x0] =	sbarrier.arrive $0xFFFF  }
0x49: {  	s7 =	simm.s32 $0x0  }
0x4a: {  	[tilespmem:s7], [sflag:$0x3] =	stream.linear.gather [hbm4b:s15+s7], $0x1000, $0x38;
	[tilespmem:$0x1E000] =	vst v63  }
0x4b: {  	_ =	swait.ge [sflag:s21], $0x1000  }
0x4c: {  	[sflag:s21] =	ssyncset.done $0x0  }
0x4d: {  	[sflag:s21] =	ssyncadd.s32 $0xFFFFF000  }
0x4e: {  	[tilespmem:s22], [sflag:$0x3] =	stream.linear.gather [hbm4b:s16+s7], $0x1000, $0x38;
	[tilespmem:$0x1E000] =	vst v63  }
0x4f: {  	_ =	swait.ge [sflag:s21], $0x1000  }
0x50: {  	[sflag:s21] =	ssyncset.done $0x0  }
0x51: {  	[sflag:s21] =	ssyncadd.s32 $0xFFFFF000  }
0x52: {  	[tilespmem:s26], [sflag:$0x1] =	stream.indirect.gather [hbm4b:s1+s23], $0x80, s7, s23, $0xb8;
	[tilespmem:$0x1E000] =	vst v63  }
0x53: {  	s8 =	simm.s32 $0x80  }
0x54: {  	[tilespmem:s28], [sflag:$0x2] =	stream.indirect.gather [hbm4b:s1+s23], $0x80, s8, s23, $0xb8;
	[tilespmem:$0x1E000] =	vst v63  }
0x55: {  	_ =	swait.ge [sflag:s29], $0x4000  }
0x56: {  	[sflag:s29] =	ssyncset.done $0x0  }
0x57: {  	s9 =	simm.s32 $0x1000;
	[sflag:s29] =	ssyncadd.s32 $0xFFFFC000  }
0x58: {  	[spmem:s3] =	stream.indirect.scatter.add.f32 [tilespmem:s26], [sflag:$0x3], $0x80, s9, s23, $0xb8;
	[tilespmem:$0x1E000] =	vst v63  }
0x59: {  	_ =	swait.ge [sflag:s21], $0x4000  }
0x5a: {  	[sflag:s21] =	ssyncset.done $0x0  }
0x5b: {  	s10 =	simm.s32 $0x100;
	[sflag:s21] =	ssyncadd.s32 $0xFFFFC000  }
0x5c: {  	[tilespmem:s26], [sflag:$0x1] =	stream.indirect.gather [hbm4b:s1+s23], $0x80, s10, s23, $0xb8;
	[tilespmem:$0x1E000] =	vst v63  }
0x5d: {  	_ =	swait.ge [sflag:s30], $0x4000  }
0x5e: {  	[sflag:s30] =	ssyncset.done $0x0  }
0x5f: {  	s11 =	simm.s32 $0x1080;
	[sflag:s30] =	ssyncadd.s32 $0xFFFFC000  }
0x60: {  	[spmem:s3] =	stream.indirect.scatter.add.f32 [tilespmem:s28], [sflag:$0x3], $0x80, s11, s23, $0xb8;
	[tilespmem:$0x1E000] =	vst v63  }
0x61: {  	_ =	swait.ge [sflag:s21], $0x4000  }
0x62: {  	s7 =	simm.s32 $0x100;
	s8 =	simm.s32 $0x800;
	[sflag:s21] =	ssyncset.done $0x0  }
.LBB2_12:
0x63: {  	s9 =	sadd.s32 $0x80, s7  }
0x64: {  	[sflag:s21] =	ssyncadd.s32 $0xFFFFC000;
	s10 =	smov.u32 s8;
	s11 =	sadd.s32 $0x400, s8  }
0x65: {  	[tilespmem:s28], [sflag:$0x2] =	stream.indirect.gather [hbm4b:s1+s23], $0x80, s9, s23, $0xb8;
	[tilespmem:$0x1E000] =	vst v63  }
0x66: {  	p2 =	sne.s32 s8, $0x3800;
	_ =	swait.ge [sflag:s29], $0x4000  }
0x67: {  	[sflag:s29] =	ssyncset.done $0x0  }
0x68: {  	s8 =	sadd.s32 $0x1000, s7;
	[sflag:s29] =	ssyncadd.s32 $0xFFFFC000  }
0x69: {  	[spmem:s3] =	stream.indirect.scatter.add.f32 [tilespmem:s26], [sflag:$0x3], $0x80, s8, s23, $0xb8;
	[tilespmem:$0x1E000] =	vst v63  }
0x6a: {  	_ =	swait.ge [sflag:s21], $0x4000  }
0x6b: {  	[sflag:s21] =	ssyncset.done $0x0  }
0x6c: {  	s8 =	sadd.s32 $0x100, s7;
	[sflag:s21] =	ssyncadd.s32 $0xFFFFC000  }
0x6d: {  	[tilespmem:s26], [sflag:$0x1] =	stream.indirect.gather [hbm4b:s1+s23], $0x80, s8, s23, $0xb8;
	[tilespmem:$0x1E000] =	vst v63  }
0x6e: {  	_ =	swait.ge [sflag:s30], $0x4000  }
.Ltmp3:
0x6f: {  	[sflag:s30] =	ssyncset.done $0x0;
	(pc) =	sbr.rel @p2 .LBB2_12-.Ltmp3, $4  }
0x70: {  	s7 =	sadd.s32 $0x1080, s7;
	[sflag:s30] =	ssyncadd.s32 $0xFFFFC000  }
0x71: {  	[spmem:s3] =	stream.indirect.scatter.add.f32 [tilespmem:s28], [sflag:$0x3], $0x80, s7, s23, $0xb8;
	[tilespmem:$0x1E000] =	vst v63  }
0x72: {  	_ =	swait.ge [sflag:s21], $0x4000  }
0x73: {  	s8 =	smov.u32 s11;
	s7 =	sshra.s32 s10, $0x2;
	[sflag:s21] =	ssyncset.done $0x0  }
.Ltmp4:
0x74: {  	_ = 	snop;
	(pc) =	sbr.rel .LBB2_13-.Ltmp4, $1  }
0x75: {  	_ =	sdelay $0x3  }
.LBB2_2:
0x76: {  	s8 =	rddreg [dreg:$0x4]  }
0x77: {  	[tilespmem:s7], [sflag:$0x3] =	stream.linear.gather [hbm4b:s8+s7], $0x1000, $0x38;
	[tilespmem:$0x1E000] =	vst v63  }
0x78: {  	_ =	swait.ge [sflag:s21], $0x1000  }
0x79: {  	[sflag:s21] =	ssyncset.done $0x0  }
0x7a: {  	s11 =	rddreg [dreg:$0x5];
	[sflag:s21] =	ssyncadd.s32 $0xFFFFF000  }
0x7b: {  	[tilespmem:s22], [sflag:$0x3] =	stream.linear.gather [hbm4b:s11+s7], $0x1000, $0x38;
	[tilespmem:$0x1E000] =	vst v63  }
0x7c: {  	_ =	swait.ge [sflag:s21], $0x1000  }
0x7d: {  	[sflag:s21] =	ssyncset.done $0x0  }
0x7e: {  	[sflag:s21] =	ssyncadd.s32 $0xFFFFF000  }
0x7f: {  	[tilespmem:s26], [sflag:$0x1] =	stream.indirect.gather [hbm4b:s1+s23], $0x80, s7, s23, $0xb8;
	[tilespmem:$0x1E000] =	vst v63  }
0x80: {  	s8 =	simm.s32 $0x80  }
0x81: {  	[tilespmem:s28], [sflag:$0x2] =	stream.indirect.gather [hbm4b:s1+s23], $0x80, s8, s23, $0xb8;
	[tilespmem:$0x1E000] =	vst v63  }
0x82: {  	_ =	swait.ge [sflag:s29], $0x4000  }
0x83: {  	[sflag:s29] =	ssyncset.done $0x0  }
0x84: {  	s9 =	simm.s32 $0x1000;
	[sflag:s29] =	ssyncadd.s32 $0xFFFFC000  }
0x85: {  	[spmem:s3] =	stream.indirect.scatter.add.f32 [tilespmem:s26], [sflag:$0x3], $0x80, s9, s23, $0xb8;
	[tilespmem:$0x1E000] =	vst v63  }
0x86: {  	_ =	swait.ge [sflag:s21], $0x4000  }
0x87: {  	[sflag:s21] =	ssyncset.done $0x0  }
0x88: {  	s10 =	simm.s32 $0x100;
	[sflag:s21] =	ssyncadd.s32 $0xFFFFC000  }
0x89: {  	[tilespmem:s26], [sflag:$0x1] =	stream.indirect.gather [hbm4b:s1+s23], $0x80, s10, s23, $0xb8;
	[tilespmem:$0x1E000] =	vst v63  }
0x8a: {  	_ =	swait.ge [sflag:s30], $0x4000  }
0x8b: {  	[sflag:s30] =	ssyncset.done $0x0  }
0x8c: {  	s11 =	simm.s32 $0x1080;
	[sflag:s30] =	ssyncadd.s32 $0xFFFFC000  }
0x8d: {  	[spmem:s3] =	stream.indirect.scatter.add.f32 [tilespmem:s28], [sflag:$0x3], $0x80, s11, s23, $0xb8;
	[tilespmem:$0x1E000] =	vst v63  }
0x8e: {  	_ =	swait.ge [sflag:s21], $0x4000  }
0x8f: {  	s7 =	simm.s32 $0x100;
	s8 =	simm.s32 $0x800;
	[sflag:s21] =	ssyncset.done $0x0  }
.LBB2_3:
0x90: {  	s9 =	sadd.s32 $0x80, s7  }
0x91: {  	[sflag:s21] =	ssyncadd.s32 $0xFFFFC000;
	s10 =	smov.u32 s8;
	s11 =	sadd.s32 $0x400, s8  }
0x92: {  	[tilespmem:s28], [sflag:$0x2] =	stream.indirect.gather [hbm4b:s1+s23], $0x80, s9, s23, $0xb8;
	[tilespmem:$0x1E000] =	vst v63  }
0x93: {  	p2 =	sne.s32 s8, $0x3800;
	_ =	swait.ge [sflag:s29], $0x4000  }
0x94: {  	[sflag:s29] =	ssyncset.done $0x0  }
0x95: {  	s8 =	sadd.s32 $0x1000, s7;
	[sflag:s29] =	ssyncadd.s32 $0xFFFFC000  }
0x96: {  	[spmem:s3] =	stream.indirect.scatter.add.f32 [tilespmem:s26], [sflag:$0x3], $0x80, s8, s23, $0xb8;
	[tilespmem:$0x1E000] =	vst v63  }
0x97: {  	_ =	swait.ge [sflag:s21], $0x4000  }
0x98: {  	[sflag:s21] =	ssyncset.done $0x0  }
0x99: {  	s8 =	sadd.s32 $0x100, s7;
	[sflag:s21] =	ssyncadd.s32 $0xFFFFC000  }
0x9a: {  	[tilespmem:s26], [sflag:$0x1] =	stream.indirect.gather [hbm4b:s1+s23], $0x80, s8, s23, $0xb8;
	[tilespmem:$0x1E000] =	vst v63  }
0x9b: {  	_ =	swait.ge [sflag:s30], $0x4000  }
.Ltmp5:
0x9c: {  	[sflag:s30] =	ssyncset.done $0x0;
	(pc) =	sbr.rel @p2 .LBB2_3-.Ltmp5, $4  }
0x9d: {  	s7 =	sadd.s32 $0x1080, s7;
	[sflag:s30] =	ssyncadd.s32 $0xFFFFC000  }
0x9e: {  	[spmem:s3] =	stream.indirect.scatter.add.f32 [tilespmem:s28], [sflag:$0x3], $0x80, s7, s23, $0xb8;
	[tilespmem:$0x1E000] =	vst v63  }
0x9f: {  	_ =	swait.ge [sflag:s21], $0x4000  }
0xa0: {  	s8 =	smov.u32 s11;
	s7 =	sshra.s32 s10, $0x2;
	[sflag:s21] =	ssyncset.done $0x0  }
0xa1: {  	s8 =	sadd.s32 $0x80, s7;
	[sflag:s21] =	ssyncadd.s32 $0xFFFFC000  }
0xa2: {  	[tilespmem:s28], [sflag:$0x2] =	stream.indirect.gather [hbm4b:s1+s23], $0x80, s8, s23, $0xb8;
	[tilespmem:$0x1E000] =	vst v63  }
0xa3: {  	_ =	swait.ge [sflag:s29], $0x4000  }
0xa4: {  	[sflag:s29] =	ssyncset.done $0x0  }
0xa5: {  	s10 =	sadd.s32 $0x1000, s7;
	[sflag:s29] =	ssyncadd.s32 $0xFFFFC000  }
0xa6: {  	[spmem:s3] =	stream.indirect.scatter.add.f32 [tilespmem:s26], [sflag:$0x3], $0x80, s10, s23, $0xb8;
	[tilespmem:$0x1E000] =	vst v63  }
0xa7: {  	_ =	swait.ge [sflag:s21], $0x4000  }
0xa8: {  	[sflag:s21] =	ssyncset.done $0x0  }
0xa9: {  	s11 =	sadd.s32 $0x100, s7;
	[sflag:s21] =	ssyncadd.s32 $0xFFFFC000  }
0xaa: {  	[tilespmem:s26], [sflag:$0x1] =	stream.indirect.gather [hbm4b:s1+s23], $0x80, s11, s23, $0xb8;
	[tilespmem:$0x1E000] =	vst v63  }
0xab: {  	_ =	swait.ge [sflag:s30], $0x4000  }
0xac: {  	[sflag:s30] =	ssyncset.done $0x0  }
0xad: {  	s8 =	sadd.s32 $0x1080, s7;
	[sflag:s30] =	ssyncadd.s32 $0xFFFFC000  }
0xae: {  	[spmem:s3] =	stream.indirect.scatter.add.f32 [tilespmem:s28], [sflag:$0x3], $0x80, s8, s23, $0xb8;
	[tilespmem:$0x1E000] =	vst v63  }
0xaf: {  	_ =	swait.ge [sflag:s21], $0x4000  }
0xb0: {  	[sflag:s21] =	ssyncset.done $0x0  }
0xb1: {  	[sflag:s21] =	ssyncadd.s32 $0xFFFFC000  }
0xb2: {  	[tilespmem:s28], [sflag:$0x2] =	stream.indirect.gather [hbm4b:s1+s23], $0x80, s31, s23, $0xb8;
	[tilespmem:$0x1E000] =	vst v63  }
0xb3: {  	_ =	swait.ge [sflag:s29], $0x4000  }
0xb4: {  	[sflag:s29] =	ssyncset.done $0x0  }
0xb5: {  	[sflag:s29] =	ssyncadd.s32 $0xFFFFC000  }
0xb6: {  	[spmem:s3] =	stream.indirect.scatter.add.f32 [tilespmem:s26], [sflag:$0x3], $0x80, s0, s23, $0xb8;
	[tilespmem:$0x1E000] =	vst v63  }
0xb7: {  	_ =	swait.ge [sflag:s21], $0x4000  }
0xb8: {  	[sflag:s21] =	ssyncset.done $0x0  }
0xb9: {  	[sflag:s21] =	ssyncadd.s32 $0xFFFFC000  }
0xba: {  	_ =	swait.ge [sflag:s30], $0x4000  }
0xbb: {  	[sflag:s30] =	ssyncset.done $0x0  }
0xbc: {  	[sflag:s30] =	ssyncadd.s32 $0xFFFFC000  }
0xbd: {  	[spmem:s3] =	stream.indirect.scatter.add.f32 [tilespmem:s28], [sflag:$0x3], $0x80, s2, s23, $0xb8;
	[tilespmem:$0x1E000] =	vst v63  }
0xbe: {  	_ =	swait.ge [sflag:s21], $0x4000  }
0xbf: {  	[sflag:s21] =	ssyncset.done $0x0  }
0xc0: {  	s9 =	simm.s32 $0x0;
	s10 =	rddreg [dreg:$0x6];
	[sflag:s21] =	ssyncadd.s32 $0xFFFFC000  }
0xc1: {  	[tilespmem:s9], [sflag:$0x3] =	stream.linear.gather [hbm4b:s10+s9], $0x1000, $0x38;
	[tilespmem:$0x1E000] =	vst v63  }
0xc2: {  	_ =	swait.ge [sflag:s21], $0x1000  }
0xc3: {  	[sflag:s21] =	ssyncset.done $0x0  }
0xc4: {  	s11 =	rddreg [dreg:$0x7];
	[sflag:s21] =	ssyncadd.s32 $0xFFFFF000  }
0xc5: {  	[tilespmem:s22], [sflag:$0x3] =	stream.linear.gather [hbm4b:s11+s9], $0x1000, $0x38;
	[tilespmem:$0x1E000] =	vst v63  }
0xc6: {  	_ =	swait.ge [sflag:s21], $0x1000  }
0xc7: {  	[sflag:s21] =	ssyncset.done $0x0  }
0xc8: {  	[sflag:s21] =	ssyncadd.s32 $0xFFFFF000  }
0xc9: {  	[tilespmem:s26], [sflag:$0x1] =	stream.indirect.gather [hbm4b:s1+s23], $0x80, s9, s23, $0xb8;
	[tilespmem:$0x1E000] =	vst v63  }
0xca: {  	s8 =	simm.s32 $0x80  }
0xcb: {  	[tilespmem:s28], [sflag:$0x2] =	stream.indirect.gather [hbm4b:s1+s23], $0x80, s8, s23, $0xb8;
	[tilespmem:$0x1E000] =	vst v63  }
0xcc: {  	_ =	swait.ge [sflag:s29], $0x4000  }
0xcd: {  	[sflag:s29] =	ssyncset.done $0x0  }
0xce: {  	s9 =	simm.s32 $0x1000;
	[sflag:s29] =	ssyncadd.s32 $0xFFFFC000  }
0xcf: {  	[spmem:s3] =	stream.indirect.scatter.add.f32 [tilespmem:s26], [sflag:$0x3], $0x80, s9, s23, $0xb8;
	[tilespmem:$0x1E000] =	vst v63  }
0xd0: {  	_ =	swait.ge [sflag:s21], $0x4000  }
0xd1: {  	[sflag:s21] =	ssyncset.done $0x0  }
0xd2: {  	s10 =	simm.s32 $0x100;
	[sflag:s21] =	ssyncadd.s32 $0xFFFFC000  }
0xd3: {  	[tilespmem:s26], [sflag:$0x1] =	stream.indirect.gather [hbm4b:s1+s23], $0x80, s10, s23, $0xb8;
	[tilespmem:$0x1E000] =	vst v63  }
0xd4: {  	_ =	swait.ge [sflag:s30], $0x4000  }
0xd5: {  	[sflag:s30] =	ssyncset.done $0x0  }
0xd6: {  	s11 =	simm.s32 $0x1080;
	[sflag:s30] =	ssyncadd.s32 $0xFFFFC000  }
0xd7: {  	[spmem:s3] =	stream.indirect.scatter.add.f32 [tilespmem:s28], [sflag:$0x3], $0x80, s11, s23, $0xb8;
	[tilespmem:$0x1E000] =	vst v63  }
0xd8: {  	_ =	swait.ge [sflag:s21], $0x4000  }
0xd9: {  	s7 =	simm.s32 $0x100;
	s8 =	simm.s32 $0x800;
	[sflag:s21] =	ssyncset.done $0x0  }
.LBB2_5:
0xda: {  	s9 =	sadd.s32 $0x80, s7  }
0xdb: {  	[sflag:s21] =	ssyncadd.s32 $0xFFFFC000;
	s10 =	smov.u32 s8;
	s11 =	sadd.s32 $0x400, s8  }
0xdc: {  	[tilespmem:s28], [sflag:$0x2] =	stream.indirect.gather [hbm4b:s1+s23], $0x80, s9, s23, $0xb8;
	[tilespmem:$0x1E000] =	vst v63  }
0xdd: {  	p2 =	sne.s32 s8, $0x3800;
	_ =	swait.ge [sflag:s29], $0x4000  }
0xde: {  	[sflag:s29] =	ssyncset.done $0x0  }
0xdf: {  	s8 =	sadd.s32 $0x1000, s7;
	[sflag:s29] =	ssyncadd.s32 $0xFFFFC000  }
0xe0: {  	[spmem:s3] =	stream.indirect.scatter.add.f32 [tilespmem:s26], [sflag:$0x3], $0x80, s8, s23, $0xb8;
	[tilespmem:$0x1E000] =	vst v63  }
0xe1: {  	_ =	swait.ge [sflag:s21], $0x4000  }
0xe2: {  	[sflag:s21] =	ssyncset.done $0x0  }
0xe3: {  	s8 =	sadd.s32 $0x100, s7;
	[sflag:s21] =	ssyncadd.s32 $0xFFFFC000  }
0xe4: {  	[tilespmem:s26], [sflag:$0x1] =	stream.indirect.gather [hbm4b:s1+s23], $0x80, s8, s23, $0xb8;
	[tilespmem:$0x1E000] =	vst v63  }
0xe5: {  	_ =	swait.ge [sflag:s30], $0x4000  }
.Ltmp6:
0xe6: {  	[sflag:s30] =	ssyncset.done $0x0;
	(pc) =	sbr.rel @p2 .LBB2_5-.Ltmp6, $4  }
0xe7: {  	s7 =	sadd.s32 $0x1080, s7;
	[sflag:s30] =	ssyncadd.s32 $0xFFFFC000  }
0xe8: {  	[spmem:s3] =	stream.indirect.scatter.add.f32 [tilespmem:s28], [sflag:$0x3], $0x80, s7, s23, $0xb8;
	[tilespmem:$0x1E000] =	vst v63  }
0xe9: {  	_ =	swait.ge [sflag:s21], $0x4000  }
0xea: {  	s8 =	smov.u32 s11;
	s7 =	sshra.s32 s10, $0x2;
	[sflag:s21] =	ssyncset.done $0x0  }
0xeb: {  	s8 =	sadd.s32 $0x80, s7;
	[sflag:s21] =	ssyncadd.s32 $0xFFFFC000  }
0xec: {  	[tilespmem:s28], [sflag:$0x2] =	stream.indirect.gather [hbm4b:s1+s23], $0x80, s8, s23, $0xb8;
	[tilespmem:$0x1E000] =	vst v63  }
0xed: {  	_ =	swait.ge [sflag:s29], $0x4000  }
0xee: {  	[sflag:s29] =	ssyncset.done $0x0  }
0xef: {  	s10 =	sadd.s32 $0x1000, s7;
	[sflag:s29] =	ssyncadd.s32 $0xFFFFC000  }
0xf0: {  	[spmem:s3] =	stream.indirect.scatter.add.f32 [tilespmem:s26], [sflag:$0x3], $0x80, s10, s23, $0xb8;
	[tilespmem:$0x1E000] =	vst v63  }
0xf1: {  	_ =	swait.ge [sflag:s21], $0x4000  }
0xf2: {  	[sflag:s21] =	ssyncset.done $0x0  }
0xf3: {  	s11 =	sadd.s32 $0x100, s7;
	[sflag:s21] =	ssyncadd.s32 $0xFFFFC000  }
0xf4: {  	[tilespmem:s26], [sflag:$0x1] =	stream.indirect.gather [hbm4b:s1+s23], $0x80, s11, s23, $0xb8;
	[tilespmem:$0x1E000] =	vst v63  }
0xf5: {  	_ =	swait.ge [sflag:s30], $0x4000  }
0xf6: {  	[sflag:s30] =	ssyncset.done $0x0  }
0xf7: {  	s9 =	sadd.s32 $0x1080, s7;
	[sflag:s30] =	ssyncadd.s32 $0xFFFFC000  }
0xf8: {  	[spmem:s3] =	stream.indirect.scatter.add.f32 [tilespmem:s28], [sflag:$0x3], $0x80, s9, s23, $0xb8;
	[tilespmem:$0x1E000] =	vst v63  }
0xf9: {  	_ =	swait.ge [sflag:s21], $0x4000  }
0xfa: {  	[sflag:s21] =	ssyncset.done $0x0  }
0xfb: {  	[sflag:s21] =	ssyncadd.s32 $0xFFFFC000  }
0xfc: {  	[tilespmem:s28], [sflag:$0x2] =	stream.indirect.gather [hbm4b:s1+s23], $0x80, s31, s23, $0xb8;
	[tilespmem:$0x1E000] =	vst v63  }
0xfd: {  	_ =	swait.ge [sflag:s29], $0x4000  }
0xfe: {  	[sflag:s29] =	ssyncset.done $0x0  }
0xff: {  	[sflag:s29] =	ssyncadd.s32 $0xFFFFC000  }
0x100: {  	[spmem:s3] =	stream.indirect.scatter.add.f32 [tilespmem:s26], [sflag:$0x3], $0x80, s0, s23, $0xb8;
	[tilespmem:$0x1E000] =	vst v63  }
0x101: {  	_ =	swait.ge [sflag:s21], $0x4000  }
0x102: {  	[sflag:s21] =	ssyncset.done $0x0  }
0x103: {  	[sflag:s21] =	ssyncadd.s32 $0xFFFFC000  }
0x104: {  	_ =	swait.ge [sflag:s30], $0x4000  }
0x105: {  	[sflag:s30] =	ssyncset.done $0x0  }
0x106: {  	[sflag:s30] =	ssyncadd.s32 $0xFFFFC000  }
0x107: {  	[spmem:s3] =	stream.indirect.scatter.add.f32 [tilespmem:s28], [sflag:$0x3], $0x80, s2, s23, $0xb8;
	[tilespmem:$0x1E000] =	vst v63  }
0x108: {  	_ =	swait.ge [sflag:s21], $0x4000  }
0x109: {  	[sflag:s21] =	ssyncset.done $0x0  }
0x10a: {  	s10 =	simm.s32 $0x0;
	s11 =	rddreg [dreg:$0x8];
	[sflag:s21] =	ssyncadd.s32 $0xFFFFC000  }
0x10b: {  	[tilespmem:s10], [sflag:$0x3] =	stream.linear.gather [hbm4b:s11+s10], $0x1000, $0x38;
	[tilespmem:$0x1E000] =	vst v63  }
0x10c: {  	_ =	swait.ge [sflag:s21], $0x1000  }
0x10d: {  	[sflag:s21] =	ssyncset.done $0x0  }
0x10e: {  	[sflag:s21] =	ssyncadd.s32 $0xFFFFF000  }
0x10f: {  	[tilespmem:s22], [sflag:$0x3] =	stream.linear.gather [hbm4b:s12+s10], $0x1000, $0x38;
	[tilespmem:$0x1E000] =	vst v63  }
0x110: {  	_ =	swait.ge [sflag:s21], $0x1000  }
0x111: {  	[sflag:s21] =	ssyncset.done $0x0  }
0x112: {  	[sflag:s21] =	ssyncadd.s32 $0xFFFFF000  }
0x113: {  	[tilespmem:s26], [sflag:$0x1] =	stream.indirect.gather [hbm4b:s1+s23], $0x80, s10, s23, $0xb8;
	[tilespmem:$0x1E000] =	vst v63  }
0x114: {  	s8 =	simm.s32 $0x80  }
0x115: {  	[tilespmem:s28], [sflag:$0x2] =	stream.indirect.gather [hbm4b:s1+s23], $0x80, s8, s23, $0xb8;
	[tilespmem:$0x1E000] =	vst v63  }
0x116: {  	_ =	swait.ge [sflag:s29], $0x4000  }
0x117: {  	[sflag:s29] =	ssyncset.done $0x0  }
0x118: {  	s9 =	simm.s32 $0x1000;
	[sflag:s29] =	ssyncadd.s32 $0xFFFFC000  }
0x119: {  	[spmem:s3] =	stream.indirect.scatter.add.f32 [tilespmem:s26], [sflag:$0x3], $0x80, s9, s23, $0xb8;
	[tilespmem:$0x1E000] =	vst v63  }
0x11a: {  	_ =	swait.ge [sflag:s21], $0x4000  }
0x11b: {  	[sflag:s21] =	ssyncset.done $0x0  }
0x11c: {  	s10 =	simm.s32 $0x100;
	[sflag:s21] =	ssyncadd.s32 $0xFFFFC000  }
0x11d: {  	[tilespmem:s26], [sflag:$0x1] =	stream.indirect.gather [hbm4b:s1+s23], $0x80, s10, s23, $0xb8;
	[tilespmem:$0x1E000] =	vst v63  }
0x11e: {  	_ =	swait.ge [sflag:s30], $0x4000  }
0x11f: {  	[sflag:s30] =	ssyncset.done $0x0  }
0x120: {  	s11 =	simm.s32 $0x1080;
	[sflag:s30] =	ssyncadd.s32 $0xFFFFC000  }
0x121: {  	[spmem:s3] =	stream.indirect.scatter.add.f32 [tilespmem:s28], [sflag:$0x3], $0x80, s11, s23, $0xb8;
	[tilespmem:$0x1E000] =	vst v63  }
0x122: {  	_ =	swait.ge [sflag:s21], $0x4000  }
0x123: {  	s7 =	simm.s32 $0x100;
	s8 =	simm.s32 $0x800;
	[sflag:s21] =	ssyncset.done $0x0  }
.LBB2_7:
0x124: {  	s9 =	sadd.s32 $0x80, s7  }
0x125: {  	[sflag:s21] =	ssyncadd.s32 $0xFFFFC000;
	s10 =	smov.u32 s8;
	s11 =	sadd.s32 $0x400, s8  }
0x126: {  	[tilespmem:s28], [sflag:$0x2] =	stream.indirect.gather [hbm4b:s1+s23], $0x80, s9, s23, $0xb8;
	[tilespmem:$0x1E000] =	vst v63  }
0x127: {  	p2 =	sne.s32 s8, $0x3800;
	_ =	swait.ge [sflag:s29], $0x4000  }
0x128: {  	[sflag:s29] =	ssyncset.done $0x0  }
0x129: {  	s8 =	sadd.s32 $0x1000, s7;
	[sflag:s29] =	ssyncadd.s32 $0xFFFFC000  }
0x12a: {  	[spmem:s3] =	stream.indirect.scatter.add.f32 [tilespmem:s26], [sflag:$0x3], $0x80, s8, s23, $0xb8;
	[tilespmem:$0x1E000] =	vst v63  }
0x12b: {  	_ =	swait.ge [sflag:s21], $0x4000  }
0x12c: {  	[sflag:s21] =	ssyncset.done $0x0  }
0x12d: {  	s8 =	sadd.s32 $0x100, s7;
	[sflag:s21] =	ssyncadd.s32 $0xFFFFC000  }
0x12e: {  	[tilespmem:s26], [sflag:$0x1] =	stream.indirect.gather [hbm4b:s1+s23], $0x80, s8, s23, $0xb8;
	[tilespmem:$0x1E000] =	vst v63  }
0x12f: {  	_ =	swait.ge [sflag:s30], $0x4000  }
.Ltmp7:
0x130: {  	[sflag:s30] =	ssyncset.done $0x0;
	(pc) =	sbr.rel @p2 .LBB2_7-.Ltmp7, $4  }
0x131: {  	s7 =	sadd.s32 $0x1080, s7;
	[sflag:s30] =	ssyncadd.s32 $0xFFFFC000  }
0x132: {  	[spmem:s3] =	stream.indirect.scatter.add.f32 [tilespmem:s28], [sflag:$0x3], $0x80, s7, s23, $0xb8;
	[tilespmem:$0x1E000] =	vst v63  }
0x133: {  	_ =	swait.ge [sflag:s21], $0x4000  }
0x134: {  	s8 =	smov.u32 s11;
	s7 =	sshra.s32 s10, $0x2;
	[sflag:s21] =	ssyncset.done $0x0  }
0x135: {  	s8 =	sadd.s32 $0x80, s7;
	[sflag:s21] =	ssyncadd.s32 $0xFFFFC000  }
0x136: {  	[tilespmem:s28], [sflag:$0x2] =	stream.indirect.gather [hbm4b:s1+s23], $0x80, s8, s23, $0xb8;
	[tilespmem:$0x1E000] =	vst v63  }
0x137: {  	_ =	swait.ge [sflag:s29], $0x4000  }
0x138: {  	[sflag:s29] =	ssyncset.done $0x0  }
0x139: {  	s11 =	sadd.s32 $0x1000, s7;
	[sflag:s29] =	ssyncadd.s32 $0xFFFFC000  }
0x13a: {  	[spmem:s3] =	stream.indirect.scatter.add.f32 [tilespmem:s26], [sflag:$0x3], $0x80, s11, s23, $0xb8;
	[tilespmem:$0x1E000] =	vst v63  }
0x13b: {  	_ =	swait.ge [sflag:s21], $0x4000  }
0x13c: {  	[sflag:s21] =	ssyncset.done $0x0  }
0x13d: {  	s9 =	sadd.s32 $0x100, s7;
	[sflag:s21] =	ssyncadd.s32 $0xFFFFC000  }
0x13e: {  	[tilespmem:s26], [sflag:$0x1] =	stream.indirect.gather [hbm4b:s1+s23], $0x80, s9, s23, $0xb8;
	[tilespmem:$0x1E000] =	vst v63  }
0x13f: {  	_ =	swait.ge [sflag:s30], $0x4000  }
0x140: {  	[sflag:s30] =	ssyncset.done $0x0  }
0x141: {  	s10 =	sadd.s32 $0x1080, s7;
	[sflag:s30] =	ssyncadd.s32 $0xFFFFC000  }
0x142: {  	[spmem:s3] =	stream.indirect.scatter.add.f32 [tilespmem:s28], [sflag:$0x3], $0x80, s10, s23, $0xb8;
	[tilespmem:$0x1E000] =	vst v63  }
0x143: {  	_ =	swait.ge [sflag:s21], $0x4000  }
0x144: {  	[sflag:s21] =	ssyncset.done $0x0  }
0x145: {  	[sflag:s21] =	ssyncadd.s32 $0xFFFFC000  }
0x146: {  	[tilespmem:s28], [sflag:$0x2] =	stream.indirect.gather [hbm4b:s1+s23], $0x80, s31, s23, $0xb8;
	[tilespmem:$0x1E000] =	vst v63  }
0x147: {  	_ =	swait.ge [sflag:s29], $0x4000  }
0x148: {  	[sflag:s29] =	ssyncset.done $0x0  }
0x149: {  	[sflag:s29] =	ssyncadd.s32 $0xFFFFC000  }
0x14a: {  	[spmem:s3] =	stream.indirect.scatter.add.f32 [tilespmem:s26], [sflag:$0x3], $0x80, s0, s23, $0xb8;
	[tilespmem:$0x1E000] =	vst v63  }
0x14b: {  	_ =	swait.ge [sflag:s21], $0x4000  }
0x14c: {  	[sflag:s21] =	ssyncset.done $0x0  }
0x14d: {  	[sflag:s21] =	ssyncadd.s32 $0xFFFFC000  }
0x14e: {  	_ =	swait.ge [sflag:s30], $0x4000  }
0x14f: {  	[sflag:s30] =	ssyncset.done $0x0  }
0x150: {  	[sflag:s30] =	ssyncadd.s32 $0xFFFFC000  }
0x151: {  	[spmem:s3] =	stream.indirect.scatter.add.f32 [tilespmem:s28], [sflag:$0x3], $0x80, s2, s23, $0xb8;
	[tilespmem:$0x1E000] =	vst v63  }
0x152: {  	_ =	swait.ge [sflag:s21], $0x4000  }
0x153: {  	[sflag:s21] =	ssyncset.done $0x0  }
0x154: {  	s11 =	simm.s32 $0x0;
	[sflag:s21] =	ssyncadd.s32 $0xFFFFC000  }
0x155: {  	[tilespmem:s11], [sflag:$0x3] =	stream.linear.gather [hbm4b:s13+s11], $0x1000, $0x38;
	[tilespmem:$0x1E000] =	vst v63  }
0x156: {  	_ =	swait.ge [sflag:s21], $0x1000  }
0x157: {  	[sflag:s21] =	ssyncset.done $0x0  }
0x158: {  	[sflag:s21] =	ssyncadd.s32 $0xFFFFF000  }
0x159: {  	[tilespmem:s22], [sflag:$0x3] =	stream.linear.gather [hbm4b:s14+s11], $0x1000, $0x38;
	[tilespmem:$0x1E000] =	vst v63  }
0x15a: {  	_ =	swait.ge [sflag:s21], $0x1000  }
0x15b: {  	[sflag:s21] =	ssyncset.done $0x0  }
0x15c: {  	[sflag:s21] =	ssyncadd.s32 $0xFFFFF000  }
0x15d: {  	[tilespmem:s26], [sflag:$0x1] =	stream.indirect.gather [hbm4b:s1+s23], $0x80, s11, s23, $0xb8;
	[tilespmem:$0x1E000] =	vst v63  }
0x15e: {  	s8 =	simm.s32 $0x80  }
0x15f: {  	[tilespmem:s28], [sflag:$0x2] =	stream.indirect.gather [hbm4b:s1+s23], $0x80, s8, s23, $0xb8;
	[tilespmem:$0x1E000] =	vst v63  }
0x160: {  	_ =	swait.ge [sflag:s29], $0x4000  }
0x161: {  	[sflag:s29] =	ssyncset.done $0x0  }
0x162: {  	s9 =	simm.s32 $0x1000;
	[sflag:s29] =	ssyncadd.s32 $0xFFFFC000  }
0x163: {  	[spmem:s3] =	stream.indirect.scatter.add.f32 [tilespmem:s26], [sflag:$0x3], $0x80, s9, s23, $0xb8;
	[tilespmem:$0x1E000] =	vst v63  }
0x164: {  	_ =	swait.ge [sflag:s21], $0x4000  }
0x165: {  	[sflag:s21] =	ssyncset.done $0x0  }
0x166: {  	s10 =	simm.s32 $0x100;
	[sflag:s21] =	ssyncadd.s32 $0xFFFFC000  }
0x167: {  	[tilespmem:s26], [sflag:$0x1] =	stream.indirect.gather [hbm4b:s1+s23], $0x80, s10, s23, $0xb8;
	[tilespmem:$0x1E000] =	vst v63  }
0x168: {  	_ =	swait.ge [sflag:s30], $0x4000  }
0x169: {  	[sflag:s30] =	ssyncset.done $0x0  }
0x16a: {  	s11 =	simm.s32 $0x1080;
	[sflag:s30] =	ssyncadd.s32 $0xFFFFC000  }
0x16b: {  	[spmem:s3] =	stream.indirect.scatter.add.f32 [tilespmem:s28], [sflag:$0x3], $0x80, s11, s23, $0xb8;
	[tilespmem:$0x1E000] =	vst v63  }
0x16c: {  	_ =	swait.ge [sflag:s21], $0x4000  }
0x16d: {  	s7 =	simm.s32 $0x100;
	s8 =	simm.s32 $0x800;
	[sflag:s21] =	ssyncset.done $0x0  }
.LBB2_9:
0x16e: {  	s9 =	sadd.s32 $0x80, s7  }
0x16f: {  	[sflag:s21] =	ssyncadd.s32 $0xFFFFC000;
	s10 =	smov.u32 s8;
	s11 =	sadd.s32 $0x400, s8  }
0x170: {  	[tilespmem:s28], [sflag:$0x2] =	stream.indirect.gather [hbm4b:s1+s23], $0x80, s9, s23, $0xb8;
	[tilespmem:$0x1E000] =	vst v63  }
0x171: {  	p2 =	seq.s32 s8, $0x3800;
	_ =	swait.ge [sflag:s29], $0x4000  }
0x172: {  	[sflag:s29] =	ssyncset.done $0x0  }
0x173: {  	s8 =	sadd.s32 $0x1000, s7;
	[sflag:s29] =	ssyncadd.s32 $0xFFFFC000  }
0x174: {  	[spmem:s3] =	stream.indirect.scatter.add.f32 [tilespmem:s26], [sflag:$0x3], $0x80, s8, s23, $0xb8;
	[tilespmem:$0x1E000] =	vst v63  }
0x175: {  	_ =	swait.ge [sflag:s21], $0x4000  }
0x176: {  	[sflag:s21] =	ssyncset.done $0x0  }
0x177: {  	s8 =	sadd.s32 $0x100, s7;
	[sflag:s21] =	ssyncadd.s32 $0xFFFFC000  }
0x178: {  	[tilespmem:s26], [sflag:$0x1] =	stream.indirect.gather [hbm4b:s1+s23], $0x80, s8, s23, $0xb8;
	[tilespmem:$0x1E000] =	vst v63  }
0x179: {  	_ =	swait.ge [sflag:s30], $0x4000  }
.Ltmp8:
0x17a: {  	[sflag:s30] =	ssyncset.done $0x0;
	(pc) =	sbr.rel @!p2 .LBB2_9-.Ltmp8, $4  }
0x17b: {  	s7 =	sadd.s32 $0x1080, s7;
	[sflag:s30] =	ssyncadd.s32 $0xFFFFC000  }
0x17c: {  	[spmem:s3] =	stream.indirect.scatter.add.f32 [tilespmem:s28], [sflag:$0x3], $0x80, s7, s23, $0xb8;
	[tilespmem:$0x1E000] =	vst v63  }
0x17d: {  	_ =	swait.ge [sflag:s21], $0x4000  }
0x17e: {  	s8 =	smov.u32 s11;
	s7 =	sshra.s32 s10, $0x2;
	[sflag:s21] =	ssyncset.done $0x0  }
0x17f: {  	s8 =	sadd.s32 $0x80, s7;
	[sflag:s21] =	ssyncadd.s32 $0xFFFFC000  }
0x180: {  	[tilespmem:s28], [sflag:$0x2] =	stream.indirect.gather [hbm4b:s1+s23], $0x80, s8, s23, $0xb8;
	[tilespmem:$0x1E000] =	vst v63  }
0x181: {  	_ =	swait.ge [sflag:s29], $0x4000  }
0x182: {  	[sflag:s29] =	ssyncset.done $0x0  }
0x183: {  	s9 =	sadd.s32 $0x1000, s7;
	[sflag:s29] =	ssyncadd.s32 $0xFFFFC000  }
0x184: {  	[spmem:s3] =	stream.indirect.scatter.add.f32 [tilespmem:s26], [sflag:$0x3], $0x80, s9, s23, $0xb8;
	[tilespmem:$0x1E000] =	vst v63  }
0x185: {  	_ =	swait.ge [sflag:s21], $0x4000  }
0x186: {  	[sflag:s21] =	ssyncset.done $0x0  }
0x187: {  	s10 =	sadd.s32 $0x100, s7;
	[sflag:s21] =	ssyncadd.s32 $0xFFFFC000  }
0x188: {  	[tilespmem:s26], [sflag:$0x1] =	stream.indirect.gather [hbm4b:s1+s23], $0x80, s10, s23, $0xb8;
	[tilespmem:$0x1E000] =	vst v63  }
0x189: {  	_ =	swait.ge [sflag:s30], $0x4000  }
0x18a: {  	[sflag:s30] =	ssyncset.done $0x0  }
.Ltmp9:
0x18b: {  	s11 =	sadd.s32 $0x1080, s7;
	[sflag:s30] =	ssyncadd.s32 $0xFFFFC000;
	(pc) =	sbr.rel .LBB2_14-.Ltmp9, $4  }
0x18c: {  	[spmem:s3] =	stream.indirect.scatter.add.f32 [tilespmem:s28], [sflag:$0x3], $0x80, s11, s23, $0xb8;
	[tilespmem:$0x1E000] =	vst v63  }
0x18d: {  	_ =	swait.ge [sflag:s21], $0x4000  }
0x18e: {  	[sflag:s21] =	ssyncset.done $0x0  }
0x18f: {  	[sflag:s21] =	ssyncadd.s32 $0xFFFFC000  }
.LBB2_15:
0x190: {  	_ =	sfence.sel $0x180000  }
0x191: {  	[bflag:$0x0] =	sbarrier.arrive $0xFFFF  }
0x192: {  	_ =	strace $0x9000004A  }
0x193: {  	s0 =	stileid.u32;
	[bflag:$0x2] =	sbarrier.arrive $0xFFFF  }
0x194: {  	p0 =	sne.s32 s0, $0x0;
	s0 =	rddreg [dreg:$0x3]  }
0x195: {  	s0 =	sadd.s32 @!p0 $0x100000, s0  }
0x196: {  	[sflag:s0] =	ssyncadd.tile.s32 @!p0 $0x1;
	_ =	shalt  }
.Lfunc_end2:
_tile_overlayer_lowered:
.L_overlay_start_2:
0x197: {  	(tag) =	ssettag $0x2  }
0x198: {  	s0 =	rddreg [dreg:$0x0];
	s2 =	stileid.u32  }
0x199: {  	s1 =	rddreg [dreg:$0x1];
	p0 =	sne.s32 s2, $0x0  }
0x19a: {  	s3 =	rddreg [dreg:$0x2];
	[bflag:$0x3] =	sbarrier.arrive $0xFFFF;
	s2 =	simm.s32 @!p0 $0x1C03  }
0x19b: {  	[timem:s3], [sflag:s2] =	dma.local @!p0 [hbm:s0], s1  }
0x19c: {  	s0 =	simm.s32 @!p0 $0x3  }
0x19d: {  	_ =	swait.ge @!p0 [sflag:s0], s1  }
0x19e: {  	s1 =	ssub.s32 @!p0 $0x0, s1;
	[sflag:s0] =	ssyncset.done @!p0 $0x0  }
0x19f: {  	[sflag:s0] =	ssyncadd.s32 @!p0 s1  }
0x1a0: {  	[bflag:$0x3] =	sbarrier.arrive $0xFFFF  }
0x1a1: {  	_ =	shalt  }

// kernel: kernel.16.cloned.1.call-start
scs
__scs_entry_jumppad:
0x0: {  	(pc) =	sbr.rel $0x88, $3  }
0x1: {  	(tag) =	ssettag $0x0;
	lr =	simm.s32 $0x1  }
0x2: {  	[smem:$0x3F96] =	sst lr;
	_ =	strace $0xD0000000  }
0x3: {  	_ = 	snop  }
0x4: {  	_ = 	snop  }
0x5: {  	_ = 	snop  }
0x6: {  	_ = 	snop  }
0x7: {  	_ = 	snop  }
__scs_overlays_trampoline_lowered:
0x8: {  	[smem:$0x3FA5] =	sst s0  }
0x9: {  	[smem:$0x3FA6] =	sst s1  }
0xa: {  	[smem:$0x3FA7] =	sst s2  }
0xb: {  	[smem:$0x3FA8] =	sst s3  }
0xc: {  	[smem:$0x3FA9] =	sst s4  }
0xd: {  	[smem:$0x3FAA] =	sst s5  }
0xe: {  	[smem:$0x3FAB] =	sst s6  }
0xf: {  	[smem:$0x3FAC] =	sst s7  }
0x10: {  	[smem:$0x3FAD] =	sst s8  }
0x11: {  	[smem:$0x3FAE] =	sst s9;
	s0 =	simm.s32 @!p0 $0x0  }
0x12: {  	s1 =	sld [smem:$0x3F94];
	s0 =	simm.s32 @p0 $0x1  }
0x13: {  	[smem:$0x3FAF] =	sst s0;
	s0 =	simm.s32 @!p1 $0x0  }
0x14: {  	s2 =	sld [smem:$0x3F93];
	s0 =	simm.s32 @p1 $0x1  }
0x15: {  	[smem:$0x3FB0] =	sst s0;
	s0 =	simm.s32 @!p2 $0x0  }
0x16: {  	s3 =	sld [smem:$0x3FDB];
	s0 =	simm.s32 @p2 $0x1  }
0x17: {  	s4 =	simm.s32 $0x1BF5;
	[smem:$0x3FB2] =	sst s0  }
0x18: {  	s0 =	sld [smem:$0x3F95];
	_ =	swait.ge [sflag:s4], $0x0  }
0x19: {  	s7 =	sld [smem:$0x3F96]  }
0x1a: {  	s8 =	sadd.s32 $0xFFFFE003, lr  }
0x1b: {  	s9 =	sadd.s32 $0xFFFFFEF7, lr;
	s5 =	simm.s32 $0xFFFFFFFF;
	p2 =	slt.u32 s8, $0xFFFFF086  }
0x1c: {  	p1 =	slt.u32 s9, $0xF7A;
	s5 =	simm.s32 @!p2 $0x0  }
0x1d: {  	s5 =	simm.s32 @p1 $0x1;
	p0 =	seq.s32 s7, s2  }
0x1e: {  	s7 =	smul.u32 @!p0 $0xF7A, s2;
	p2 =	seq.s32 @!p0 s5, $0x0  }
0x1f: {  	s9 =	smul.u32 $0xF7A, s1;
	s8 =	simm.s32 @!p0 $0x1BF5;
	p2 =	por !p2, p0  }
0x20: {  	[sflag:s8] =	ssyncset.s32 @!p0 $0xFFFFF086;
	s6 =	sadd.s32 @!p0 s3, s7;
	s7 =	simm.s32 @!p0 $0x108  }
0x21: {  	s3 =	sadd.s32 s3, s9;
	s6 =	sadd.s32 @!p0 $0x88, s6;
	s7 =	simm.s32 @p2 $0x1082  }
0x22: {  	[simem:s7], [sflag:s8] =	dma.local @!p0 [hbm:s6], $0xF7A  }
0x23: {  	s9 =	sor.u32 $0xD0000000, s2;
	s6 =	simm.s32 $0x108;
	_ =	swait.ge @!p0 [sflag:s8], $0x0  }
0x24: {  	s3 =	sadd.s32 $0x88, s3;
	s6 =	simm.s32 @!p1 $0x1082;
	[sflag:s4] =	ssyncset.s32 $0xFFFFF086  }
0x25: {  	[simem:s6], [sflag:s4] =	dma.local [hbm:s3], $0xF7A  }
0x26: {  	[smem:$0x3F96] =	sst s1;
	(tag) =	ssettag s2;
	_ =	strace s9  }
0x27: {  	s1 =	sld [smem:$0x3FA6]  }
0x28: {  	s2 =	sld [smem:$0x3FA7]  }
0x29: {  	s4 =	sld [smem:$0x3FA9]  }
0x2a: {  	p0 =	seq.s32 s5, $0x0;
	s5 =	sld [smem:$0x3FAA]  }
0x2b: {  	s6 =	sld [smem:$0x3FAB]  }
0x2c: {  	s7 =	sld [smem:$0x3FAC]  }
0x2d: {  	s3 =	simm.s32 $0x108;
	s8 =	sld [smem:$0x3FAD]  }
0x2e: {  	s3 =	simm.s32 @!p0 $0x1082;
	s9 =	sld [smem:$0x3FAE]  }
0x2f: {  	lr =	sadd.s32 s0, s3;
	s0 =	sld [smem:$0x3FA5]  }
0x30: {  	s3 =	sld [smem:$0x3FA8]  }
0x31: {  	[smem:$0x3FB1] =	sst s10  }
0x32: {  	s10 =	sld [smem:$0x3FAF];
	_ =	sdelay $0x3  }
0x33: {  	p0 =	seq.s32 s10, $0x1;
	s10 =	sld [smem:$0x3FB1];
	_ =	sdelay $0x3  }
0x34: {  	[smem:$0x3FB1] =	sst s10  }
0x35: {  	s10 =	sld [smem:$0x3FB0];
	_ =	sdelay $0x3  }
0x36: {  	p1 =	seq.s32 s10, $0x1;
	s10 =	sld [smem:$0x3FB1];
	_ =	sdelay $0x3  }
0x37: {  	[smem:$0x3FB1] =	sst s10  }
0x38: {  	s10 =	sld [smem:$0x3FB2]  }
0x39: {  	_ = 	snop;
	(pc) =	sbr.ind lr, $3  }
0x3a: {  	_ = 	snop  }
0x3b: {  	_ = 	snop  }
0x3c: {  	p2 =	seq.s32 s10, $0x1;
	s10 =	sld [smem:$0x3FB1]  }
0x3d: {  	_ =	shalt  }
0x3e: {  	_ =	shalt  }
0x3f: {  	_ =	shalt  }
0x40: {  	_ =	shalt  }
0x41: {  	_ =	shalt  }
0x42: {  	_ =	shalt  }
0x43: {  	_ =	shalt  }
0x44: {  	_ =	shalt  }
0x45: {  	_ =	shalt  }
0x46: {  	_ =	shalt  }
0x47: {  	_ =	shalt  }
0x48: {  	_ =	shalt  }
0x49: {  	_ =	shalt  }
0x4a: {  	_ =	shalt  }
0x4b: {  	_ =	shalt  }
0x4c: {  	_ =	shalt  }
0x4d: {  	_ =	shalt  }
0x4e: {  	_ =	shalt  }
0x4f: {  	_ =	shalt  }
0x50: {  	_ =	shalt  }
0x51: {  	_ =	shalt  }
0x52: {  	_ =	shalt  }
0x53: {  	_ =	shalt  }
0x54: {  	_ =	shalt  }
0x55: {  	_ =	shalt  }
0x56: {  	_ =	shalt  }
0x57: {  	_ =	shalt  }
0x58: {  	_ =	shalt  }
0x59: {  	_ =	shalt  }
0x5a: {  	_ =	shalt  }
0x5b: {  	_ =	shalt  }
0x5c: {  	_ =	shalt  }
0x5d: {  	_ =	shalt  }
0x5e: {  	_ =	shalt  }
0x5f: {  	_ =	shalt  }
0x60: {  	_ =	shalt  }
0x61: {  	_ =	shalt  }
0x62: {  	_ =	shalt  }
0x63: {  	_ =	shalt  }
0x64: {  	_ =	shalt  }
0x65: {  	_ =	shalt  }
0x66: {  	_ =	shalt  }
0x67: {  	_ =	shalt  }
0x68: {  	_ =	shalt  }
0x69: {  	_ =	shalt  }
0x6a: {  	_ =	shalt  }
0x6b: {  	_ =	shalt  }
0x6c: {  	_ =	shalt  }
0x6d: {  	_ =	shalt  }
0x6e: {  	_ =	shalt  }
0x6f: {  	_ =	shalt  }
0x70: {  	_ =	shalt  }
0x71: {  	_ =	shalt  }
0x72: {  	_ =	shalt  }
0x73: {  	_ =	shalt  }
0x74: {  	_ =	shalt  }
0x75: {  	_ =	shalt  }
0x76: {  	_ =	shalt  }
0x77: {  	_ =	shalt  }
0x78: {  	_ =	shalt  }
0x79: {  	_ =	shalt  }
0x7a: {  	_ =	shalt  }
0x7b: {  	_ =	shalt  }
0x7c: {  	_ =	shalt  }
0x7d: {  	_ =	shalt  }
0x7e: {  	_ =	shalt  }
0x7f: {  	_ =	shalt  }
0x80: {  	_ =	shalt  }
0x81: {  	_ =	shalt  }
0x82: {  	_ =	shalt  }
0x83: {  	_ =	shalt  }
0x84: {  	_ =	shalt  }
0x85: {  	_ =	shalt  }
0x86: {  	_ =	shalt  }
0x87: {  	_ =	shalt  }
.Lfunc_end0:
.L_simem_size_0:
called_computation.2_lowered:
.L_overlay_start_0:
0x88: {  	s2 =	sld [smem:$0x3FD9]  }
0x89: {  	s3 =	sld [smem:$0x3FFE];
	_ =	sdelay $0x1  }
0x8a: {  	s1 =	srdreg.scid  }
0x8b: {  	s0 =	sand.u32 $0x1, s1  }
0x8c: {  	s16 =	sshll.u32 s0, $0xA;
	s2 =	sadd.s32 s3, s2  }
0x8d: {  	s2 =	sadd.s32 s2, s16  }
0x8e: {  	[smem:$0x3FBD] =	sst s2  }
0x8f: {  	_ = 	snop  }
0x90: {  	(tm) =	ssettm $0x1  }
0x91: {  	s17 =	sld [smem:$0x3FFB];
	_ =	sdelay $0x3  }
0x92: {  	_ =	strace s17  }
0x93: {  	s2 =	sld [smem:$0x3FFC];
	_ =	sdelay $0x3  }
0x94: {  	_ =	strace s2  }
0x95: {  	s2 =	sld [smem:$0x3FFD];
	_ =	sdelay $0x3  }
0x96: {  	_ =	strace s2  }
0x97: {  	_ =	strace $0x8FFFFFFF  }
0x98: {  	s18 =	sld [smem:$0x3FDB];
	_ =	sdelay $0x1  }
0x99: {  	s19 =	simm.s32 $_scs_section_size  }
0x9a: {  	s4 =	simm.s32 $_size__tile_overlayer_lowered;
	s5 =	simm.s32 $_tile_overlayer_lowered  }
0x9b: {  	s22 =	simm.s32 $0x1BFF;
	s21 =	sshll.u32 s5, $0x1;
	s2 =	sadd.s32 s19, s18  }
0x9c: {  	s6 =	simm.s32 $0x0;
	s20 =	sshll.u32 s4, $0x1;
	s4 =	sadd.s32 s21, s2  }
0x9d: {  	[timem:s6], [sflag:s22] =	dma.local [hbm:s4], s20  }
0x9e: {  	_ =	swait.ge [sflag:s22], s20  }
0x9f: {  	s3 =	ssub.s32 $0x0, s20;
	[sflag:s22] =	ssyncset.done $0x0  }
0xa0: {  	[sflag:s22] =	ssyncadd.s32 s3;
	_ =	sdelay $0x1  }
0xa1: {  	s23 =	simm.s32 $0x1B8B  }
0xa2: {  	_ =	swait.ge [sflag:s23], $0x1  }
0xa3: {  	[sflag:s23] =	ssyncset.done $0x0  }
0xa4: {  	s25 =	simm.s32 $0x1B8E;
	s24 =	sld [smem:$0x3FFE];
	[sflag:s23] =	ssyncadd.s32 $0xFFFFFFFF  }
0xa5: {  	s26 =	simm.s32 $execute0_lowered;
	[smem:$0x3FD2] =	sst s25  }
0xa6: {  	s4 =	sshll.u32 s26, $0x1;
	_ =	strace $0x8000004C;
	[dreg:$0x1] =	wrdreg $0xFFFFFFFF  }
0xa7: {  	s28 =	simm.s32 $_size_execute0_lowered;
	s2 =	sadd.s32 s2, s4;
	[dreg:$0x0] =	wrdreg $0x0  }
0xa8: {  	s4 =	sshll.u32 s28, $0x1;
	[dreg:$0x2] =	wrdreg s2  }
0xa9: {  	[dreg:$0x3] =	wrdreg s4  }
0xaa: {  	[dreg:$0x4] =	wrdreg $0xC0  }
0xab: {  	_ =	task [dreg:s6], $0x5FFFF  }
0xac: {  	[dreg:$0x1] =	wrdreg $0xFFFFFFFF  }
0xad: {  	[dreg:$0x0] =	wrdreg $0x60  }
0xae: {  	[dreg:$0x2] =	wrdreg s24  }
0xaf: {  	[dreg:$0x3] =	wrdreg $0xA0000  }
0xb0: {  	[dreg:$0x4] =	wrdreg $0x9  }
0xb1: {  	_ =	task.clear_ibuf [dreg:s6], $0x5FFFF;
	_ =	strace $0x9000004C  }
0xb2: {  	s29 =	simm.s32 $0x9;
	_ =	strace $0x8000004E  }
0xb3: {  	_ =	swait.ge [sflag:s29], $0x1  }
0xb4: {  	[sflag:s29] =	ssyncadd.s32 $0xFFFFFFFF  }
0xb5: {  	_ =	strace $0x9000004E  }
0xb6: {  	_ =	sfence  }
0xb7: {  	s30 =	sld [smem:$0x0];
	_ =	sdelay $0x2  }
0xb8: {  	s31 =	sshll.u32 s1, $0xD;
	s1 =	sshrl.u32 s1, $0x2  }
0xb9: {  	s3 =	sand.u32 $0x4000, s31;
	s1 =	sadd.s32 s1, s30  }
0xba: {  	s0 =	sor.u32 s3, s0;
	s1 =	sshll.u32 s1, $0x11  }
0xbb: {  	s0 =	sor.u32 s1, s0  }
0xbc: {  	s0 =	sadd.s32 $0x8F2B, s0  }
0xbd: {  	[sflag:s0] =	ssyncadd.remote.s32 $0x1  }
0xbe: {  	_ =	sfence.sel $0xFFFF  }
0xbf: {  	[dreg:$0x0] =	wrdreg $0xFFFFFFFF;
	(pc) =	sbr.abs _section_cstart, $3  }
0xc0: {  	[dreg:$0x1] =	wrdreg $0xFFFFFFFF  }
0xc1: {  	_ =	task.clear_ibuf [dreg:s6], $0x2FFFF;
	_ =	strace $0x9FFFFFFF  }
0xc2: {  	(tm) =	ssettm $0x7FFFFFFF  }
0xc3: {  	_ =	shalt  }
tec
execute0_lowered:
.L_overlay_start_1:
0x0: {  	(tag) =	ssettag $0x1  }
0x1: {  	s0 =	rddreg [dreg:$0x0]  }
0x2: {  	s1 =	rddreg [dreg:$0x1];
	s3 =	simm.s32 $0x0;
	s11 =	stileid.u32  }
0x3: {  	s2 =	srdreg.scid;
	s28 =	simm.s32 $0x6000;
	s29 =	simm.s32 $0x1  }
0x4: {  	s30 =	simm.s32 $0x2;
	s31 =	simm.s32 $0xF80;
	[smem:$0x7FF] =	sst s3  }
0x5: {  	s4 =	sadd.s32 $0x40400, s0;
	s5 =	smul.u32 $0x2800, s11;
	s2 =	sand.u32 $0x1, s2  }
0x6: {  	s7 =	sadd.s32 $0xE400, s0;
	s8 =	smul.u32 $0x50000, s11;
	s16 =	sadd.s32 $0x4400, s0  }
0x7: {  	s17 =	sshll.u32 s11, $0x6;
	s13 =	sshll.u32 s11, $0xB;
	p1 =	sne.s32 s11, $0xF  }
0x8: {  	_ =	strace $0x8000004D;
	s6 =	ssub.s32 $0x2, s2;
	p0 =	seq.s32 s2, $0x1  }
0x9: {  	s18 =	sadd.s32 s7, s13;
	s20 =	sadd.s32 s16, s13;
	s10 =	sor.u32 $0x200, s13  }
0xa: {  	s12 =	sor.u32 $0x400, s13;
	s2 =	smul.u32 $0x138800, s2;
	s14 =	sor.u32 $0x600, s13  }
0xb: {  	s5 =	sadd.s32 s5, s0;
	s9 =	sshrl.u32 s6, $0x1;
	[dreg:$0x3] =	wrdreg s18  }
0xc: {  	s0 =	sadd.s32 $0x67600, s0;
	s15 =	sshrl.u32 s8, $0x2;
	[dreg:$0x4] =	wrdreg s20  }
0xd: {  	s21 =	sadd.s32 s7, s10;
	s22 =	sadd.s32 s16, s10;
	s23 =	sadd.s32 s7, s12  }
0xe: {  	s12 =	sadd.s32 s16, s12;
	s13 =	sadd.s32 s7, s14;
	s14 =	sadd.s32 s16, s14  }
0xf: {  	s20 =	smul.u32 $0x4E000, s11;
	s19 =	ssub.s32 s6, s9;
	[dreg:$0x5] =	wrdreg s21  }
0x10: {  	s8 =	sadd.s32 s15, s1;
	s5 =	sadd.s32 $0x18400, s5;
	[dreg:$0x6] =	wrdreg s22  }
0x11: {  	s6 =	sor.u32 $0x1C03, s17;
	[dreg:$0x7] =	wrdreg s23;
	s15 =	sshll.u32 s11, $0x9  }
0x12: {  	s17 =	smul.u32 $0x13800, s11;
	s21 =	simm.s32 $0x3;
	s22 =	simm.s32 $0x1000  }
0x13: {  	s23 =	simm.s32 $0x80;
	s18 =	sor.u32 $0x8000, s15;
	s25 =	sshrl.u32 s20, $0x2  }
0x14: {  	s19 =	smax.u32 s19, $0x1;
	s20 =	sshrl.u32 s8, $0x3;
	s15 =	sadd.s32 s7, s18  }
.Ltmp0:
0x15: {  	s24 =	sadd.s32 s17, s2;
	s16 =	sadd.s32 s16, s18;
	(pc) =	sbr.rel .LBB2_1-.Ltmp0, $4  }
0x16: {  	s2 =	sshrl.u32 s2, $0x3;
	s26 =	sadd.s32 s25, s1;
	s7 =	sshrl.u32 s24, $0x3  }
0x17: {  	s24 =	sshrl.u32 s26, $0x3;
	s17 =	sadd.s32 s0, s7;
	s0 =	sadd.s32 s0, s2  }
0x18: {  	s26 =	simm.s32 $0x2000;
	s18 =	sadd.s32 $0x27000, s0;
	s0 =	sadd.s32 $0x138000, s1  }
0x19: {  	s2 =	simm.s32 $0x1F80;
	s25 =	sshrl.u32 @!p1 s0, $0x3;
	s0 =	simm.s32 $0x1F00  }
.LBB2_13:
0x1a: {  	s8 =	sadd.s32 $0x80, s7;
	[sflag:s21] =	ssyncadd.s32 $0xFFFFC000  }
0x1b: {  	[tilespmem:s28], [sflag:$0x2] =	stream.indirect.gather [hbm4b:s4+s23], $0x80, s8, s23, $0xb8;
	[tilespmem:$0x1E000] =	vst v63  }
0x1c: {  	_ =	swait.ge [sflag:s29], $0x4000  }
0x1d: {  	[sflag:s29] =	ssyncset.done $0x0  }
0x1e: {  	s9 =	sadd.s32 $0x1000, s7;
	[sflag:s29] =	ssyncadd.s32 $0xFFFFC000  }
0x1f: {  	[spmem:s1] =	stream.indirect.scatter.add.f32 [tilespmem:s26], [sflag:$0x3], $0x80, s9, s23, $0xb8;
	[tilespmem:$0x1E000] =	vst v63  }
0x20: {  	_ =	swait.ge [sflag:s21], $0x4000  }
0x21: {  	[sflag:s21] =	ssyncset.done $0x0  }
0x22: {  	s10 =	sadd.s32 $0x100, s7;
	[sflag:s21] =	ssyncadd.s32 $0xFFFFC000  }
0x23: {  	[tilespmem:s26], [sflag:$0x1] =	stream.indirect.gather [hbm4b:s4+s23], $0x80, s10, s23, $0xb8;
	[tilespmem:$0x1E000] =	vst v63  }
0x24: {  	_ =	swait.ge [sflag:s30], $0x4000  }
0x25: {  	[sflag:s30] =	ssyncset.done $0x0  }
0x26: {  	s11 =	sadd.s32 $0x1080, s7;
	[sflag:s30] =	ssyncadd.s32 $0xFFFFC000  }
0x27: {  	[spmem:s1] =	stream.indirect.scatter.add.f32 [tilespmem:s28], [sflag:$0x3], $0x80, s11, s23, $0xb8;
	[tilespmem:$0x1E000] =	vst v63  }
0x28: {  	_ =	swait.ge [sflag:s21], $0x4000  }
0x29: {  	[sflag:s21] =	ssyncset.done $0x0  }
0x2a: {  	[sflag:s21] =	ssyncadd.s32 $0xFFFFC000  }
.LBB2_14:
0x2b: {  	[tilespmem:s28], [sflag:$0x2] =	stream.indirect.gather [hbm4b:s4+s23], $0x80, s31, s23, $0xb8;
	[tilespmem:$0x1E000] =	vst v63  }
0x2c: {  	_ =	swait.ge [sflag:s29], $0x4000  }
0x2d: {  	[sflag:s29] =	ssyncset.done $0x0  }
0x2e: {  	[sflag:s29] =	ssyncadd.s32 $0xFFFFC000  }
0x2f: {  	[spmem:s1] =	stream.indirect.scatter.add.f32 [tilespmem:s26], [sflag:$0x3], $0x80, s0, s23, $0xb8;
	[tilespmem:$0x1E000] =	vst v63  }
0x30: {  	_ =	swait.ge [sflag:s21], $0x4000  }
0x31: {  	[sflag:s21] =	ssyncset.done $0x0  }
0x32: {  	[sflag:s21] =	ssyncadd.s32 $0xFFFFC000  }
0x33: {  	_ =	swait.ge [sflag:s30], $0x4000  }
0x34: {  	[sflag:s30] =	ssyncset.done $0x0  }
0x35: {  	[sflag:s30] =	ssyncadd.s32 $0xFFFFC000  }
0x36: {  	[spmem:s1] =	stream.indirect.scatter.add.f32 [tilespmem:s28], [sflag:$0x3], $0x80, s2, s23, $0xb8;
	[tilespmem:$0x1E000] =	vst v63  }
0x37: {  	_ =	swait.ge [sflag:s21], $0x4000  }
0x38: {  	[sflag:s21] =	ssyncset.done $0x0  }
0x39: {  	[sflag:s21] =	ssyncadd.s32 $0xFFFFC000  }
0x3a: {  	[bflag:$0x0] =	sbarrier.arrive $0xFFFF  }
0x3b: {  	[hbm:s17], [sflag:s6] =	dma.local [spmem:s24], $0x2700  }
0x3c: {  	s3 =	sadd.s32 $0x1, s3;
	_ =	swait.ge [sflag:s21], $0x2700  }
0x3d: {  	p2 =	sne.s32 s3, s19;
	[sflag:s21] =	ssyncset.done $0x0  }
.Ltmp1:
0x3e: {  	s7 =	simm.s32 @!p1 $0x3;
	[sflag:s21] =	ssyncadd.s32 $0xFFFFD900;
	(pc) =	sbr.rel @!p2 .LBB2_15-.Ltmp1, $4  }
0x3f: {  	[hbm:s18], [sflag:s6] =	dma.local @!p1 [spmem:s25], $0x100  }
0x40: {  	_ =	swait.ge @!p1 [sflag:s7], $0x100  }
0x41: {  	[sflag:s7] =	ssyncset.done @!p1 $0x0  }
0x42: {  	[sflag:s7] =	ssyncadd.s32 @!p1 $0xFFFFFF00  }
.LBB2_1:
0x43: {  	[spmem:s20], [sflag:s6] =	dma.local [hbm:s5], $0x2800  }
.Ltmp2:
0x44: {  	_ =	swait.ge [sflag:s21], $0x2800;
	(pc) =	sbr.rel @!p0 .LBB2_2-.Ltmp2, $4  }
0x45: {  	[sflag:s21] =	ssyncset.done $0x0  }
0x46: {  	[sflag:s21] =	ssyncadd.s32 $0xFFFFD800  }
0x47: {  	[bflag:$0x0] =	sbarrier.arrive $0xFFFF  }
0x48: {  	s7 =	simm.s32 $0x0  }
0x49: {  	[tilespmem:s7], [sflag:$0x3] =	stream.linear.gather [hbm4b:s15+s7], $0x1000, $0x38;
	[tilespmem:$0x1E000] =	vst v63  }
0x4a: {  	_ =	swait.ge [sflag:s21], $0x1000  }
0x4b: {  	[sflag:s21] =	ssyncset.done $0x0  }
0x4c: {  	[sflag:s21] =	ssyncadd.s32 $0xFFFFF000  }
0x4d: {  	[tilespmem:s22], [sflag:$0x3] =	stream.linear.gather [hbm4b:s16+s7], $0x1000, $0x38;
	[tilespmem:$0x1E000] =	vst v63  }
0x4e: {  	_ =	swait.ge [sflag:s21], $0x1000  }
0x4f: {  	[sflag:s21] =	ssyncset.done $0x0  }
0x50: {  	[sflag:s21] =	ssyncadd.s32 $0xFFFFF000  }
0x51: {  	[tilespmem:s26], [sflag:$0x1] =	stream.indirect.gather [hbm4b:s4+s23], $0x80, s7, s23, $0xb8;
	[tilespmem:$0x1E000] =	vst v63  }
0x52: {  	s8 =	simm.s32 $0x80  }
0x53: {  	[tilespmem:s28], [sflag:$0x2] =	stream.indirect.gather [hbm4b:s4+s23], $0x80, s8, s23, $0xb8;
	[tilespmem:$0x1E000] =	vst v63  }
0x54: {  	_ =	swait.ge [sflag:s29], $0x4000  }
0x55: {  	[sflag:s29] =	ssyncset.done $0x0  }
0x56: {  	s9 =	simm.s32 $0x1000;
	[sflag:s29] =	ssyncadd.s32 $0xFFFFC000  }
0x57: {  	[spmem:s1] =	stream.indirect.scatter.add.f32 [tilespmem:s26], [sflag:$0x3], $0x80, s9, s23, $0xb8;
	[tilespmem:$0x1E000] =	vst v63  }
0x58: {  	_ =	swait.ge [sflag:s21], $0x4000  }
0x59: {  	[sflag:s21] =	ssyncset.done $0x0  }
0x5a: {  	s10 =	simm.s32 $0x100;
	[sflag:s21] =	ssyncadd.s32 $0xFFFFC000  }
0x5b: {  	[tilespmem:s26], [sflag:$0x1] =	stream.indirect.gather [hbm4b:s4+s23], $0x80, s10, s23, $0xb8;
	[tilespmem:$0x1E000] =	vst v63  }
0x5c: {  	_ =	swait.ge [sflag:s30], $0x4000  }
0x5d: {  	[sflag:s30] =	ssyncset.done $0x0  }
0x5e: {  	s11 =	simm.s32 $0x1080;
	[sflag:s30] =	ssyncadd.s32 $0xFFFFC000  }
0x5f: {  	[spmem:s1] =	stream.indirect.scatter.add.f32 [tilespmem:s28], [sflag:$0x3], $0x80, s11, s23, $0xb8;
	[tilespmem:$0x1E000] =	vst v63  }
0x60: {  	_ =	swait.ge [sflag:s21], $0x4000  }
0x61: {  	s7 =	simm.s32 $0x100;
	s8 =	simm.s32 $0x800;
	[sflag:s21] =	ssyncset.done $0x0  }
.LBB2_12:
0x62: {  	s9 =	sadd.s32 $0x80, s7  }
0x63: {  	[sflag:s21] =	ssyncadd.s32 $0xFFFFC000;
	s10 =	smov.u32 s8;
	s11 =	sadd.s32 $0x400, s8  }
0x64: {  	[tilespmem:s28], [sflag:$0x2] =	stream.indirect.gather [hbm4b:s4+s23], $0x80, s9, s23, $0xb8;
	[tilespmem:$0x1E000] =	vst v63  }
0x65: {  	p2 =	sne.s32 s8, $0x3800;
	_ =	swait.ge [sflag:s29], $0x4000  }
0x66: {  	[sflag:s29] =	ssyncset.done $0x0  }
0x67: {  	s8 =	sadd.s32 $0x1000, s7;
	[sflag:s29] =	ssyncadd.s32 $0xFFFFC000  }
0x68: {  	[spmem:s1] =	stream.indirect.scatter.add.f32 [tilespmem:s26], [sflag:$0x3], $0x80, s8, s23, $0xb8;
	[tilespmem:$0x1E000] =	vst v63  }
0x69: {  	_ =	swait.ge [sflag:s21], $0x4000  }
0x6a: {  	[sflag:s21] =	ssyncset.done $0x0  }
0x6b: {  	s8 =	sadd.s32 $0x100, s7;
	[sflag:s21] =	ssyncadd.s32 $0xFFFFC000  }
0x6c: {  	[tilespmem:s26], [sflag:$0x1] =	stream.indirect.gather [hbm4b:s4+s23], $0x80, s8, s23, $0xb8;
	[tilespmem:$0x1E000] =	vst v63  }
0x6d: {  	_ =	swait.ge [sflag:s30], $0x4000  }
.Ltmp3:
0x6e: {  	[sflag:s30] =	ssyncset.done $0x0;
	(pc) =	sbr.rel @p2 .LBB2_12-.Ltmp3, $4  }
0x6f: {  	s7 =	sadd.s32 $0x1080, s7;
	[sflag:s30] =	ssyncadd.s32 $0xFFFFC000  }
0x70: {  	[spmem:s1] =	stream.indirect.scatter.add.f32 [tilespmem:s28], [sflag:$0x3], $0x80, s7, s23, $0xb8;
	[tilespmem:$0x1E000] =	vst v63  }
0x71: {  	_ =	swait.ge [sflag:s21], $0x4000  }
0x72: {  	s8 =	smov.u32 s11;
	s7 =	sshra.s32 s10, $0x2;
	[sflag:s21] =	ssyncset.done $0x0  }
.Ltmp4:
0x73: {  	_ = 	snop;
	(pc) =	sbr.rel .LBB2_13-.Ltmp4, $1  }
0x74: {  	_ =	sdelay $0x3  }
.LBB2_2:
0x75: {  	s8 =	rddreg [dreg:$0x3]  }
0x76: {  	[tilespmem:s7], [sflag:$0x3] =	stream.linear.gather [hbm4b:s8+s7], $0x1000, $0x38;
	[tilespmem:$0x1E000] =	vst v63  }
0x77: {  	_ =	swait.ge [sflag:s21], $0x1000  }
0x78: {  	[sflag:s21] =	ssyncset.done $0x0  }
0x79: {  	s11 =	rddreg [dreg:$0x4];
	[sflag:s21] =	ssyncadd.s32 $0xFFFFF000  }
0x7a: {  	[tilespmem:s22], [sflag:$0x3] =	stream.linear.gather [hbm4b:s11+s7], $0x1000, $0x38;
	[tilespmem:$0x1E000] =	vst v63  }
0x7b: {  	_ =	swait.ge [sflag:s21], $0x1000  }
0x7c: {  	[sflag:s21] =	ssyncset.done $0x0  }
0x7d: {  	[sflag:s21] =	ssyncadd.s32 $0xFFFFF000  }
0x7e: {  	[tilespmem:s26], [sflag:$0x1] =	stream.indirect.gather [hbm4b:s4+s23], $0x80, s7, s23, $0xb8;
	[tilespmem:$0x1E000] =	vst v63  }
0x7f: {  	s8 =	simm.s32 $0x80  }
0x80: {  	[tilespmem:s28], [sflag:$0x2] =	stream.indirect.gather [hbm4b:s4+s23], $0x80, s8, s23, $0xb8;
	[tilespmem:$0x1E000] =	vst v63  }
0x81: {  	_ =	swait.ge [sflag:s29], $0x4000  }
0x82: {  	[sflag:s29] =	ssyncset.done $0x0  }
0x83: {  	s9 =	simm.s32 $0x1000;
	[sflag:s29] =	ssyncadd.s32 $0xFFFFC000  }
0x84: {  	[spmem:s1] =	stream.indirect.scatter.add.f32 [tilespmem:s26], [sflag:$0x3], $0x80, s9, s23, $0xb8;
	[tilespmem:$0x1E000] =	vst v63  }
0x85: {  	_ =	swait.ge [sflag:s21], $0x4000  }
0x86: {  	[sflag:s21] =	ssyncset.done $0x0  }
0x87: {  	s10 =	simm.s32 $0x100;
	[sflag:s21] =	ssyncadd.s32 $0xFFFFC000  }
0x88: {  	[tilespmem:s26], [sflag:$0x1] =	stream.indirect.gather [hbm4b:s4+s23], $0x80, s10, s23, $0xb8;
	[tilespmem:$0x1E000] =	vst v63  }
0x89: {  	_ =	swait.ge [sflag:s30], $0x4000  }
0x8a: {  	[sflag:s30] =	ssyncset.done $0x0  }
0x8b: {  	s11 =	simm.s32 $0x1080;
	[sflag:s30] =	ssyncadd.s32 $0xFFFFC000  }
0x8c: {  	[spmem:s1] =	stream.indirect.scatter.add.f32 [tilespmem:s28], [sflag:$0x3], $0x80, s11, s23, $0xb8;
	[tilespmem:$0x1E000] =	vst v63  }
0x8d: {  	_ =	swait.ge [sflag:s21], $0x4000  }
0x8e: {  	s7 =	simm.s32 $0x100;
	s8 =	simm.s32 $0x800;
	[sflag:s21] =	ssyncset.done $0x0  }
.LBB2_3:
0x8f: {  	s9 =	sadd.s32 $0x80, s7  }
0x90: {  	[sflag:s21] =	ssyncadd.s32 $0xFFFFC000;
	s10 =	smov.u32 s8;
	s11 =	sadd.s32 $0x400, s8  }
0x91: {  	[tilespmem:s28], [sflag:$0x2] =	stream.indirect.gather [hbm4b:s4+s23], $0x80, s9, s23, $0xb8;
	[tilespmem:$0x1E000] =	vst v63  }
0x92: {  	p2 =	sne.s32 s8, $0x3800;
	_ =	swait.ge [sflag:s29], $0x4000  }
0x93: {  	[sflag:s29] =	ssyncset.done $0x0  }
0x94: {  	s8 =	sadd.s32 $0x1000, s7;
	[sflag:s29] =	ssyncadd.s32 $0xFFFFC000  }
0x95: {  	[spmem:s1] =	stream.indirect.scatter.add.f32 [tilespmem:s26], [sflag:$0x3], $0x80, s8, s23, $0xb8;
	[tilespmem:$0x1E000] =	vst v63  }
0x96: {  	_ =	swait.ge [sflag:s21], $0x4000  }
0x97: {  	[sflag:s21] =	ssyncset.done $0x0  }
0x98: {  	s8 =	sadd.s32 $0x100, s7;
	[sflag:s21] =	ssyncadd.s32 $0xFFFFC000  }
0x99: {  	[tilespmem:s26], [sflag:$0x1] =	stream.indirect.gather [hbm4b:s4+s23], $0x80, s8, s23, $0xb8;
	[tilespmem:$0x1E000] =	vst v63  }
0x9a: {  	_ =	swait.ge [sflag:s30], $0x4000  }
.Ltmp5:
0x9b: {  	[sflag:s30] =	ssyncset.done $0x0;
	(pc) =	sbr.rel @p2 .LBB2_3-.Ltmp5, $4  }
0x9c: {  	s7 =	sadd.s32 $0x1080, s7;
	[sflag:s30] =	ssyncadd.s32 $0xFFFFC000  }
0x9d: {  	[spmem:s1] =	stream.indirect.scatter.add.f32 [tilespmem:s28], [sflag:$0x3], $0x80, s7, s23, $0xb8;
	[tilespmem:$0x1E000] =	vst v63  }
0x9e: {  	_ =	swait.ge [sflag:s21], $0x4000  }
0x9f: {  	s8 =	smov.u32 s11;
	s7 =	sshra.s32 s10, $0x2;
	[sflag:s21] =	ssyncset.done $0x0  }
0xa0: {  	s8 =	sadd.s32 $0x80, s7;
	[sflag:s21] =	ssyncadd.s32 $0xFFFFC000  }
0xa1: {  	[tilespmem:s28], [sflag:$0x2] =	stream.indirect.gather [hbm4b:s4+s23], $0x80, s8, s23, $0xb8;
	[tilespmem:$0x1E000] =	vst v63  }
0xa2: {  	_ =	swait.ge [sflag:s29], $0x4000  }
0xa3: {  	[sflag:s29] =	ssyncset.done $0x0  }
0xa4: {  	s10 =	sadd.s32 $0x1000, s7;
	[sflag:s29] =	ssyncadd.s32 $0xFFFFC000  }
0xa5: {  	[spmem:s1] =	stream.indirect.scatter.add.f32 [tilespmem:s26], [sflag:$0x3], $0x80, s10, s23, $0xb8;
	[tilespmem:$0x1E000] =	vst v63  }
0xa6: {  	_ =	swait.ge [sflag:s21], $0x4000  }
0xa7: {  	[sflag:s21] =	ssyncset.done $0x0  }
0xa8: {  	s11 =	sadd.s32 $0x100, s7;
	[sflag:s21] =	ssyncadd.s32 $0xFFFFC000  }
0xa9: {  	[tilespmem:s26], [sflag:$0x1] =	stream.indirect.gather [hbm4b:s4+s23], $0x80, s11, s23, $0xb8;
	[tilespmem:$0x1E000] =	vst v63  }
0xaa: {  	_ =	swait.ge [sflag:s30], $0x4000  }
0xab: {  	[sflag:s30] =	ssyncset.done $0x0  }
0xac: {  	s8 =	sadd.s32 $0x1080, s7;
	[sflag:s30] =	ssyncadd.s32 $0xFFFFC000  }
0xad: {  	[spmem:s1] =	stream.indirect.scatter.add.f32 [tilespmem:s28], [sflag:$0x3], $0x80, s8, s23, $0xb8;
	[tilespmem:$0x1E000] =	vst v63  }
0xae: {  	_ =	swait.ge [sflag:s21], $0x4000  }
0xaf: {  	[sflag:s21] =	ssyncset.done $0x0  }
0xb0: {  	[sflag:s21] =	ssyncadd.s32 $0xFFFFC000  }
0xb1: {  	[tilespmem:s28], [sflag:$0x2] =	stream.indirect.gather [hbm4b:s4+s23], $0x80, s31, s23, $0xb8;
	[tilespmem:$0x1E000] =	vst v63  }
0xb2: {  	_ =	swait.ge [sflag:s29], $0x4000  }
0xb3: {  	[sflag:s29] =	ssyncset.done $0x0  }
0xb4: {  	[sflag:s29] =	ssyncadd.s32 $0xFFFFC000  }
0xb5: {  	[spmem:s1] =	stream.indirect.scatter.add.f32 [tilespmem:s26], [sflag:$0x3], $0x80, s0, s23, $0xb8;
	[tilespmem:$0x1E000] =	vst v63  }
0xb6: {  	_ =	swait.ge [sflag:s21], $0x4000  }
0xb7: {  	[sflag:s21] =	ssyncset.done $0x0  }
0xb8: {  	[sflag:s21] =	ssyncadd.s32 $0xFFFFC000  }
0xb9: {  	_ =	swait.ge [sflag:s30], $0x4000  }
0xba: {  	[sflag:s30] =	ssyncset.done $0x0  }
0xbb: {  	[sflag:s30] =	ssyncadd.s32 $0xFFFFC000  }
0xbc: {  	[spmem:s1] =	stream.indirect.scatter.add.f32 [tilespmem:s28], [sflag:$0x3], $0x80, s2, s23, $0xb8;
	[tilespmem:$0x1E000] =	vst v63  }
0xbd: {  	_ =	swait.ge [sflag:s21], $0x4000  }
0xbe: {  	[sflag:s21] =	ssyncset.done $0x0  }
0xbf: {  	s9 =	simm.s32 $0x0;
	s10 =	rddreg [dreg:$0x5];
	[sflag:s21] =	ssyncadd.s32 $0xFFFFC000  }
0xc0: {  	[tilespmem:s9], [sflag:$0x3] =	stream.linear.gather [hbm4b:s10+s9], $0x1000, $0x38;
	[tilespmem:$0x1E000] =	vst v63  }
0xc1: {  	_ =	swait.ge [sflag:s21], $0x1000  }
0xc2: {  	[sflag:s21] =	ssyncset.done $0x0  }
0xc3: {  	s11 =	rddreg [dreg:$0x6];
	[sflag:s21] =	ssyncadd.s32 $0xFFFFF000  }
0xc4: {  	[tilespmem:s22], [sflag:$0x3] =	stream.linear.gather [hbm4b:s11+s9], $0x1000, $0x38;
	[tilespmem:$0x1E000] =	vst v63  }
0xc5: {  	_ =	swait.ge [sflag:s21], $0x1000  }
0xc6: {  	[sflag:s21] =	ssyncset.done $0x0  }
0xc7: {  	[sflag:s21] =	ssyncadd.s32 $0xFFFFF000  }
0xc8: {  	[tilespmem:s26], [sflag:$0x1] =	stream.indirect.gather [hbm4b:s4+s23], $0x80, s9, s23, $0xb8;
	[tilespmem:$0x1E000] =	vst v63  }
0xc9: {  	s8 =	simm.s32 $0x80  }
0xca: {  	[tilespmem:s28], [sflag:$0x2] =	stream.indirect.gather [hbm4b:s4+s23], $0x80, s8, s23, $0xb8;
	[tilespmem:$0x1E000] =	vst v63  }
0xcb: {  	_ =	swait.ge [sflag:s29], $0x4000  }
0xcc: {  	[sflag:s29] =	ssyncset.done $0x0  }
0xcd: {  	s9 =	simm.s32 $0x1000;
	[sflag:s29] =	ssyncadd.s32 $0xFFFFC000  }
0xce: {  	[spmem:s1] =	stream.indirect.scatter.add.f32 [tilespmem:s26], [sflag:$0x3], $0x80, s9, s23, $0xb8;
	[tilespmem:$0x1E000] =	vst v63  }
0xcf: {  	_ =	swait.ge [sflag:s21], $0x4000  }
0xd0: {  	[sflag:s21] =	ssyncset.done $0x0  }
0xd1: {  	s10 =	simm.s32 $0x100;
	[sflag:s21] =	ssyncadd.s32 $0xFFFFC000  }
0xd2: {  	[tilespmem:s26], [sflag:$0x1] =	stream.indirect.gather [hbm4b:s4+s23], $0x80, s10, s23, $0xb8;
	[tilespmem:$0x1E000] =	vst v63  }
0xd3: {  	_ =	swait.ge [sflag:s30], $0x4000  }
0xd4: {  	[sflag:s30] =	ssyncset.done $0x0  }
0xd5: {  	s11 =	simm.s32 $0x1080;
	[sflag:s30] =	ssyncadd.s32 $0xFFFFC000  }
0xd6: {  	[spmem:s1] =	stream.indirect.scatter.add.f32 [tilespmem:s28], [sflag:$0x3], $0x80, s11, s23, $0xb8;
	[tilespmem:$0x1E000] =	vst v63  }
0xd7: {  	_ =	swait.ge [sflag:s21], $0x4000  }
0xd8: {  	s7 =	simm.s32 $0x100;
	s8 =	simm.s32 $0x800;
	[sflag:s21] =	ssyncset.done $0x0  }
.LBB2_5:
0xd9: {  	s9 =	sadd.s32 $0x80, s7  }
0xda: {  	[sflag:s21] =	ssyncadd.s32 $0xFFFFC000;
	s10 =	smov.u32 s8;
	s11 =	sadd.s32 $0x400, s8  }
0xdb: {  	[tilespmem:s28], [sflag:$0x2] =	stream.indirect.gather [hbm4b:s4+s23], $0x80, s9, s23, $0xb8;
	[tilespmem:$0x1E000] =	vst v63  }
0xdc: {  	p2 =	sne.s32 s8, $0x3800;
	_ =	swait.ge [sflag:s29], $0x4000  }
0xdd: {  	[sflag:s29] =	ssyncset.done $0x0  }
0xde: {  	s8 =	sadd.s32 $0x1000, s7;
	[sflag:s29] =	ssyncadd.s32 $0xFFFFC000  }
0xdf: {  	[spmem:s1] =	stream.indirect.scatter.add.f32 [tilespmem:s26], [sflag:$0x3], $0x80, s8, s23, $0xb8;
	[tilespmem:$0x1E000] =	vst v63  }
0xe0: {  	_ =	swait.ge [sflag:s21], $0x4000  }
0xe1: {  	[sflag:s21] =	ssyncset.done $0x0  }
0xe2: {  	s8 =	sadd.s32 $0x100, s7;
	[sflag:s21] =	ssyncadd.s32 $0xFFFFC000  }
0xe3: {  	[tilespmem:s26], [sflag:$0x1] =	stream.indirect.gather [hbm4b:s4+s23], $0x80, s8, s23, $0xb8;
	[tilespmem:$0x1E000] =	vst v63  }
0xe4: {  	_ =	swait.ge [sflag:s30], $0x4000  }
.Ltmp6:
0xe5: {  	[sflag:s30] =	ssyncset.done $0x0;
	(pc) =	sbr.rel @p2 .LBB2_5-.Ltmp6, $4  }
0xe6: {  	s7 =	sadd.s32 $0x1080, s7;
	[sflag:s30] =	ssyncadd.s32 $0xFFFFC000  }
0xe7: {  	[spmem:s1] =	stream.indirect.scatter.add.f32 [tilespmem:s28], [sflag:$0x3], $0x80, s7, s23, $0xb8;
	[tilespmem:$0x1E000] =	vst v63  }
0xe8: {  	_ =	swait.ge [sflag:s21], $0x4000  }
0xe9: {  	s8 =	smov.u32 s11;
	s7 =	sshra.s32 s10, $0x2;
	[sflag:s21] =	ssyncset.done $0x0  }
0xea: {  	s8 =	sadd.s32 $0x80, s7;
	[sflag:s21] =	ssyncadd.s32 $0xFFFFC000  }
0xeb: {  	[tilespmem:s28], [sflag:$0x2] =	stream.indirect.gather [hbm4b:s4+s23], $0x80, s8, s23, $0xb8;
	[tilespmem:$0x1E000] =	vst v63  }
0xec: {  	_ =	swait.ge [sflag:s29], $0x4000  }
0xed: {  	[sflag:s29] =	ssyncset.done $0x0  }
0xee: {  	s10 =	sadd.s32 $0x1000, s7;
	[sflag:s29] =	ssyncadd.s32 $0xFFFFC000  }
0xef: {  	[spmem:s1] =	stream.indirect.scatter.add.f32 [tilespmem:s26], [sflag:$0x3], $0x80, s10, s23, $0xb8;
	[tilespmem:$0x1E000] =	vst v63  }
0xf0: {  	_ =	swait.ge [sflag:s21], $0x4000  }
0xf1: {  	[sflag:s21] =	ssyncset.done $0x0  }
0xf2: {  	s11 =	sadd.s32 $0x100, s7;
	[sflag:s21] =	ssyncadd.s32 $0xFFFFC000  }
0xf3: {  	[tilespmem:s26], [sflag:$0x1] =	stream.indirect.gather [hbm4b:s4+s23], $0x80, s11, s23, $0xb8;
	[tilespmem:$0x1E000] =	vst v63  }
0xf4: {  	_ =	swait.ge [sflag:s30], $0x4000  }
0xf5: {  	[sflag:s30] =	ssyncset.done $0x0  }
0xf6: {  	s9 =	sadd.s32 $0x1080, s7;
	[sflag:s30] =	ssyncadd.s32 $0xFFFFC000  }
0xf7: {  	[spmem:s1] =	stream.indirect.scatter.add.f32 [tilespmem:s28], [sflag:$0x3], $0x80, s9, s23, $0xb8;
	[tilespmem:$0x1E000] =	vst v63  }
0xf8: {  	_ =	swait.ge [sflag:s21], $0x4000  }
0xf9: {  	[sflag:s21] =	ssyncset.done $0x0  }
0xfa: {  	[sflag:s21] =	ssyncadd.s32 $0xFFFFC000  }
0xfb: {  	[tilespmem:s28], [sflag:$0x2] =	stream.indirect.gather [hbm4b:s4+s23], $0x80, s31, s23, $0xb8;
	[tilespmem:$0x1E000] =	vst v63  }
0xfc: {  	_ =	swait.ge [sflag:s29], $0x4000  }
0xfd: {  	[sflag:s29] =	ssyncset.done $0x0  }
0xfe: {  	[sflag:s29] =	ssyncadd.s32 $0xFFFFC000  }
0xff: {  	[spmem:s1] =	stream.indirect.scatter.add.f32 [tilespmem:s26], [sflag:$0x3], $0x80, s0, s23, $0xb8;
	[tilespmem:$0x1E000] =	vst v63  }
0x100: {  	_ =	swait.ge [sflag:s21], $0x4000  }
0x101: {  	[sflag:s21] =	ssyncset.done $0x0  }
0x102: {  	[sflag:s21] =	ssyncadd.s32 $0xFFFFC000  }
0x103: {  	_ =	swait.ge [sflag:s30], $0x4000  }
0x104: {  	[sflag:s30] =	ssyncset.done $0x0  }
0x105: {  	[sflag:s30] =	ssyncadd.s32 $0xFFFFC000  }
0x106: {  	[spmem:s1] =	stream.indirect.scatter.add.f32 [tilespmem:s28], [sflag:$0x3], $0x80, s2, s23, $0xb8;
	[tilespmem:$0x1E000] =	vst v63  }
0x107: {  	_ =	swait.ge [sflag:s21], $0x4000  }
0x108: {  	[sflag:s21] =	ssyncset.done $0x0  }
0x109: {  	s10 =	simm.s32 $0x0;
	s11 =	rddreg [dreg:$0x7];
	[sflag:s21] =	ssyncadd.s32 $0xFFFFC000  }
0x10a: {  	[tilespmem:s10], [sflag:$0x3] =	stream.linear.gather [hbm4b:s11+s10], $0x1000, $0x38;
	[tilespmem:$0x1E000] =	vst v63  }
0x10b: {  	_ =	swait.ge [sflag:s21], $0x1000  }
0x10c: {  	[sflag:s21] =	ssyncset.done $0x0  }
0x10d: {  	[sflag:s21] =	ssyncadd.s32 $0xFFFFF000  }
0x10e: {  	[tilespmem:s22], [sflag:$0x3] =	stream.linear.gather [hbm4b:s12+s10], $0x1000, $0x38;
	[tilespmem:$0x1E000] =	vst v63  }
0x10f: {  	_ =	swait.ge [sflag:s21], $0x1000  }
0x110: {  	[sflag:s21] =	ssyncset.done $0x0  }
0x111: {  	[sflag:s21] =	ssyncadd.s32 $0xFFFFF000  }
0x112: {  	[tilespmem:s26], [sflag:$0x1] =	stream.indirect.gather [hbm4b:s4+s23], $0x80, s10, s23, $0xb8;
	[tilespmem:$0x1E000] =	vst v63  }
0x113: {  	s8 =	simm.s32 $0x80  }
0x114: {  	[tilespmem:s28], [sflag:$0x2] =	stream.indirect.gather [hbm4b:s4+s23], $0x80, s8, s23, $0xb8;
	[tilespmem:$0x1E000] =	vst v63  }
0x115: {  	_ =	swait.ge [sflag:s29], $0x4000  }
0x116: {  	[sflag:s29] =	ssyncset.done $0x0  }
0x117: {  	s9 =	simm.s32 $0x1000;
	[sflag:s29] =	ssyncadd.s32 $0xFFFFC000  }
0x118: {  	[spmem:s1] =	stream.indirect.scatter.add.f32 [tilespmem:s26], [sflag:$0x3], $0x80, s9, s23, $0xb8;
	[tilespmem:$0x1E000] =	vst v63  }
0x119: {  	_ =	swait.ge [sflag:s21], $0x4000  }
0x11a: {  	[sflag:s21] =	ssyncset.done $0x0  }
0x11b: {  	s10 =	simm.s32 $0x100;
	[sflag:s21] =	ssyncadd.s32 $0xFFFFC000  }
0x11c: {  	[tilespmem:s26], [sflag:$0x1] =	stream.indirect.gather [hbm4b:s4+s23], $0x80, s10, s23, $0xb8;
	[tilespmem:$0x1E000] =	vst v63  }
0x11d: {  	_ =	swait.ge [sflag:s30], $0x4000  }
0x11e: {  	[sflag:s30] =	ssyncset.done $0x0  }
0x11f: {  	s11 =	simm.s32 $0x1080;
	[sflag:s30] =	ssyncadd.s32 $0xFFFFC000  }
0x120: {  	[spmem:s1] =	stream.indirect.scatter.add.f32 [tilespmem:s28], [sflag:$0x3], $0x80, s11, s23, $0xb8;
	[tilespmem:$0x1E000] =	vst v63  }
0x121: {  	_ =	swait.ge [sflag:s21], $0x4000  }
0x122: {  	s7 =	simm.s32 $0x100;
	s8 =	simm.s32 $0x800;
	[sflag:s21] =	ssyncset.done $0x0  }
.LBB2_7:
0x123: {  	s9 =	sadd.s32 $0x80, s7  }
0x124: {  	[sflag:s21] =	ssyncadd.s32 $0xFFFFC000;
	s10 =	smov.u32 s8;
	s11 =	sadd.s32 $0x400, s8  }
0x125: {  	[tilespmem:s28], [sflag:$0x2] =	stream.indirect.gather [hbm4b:s4+s23], $0x80, s9, s23, $0xb8;
	[tilespmem:$0x1E000] =	vst v63  }
0x126: {  	p2 =	sne.s32 s8, $0x3800;
	_ =	swait.ge [sflag:s29], $0x4000  }
0x127: {  	[sflag:s29] =	ssyncset.done $0x0  }
0x128: {  	s8 =	sadd.s32 $0x1000, s7;
	[sflag:s29] =	ssyncadd.s32 $0xFFFFC000  }
0x129: {  	[spmem:s1] =	stream.indirect.scatter.add.f32 [tilespmem:s26], [sflag:$0x3], $0x80, s8, s23, $0xb8;
	[tilespmem:$0x1E000] =	vst v63  }
0x12a: {  	_ =	swait.ge [sflag:s21], $0x4000  }
0x12b: {  	[sflag:s21] =	ssyncset.done $0x0  }
0x12c: {  	s8 =	sadd.s32 $0x100, s7;
	[sflag:s21] =	ssyncadd.s32 $0xFFFFC000  }
0x12d: {  	[tilespmem:s26], [sflag:$0x1] =	stream.indirect.gather [hbm4b:s4+s23], $0x80, s8, s23, $0xb8;
	[tilespmem:$0x1E000] =	vst v63  }
0x12e: {  	_ =	swait.ge [sflag:s30], $0x4000  }
.Ltmp7:
0x12f: {  	[sflag:s30] =	ssyncset.done $0x0;
	(pc) =	sbr.rel @p2 .LBB2_7-.Ltmp7, $4  }
0x130: {  	s7 =	sadd.s32 $0x1080, s7;
	[sflag:s30] =	ssyncadd.s32 $0xFFFFC000  }
0x131: {  	[spmem:s1] =	stream.indirect.scatter.add.f32 [tilespmem:s28], [sflag:$0x3], $0x80, s7, s23, $0xb8;
	[tilespmem:$0x1E000] =	vst v63  }
0x132: {  	_ =	swait.ge [sflag:s21], $0x4000  }
0x133: {  	s8 =	smov.u32 s11;
	s7 =	sshra.s32 s10, $0x2;
	[sflag:s21] =	ssyncset.done $0x0  }
0x134: {  	s8 =	sadd.s32 $0x80, s7;
	[sflag:s21] =	ssyncadd.s32 $0xFFFFC000  }
0x135: {  	[tilespmem:s28], [sflag:$0x2] =	stream.indirect.gather [hbm4b:s4+s23], $0x80, s8, s23, $0xb8;
	[tilespmem:$0x1E000] =	vst v63  }
0x136: {  	_ =	swait.ge [sflag:s29], $0x4000  }
0x137: {  	[sflag:s29] =	ssyncset.done $0x0  }
0x138: {  	s11 =	sadd.s32 $0x1000, s7;
	[sflag:s29] =	ssyncadd.s32 $0xFFFFC000  }
0x139: {  	[spmem:s1] =	stream.indirect.scatter.add.f32 [tilespmem:s26], [sflag:$0x3], $0x80, s11, s23, $0xb8;
	[tilespmem:$0x1E000] =	vst v63  }
0x13a: {  	_ =	swait.ge [sflag:s21], $0x4000  }
0x13b: {  	[sflag:s21] =	ssyncset.done $0x0  }
0x13c: {  	s9 =	sadd.s32 $0x100, s7;
	[sflag:s21] =	ssyncadd.s32 $0xFFFFC000  }
0x13d: {  	[tilespmem:s26], [sflag:$0x1] =	stream.indirect.gather [hbm4b:s4+s23], $0x80, s9, s23, $0xb8;
	[tilespmem:$0x1E000] =	vst v63  }
0x13e: {  	_ =	swait.ge [sflag:s30], $0x4000  }
0x13f: {  	[sflag:s30] =	ssyncset.done $0x0  }
0x140: {  	s10 =	sadd.s32 $0x1080, s7;
	[sflag:s30] =	ssyncadd.s32 $0xFFFFC000  }
0x141: {  	[spmem:s1] =	stream.indirect.scatter.add.f32 [tilespmem:s28], [sflag:$0x3], $0x80, s10, s23, $0xb8;
	[tilespmem:$0x1E000] =	vst v63  }
0x142: {  	_ =	swait.ge [sflag:s21], $0x4000  }
0x143: {  	[sflag:s21] =	ssyncset.done $0x0  }
0x144: {  	[sflag:s21] =	ssyncadd.s32 $0xFFFFC000  }
0x145: {  	[tilespmem:s28], [sflag:$0x2] =	stream.indirect.gather [hbm4b:s4+s23], $0x80, s31, s23, $0xb8;
	[tilespmem:$0x1E000] =	vst v63  }
0x146: {  	_ =	swait.ge [sflag:s29], $0x4000  }
0x147: {  	[sflag:s29] =	ssyncset.done $0x0  }
0x148: {  	[sflag:s29] =	ssyncadd.s32 $0xFFFFC000  }
0x149: {  	[spmem:s1] =	stream.indirect.scatter.add.f32 [tilespmem:s26], [sflag:$0x3], $0x80, s0, s23, $0xb8;
	[tilespmem:$0x1E000] =	vst v63  }
0x14a: {  	_ =	swait.ge [sflag:s21], $0x4000  }
0x14b: {  	[sflag:s21] =	ssyncset.done $0x0  }
0x14c: {  	[sflag:s21] =	ssyncadd.s32 $0xFFFFC000  }
0x14d: {  	_ =	swait.ge [sflag:s30], $0x4000  }
0x14e: {  	[sflag:s30] =	ssyncset.done $0x0  }
0x14f: {  	[sflag:s30] =	ssyncadd.s32 $0xFFFFC000  }
0x150: {  	[spmem:s1] =	stream.indirect.scatter.add.f32 [tilespmem:s28], [sflag:$0x3], $0x80, s2, s23, $0xb8;
	[tilespmem:$0x1E000] =	vst v63  }
0x151: {  	_ =	swait.ge [sflag:s21], $0x4000  }
0x152: {  	[sflag:s21] =	ssyncset.done $0x0  }
0x153: {  	s11 =	simm.s32 $0x0;
	[sflag:s21] =	ssyncadd.s32 $0xFFFFC000  }
0x154: {  	[tilespmem:s11], [sflag:$0x3] =	stream.linear.gather [hbm4b:s13+s11], $0x1000, $0x38;
	[tilespmem:$0x1E000] =	vst v63  }
0x155: {  	_ =	swait.ge [sflag:s21], $0x1000  }
0x156: {  	[sflag:s21] =	ssyncset.done $0x0  }
0x157: {  	[sflag:s21] =	ssyncadd.s32 $0xFFFFF000  }
0x158: {  	[tilespmem:s22], [sflag:$0x3] =	stream.linear.gather [hbm4b:s14+s11], $0x1000, $0x38;
	[tilespmem:$0x1E000] =	vst v63  }
0x159: {  	_ =	swait.ge [sflag:s21], $0x1000  }
0x15a: {  	[sflag:s21] =	ssyncset.done $0x0  }
0x15b: {  	[sflag:s21] =	ssyncadd.s32 $0xFFFFF000  }
0x15c: {  	[tilespmem:s26], [sflag:$0x1] =	stream.indirect.gather [hbm4b:s4+s23], $0x80, s11, s23, $0xb8;
	[tilespmem:$0x1E000] =	vst v63  }
0x15d: {  	s8 =	simm.s32 $0x80  }
0x15e: {  	[tilespmem:s28], [sflag:$0x2] =	stream.indirect.gather [hbm4b:s4+s23], $0x80, s8, s23, $0xb8;
	[tilespmem:$0x1E000] =	vst v63  }
0x15f: {  	_ =	swait.ge [sflag:s29], $0x4000  }
0x160: {  	[sflag:s29] =	ssyncset.done $0x0  }
0x161: {  	s9 =	simm.s32 $0x1000;
	[sflag:s29] =	ssyncadd.s32 $0xFFFFC000  }
0x162: {  	[spmem:s1] =	stream.indirect.scatter.add.f32 [tilespmem:s26], [sflag:$0x3], $0x80, s9, s23, $0xb8;
	[tilespmem:$0x1E000] =	vst v63  }
0x163: {  	_ =	swait.ge [sflag:s21], $0x4000  }
0x164: {  	[sflag:s21] =	ssyncset.done $0x0  }
0x165: {  	s10 =	simm.s32 $0x100;
	[sflag:s21] =	ssyncadd.s32 $0xFFFFC000  }
0x166: {  	[tilespmem:s26], [sflag:$0x1] =	stream.indirect.gather [hbm4b:s4+s23], $0x80, s10, s23, $0xb8;
	[tilespmem:$0x1E000] =	vst v63  }
0x167: {  	_ =	swait.ge [sflag:s30], $0x4000  }
0x168: {  	[sflag:s30] =	ssyncset.done $0x0  }
0x169: {  	s11 =	simm.s32 $0x1080;
	[sflag:s30] =	ssyncadd.s32 $0xFFFFC000  }
0x16a: {  	[spmem:s1] =	stream.indirect.scatter.add.f32 [tilespmem:s28], [sflag:$0x3], $0x80, s11, s23, $0xb8;
	[tilespmem:$0x1E000] =	vst v63  }
0x16b: {  	_ =	swait.ge [sflag:s21], $0x4000  }
0x16c: {  	s7 =	simm.s32 $0x100;
	s8 =	simm.s32 $0x800;
	[sflag:s21] =	ssyncset.done $0x0  }
.LBB2_9:
0x16d: {  	s9 =	sadd.s32 $0x80, s7  }
0x16e: {  	[sflag:s21] =	ssyncadd.s32 $0xFFFFC000;
	s10 =	smov.u32 s8;
	s11 =	sadd.s32 $0x400, s8  }
0x16f: {  	[tilespmem:s28], [sflag:$0x2] =	stream.indirect.gather [hbm4b:s4+s23], $0x80, s9, s23, $0xb8;
	[tilespmem:$0x1E000] =	vst v63  }
0x170: {  	p2 =	seq.s32 s8, $0x3800;
	_ =	swait.ge [sflag:s29], $0x4000  }
0x171: {  	[sflag:s29] =	ssyncset.done $0x0  }
0x172: {  	s8 =	sadd.s32 $0x1000, s7;
	[sflag:s29] =	ssyncadd.s32 $0xFFFFC000  }
0x173: {  	[spmem:s1] =	stream.indirect.scatter.add.f32 [tilespmem:s26], [sflag:$0x3], $0x80, s8, s23, $0xb8;
	[tilespmem:$0x1E000] =	vst v63  }
0x174: {  	_ =	swait.ge [sflag:s21], $0x4000  }
0x175: {  	[sflag:s21] =	ssyncset.done $0x0  }
0x176: {  	s8 =	sadd.s32 $0x100, s7;
	[sflag:s21] =	ssyncadd.s32 $0xFFFFC000  }
0x177: {  	[tilespmem:s26], [sflag:$0x1] =	stream.indirect.gather [hbm4b:s4+s23], $0x80, s8, s23, $0xb8;
	[tilespmem:$0x1E000] =	vst v63  }
0x178: {  	_ =	swait.ge [sflag:s30], $0x4000  }
.Ltmp8:
0x179: {  	[sflag:s30] =	ssyncset.done $0x0;
	(pc) =	sbr.rel @!p2 .LBB2_9-.Ltmp8, $4  }
0x17a: {  	s7 =	sadd.s32 $0x1080, s7;
	[sflag:s30] =	ssyncadd.s32 $0xFFFFC000  }
0x17b: {  	[spmem:s1] =	stream.indirect.scatter.add.f32 [tilespmem:s28], [sflag:$0x3], $0x80, s7, s23, $0xb8;
	[tilespmem:$0x1E000] =	vst v63  }
0x17c: {  	_ =	swait.ge [sflag:s21], $0x4000  }
0x17d: {  	s8 =	smov.u32 s11;
	s7 =	sshra.s32 s10, $0x2;
	[sflag:s21] =	ssyncset.done $0x0  }
0x17e: {  	s8 =	sadd.s32 $0x80, s7;
	[sflag:s21] =	ssyncadd.s32 $0xFFFFC000  }
0x17f: {  	[tilespmem:s28], [sflag:$0x2] =	stream.indirect.gather [hbm4b:s4+s23], $0x80, s8, s23, $0xb8;
	[tilespmem:$0x1E000] =	vst v63  }
0x180: {  	_ =	swait.ge [sflag:s29], $0x4000  }
0x181: {  	[sflag:s29] =	ssyncset.done $0x0  }
0x182: {  	s9 =	sadd.s32 $0x1000, s7;
	[sflag:s29] =	ssyncadd.s32 $0xFFFFC000  }
0x183: {  	[spmem:s1] =	stream.indirect.scatter.add.f32 [tilespmem:s26], [sflag:$0x3], $0x80, s9, s23, $0xb8;
	[tilespmem:$0x1E000] =	vst v63  }
0x184: {  	_ =	swait.ge [sflag:s21], $0x4000  }
0x185: {  	[sflag:s21] =	ssyncset.done $0x0  }
0x186: {  	s10 =	sadd.s32 $0x100, s7;
	[sflag:s21] =	ssyncadd.s32 $0xFFFFC000  }
0x187: {  	[tilespmem:s26], [sflag:$0x1] =	stream.indirect.gather [hbm4b:s4+s23], $0x80, s10, s23, $0xb8;
	[tilespmem:$0x1E000] =	vst v63  }
0x188: {  	_ =	swait.ge [sflag:s30], $0x4000  }
0x189: {  	[sflag:s30] =	ssyncset.done $0x0  }
.Ltmp9:
0x18a: {  	s11 =	sadd.s32 $0x1080, s7;
	[sflag:s30] =	ssyncadd.s32 $0xFFFFC000;
	(pc) =	sbr.rel .LBB2_14-.Ltmp9, $4  }
0x18b: {  	[spmem:s1] =	stream.indirect.scatter.add.f32 [tilespmem:s28], [sflag:$0x3], $0x80, s11, s23, $0xb8;
	[tilespmem:$0x1E000] =	vst v63  }
0x18c: {  	_ =	swait.ge [sflag:s21], $0x4000  }
0x18d: {  	[sflag:s21] =	ssyncset.done $0x0  }
0x18e: {  	[sflag:s21] =	ssyncadd.s32 $0xFFFFC000  }
.LBB2_15:
0x18f: {  	_ =	sfence.sel $0x180000  }
0x190: {  	[bflag:$0x0] =	sbarrier.arrive $0xFFFF  }
0x191: {  	_ =	strace $0x9000004D  }
0x192: {  	s0 =	stileid.u32;
	[bflag:$0x2] =	sbarrier.arrive $0xFFFF  }
0x193: {  	p0 =	sne.s32 s0, $0x0;
	s0 =	rddreg [dreg:$0x2]  }
0x194: {  	s0 =	sadd.s32 @!p0 $0x100000, s0  }
0x195: {  	[sflag:s0] =	ssyncadd.tile.s32 @!p0 $0x1;
	_ =	shalt  }
.Lfunc_end2:
_tile_overlayer_lowered:
.L_overlay_start_2:
0x196: {  	(tag) =	ssettag $0x2  }
0x197: {  	s0 =	rddreg [dreg:$0x0];
	s2 =	stileid.u32  }
0x198: {  	s1 =	rddreg [dreg:$0x1];
	p0 =	sne.s32 s2, $0x0  }
0x199: {  	s3 =	rddreg [dreg:$0x2];
	[bflag:$0x3] =	sbarrier.arrive $0xFFFF;
	s2 =	simm.s32 @!p0 $0x1C03  }
0x19a: {  	[timem:s3], [sflag:s2] =	dma.local @!p0 [hbm:s0], s1  }
0x19b: {  	s0 =	simm.s32 @!p0 $0x3  }
0x19c: {  	_ =	swait.ge @!p0 [sflag:s0], s1  }
0x19d: {  	s1 =	ssub.s32 @!p0 $0x0, s1;
	[sflag:s0] =	ssyncset.done @!p0 $0x0  }
0x19e: {  	[sflag:s0] =	ssyncadd.s32 @!p0 s1  }
0x19f: {  	[bflag:$0x3] =	sbarrier.arrive $0xFFFF  }
0x1a0: {  	_ =	shalt  }

// kernel: kernel.19.cloned.1.call-start
scs
__scs_entry_jumppad:
0x0: {  	(pc) =	sbr.rel $0x88, $3  }
0x1: {  	(tag) =	ssettag $0x0;
	lr =	simm.s32 $0x1  }
0x2: {  	[smem:$0x3F96] =	sst lr;
	_ =	strace $0xD0000000  }
0x3: {  	_ = 	snop  }
0x4: {  	_ = 	snop  }
0x5: {  	_ = 	snop  }
0x6: {  	_ = 	snop  }
0x7: {  	_ = 	snop  }
__scs_overlays_trampoline_lowered:
0x8: {  	[smem:$0x3FA5] =	sst s0  }
0x9: {  	[smem:$0x3FA6] =	sst s1  }
0xa: {  	[smem:$0x3FA7] =	sst s2  }
0xb: {  	[smem:$0x3FA8] =	sst s3  }
0xc: {  	[smem:$0x3FA9] =	sst s4  }
0xd: {  	[smem:$0x3FAA] =	sst s5  }
0xe: {  	[smem:$0x3FAB] =	sst s6  }
0xf: {  	[smem:$0x3FAC] =	sst s7  }
0x10: {  	[smem:$0x3FAD] =	sst s8  }
0x11: {  	[smem:$0x3FAE] =	sst s9;
	s0 =	simm.s32 @!p0 $0x0  }
0x12: {  	s1 =	sld [smem:$0x3F94];
	s0 =	simm.s32 @p0 $0x1  }
0x13: {  	[smem:$0x3FAF] =	sst s0;
	s0 =	simm.s32 @!p1 $0x0  }
0x14: {  	s2 =	sld [smem:$0x3F93];
	s0 =	simm.s32 @p1 $0x1  }
0x15: {  	[smem:$0x3FB0] =	sst s0;
	s0 =	simm.s32 @!p2 $0x0  }
0x16: {  	s3 =	sld [smem:$0x3FDB];
	s0 =	simm.s32 @p2 $0x1  }
0x17: {  	s4 =	simm.s32 $0x1BF5;
	[smem:$0x3FB2] =	sst s0  }
0x18: {  	s0 =	sld [smem:$0x3F95];
	_ =	swait.ge [sflag:s4], $0x0  }
0x19: {  	s7 =	sld [smem:$0x3F96]  }
0x1a: {  	s8 =	sadd.s32 $0xFFFFE003, lr  }
0x1b: {  	s9 =	sadd.s32 $0xFFFFFEF7, lr;
	s5 =	simm.s32 $0xFFFFFFFF;
	p2 =	slt.u32 s8, $0xFFFFF086  }
0x1c: {  	p1 =	slt.u32 s9, $0xF7A;
	s5 =	simm.s32 @!p2 $0x0  }
0x1d: {  	s5 =	simm.s32 @p1 $0x1;
	p0 =	seq.s32 s7, s2  }
0x1e: {  	s7 =	smul.u32 @!p0 $0xF7A, s2;
	p2 =	seq.s32 @!p0 s5, $0x0  }
0x1f: {  	s9 =	smul.u32 $0xF7A, s1;
	s8 =	simm.s32 @!p0 $0x1BF5;
	p2 =	por !p2, p0  }
0x20: {  	[sflag:s8] =	ssyncset.s32 @!p0 $0xFFFFF086;
	s6 =	sadd.s32 @!p0 s3, s7;
	s7 =	simm.s32 @!p0 $0x108  }
0x21: {  	s3 =	sadd.s32 s3, s9;
	s6 =	sadd.s32 @!p0 $0x88, s6;
	s7 =	simm.s32 @p2 $0x1082  }
0x22: {  	[simem:s7], [sflag:s8] =	dma.local @!p0 [hbm:s6], $0xF7A  }
0x23: {  	s9 =	sor.u32 $0xD0000000, s2;
	s6 =	simm.s32 $0x108;
	_ =	swait.ge @!p0 [sflag:s8], $0x0  }
0x24: {  	s3 =	sadd.s32 $0x88, s3;
	s6 =	simm.s32 @!p1 $0x1082;
	[sflag:s4] =	ssyncset.s32 $0xFFFFF086  }
0x25: {  	[simem:s6], [sflag:s4] =	dma.local [hbm:s3], $0xF7A  }
0x26: {  	[smem:$0x3F96] =	sst s1;
	(tag) =	ssettag s2;
	_ =	strace s9  }
0x27: {  	s1 =	sld [smem:$0x3FA6]  }
0x28: {  	s2 =	sld [smem:$0x3FA7]  }
0x29: {  	s4 =	sld [smem:$0x3FA9]  }
0x2a: {  	p0 =	seq.s32 s5, $0x0;
	s5 =	sld [smem:$0x3FAA]  }
0x2b: {  	s6 =	sld [smem:$0x3FAB]  }
0x2c: {  	s7 =	sld [smem:$0x3FAC]  }
0x2d: {  	s3 =	simm.s32 $0x108;
	s8 =	sld [smem:$0x3FAD]  }
0x2e: {  	s3 =	simm.s32 @!p0 $0x1082;
	s9 =	sld [smem:$0x3FAE]  }
0x2f: {  	lr =	sadd.s32 s0, s3;
	s0 =	sld [smem:$0x3FA5]  }
0x30: {  	s3 =	sld [smem:$0x3FA8]  }
0x31: {  	[smem:$0x3FB1] =	sst s10  }
0x32: {  	s10 =	sld [smem:$0x3FAF];
	_ =	sdelay $0x3  }
0x33: {  	p0 =	seq.s32 s10, $0x1;
	s10 =	sld [smem:$0x3FB1];
	_ =	sdelay $0x3  }
0x34: {  	[smem:$0x3FB1] =	sst s10  }
0x35: {  	s10 =	sld [smem:$0x3FB0];
	_ =	sdelay $0x3  }
0x36: {  	p1 =	seq.s32 s10, $0x1;
	s10 =	sld [smem:$0x3FB1];
	_ =	sdelay $0x3  }
0x37: {  	[smem:$0x3FB1] =	sst s10  }
0x38: {  	s10 =	sld [smem:$0x3FB2]  }
0x39: {  	_ = 	snop;
	(pc) =	sbr.ind lr, $3  }
0x3a: {  	_ = 	snop  }
0x3b: {  	_ = 	snop  }
0x3c: {  	p2 =	seq.s32 s10, $0x1;
	s10 =	sld [smem:$0x3FB1]  }
0x3d: {  	_ =	shalt  }
0x3e: {  	_ =	shalt  }
0x3f: {  	_ =	shalt  }
0x40: {  	_ =	shalt  }
0x41: {  	_ =	shalt  }
0x42: {  	_ =	shalt  }
0x43: {  	_ =	shalt  }
0x44: {  	_ =	shalt  }
0x45: {  	_ =	shalt  }
0x46: {  	_ =	shalt  }
0x47: {  	_ =	shalt  }
0x48: {  	_ =	shalt  }
0x49: {  	_ =	shalt  }
0x4a: {  	_ =	shalt  }
0x4b: {  	_ =	shalt  }
0x4c: {  	_ =	shalt  }
0x4d: {  	_ =	shalt  }
0x4e: {  	_ =	shalt  }
0x4f: {  	_ =	shalt  }
0x50: {  	_ =	shalt  }
0x51: {  	_ =	shalt  }
0x52: {  	_ =	shalt  }
0x53: {  	_ =	shalt  }
0x54: {  	_ =	shalt  }
0x55: {  	_ =	shalt  }
0x56: {  	_ =	shalt  }
0x57: {  	_ =	shalt  }
0x58: {  	_ =	shalt  }
0x59: {  	_ =	shalt  }
0x5a: {  	_ =	shalt  }
0x5b: {  	_ =	shalt  }
0x5c: {  	_ =	shalt  }
0x5d: {  	_ =	shalt  }
0x5e: {  	_ =	shalt  }
0x5f: {  	_ =	shalt  }
0x60: {  	_ =	shalt  }
0x61: {  	_ =	shalt  }
0x62: {  	_ =	shalt  }
0x63: {  	_ =	shalt  }
0x64: {  	_ =	shalt  }
0x65: {  	_ =	shalt  }
0x66: {  	_ =	shalt  }
0x67: {  	_ =	shalt  }
0x68: {  	_ =	shalt  }
0x69: {  	_ =	shalt  }
0x6a: {  	_ =	shalt  }
0x6b: {  	_ =	shalt  }
0x6c: {  	_ =	shalt  }
0x6d: {  	_ =	shalt  }
0x6e: {  	_ =	shalt  }
0x6f: {  	_ =	shalt  }
0x70: {  	_ =	shalt  }
0x71: {  	_ =	shalt  }
0x72: {  	_ =	shalt  }
0x73: {  	_ =	shalt  }
0x74: {  	_ =	shalt  }
0x75: {  	_ =	shalt  }
0x76: {  	_ =	shalt  }
0x77: {  	_ =	shalt  }
0x78: {  	_ =	shalt  }
0x79: {  	_ =	shalt  }
0x7a: {  	_ =	shalt  }
0x7b: {  	_ =	shalt  }
0x7c: {  	_ =	shalt  }
0x7d: {  	_ =	shalt  }
0x7e: {  	_ =	shalt  }
0x7f: {  	_ =	shalt  }
0x80: {  	_ =	shalt  }
0x81: {  	_ =	shalt  }
0x82: {  	_ =	shalt  }
0x83: {  	_ =	shalt  }
0x84: {  	_ =	shalt  }
0x85: {  	_ =	shalt  }
0x86: {  	_ =	shalt  }
0x87: {  	_ =	shalt  }
.Lfunc_end0:
.L_simem_size_0:
called_computation.3_lowered:
.L_overlay_start_0:
0x88: {  	s2 =	sld [smem:$0x3FD9]  }
0x89: {  	s3 =	sld [smem:$0x3FFE];
	_ =	sdelay $0x1  }
0x8a: {  	s1 =	srdreg.scid  }
0x8b: {  	s0 =	sand.u32 $0x1, s1  }
0x8c: {  	s16 =	sshll.u32 s0, $0xA;
	s2 =	sadd.s32 s3, s2  }
0x8d: {  	s2 =	sadd.s32 s2, s16  }
0x8e: {  	[smem:$0x3FBD] =	sst s2  }
0x8f: {  	_ = 	snop  }
0x90: {  	(tm) =	ssettm $0x1  }
0x91: {  	s17 =	sld [smem:$0x3FFB];
	_ =	sdelay $0x3  }
0x92: {  	_ =	strace s17  }
0x93: {  	s2 =	sld [smem:$0x3FFC];
	_ =	sdelay $0x3  }
0x94: {  	_ =	strace s2  }
0x95: {  	s2 =	sld [smem:$0x3FFD];
	_ =	sdelay $0x3  }
0x96: {  	_ =	strace s2  }
0x97: {  	_ =	strace $0x8FFFFFFF  }
0x98: {  	s18 =	sld [smem:$0x3FDB];
	_ =	sdelay $0x1  }
0x99: {  	s19 =	simm.s32 $_scs_section_size  }
0x9a: {  	s4 =	simm.s32 $_size__tile_overlayer_lowered;
	s5 =	simm.s32 $_tile_overlayer_lowered  }
0x9b: {  	s22 =	simm.s32 $0x1BFF;
	s21 =	sshll.u32 s5, $0x1;
	s2 =	sadd.s32 s19, s18  }
0x9c: {  	s6 =	simm.s32 $0x0;
	s20 =	sshll.u32 s4, $0x1;
	s4 =	sadd.s32 s21, s2  }
0x9d: {  	[timem:s6], [sflag:s22] =	dma.local [hbm:s4], s20  }
0x9e: {  	_ =	swait.ge [sflag:s22], s20  }
0x9f: {  	s3 =	ssub.s32 $0x0, s20;
	[sflag:s22] =	ssyncset.done $0x0  }
0xa0: {  	[sflag:s22] =	ssyncadd.s32 s3;
	_ =	sdelay $0x1  }
0xa1: {  	s23 =	simm.s32 $0x1B8B  }
0xa2: {  	_ =	swait.ge [sflag:s23], $0x1  }
0xa3: {  	[sflag:s23] =	ssyncset.done $0x0  }
0xa4: {  	s25 =	simm.s32 $0x1B8E;
	s24 =	sld [smem:$0x3FFE];
	[sflag:s23] =	ssyncadd.s32 $0xFFFFFFFF  }
0xa5: {  	s26 =	simm.s32 $execute0_lowered;
	[smem:$0x3FD2] =	sst s25  }
0xa6: {  	s4 =	sshll.u32 s26, $0x1;
	_ =	strace $0x8000004F;
	[dreg:$0x1] =	wrdreg $0xFFFFFFFF  }
0xa7: {  	s28 =	simm.s32 $_size_execute0_lowered;
	s2 =	sadd.s32 s2, s4;
	[dreg:$0x0] =	wrdreg $0x0  }
0xa8: {  	s4 =	sshll.u32 s28, $0x1;
	[dreg:$0x2] =	wrdreg s2  }
0xa9: {  	[dreg:$0x3] =	wrdreg s4  }
0xaa: {  	[dreg:$0x4] =	wrdreg $0xC0  }
0xab: {  	_ =	task [dreg:s6], $0x5FFFF  }
0xac: {  	[dreg:$0x1] =	wrdreg $0xFFFFFFFF  }
0xad: {  	[dreg:$0x0] =	wrdreg $0x60  }
0xae: {  	[dreg:$0x2] =	wrdreg s24  }
0xaf: {  	[dreg:$0x3] =	wrdreg $0xA0000  }
0xb0: {  	[dreg:$0x4] =	wrdreg $0x9  }
0xb1: {  	_ =	task.clear_ibuf [dreg:s6], $0x5FFFF;
	_ =	strace $0x9000004F  }
0xb2: {  	s29 =	simm.s32 $0x9;
	_ =	strace $0x80000051  }
0xb3: {  	_ =	swait.ge [sflag:s29], $0x1  }
0xb4: {  	[sflag:s29] =	ssyncadd.s32 $0xFFFFFFFF  }
0xb5: {  	_ =	strace $0x90000051  }
0xb6: {  	_ =	sfence  }
0xb7: {  	s30 =	sld [smem:$0x0];
	_ =	sdelay $0x2  }
0xb8: {  	s31 =	sshll.u32 s1, $0xD;
	s1 =	sshrl.u32 s1, $0x2  }
0xb9: {  	s3 =	sand.u32 $0x4000, s31;
	s1 =	sadd.s32 s1, s30  }
0xba: {  	s0 =	sor.u32 s3, s0;
	s1 =	sshll.u32 s1, $0x11  }
0xbb: {  	s0 =	sor.u32 s1, s0  }
0xbc: {  	s0 =	sadd.s32 $0x8F2B, s0  }
0xbd: {  	[sflag:s0] =	ssyncadd.remote.s32 $0x1  }
0xbe: {  	_ =	sfence.sel $0xFFFF  }
0xbf: {  	[dreg:$0x0] =	wrdreg $0xFFFFFFFF;
	(pc) =	sbr.abs _section_cstart, $3  }
0xc0: {  	[dreg:$0x1] =	wrdreg $0xFFFFFFFF  }
0xc1: {  	_ =	task.clear_ibuf [dreg:s6], $0x2FFFF;
	_ =	strace $0x9FFFFFFF  }
0xc2: {  	(tm) =	ssettm $0x7FFFFFFF  }
0xc3: {  	_ =	shalt  }
tec
execute0_lowered:
.L_overlay_start_1:
0x0: {  	(tag) =	ssettag $0x1  }
0x1: {  	s0 =	rddreg [dreg:$0x0]  }
0x2: {  	s1 =	rddreg [dreg:$0x1];
	s3 =	simm.s32 $0x0;
	s11 =	stileid.u32  }
0x3: {  	s2 =	srdreg.scid;
	s28 =	simm.s32 $0x6000;
	s29 =	simm.s32 $0x1  }
0x4: {  	s30 =	simm.s32 $0x2;
	s31 =	simm.s32 $0xF80;
	[smem:$0x7FF] =	sst s3  }
0x5: {  	s4 =	sadd.s32 $0x40400, s0;
	s5 =	smul.u32 $0x2800, s11;
	s2 =	sand.u32 $0x1, s2  }
0x6: {  	s7 =	sadd.s32 $0xE400, s0;
	s8 =	smul.u32 $0x50000, s11;
	s16 =	sadd.s32 $0x4400, s0  }
0x7: {  	s17 =	sshll.u32 s11, $0x6;
	s13 =	sshll.u32 s11, $0xB;
	p1 =	sne.s32 s11, $0xF  }
0x8: {  	_ =	strace $0x80000050;
	s6 =	ssub.s32 $0x2, s2;
	p0 =	seq.s32 s2, $0x1  }
0x9: {  	s18 =	sadd.s32 s7, s13;
	s20 =	sadd.s32 s16, s13;
	s10 =	sor.u32 $0x200, s13  }
0xa: {  	s12 =	sor.u32 $0x400, s13;
	s2 =	smul.u32 $0x138800, s2;
	s14 =	sor.u32 $0x600, s13  }
0xb: {  	s5 =	sadd.s32 s5, s0;
	s9 =	sshrl.u32 s6, $0x1;
	[dreg:$0x3] =	wrdreg s18  }
0xc: {  	s0 =	sadd.s32 $0x67600, s0;
	s15 =	sshrl.u32 s8, $0x2;
	[dreg:$0x4] =	wrdreg s20  }
0xd: {  	s21 =	sadd.s32 s7, s10;
	s22 =	sadd.s32 s16, s10;
	s23 =	sadd.s32 s7, s12  }
0xe: {  	s12 =	sadd.s32 s16, s12;
	s13 =	sadd.s32 s7, s14;
	s14 =	sadd.s32 s16, s14  }
0xf: {  	s20 =	smul.u32 $0x4E000, s11;
	s19 =	ssub.s32 s6, s9;
	[dreg:$0x5] =	wrdreg s21  }
0x10: {  	s8 =	sadd.s32 s15, s1;
	s5 =	sadd.s32 $0x18400, s5;
	[dreg:$0x6] =	wrdreg s22  }
0x11: {  	s6 =	sor.u32 $0x1C03, s17;
	[dreg:$0x7] =	wrdreg s23;
	s15 =	sshll.u32 s11, $0x9  }
0x12: {  	s17 =	smul.u32 $0x13800, s11;
	s21 =	simm.s32 $0x3;
	s22 =	simm.s32 $0x1000  }
0x13: {  	s23 =	simm.s32 $0x80;
	s18 =	sor.u32 $0x8000, s15;
	s25 =	sshrl.u32 s20, $0x2  }
0x14: {  	s19 =	smax.u32 s19, $0x1;
	s20 =	sshrl.u32 s8, $0x3;
	s15 =	sadd.s32 s7, s18  }
.Ltmp0:
0x15: {  	s24 =	sadd.s32 s17, s2;
	s16 =	sadd.s32 s16, s18;
	(pc) =	sbr.rel .LBB2_1-.Ltmp0, $4  }
0x16: {  	s2 =	sshrl.u32 s2, $0x3;
	s26 =	sadd.s32 s25, s1;
	s7 =	sshrl.u32 s24, $0x3  }
0x17: {  	s24 =	sshrl.u32 s26, $0x3;
	s17 =	sadd.s32 s0, s7;
	s0 =	sadd.s32 s0, s2  }
0x18: {  	s26 =	simm.s32 $0x2000;
	s18 =	sadd.s32 $0x27000, s0;
	s0 =	sadd.s32 $0x138000, s1  }
0x19: {  	s2 =	simm.s32 $0x1F80;
	s25 =	sshrl.u32 @!p1 s0, $0x3;
	s0 =	simm.s32 $0x1F00  }
.LBB2_13:
0x1a: {  	s8 =	sadd.s32 $0x80, s7;
	[sflag:s21] =	ssyncadd.s32 $0xFFFFC000  }
0x1b: {  	[tilespmem:s28], [sflag:$0x2] =	stream.indirect.gather [hbm4b:s4+s23], $0x80, s8, s23, $0xb8;
	[tilespmem:$0x1E000] =	vst v63  }
0x1c: {  	_ =	swait.ge [sflag:s29], $0x4000  }
0x1d: {  	[sflag:s29] =	ssyncset.done $0x0  }
0x1e: {  	s9 =	sadd.s32 $0x1000, s7;
	[sflag:s29] =	ssyncadd.s32 $0xFFFFC000  }
0x1f: {  	[spmem:s1] =	stream.indirect.scatter.add.f32 [tilespmem:s26], [sflag:$0x3], $0x80, s9, s23, $0xb8;
	[tilespmem:$0x1E000] =	vst v63  }
0x20: {  	_ =	swait.ge [sflag:s21], $0x4000  }
0x21: {  	[sflag:s21] =	ssyncset.done $0x0  }
0x22: {  	s10 =	sadd.s32 $0x100, s7;
	[sflag:s21] =	ssyncadd.s32 $0xFFFFC000  }
0x23: {  	[tilespmem:s26], [sflag:$0x1] =	stream.indirect.gather [hbm4b:s4+s23], $0x80, s10, s23, $0xb8;
	[tilespmem:$0x1E000] =	vst v63  }
0x24: {  	_ =	swait.ge [sflag:s30], $0x4000  }
0x25: {  	[sflag:s30] =	ssyncset.done $0x0  }
0x26: {  	s11 =	sadd.s32 $0x1080, s7;
	[sflag:s30] =	ssyncadd.s32 $0xFFFFC000  }
0x27: {  	[spmem:s1] =	stream.indirect.scatter.add.f32 [tilespmem:s28], [sflag:$0x3], $0x80, s11, s23, $0xb8;
	[tilespmem:$0x1E000] =	vst v63  }
0x28: {  	_ =	swait.ge [sflag:s21], $0x4000  }
0x29: {  	[sflag:s21] =	ssyncset.done $0x0  }
0x2a: {  	[sflag:s21] =	ssyncadd.s32 $0xFFFFC000  }
.LBB2_14:
0x2b: {  	[tilespmem:s28], [sflag:$0x2] =	stream.indirect.gather [hbm4b:s4+s23], $0x80, s31, s23, $0xb8;
	[tilespmem:$0x1E000] =	vst v63  }
0x2c: {  	_ =	swait.ge [sflag:s29], $0x4000  }
0x2d: {  	[sflag:s29] =	ssyncset.done $0x0  }
0x2e: {  	[sflag:s29] =	ssyncadd.s32 $0xFFFFC000  }
0x2f: {  	[spmem:s1] =	stream.indirect.scatter.add.f32 [tilespmem:s26], [sflag:$0x3], $0x80, s0, s23, $0xb8;
	[tilespmem:$0x1E000] =	vst v63  }
0x30: {  	_ =	swait.ge [sflag:s21], $0x4000  }
0x31: {  	[sflag:s21] =	ssyncset.done $0x0  }
0x32: {  	[sflag:s21] =	ssyncadd.s32 $0xFFFFC000  }
0x33: {  	_ =	swait.ge [sflag:s30], $0x4000  }
0x34: {  	[sflag:s30] =	ssyncset.done $0x0  }
0x35: {  	[sflag:s30] =	ssyncadd.s32 $0xFFFFC000  }
0x36: {  	[spmem:s1] =	stream.indirect.scatter.add.f32 [tilespmem:s28], [sflag:$0x3], $0x80, s2, s23, $0xb8;
	[tilespmem:$0x1E000] =	vst v63  }
0x37: {  	_ =	swait.ge [sflag:s21], $0x4000  }
0x38: {  	[sflag:s21] =	ssyncset.done $0x0  }
0x39: {  	[sflag:s21] =	ssyncadd.s32 $0xFFFFC000  }
0x3a: {  	[bflag:$0x0] =	sbarrier.arrive $0xFFFF  }
0x3b: {  	[hbm:s17], [sflag:s6] =	dma.local [spmem:s24], $0x2700  }
0x3c: {  	s3 =	sadd.s32 $0x1, s3;
	_ =	swait.ge [sflag:s21], $0x2700  }
0x3d: {  	p2 =	sne.s32 s3, s19;
	[sflag:s21] =	ssyncset.done $0x0  }
.Ltmp1:
0x3e: {  	s7 =	simm.s32 @!p1 $0x3;
	[sflag:s21] =	ssyncadd.s32 $0xFFFFD900;
	(pc) =	sbr.rel @!p2 .LBB2_15-.Ltmp1, $4  }
0x3f: {  	[hbm:s18], [sflag:s6] =	dma.local @!p1 [spmem:s25], $0x100  }
0x40: {  	_ =	swait.ge @!p1 [sflag:s7], $0x100  }
0x41: {  	[sflag:s7] =	ssyncset.done @!p1 $0x0  }
0x42: {  	[sflag:s7] =	ssyncadd.s32 @!p1 $0xFFFFFF00  }
.LBB2_1:
0x43: {  	[spmem:s20], [sflag:s6] =	dma.local [hbm:s5], $0x2800  }
.Ltmp2:
0x44: {  	_ =	swait.ge [sflag:s21], $0x2800;
	(pc) =	sbr.rel @!p0 .LBB2_2-.Ltmp2, $4  }
0x45: {  	[sflag:s21] =	ssyncset.done $0x0  }
0x46: {  	[sflag:s21] =	ssyncadd.s32 $0xFFFFD800  }
0x47: {  	[bflag:$0x0] =	sbarrier.arrive $0xFFFF  }
0x48: {  	s7 =	simm.s32 $0x0  }
0x49: {  	[tilespmem:s7], [sflag:$0x3] =	stream.linear.gather [hbm4b:s15+s7], $0x1000, $0x38;
	[tilespmem:$0x1E000] =	vst v63  }
0x4a: {  	_ =	swait.ge [sflag:s21], $0x1000  }
0x4b: {  	[sflag:s21] =	ssyncset.done $0x0  }
0x4c: {  	[sflag:s21] =	ssyncadd.s32 $0xFFFFF000  }
0x4d: {  	[tilespmem:s22], [sflag:$0x3] =	stream.linear.gather [hbm4b:s16+s7], $0x1000, $0x38;
	[tilespmem:$0x1E000] =	vst v63  }
0x4e: {  	_ =	swait.ge [sflag:s21], $0x1000  }
0x4f: {  	[sflag:s21] =	ssyncset.done $0x0  }
0x50: {  	[sflag:s21] =	ssyncadd.s32 $0xFFFFF000  }
0x51: {  	[tilespmem:s26], [sflag:$0x1] =	stream.indirect.gather [hbm4b:s4+s23], $0x80, s7, s23, $0xb8;
	[tilespmem:$0x1E000] =	vst v63  }
0x52: {  	s8 =	simm.s32 $0x80  }
0x53: {  	[tilespmem:s28], [sflag:$0x2] =	stream.indirect.gather [hbm4b:s4+s23], $0x80, s8, s23, $0xb8;
	[tilespmem:$0x1E000] =	vst v63  }
0x54: {  	_ =	swait.ge [sflag:s29], $0x4000  }
0x55: {  	[sflag:s29] =	ssyncset.done $0x0  }
0x56: {  	s9 =	simm.s32 $0x1000;
	[sflag:s29] =	ssyncadd.s32 $0xFFFFC000  }
0x57: {  	[spmem:s1] =	stream.indirect.scatter.add.f32 [tilespmem:s26], [sflag:$0x3], $0x80, s9, s23, $0xb8;
	[tilespmem:$0x1E000] =	vst v63  }
0x58: {  	_ =	swait.ge [sflag:s21], $0x4000  }
0x59: {  	[sflag:s21] =	ssyncset.done $0x0  }
0x5a: {  	s10 =	simm.s32 $0x100;
	[sflag:s21] =	ssyncadd.s32 $0xFFFFC000  }
0x5b: {  	[tilespmem:s26], [sflag:$0x1] =	stream.indirect.gather [hbm4b:s4+s23], $0x80, s10, s23, $0xb8;
	[tilespmem:$0x1E000] =	vst v63  }
0x5c: {  	_ =	swait.ge [sflag:s30], $0x4000  }
0x5d: {  	[sflag:s30] =	ssyncset.done $0x0  }
0x5e: {  	s11 =	simm.s32 $0x1080;
	[sflag:s30] =	ssyncadd.s32 $0xFFFFC000  }
0x5f: {  	[spmem:s1] =	stream.indirect.scatter.add.f32 [tilespmem:s28], [sflag:$0x3], $0x80, s11, s23, $0xb8;
	[tilespmem:$0x1E000] =	vst v63  }
0x60: {  	_ =	swait.ge [sflag:s21], $0x4000  }
0x61: {  	s7 =	simm.s32 $0x100;
	s8 =	simm.s32 $0x800;
	[sflag:s21] =	ssyncset.done $0x0  }
.LBB2_12:
0x62: {  	s9 =	sadd.s32 $0x80, s7  }
0x63: {  	[sflag:s21] =	ssyncadd.s32 $0xFFFFC000;
	s10 =	smov.u32 s8;
	s11 =	sadd.s32 $0x400, s8  }
0x64: {  	[tilespmem:s28], [sflag:$0x2] =	stream.indirect.gather [hbm4b:s4+s23], $0x80, s9, s23, $0xb8;
	[tilespmem:$0x1E000] =	vst v63  }
0x65: {  	p2 =	sne.s32 s8, $0x3800;
	_ =	swait.ge [sflag:s29], $0x4000  }
0x66: {  	[sflag:s29] =	ssyncset.done $0x0  }
0x67: {  	s8 =	sadd.s32 $0x1000, s7;
	[sflag:s29] =	ssyncadd.s32 $0xFFFFC000  }
0x68: {  	[spmem:s1] =	stream.indirect.scatter.add.f32 [tilespmem:s26], [sflag:$0x3], $0x80, s8, s23, $0xb8;
	[tilespmem:$0x1E000] =	vst v63  }
0x69: {  	_ =	swait.ge [sflag:s21], $0x4000  }
0x6a: {  	[sflag:s21] =	ssyncset.done $0x0  }
0x6b: {  	s8 =	sadd.s32 $0x100, s7;
	[sflag:s21] =	ssyncadd.s32 $0xFFFFC000  }
0x6c: {  	[tilespmem:s26], [sflag:$0x1] =	stream.indirect.gather [hbm4b:s4+s23], $0x80, s8, s23, $0xb8;
	[tilespmem:$0x1E000] =	vst v63  }
0x6d: {  	_ =	swait.ge [sflag:s30], $0x4000  }
.Ltmp3:
0x6e: {  	[sflag:s30] =	ssyncset.done $0x0;
	(pc) =	sbr.rel @p2 .LBB2_12-.Ltmp3, $4  }
0x6f: {  	s7 =	sadd.s32 $0x1080, s7;
	[sflag:s30] =	ssyncadd.s32 $0xFFFFC000  }
0x70: {  	[spmem:s1] =	stream.indirect.scatter.add.f32 [tilespmem:s28], [sflag:$0x3], $0x80, s7, s23, $0xb8;
	[tilespmem:$0x1E000] =	vst v63  }
0x71: {  	_ =	swait.ge [sflag:s21], $0x4000  }
0x72: {  	s8 =	smov.u32 s11;
	s7 =	sshra.s32 s10, $0x2;
	[sflag:s21] =	ssyncset.done $0x0  }
.Ltmp4:
0x73: {  	_ = 	snop;
	(pc) =	sbr.rel .LBB2_13-.Ltmp4, $1  }
0x74: {  	_ =	sdelay $0x3  }
.LBB2_2:
0x75: {  	s8 =	rddreg [dreg:$0x3]  }
0x76: {  	[tilespmem:s7], [sflag:$0x3] =	stream.linear.gather [hbm4b:s8+s7], $0x1000, $0x38;
	[tilespmem:$0x1E000] =	vst v63  }
0x77: {  	_ =	swait.ge [sflag:s21], $0x1000  }
0x78: {  	[sflag:s21] =	ssyncset.done $0x0  }
0x79: {  	s11 =	rddreg [dreg:$0x4];
	[sflag:s21] =	ssyncadd.s32 $0xFFFFF000  }
0x7a: {  	[tilespmem:s22], [sflag:$0x3] =	stream.linear.gather [hbm4b:s11+s7], $0x1000, $0x38;
	[tilespmem:$0x1E000] =	vst v63  }
0x7b: {  	_ =	swait.ge [sflag:s21], $0x1000  }
0x7c: {  	[sflag:s21] =	ssyncset.done $0x0  }
0x7d: {  	[sflag:s21] =	ssyncadd.s32 $0xFFFFF000  }
0x7e: {  	[tilespmem:s26], [sflag:$0x1] =	stream.indirect.gather [hbm4b:s4+s23], $0x80, s7, s23, $0xb8;
	[tilespmem:$0x1E000] =	vst v63  }
0x7f: {  	s8 =	simm.s32 $0x80  }
0x80: {  	[tilespmem:s28], [sflag:$0x2] =	stream.indirect.gather [hbm4b:s4+s23], $0x80, s8, s23, $0xb8;
	[tilespmem:$0x1E000] =	vst v63  }
0x81: {  	_ =	swait.ge [sflag:s29], $0x4000  }
0x82: {  	[sflag:s29] =	ssyncset.done $0x0  }
0x83: {  	s9 =	simm.s32 $0x1000;
	[sflag:s29] =	ssyncadd.s32 $0xFFFFC000  }
0x84: {  	[spmem:s1] =	stream.indirect.scatter.add.f32 [tilespmem:s26], [sflag:$0x3], $0x80, s9, s23, $0xb8;
	[tilespmem:$0x1E000] =	vst v63  }
0x85: {  	_ =	swait.ge [sflag:s21], $0x4000  }
0x86: {  	[sflag:s21] =	ssyncset.done $0x0  }
0x87: {  	s10 =	simm.s32 $0x100;
	[sflag:s21] =	ssyncadd.s32 $0xFFFFC000  }
0x88: {  	[tilespmem:s26], [sflag:$0x1] =	stream.indirect.gather [hbm4b:s4+s23], $0x80, s10, s23, $0xb8;
	[tilespmem:$0x1E000] =	vst v63  }
0x89: {  	_ =	swait.ge [sflag:s30], $0x4000  }
0x8a: {  	[sflag:s30] =	ssyncset.done $0x0  }
0x8b: {  	s11 =	simm.s32 $0x1080;
	[sflag:s30] =	ssyncadd.s32 $0xFFFFC000  }
0x8c: {  	[spmem:s1] =	stream.indirect.scatter.add.f32 [tilespmem:s28], [sflag:$0x3], $0x80, s11, s23, $0xb8;
	[tilespmem:$0x1E000] =	vst v63  }
0x8d: {  	_ =	swait.ge [sflag:s21], $0x4000  }
0x8e: {  	s7 =	simm.s32 $0x100;
	s8 =	simm.s32 $0x800;
	[sflag:s21] =	ssyncset.done $0x0  }
.LBB2_3:
0x8f: {  	s9 =	sadd.s32 $0x80, s7  }
0x90: {  	[sflag:s21] =	ssyncadd.s32 $0xFFFFC000;
	s10 =	smov.u32 s8;
	s11 =	sadd.s32 $0x400, s8  }
0x91: {  	[tilespmem:s28], [sflag:$0x2] =	stream.indirect.gather [hbm4b:s4+s23], $0x80, s9, s23, $0xb8;
	[tilespmem:$0x1E000] =	vst v63  }
0x92: {  	p2 =	sne.s32 s8, $0x3800;
	_ =	swait.ge [sflag:s29], $0x4000  }
0x93: {  	[sflag:s29] =	ssyncset.done $0x0  }
0x94: {  	s8 =	sadd.s32 $0x1000, s7;
	[sflag:s29] =	ssyncadd.s32 $0xFFFFC000  }
0x95: {  	[spmem:s1] =	stream.indirect.scatter.add.f32 [tilespmem:s26], [sflag:$0x3], $0x80, s8, s23, $0xb8;
	[tilespmem:$0x1E000] =	vst v63  }
0x96: {  	_ =	swait.ge [sflag:s21], $0x4000  }
0x97: {  	[sflag:s21] =	ssyncset.done $0x0  }
0x98: {  	s8 =	sadd.s32 $0x100, s7;
	[sflag:s21] =	ssyncadd.s32 $0xFFFFC000  }
0x99: {  	[tilespmem:s26], [sflag:$0x1] =	stream.indirect.gather [hbm4b:s4+s23], $0x80, s8, s23, $0xb8;
	[tilespmem:$0x1E000] =	vst v63  }
0x9a: {  	_ =	swait.ge [sflag:s30], $0x4000  }
.Ltmp5:
0x9b: {  	[sflag:s30] =	ssyncset.done $0x0;
	(pc) =	sbr.rel @p2 .LBB2_3-.Ltmp5, $4  }
0x9c: {  	s7 =	sadd.s32 $0x1080, s7;
	[sflag:s30] =	ssyncadd.s32 $0xFFFFC000  }
0x9d: {  	[spmem:s1] =	stream.indirect.scatter.add.f32 [tilespmem:s28], [sflag:$0x3], $0x80, s7, s23, $0xb8;
	[tilespmem:$0x1E000] =	vst v63  }
0x9e: {  	_ =	swait.ge [sflag:s21], $0x4000  }
0x9f: {  	s8 =	smov.u32 s11;
	s7 =	sshra.s32 s10, $0x2;
	[sflag:s21] =	ssyncset.done $0x0  }
0xa0: {  	s8 =	sadd.s32 $0x80, s7;
	[sflag:s21] =	ssyncadd.s32 $0xFFFFC000  }
0xa1: {  	[tilespmem:s28], [sflag:$0x2] =	stream.indirect.gather [hbm4b:s4+s23], $0x80, s8, s23, $0xb8;
	[tilespmem:$0x1E000] =	vst v63  }
0xa2: {  	_ =	swait.ge [sflag:s29], $0x4000  }
0xa3: {  	[sflag:s29] =	ssyncset.done $0x0  }
0xa4: {  	s10 =	sadd.s32 $0x1000, s7;
	[sflag:s29] =	ssyncadd.s32 $0xFFFFC000  }
0xa5: {  	[spmem:s1] =	stream.indirect.scatter.add.f32 [tilespmem:s26], [sflag:$0x3], $0x80, s10, s23, $0xb8;
	[tilespmem:$0x1E000] =	vst v63  }
0xa6: {  	_ =	swait.ge [sflag:s21], $0x4000  }
0xa7: {  	[sflag:s21] =	ssyncset.done $0x0  }
0xa8: {  	s11 =	sadd.s32 $0x100, s7;
	[sflag:s21] =	ssyncadd.s32 $0xFFFFC000  }
0xa9: {  	[tilespmem:s26], [sflag:$0x1] =	stream.indirect.gather [hbm4b:s4+s23], $0x80, s11, s23, $0xb8;
	[tilespmem:$0x1E000] =	vst v63  }
0xaa: {  	_ =	swait.ge [sflag:s30], $0x4000  }
0xab: {  	[sflag:s30] =	ssyncset.done $0x0  }
0xac: {  	s8 =	sadd.s32 $0x1080, s7;
	[sflag:s30] =	ssyncadd.s32 $0xFFFFC000  }
0xad: {  	[spmem:s1] =	stream.indirect.scatter.add.f32 [tilespmem:s28], [sflag:$0x3], $0x80, s8, s23, $0xb8;
	[tilespmem:$0x1E000] =	vst v63  }
0xae: {  	_ =	swait.ge [sflag:s21], $0x4000  }
0xaf: {  	[sflag:s21] =	ssyncset.done $0x0  }
0xb0: {  	[sflag:s21] =	ssyncadd.s32 $0xFFFFC000  }
0xb1: {  	[tilespmem:s28], [sflag:$0x2] =	stream.indirect.gather [hbm4b:s4+s23], $0x80, s31, s23, $0xb8;
	[tilespmem:$0x1E000] =	vst v63  }
0xb2: {  	_ =	swait.ge [sflag:s29], $0x4000  }
0xb3: {  	[sflag:s29] =	ssyncset.done $0x0  }
0xb4: {  	[sflag:s29] =	ssyncadd.s32 $0xFFFFC000  }
0xb5: {  	[spmem:s1] =	stream.indirect.scatter.add.f32 [tilespmem:s26], [sflag:$0x3], $0x80, s0, s23, $0xb8;
	[tilespmem:$0x1E000] =	vst v63  }
0xb6: {  	_ =	swait.ge [sflag:s21], $0x4000  }
0xb7: {  	[sflag:s21] =	ssyncset.done $0x0  }
0xb8: {  	[sflag:s21] =	ssyncadd.s32 $0xFFFFC000  }
0xb9: {  	_ =	swait.ge [sflag:s30], $0x4000  }
0xba: {  	[sflag:s30] =	ssyncset.done $0x0  }
0xbb: {  	[sflag:s30] =	ssyncadd.s32 $0xFFFFC000  }
0xbc: {  	[spmem:s1] =	stream.indirect.scatter.add.f32 [tilespmem:s28], [sflag:$0x3], $0x80, s2, s23, $0xb8;
	[tilespmem:$0x1E000] =	vst v63  }
0xbd: {  	_ =	swait.ge [sflag:s21], $0x4000  }
0xbe: {  	[sflag:s21] =	ssyncset.done $0x0  }
0xbf: {  	s9 =	simm.s32 $0x0;
	s10 =	rddreg [dreg:$0x5];
	[sflag:s21] =	ssyncadd.s32 $0xFFFFC000  }
0xc0: {  	[tilespmem:s9], [sflag:$0x3] =	stream.linear.gather [hbm4b:s10+s9], $0x1000, $0x38;
	[tilespmem:$0x1E000] =	vst v63  }
0xc1: {  	_ =	swait.ge [sflag:s21], $0x1000  }
0xc2: {  	[sflag:s21] =	ssyncset.done $0x0  }
0xc3: {  	s11 =	rddreg [dreg:$0x6];
	[sflag:s21] =	ssyncadd.s32 $0xFFFFF000  }
0xc4: {  	[tilespmem:s22], [sflag:$0x3] =	stream.linear.gather [hbm4b:s11+s9], $0x1000, $0x38;
	[tilespmem:$0x1E000] =	vst v63  }
0xc5: {  	_ =	swait.ge [sflag:s21], $0x1000  }
0xc6: {  	[sflag:s21] =	ssyncset.done $0x0  }
0xc7: {  	[sflag:s21] =	ssyncadd.s32 $0xFFFFF000  }
0xc8: {  	[tilespmem:s26], [sflag:$0x1] =	stream.indirect.gather [hbm4b:s4+s23], $0x80, s9, s23, $0xb8;
	[tilespmem:$0x1E000] =	vst v63  }
0xc9: {  	s8 =	simm.s32 $0x80  }
0xca: {  	[tilespmem:s28], [sflag:$0x2] =	stream.indirect.gather [hbm4b:s4+s23], $0x80, s8, s23, $0xb8;
	[tilespmem:$0x1E000] =	vst v63  }
0xcb: {  	_ =	swait.ge [sflag:s29], $0x4000  }
0xcc: {  	[sflag:s29] =	ssyncset.done $0x0  }
0xcd: {  	s9 =	simm.s32 $0x1000;
	[sflag:s29] =	ssyncadd.s32 $0xFFFFC000  }
0xce: {  	[spmem:s1] =	stream.indirect.scatter.add.f32 [tilespmem:s26], [sflag:$0x3], $0x80, s9, s23, $0xb8;
	[tilespmem:$0x1E000] =	vst v63  }
0xcf: {  	_ =	swait.ge [sflag:s21], $0x4000  }
0xd0: {  	[sflag:s21] =	ssyncset.done $0x0  }
0xd1: {  	s10 =	simm.s32 $0x100;
	[sflag:s21] =	ssyncadd.s32 $0xFFFFC000  }
0xd2: {  	[tilespmem:s26], [sflag:$0x1] =	stream.indirect.gather [hbm4b:s4+s23], $0x80, s10, s23, $0xb8;
	[tilespmem:$0x1E000] =	vst v63  }
0xd3: {  	_ =	swait.ge [sflag:s30], $0x4000  }
0xd4: {  	[sflag:s30] =	ssyncset.done $0x0  }
0xd5: {  	s11 =	simm.s32 $0x1080;
	[sflag:s30] =	ssyncadd.s32 $0xFFFFC000  }
0xd6: {  	[spmem:s1] =	stream.indirect.scatter.add.f32 [tilespmem:s28], [sflag:$0x3], $0x80, s11, s23, $0xb8;
	[tilespmem:$0x1E000] =	vst v63  }
0xd7: {  	_ =	swait.ge [sflag:s21], $0x4000  }
0xd8: {  	s7 =	simm.s32 $0x100;
	s8 =	simm.s32 $0x800;
	[sflag:s21] =	ssyncset.done $0x0  }
.LBB2_5:
0xd9: {  	s9 =	sadd.s32 $0x80, s7  }
0xda: {  	[sflag:s21] =	ssyncadd.s32 $0xFFFFC000;
	s10 =	smov.u32 s8;
	s11 =	sadd.s32 $0x400, s8  }
0xdb: {  	[tilespmem:s28], [sflag:$0x2] =	stream.indirect.gather [hbm4b:s4+s23], $0x80, s9, s23, $0xb8;
	[tilespmem:$0x1E000] =	vst v63  }
0xdc: {  	p2 =	sne.s32 s8, $0x3800;
	_ =	swait.ge [sflag:s29], $0x4000  }
0xdd: {  	[sflag:s29] =	ssyncset.done $0x0  }
0xde: {  	s8 =	sadd.s32 $0x1000, s7;
	[sflag:s29] =	ssyncadd.s32 $0xFFFFC000  }
0xdf: {  	[spmem:s1] =	stream.indirect.scatter.add.f32 [tilespmem:s26], [sflag:$0x3], $0x80, s8, s23, $0xb8;
	[tilespmem:$0x1E000] =	vst v63  }
0xe0: {  	_ =	swait.ge [sflag:s21], $0x4000  }
0xe1: {  	[sflag:s21] =	ssyncset.done $0x0  }
0xe2: {  	s8 =	sadd.s32 $0x100, s7;
	[sflag:s21] =	ssyncadd.s32 $0xFFFFC000  }
0xe3: {  	[tilespmem:s26], [sflag:$0x1] =	stream.indirect.gather [hbm4b:s4+s23], $0x80, s8, s23, $0xb8;
	[tilespmem:$0x1E000] =	vst v63  }
0xe4: {  	_ =	swait.ge [sflag:s30], $0x4000  }
.Ltmp6:
0xe5: {  	[sflag:s30] =	ssyncset.done $0x0;
	(pc) =	sbr.rel @p2 .LBB2_5-.Ltmp6, $4  }
0xe6: {  	s7 =	sadd.s32 $0x1080, s7;
	[sflag:s30] =	ssyncadd.s32 $0xFFFFC000  }
0xe7: {  	[spmem:s1] =	stream.indirect.scatter.add.f32 [tilespmem:s28], [sflag:$0x3], $0x80, s7, s23, $0xb8;
	[tilespmem:$0x1E000] =	vst v63  }
0xe8: {  	_ =	swait.ge [sflag:s21], $0x4000  }
0xe9: {  	s8 =	smov.u32 s11;
	s7 =	sshra.s32 s10, $0x2;
	[sflag:s21] =	ssyncset.done $0x0  }
0xea: {  	s8 =	sadd.s32 $0x80, s7;
	[sflag:s21] =	ssyncadd.s32 $0xFFFFC000  }
0xeb: {  	[tilespmem:s28], [sflag:$0x2] =	stream.indirect.gather [hbm4b:s4+s23], $0x80, s8, s23, $0xb8;
	[tilespmem:$0x1E000] =	vst v63  }
0xec: {  	_ =	swait.ge [sflag:s29], $0x4000  }
0xed: {  	[sflag:s29] =	ssyncset.done $0x0  }
0xee: {  	s10 =	sadd.s32 $0x1000, s7;
	[sflag:s29] =	ssyncadd.s32 $0xFFFFC000  }
0xef: {  	[spmem:s1] =	stream.indirect.scatter.add.f32 [tilespmem:s26], [sflag:$0x3], $0x80, s10, s23, $0xb8;
	[tilespmem:$0x1E000] =	vst v63  }
0xf0: {  	_ =	swait.ge [sflag:s21], $0x4000  }
0xf1: {  	[sflag:s21] =	ssyncset.done $0x0  }
0xf2: {  	s11 =	sadd.s32 $0x100, s7;
	[sflag:s21] =	ssyncadd.s32 $0xFFFFC000  }
0xf3: {  	[tilespmem:s26], [sflag:$0x1] =	stream.indirect.gather [hbm4b:s4+s23], $0x80, s11, s23, $0xb8;
	[tilespmem:$0x1E000] =	vst v63  }
0xf4: {  	_ =	swait.ge [sflag:s30], $0x4000  }
0xf5: {  	[sflag:s30] =	ssyncset.done $0x0  }
0xf6: {  	s9 =	sadd.s32 $0x1080, s7;
	[sflag:s30] =	ssyncadd.s32 $0xFFFFC000  }
0xf7: {  	[spmem:s1] =	stream.indirect.scatter.add.f32 [tilespmem:s28], [sflag:$0x3], $0x80, s9, s23, $0xb8;
	[tilespmem:$0x1E000] =	vst v63  }
0xf8: {  	_ =	swait.ge [sflag:s21], $0x4000  }
0xf9: {  	[sflag:s21] =	ssyncset.done $0x0  }
0xfa: {  	[sflag:s21] =	ssyncadd.s32 $0xFFFFC000  }
0xfb: {  	[tilespmem:s28], [sflag:$0x2] =	stream.indirect.gather [hbm4b:s4+s23], $0x80, s31, s23, $0xb8;
	[tilespmem:$0x1E000] =	vst v63  }
0xfc: {  	_ =	swait.ge [sflag:s29], $0x4000  }
0xfd: {  	[sflag:s29] =	ssyncset.done $0x0  }
0xfe: {  	[sflag:s29] =	ssyncadd.s32 $0xFFFFC000  }
0xff: {  	[spmem:s1] =	stream.indirect.scatter.add.f32 [tilespmem:s26], [sflag:$0x3], $0x80, s0, s23, $0xb8;
	[tilespmem:$0x1E000] =	vst v63  }
0x100: {  	_ =	swait.ge [sflag:s21], $0x4000  }
0x101: {  	[sflag:s21] =	ssyncset.done $0x0  }
0x102: {  	[sflag:s21] =	ssyncadd.s32 $0xFFFFC000  }
0x103: {  	_ =	swait.ge [sflag:s30], $0x4000  }
0x104: {  	[sflag:s30] =	ssyncset.done $0x0  }
0x105: {  	[sflag:s30] =	ssyncadd.s32 $0xFFFFC000  }
0x106: {  	[spmem:s1] =	stream.indirect.scatter.add.f32 [tilespmem:s28], [sflag:$0x3], $0x80, s2, s23, $0xb8;
	[tilespmem:$0x1E000] =	vst v63  }
0x107: {  	_ =	swait.ge [sflag:s21], $0x4000  }
0x108: {  	[sflag:s21] =	ssyncset.done $0x0  }
0x109: {  	s10 =	simm.s32 $0x0;
	s11 =	rddreg [dreg:$0x7];
	[sflag:s21] =	ssyncadd.s32 $0xFFFFC000  }
0x10a: {  	[tilespmem:s10], [sflag:$0x3] =	stream.linear.gather [hbm4b:s11+s10], $0x1000, $0x38;
	[tilespmem:$0x1E000] =	vst v63  }
0x10b: {  	_ =	swait.ge [sflag:s21], $0x1000  }
0x10c: {  	[sflag:s21] =	ssyncset.done $0x0  }
0x10d: {  	[sflag:s21] =	ssyncadd.s32 $0xFFFFF000  }
0x10e: {  	[tilespmem:s22], [sflag:$0x3] =	stream.linear.gather [hbm4b:s12+s10], $0x1000, $0x38;
	[tilespmem:$0x1E000] =	vst v63  }
0x10f: {  	_ =	swait.ge [sflag:s21], $0x1000  }
0x110: {  	[sflag:s21] =	ssyncset.done $0x0  }
0x111: {  	[sflag:s21] =	ssyncadd.s32 $0xFFFFF000  }
0x112: {  	[tilespmem:s26], [sflag:$0x1] =	stream.indirect.gather [hbm4b:s4+s23], $0x80, s10, s23, $0xb8;
	[tilespmem:$0x1E000] =	vst v63  }
0x113: {  	s8 =	simm.s32 $0x80  }
0x114: {  	[tilespmem:s28], [sflag:$0x2] =	stream.indirect.gather [hbm4b:s4+s23], $0x80, s8, s23, $0xb8;
	[tilespmem:$0x1E000] =	vst v63  }
0x115: {  	_ =	swait.ge [sflag:s29], $0x4000  }
0x116: {  	[sflag:s29] =	ssyncset.done $0x0  }
0x117: {  	s9 =	simm.s32 $0x1000;
	[sflag:s29] =	ssyncadd.s32 $0xFFFFC000  }
0x118: {  	[spmem:s1] =	stream.indirect.scatter.add.f32 [tilespmem:s26], [sflag:$0x3], $0x80, s9, s23, $0xb8;
	[tilespmem:$0x1E000] =	vst v63  }
0x119: {  	_ =	swait.ge [sflag:s21], $0x4000  }
0x11a: {  	[sflag:s21] =	ssyncset.done $0x0  }
0x11b: {  	s10 =	simm.s32 $0x100;
	[sflag:s21] =	ssyncadd.s32 $0xFFFFC000  }
0x11c: {  	[tilespmem:s26], [sflag:$0x1] =	stream.indirect.gather [hbm4b:s4+s23], $0x80, s10, s23, $0xb8;
	[tilespmem:$0x1E000] =	vst v63  }
0x11d: {  	_ =	swait.ge [sflag:s30], $0x4000  }
0x11e: {  	[sflag:s30] =	ssyncset.done $0x0  }
0x11f: {  	s11 =	simm.s32 $0x1080;
	[sflag:s30] =	ssyncadd.s32 $0xFFFFC000  }
0x120: {  	[spmem:s1] =	stream.indirect.scatter.add.f32 [tilespmem:s28], [sflag:$0x3], $0x80, s11, s23, $0xb8;
	[tilespmem:$0x1E000] =	vst v63  }
0x121: {  	_ =	swait.ge [sflag:s21], $0x4000  }
0x122: {  	s7 =	simm.s32 $0x100;
	s8 =	simm.s32 $0x800;
	[sflag:s21] =	ssyncset.done $0x0  }
.LBB2_7:
0x123: {  	s9 =	sadd.s32 $0x80, s7  }
0x124: {  	[sflag:s21] =	ssyncadd.s32 $0xFFFFC000;
	s10 =	smov.u32 s8;
	s11 =	sadd.s32 $0x400, s8  }
0x125: {  	[tilespmem:s28], [sflag:$0x2] =	stream.indirect.gather [hbm4b:s4+s23], $0x80, s9, s23, $0xb8;
	[tilespmem:$0x1E000] =	vst v63  }
0x126: {  	p2 =	sne.s32 s8, $0x3800;
	_ =	swait.ge [sflag:s29], $0x4000  }
0x127: {  	[sflag:s29] =	ssyncset.done $0x0  }
0x128: {  	s8 =	sadd.s32 $0x1000, s7;
	[sflag:s29] =	ssyncadd.s32 $0xFFFFC000  }
0x129: {  	[spmem:s1] =	stream.indirect.scatter.add.f32 [tilespmem:s26], [sflag:$0x3], $0x80, s8, s23, $0xb8;
	[tilespmem:$0x1E000] =	vst v63  }
0x12a: {  	_ =	swait.ge [sflag:s21], $0x4000  }
0x12b: {  	[sflag:s21] =	ssyncset.done $0x0  }
0x12c: {  	s8 =	sadd.s32 $0x100, s7;
	[sflag:s21] =	ssyncadd.s32 $0xFFFFC000  }
0x12d: {  	[tilespmem:s26], [sflag:$0x1] =	stream.indirect.gather [hbm4b:s4+s23], $0x80, s8, s23, $0xb8;
	[tilespmem:$0x1E000] =	vst v63  }
0x12e: {  	_ =	swait.ge [sflag:s30], $0x4000  }
.Ltmp7:
0x12f: {  	[sflag:s30] =	ssyncset.done $0x0;
	(pc) =	sbr.rel @p2 .LBB2_7-.Ltmp7, $4  }
0x130: {  	s7 =	sadd.s32 $0x1080, s7;
	[sflag:s30] =	ssyncadd.s32 $0xFFFFC000  }
0x131: {  	[spmem:s1] =	stream.indirect.scatter.add.f32 [tilespmem:s28], [sflag:$0x3], $0x80, s7, s23, $0xb8;
	[tilespmem:$0x1E000] =	vst v63  }
0x132: {  	_ =	swait.ge [sflag:s21], $0x4000  }
0x133: {  	s8 =	smov.u32 s11;
	s7 =	sshra.s32 s10, $0x2;
	[sflag:s21] =	ssyncset.done $0x0  }
0x134: {  	s8 =	sadd.s32 $0x80, s7;
	[sflag:s21] =	ssyncadd.s32 $0xFFFFC000  }
0x135: {  	[tilespmem:s28], [sflag:$0x2] =	stream.indirect.gather [hbm4b:s4+s23], $0x80, s8, s23, $0xb8;
	[tilespmem:$0x1E000] =	vst v63  }
0x136: {  	_ =	swait.ge [sflag:s29], $0x4000  }
0x137: {  	[sflag:s29] =	ssyncset.done $0x0  }
0x138: {  	s11 =	sadd.s32 $0x1000, s7;
	[sflag:s29] =	ssyncadd.s32 $0xFFFFC000  }
0x139: {  	[spmem:s1] =	stream.indirect.scatter.add.f32 [tilespmem:s26], [sflag:$0x3], $0x80, s11, s23, $0xb8;
	[tilespmem:$0x1E000] =	vst v63  }
0x13a: {  	_ =	swait.ge [sflag:s21], $0x4000  }
0x13b: {  	[sflag:s21] =	ssyncset.done $0x0  }
0x13c: {  	s9 =	sadd.s32 $0x100, s7;
	[sflag:s21] =	ssyncadd.s32 $0xFFFFC000  }
0x13d: {  	[tilespmem:s26], [sflag:$0x1] =	stream.indirect.gather [hbm4b:s4+s23], $0x80, s9, s23, $0xb8;
	[tilespmem:$0x1E000] =	vst v63  }
0x13e: {  	_ =	swait.ge [sflag:s30], $0x4000  }
0x13f: {  	[sflag:s30] =	ssyncset.done $0x0  }
0x140: {  	s10 =	sadd.s32 $0x1080, s7;
	[sflag:s30] =	ssyncadd.s32 $0xFFFFC000  }
0x141: {  	[spmem:s1] =	stream.indirect.scatter.add.f32 [tilespmem:s28], [sflag:$0x3], $0x80, s10, s23, $0xb8;
	[tilespmem:$0x1E000] =	vst v63  }
0x142: {  	_ =	swait.ge [sflag:s21], $0x4000  }
0x143: {  	[sflag:s21] =	ssyncset.done $0x0  }
0x144: {  	[sflag:s21] =	ssyncadd.s32 $0xFFFFC000  }
0x145: {  	[tilespmem:s28], [sflag:$0x2] =	stream.indirect.gather [hbm4b:s4+s23], $0x80, s31, s23, $0xb8;
	[tilespmem:$0x1E000] =	vst v63  }
0x146: {  	_ =	swait.ge [sflag:s29], $0x4000  }
0x147: {  	[sflag:s29] =	ssyncset.done $0x0  }
0x148: {  	[sflag:s29] =	ssyncadd.s32 $0xFFFFC000  }
0x149: {  	[spmem:s1] =	stream.indirect.scatter.add.f32 [tilespmem:s26], [sflag:$0x3], $0x80, s0, s23, $0xb8;
	[tilespmem:$0x1E000] =	vst v63  }
0x14a: {  	_ =	swait.ge [sflag:s21], $0x4000  }
0x14b: {  	[sflag:s21] =	ssyncset.done $0x0  }
0x14c: {  	[sflag:s21] =	ssyncadd.s32 $0xFFFFC000  }
0x14d: {  	_ =	swait.ge [sflag:s30], $0x4000  }
0x14e: {  	[sflag:s30] =	ssyncset.done $0x0  }
0x14f: {  	[sflag:s30] =	ssyncadd.s32 $0xFFFFC000  }
0x150: {  	[spmem:s1] =	stream.indirect.scatter.add.f32 [tilespmem:s28], [sflag:$0x3], $0x80, s2, s23, $0xb8;
	[tilespmem:$0x1E000] =	vst v63  }
0x151: {  	_ =	swait.ge [sflag:s21], $0x4000  }
0x152: {  	[sflag:s21] =	ssyncset.done $0x0  }
0x153: {  	s11 =	simm.s32 $0x0;
	[sflag:s21] =	ssyncadd.s32 $0xFFFFC000  }
0x154: {  	[tilespmem:s11], [sflag:$0x3] =	stream.linear.gather [hbm4b:s13+s11], $0x1000, $0x38;
	[tilespmem:$0x1E000] =	vst v63  }
0x155: {  	_ =	swait.ge [sflag:s21], $0x1000  }
0x156: {  	[sflag:s21] =	ssyncset.done $0x0  }
0x157: {  	[sflag:s21] =	ssyncadd.s32 $0xFFFFF000  }
0x158: {  	[tilespmem:s22], [sflag:$0x3] =	stream.linear.gather [hbm4b:s14+s11], $0x1000, $0x38;
	[tilespmem:$0x1E000] =	vst v63  }
0x159: {  	_ =	swait.ge [sflag:s21], $0x1000  }
0x15a: {  	[sflag:s21] =	ssyncset.done $0x0  }
0x15b: {  	[sflag:s21] =	ssyncadd.s32 $0xFFFFF000  }
0x15c: {  	[tilespmem:s26], [sflag:$0x1] =	stream.indirect.gather [hbm4b:s4+s23], $0x80, s11, s23, $0xb8;
	[tilespmem:$0x1E000] =	vst v63  }
0x15d: {  	s8 =	simm.s32 $0x80  }
0x15e: {  	[tilespmem:s28], [sflag:$0x2] =	stream.indirect.gather [hbm4b:s4+s23], $0x80, s8, s23, $0xb8;
	[tilespmem:$0x1E000] =	vst v63  }
0x15f: {  	_ =	swait.ge [sflag:s29], $0x4000  }
0x160: {  	[sflag:s29] =	ssyncset.done $0x0  }
0x161: {  	s9 =	simm.s32 $0x1000;
	[sflag:s29] =	ssyncadd.s32 $0xFFFFC000  }
0x162: {  	[spmem:s1] =	stream.indirect.scatter.add.f32 [tilespmem:s26], [sflag:$0x3], $0x80, s9, s23, $0xb8;
	[tilespmem:$0x1E000] =	vst v63  }
0x163: {  	_ =	swait.ge [sflag:s21], $0x4000  }
0x164: {  	[sflag:s21] =	ssyncset.done $0x0  }
0x165: {  	s10 =	simm.s32 $0x100;
	[sflag:s21] =	ssyncadd.s32 $0xFFFFC000  }
0x166: {  	[tilespmem:s26], [sflag:$0x1] =	stream.indirect.gather [hbm4b:s4+s23], $0x80, s10, s23, $0xb8;
	[tilespmem:$0x1E000] =	vst v63  }
0x167: {  	_ =	swait.ge [sflag:s30], $0x4000  }
0x168: {  	[sflag:s30] =	ssyncset.done $0x0  }
0x169: {  	s11 =	simm.s32 $0x1080;
	[sflag:s30] =	ssyncadd.s32 $0xFFFFC000  }
0x16a: {  	[spmem:s1] =	stream.indirect.scatter.add.f32 [tilespmem:s28], [sflag:$0x3], $0x80, s11, s23, $0xb8;
	[tilespmem:$0x1E000] =	vst v63  }
0x16b: {  	_ =	swait.ge [sflag:s21], $0x4000  }
0x16c: {  	s7 =	simm.s32 $0x100;
	s8 =	simm.s32 $0x800;
	[sflag:s21] =	ssyncset.done $0x0  }
.LBB2_9:
0x16d: {  	s9 =	sadd.s32 $0x80, s7  }
0x16e: {  	[sflag:s21] =	ssyncadd.s32 $0xFFFFC000;
	s10 =	smov.u32 s8;
	s11 =	sadd.s32 $0x400, s8  }
0x16f: {  	[tilespmem:s28], [sflag:$0x2] =	stream.indirect.gather [hbm4b:s4+s23], $0x80, s9, s23, $0xb8;
	[tilespmem:$0x1E000] =	vst v63  }
0x170: {  	p2 =	seq.s32 s8, $0x3800;
	_ =	swait.ge [sflag:s29], $0x4000  }
0x171: {  	[sflag:s29] =	ssyncset.done $0x0  }
0x172: {  	s8 =	sadd.s32 $0x1000, s7;
	[sflag:s29] =	ssyncadd.s32 $0xFFFFC000  }
0x173: {  	[spmem:s1] =	stream.indirect.scatter.add.f32 [tilespmem:s26], [sflag:$0x3], $0x80, s8, s23, $0xb8;
	[tilespmem:$0x1E000] =	vst v63  }
0x174: {  	_ =	swait.ge [sflag:s21], $0x4000  }
0x175: {  	[sflag:s21] =	ssyncset.done $0x0  }
0x176: {  	s8 =	sadd.s32 $0x100, s7;
	[sflag:s21] =	ssyncadd.s32 $0xFFFFC000  }
0x177: {  	[tilespmem:s26], [sflag:$0x1] =	stream.indirect.gather [hbm4b:s4+s23], $0x80, s8, s23, $0xb8;
	[tilespmem:$0x1E000] =	vst v63  }
0x178: {  	_ =	swait.ge [sflag:s30], $0x4000  }
.Ltmp8:
0x179: {  	[sflag:s30] =	ssyncset.done $0x0;
	(pc) =	sbr.rel @!p2 .LBB2_9-.Ltmp8, $4  }
0x17a: {  	s7 =	sadd.s32 $0x1080, s7;
	[sflag:s30] =	ssyncadd.s32 $0xFFFFC000  }
0x17b: {  	[spmem:s1] =	stream.indirect.scatter.add.f32 [tilespmem:s28], [sflag:$0x3], $0x80, s7, s23, $0xb8;
	[tilespmem:$0x1E000] =	vst v63  }
0x17c: {  	_ =	swait.ge [sflag:s21], $0x4000  }
0x17d: {  	s8 =	smov.u32 s11;
	s7 =	sshra.s32 s10, $0x2;
	[sflag:s21] =	ssyncset.done $0x0  }
0x17e: {  	s8 =	sadd.s32 $0x80, s7;
	[sflag:s21] =	ssyncadd.s32 $0xFFFFC000  }
0x17f: {  	[tilespmem:s28], [sflag:$0x2] =	stream.indirect.gather [hbm4b:s4+s23], $0x80, s8, s23, $0xb8;
	[tilespmem:$0x1E000] =	vst v63  }
0x180: {  	_ =	swait.ge [sflag:s29], $0x4000  }
0x181: {  	[sflag:s29] =	ssyncset.done $0x0  }
0x182: {  	s9 =	sadd.s32 $0x1000, s7;
	[sflag:s29] =	ssyncadd.s32 $0xFFFFC000  }
0x183: {  	[spmem:s1] =	stream.indirect.scatter.add.f32 [tilespmem:s26], [sflag:$0x3], $0x80, s9, s23, $0xb8;
	[tilespmem:$0x1E000] =	vst v63  }
0x184: {  	_ =	swait.ge [sflag:s21], $0x4000  }
0x185: {  	[sflag:s21] =	ssyncset.done $0x0  }
0x186: {  	s10 =	sadd.s32 $0x100, s7;
	[sflag:s21] =	ssyncadd.s32 $0xFFFFC000  }
0x187: {  	[tilespmem:s26], [sflag:$0x1] =	stream.indirect.gather [hbm4b:s4+s23], $0x80, s10, s23, $0xb8;
	[tilespmem:$0x1E000] =	vst v63  }
0x188: {  	_ =	swait.ge [sflag:s30], $0x4000  }
0x189: {  	[sflag:s30] =	ssyncset.done $0x0  }
.Ltmp9:
0x18a: {  	s11 =	sadd.s32 $0x1080, s7;
	[sflag:s30] =	ssyncadd.s32 $0xFFFFC000;
	(pc) =	sbr.rel .LBB2_14-.Ltmp9, $4  }
0x18b: {  	[spmem:s1] =	stream.indirect.scatter.add.f32 [tilespmem:s28], [sflag:$0x3], $0x80, s11, s23, $0xb8;
	[tilespmem:$0x1E000] =	vst v63  }
0x18c: {  	_ =	swait.ge [sflag:s21], $0x4000  }
0x18d: {  	[sflag:s21] =	ssyncset.done $0x0  }
0x18e: {  	[sflag:s21] =	ssyncadd.s32 $0xFFFFC000  }
.LBB2_15:
0x18f: {  	_ =	sfence.sel $0x180000  }
0x190: {  	[bflag:$0x0] =	sbarrier.arrive $0xFFFF  }
0x191: {  	_ =	strace $0x90000050  }
0x192: {  	s0 =	stileid.u32;
	[bflag:$0x2] =	sbarrier.arrive $0xFFFF  }
0x193: {  	p0 =	sne.s32 s0, $0x0;
	s0 =	rddreg [dreg:$0x2]  }
0x194: {  	s0 =	sadd.s32 @!p0 $0x100000, s0  }
0x195: {  	[sflag:s0] =	ssyncadd.tile.s32 @!p0 $0x1;
	_ =	shalt  }
.Lfunc_end2:
_tile_overlayer_lowered:
.L_overlay_start_2:
0x196: {  	(tag) =	ssettag $0x2  }
0x197: {  	s0 =	rddreg [dreg:$0x0];
	s2 =	stileid.u32  }
0x198: {  	s1 =	rddreg [dreg:$0x1];
	p0 =	sne.s32 s2, $0x0  }
0x199: {  	s3 =	rddreg [dreg:$0x2];
	[bflag:$0x3] =	sbarrier.arrive $0xFFFF;
	s2 =	simm.s32 @!p0 $0x1C03  }
0x19a: {  	[timem:s3], [sflag:s2] =	dma.local @!p0 [hbm:s0], s1  }
0x19b: {  	s0 =	simm.s32 @!p0 $0x3  }
0x19c: {  	_ =	swait.ge @!p0 [sflag:s0], s1  }
0x19d: {  	s1 =	ssub.s32 @!p0 $0x0, s1;
	[sflag:s0] =	ssyncset.done @!p0 $0x0  }
0x19e: {  	[sflag:s0] =	ssyncadd.s32 @!p0 s1  }
0x19f: {  	[bflag:$0x3] =	sbarrier.arrive $0xFFFF  }
0x1a0: {  	_ =	shalt  }

</sc_bundles>
